<compile_context>
chip_gen: v7x
topology: tpu7x:2x2x1
jax: 0.10.2.dev20260603
libtpu: 0.0.44.dev20260713+nightly
codegen_flags: <defaults>
</compile_context>

<pallas_src>
import functools

import jax
import jax.numpy as jnp
from jax import lax
from jax.experimental import pallas as pl
from jax.experimental.pallas import tpu as pltpu
from jax.experimental.pallas import tpu_sc as plsc

EMBED_DIM = 32
BATCH = 16384
IDX_PAD = 32

_info = plsc.get_sparse_core_info()
_NC, _NS = _info.num_cores, _info.num_subcores
_NW = _NC * _NS
_B_PER_W = BATCH // _NW
_BLK = 128
_NBLK = _B_PER_W // _BLK
_RING = 8

_mesh = plsc.VectorSubcoreMesh(core_axis_name="c", subcore_axis_name="s")


@functools.partial(
    pl.kernel,
    mesh=_mesh,
    out_type=jax.ShapeDtypeStruct((EMBED_DIM, BATCH), jnp.float32),
    scratch_types=[
        pltpu.VMEM((_B_PER_W + IDX_PAD,), jnp.int32),
        *([pltpu.VMEM((EMBED_DIM, 128), jnp.float32)] * 8),
        pltpu.VMEM((EMBED_DIM, _BLK), jnp.float32),
        *([pltpu.SemaphoreType.DMA] * 9),
    ],
    compiler_params=pltpu.CompilerParams(
        use_tc_tiling_on_sc=True, needs_layout_passes=False
    ),
)
def _gather_windows(
    idx_hbm, tableT_hbm, outT_hbm,
    idx_v, w0, w1, w2, w3, w4, w5, w6, w7, stage_v,
    s0, s1, s2, s3, s4, s5, s6, s7, sem_i,
):
    wins = (w0, w1, w2, w3, w4, w5, w6, w7)
    sems = (s0, s1, s2, s3, s4, s5, s6, s7)
    wid = lax.axis_index("s") * _NC + lax.axis_index("c")
    base = wid * _B_PER_W
    pltpu.async_copy(
        idx_hbm.at[pl.ds(base, _B_PER_W)],
        idx_v.at[pl.ds(0, _B_PER_W)],
        sem_i,
    ).wait()
    zeros16 = jnp.zeros((16,), jnp.int32)
    idx_v[pl.ds(_B_PER_W, 16)] = zeros16
    idx_v[pl.ds(_B_PER_W + 16, 16)] = zeros16

    iota16 = lax.iota(jnp.int32, 16)

    def fire(q_idx_scalar, slot):
        jb = lax.shift_right_logical(q_idx_scalar, 7)
        off = pl.multiple_of(jb * 128, 128)
        pltpu.async_copy(
            tableT_hbm.at[:, pl.ds(off, 128)], wins[slot], sems[slot]
        )

    def extract(q_idx_scalar, qcol, slot):
        l = jnp.full((16,), q_idx_scalar & 127, jnp.int32)
        qv = jnp.full((16,), qcol, jnp.int32)
        lo = plsc.load_gather(wins[slot], [iota16, l])
        hi = plsc.load_gather(wins[slot], [iota16 + 16, l])
        plsc.store_scatter(stage_v, [iota16, qv], lo)
        plsc.store_scatter(stage_v, [iota16 + 16, qv], hi)

    def wait_slot(slot):
        pltpu.make_async_copy(
            tableT_hbm.at[:, pl.ds(0, 128)], wins[slot], sems[slot]
        ).wait()

    for blk in range(_NBLK):
        bbase = blk * _BLK
        v0 = idx_v[pl.ds(bbase, 16)]
        for j in range(_RING):
            fire(v0[j], j)

        def group_body(g, carry):
            v = idx_v[pl.ds(bbase + g * 16, 16)]
            vn = idx_v[pl.ds(bbase + g * 16 + 16, 16)]
            for j in range(16):
                qloc = g * 16 + j
                slot = j % _RING
                wait_slot(slot)
                extract(v[j], qloc, slot)
                nxt = v[j + _RING] if j < 16 - _RING else vn[j - (16 - _RING)]
                if j < 16 - _RING:
                    fire(nxt, slot)
                else:
                    @pl.when(g < (_BLK // 16) - 1)
                    def _():
                        fire(nxt, slot)
            return carry

        lax.fori_loop(0, _BLK // 16, group_body, 0)
        pltpu.sync_copy(
            stage_v,
            outT_hbm.at[:, pl.ds(pl.multiple_of(base + bbase, 128), _BLK)],
        )


def kernel(task_id, table):
    idx = task_id.astype(jnp.int32)
    outT = _gather_windows(idx, table.T)
    return outT.T

# --- scband reference (transcript-rebuilt; emitter-appended) ---
"""Pipeline reference for scband-base-encoder-71219147702705 (READ-ONLY COPY).

The authoritative reference and input builder live on the scoring server;
editing this copy changes nothing except your own understanding.
"""

import jax, jax.numpy as jnp
import numpy as np

NUM_TASKS = 1000000
EMBED_DIM = 32
BATCH = 16384

def setup_inputs(seed: int = 0) -> dict:
    key = jax.random.key(seed)
    k1, k2 = jax.random.split(key)
    task_id = jax.random.randint(k1, (BATCH,), 0, NUM_TASKS, dtype=jnp.int64) if jax.config.jax_enable_x64 else jax.random.randint(k1, (BATCH,), 0, NUM_TASKS, dtype=jnp.int32)
    # embedding table for the onehot task encoder (nn.Embedding weight)
    table = jax.random.normal(k2, (NUM_TASKS, EMBED_DIM), dtype=jnp.float32)
    return {"task_id": task_id, "table": table}

def reference(task_id, table):
    # BaseEncoder.get_task_emb with shape_meta.task.type == 'onehot':
    # self.task_encoder(data['task_id']) where task_encoder is nn.Embedding
    return jnp.take(table, task_id, axis=0)

if __name__ == "__main__":
    import jax
    _d = setup_inputs()
    print(jax.jit(kernel)(*tuple(_d.values())))

</pallas_src>

<mosaic_0001>
#map = affine_map<(d0, d1) -> (0)>
#map1 = affine_map<(d0, d1) -> (0, 0)>
module attributes {stable_mosaic.version = 14 : i64} {
  func.func @_gather_windows(%arg0: i32, %arg1: i32, %arg2: memref<16384xi32, #tpu.memory_space<hbm>>, %arg3: memref<32x1000000xf32, #tpu.memory_space<hbm>>, %arg4: memref<32x16384xf32, #tpu.memory_space<hbm>>, %arg5: memref<544xi32, #tpu.memory_space<vmem>>, %arg6: memref<32x128xf32, #tpu.memory_space<vmem>>, %arg7: memref<32x128xf32, #tpu.memory_space<vmem>>, %arg8: memref<32x128xf32, #tpu.memory_space<vmem>>, %arg9: memref<32x128xf32, #tpu.memory_space<vmem>>, %arg10: memref<32x128xf32, #tpu.memory_space<vmem>>, %arg11: memref<32x128xf32, #tpu.memory_space<vmem>>, %arg12: memref<32x128xf32, #tpu.memory_space<vmem>>, %arg13: memref<32x128xf32, #tpu.memory_space<vmem>>, %arg14: memref<32x128xf32, #tpu.memory_space<vmem>>, %arg15: memref<!tpu.dma_semaphore, #tpu.memory_space<semaphore_mem>>, %arg16: memref<!tpu.dma_semaphore, #tpu.memory_space<semaphore_mem>>, %arg17: memref<!tpu.dma_semaphore, #tpu.memory_space<semaphore_mem>>, %arg18: memref<!tpu.dma_semaphore, #tpu.memory_space<semaphore_mem>>, %arg19: memref<!tpu.dma_semaphore, #tpu.memory_space<semaphore_mem>>, %arg20: memref<!tpu.dma_semaphore, #tpu.memory_space<semaphore_mem>>, %arg21: memref<!tpu.dma_semaphore, #tpu.memory_space<semaphore_mem>>, %arg22: memref<!tpu.dma_semaphore, #tpu.memory_space<semaphore_mem>>, %arg23: memref<!tpu.dma_semaphore, #tpu.memory_space<semaphore_mem>>) attributes {dimension_semantics = [#tpu.dimension_semantics<core_parallel>, #tpu.dimension_semantics<subcore_parallel>], iteration_bounds = array<i64: 2, 16>, scalar_prefetch = 0 : i64, scratch_operands = 19 : i64, tpu.core_type = #tpu.core_type<sc_vector_subcore>, window_params = [{transform_indices = #map}, {transform_indices = #map1}, {transform_indices = #map1}]} {
    %mul3A = arith.constant 2 : i32
    %mul3A_0 = arith.muli %arg1, %mul3A : i32
    %add3A = arith.addi %mul3A_0, %arg0 : i32
    %mul3A_1 = arith.constant 512 : i32
    %mul3A_2 = arith.muli %add3A, %mul3A_1 : i32
    %dma_start3A = arith.constant 0 : i32
    %dma_start3A_3 = tpu.memref_slice %arg5[%dma_start3A] : memref<544xi32, #tpu.memory_space<vmem>> -> memref<512xi32, #tpu.memory_space<vmem>>
    %dma_start3A_4 = tpu.memref_slice %arg2[%mul3A_2] : memref<16384xi32, #tpu.memory_space<hbm>> -> memref<512xi32, #tpu.memory_space<hbm>>
    %dma_start3A_5 = arith.constant 0 : i32
    %dma_start3A_6 = tpu.memref_slice %arg5[%dma_start3A_5] : memref<544xi32, #tpu.memory_space<vmem>> -> memref<512xi32, #tpu.memory_space<vmem>>
    %dma_start3A_7 = tpu.memref_slice %arg2[%mul3A_2] : memref<16384xi32, #tpu.memory_space<hbm>> -> memref<512xi32, #tpu.memory_space<hbm>>
    tpu.enqueue_dma source(%dma_start3A_7 : memref<512xi32, #tpu.memory_space<hbm>>) target(%dma_start3A_6 : memref<512xi32, #tpu.memory_space<vmem>>) target_semaphore(%arg23 : memref<!tpu.dma_semaphore, #tpu.memory_space<semaphore_mem>>)
    %dma_wait3A = arith.constant 0 : i32
    %dma_wait3A_8 = tpu.memref_slice %arg5[%dma_wait3A] : memref<544xi32, #tpu.memory_space<vmem>> -> memref<512xi32, #tpu.memory_space<vmem>>
    %dma_wait3A_9 = tpu.memref_slice %arg2[%mul3A_2] : memref<16384xi32, #tpu.memory_space<hbm>> -> memref<512xi32, #tpu.memory_space<hbm>>
    %dma_wait3A_10 = arith.constant 0 : i32
    %dma_wait3A_11 = tpu.memref_slice %arg5[%dma_wait3A_10] : memref<544xi32, #tpu.memory_space<vmem>> -> memref<512xi32, #tpu.memory_space<vmem>>
    %dma_wait3A_12 = tpu.memref_slice %arg2[%mul3A_2] : memref<16384xi32, #tpu.memory_space<hbm>> -> memref<512xi32, #tpu.memory_space<hbm>>
    tpu.wait_dma2 semaphore(%arg23 : memref<!tpu.dma_semaphore, #tpu.memory_space<semaphore_mem>>) src(%dma_wait3A_12 : memref<512xi32, #tpu.memory_space<hbm>>) dst(%dma_wait3A_11 : memref<512xi32, #tpu.memory_space<vmem>>)
    %broadcast_in_dim3A = arith.constant 0 : i32
    %broadcast_in_dim3A_13 = vector.broadcast %broadcast_in_dim3A : i32 to vector<16xi32>
    %swap3A = arith.constant 512 : index
    %swap3A_14 = tpu.vector_load %arg5[%swap3A] {strides = array<i32>} : memref<544xi32, #tpu.memory_space<vmem>>, vector<16xi32>,
    tpu.vector_store %arg5[%swap3A], %broadcast_in_dim3A_13 {strides = array<i32>} : memref<544xi32, #tpu.memory_space<vmem>>, vector<16xi32>,
    %swap3A_15 = arith.constant 528 : index
    %swap3A_16 = tpu.vector_load %arg5[%swap3A_15] {strides = array<i32>} : memref<544xi32, #tpu.memory_space<vmem>>, vector<16xi32>,
    tpu.vector_store %arg5[%swap3A_15], %broadcast_in_dim3A_13 {strides = array<i32>} : memref<544xi32, #tpu.memory_space<vmem>>, vector<16xi32>,
    %iota3A = tpu.iota {dimensions = array<i32: 0>} : vector<16xi32>
    %get3A = arith.constant 0 : index
    %get3A_17 = tpu.vector_load %arg5[%get3A] {strides = array<i32>} : memref<544xi32, #tpu.memory_space<vmem>>, vector<16xi32>,
    %slice3A = vector.extract_strided_slice %get3A_17 {offsets = [0], sizes = [1], strides = [1]} : vector<16xi32> to vector<1xi32>
    %squeeze3A = vector.extract %slice3A[0] : i32 from vector<1xi32>
    %shift_right_logical3A = arith.constant 7 : i32
    %shift_right_logical3A_18 = arith.shrui %squeeze3A, %shift_right_logical3A : i32
    %mul3A_19 = arith.constant 128 : i32
    %mul3A_20 = arith.muli %shift_right_logical3A_18, %mul3A_19 : i32
    %multiple_of3A = tpu.assume_multiple %mul3A_20, 128 : i32
    %dma_start3A_21 = arith.constant 0 : i32
    %dma_start3A_22 = tpu.memref_slice %arg3[%dma_start3A_21, %multiple_of3A] : memref<32x1000000xf32, #tpu.memory_space<hbm>> -> memref<32x128xf32, #tpu.memory_space<hbm>>
    %dma_start3A_23 = arith.constant 0 : i32
    %dma_start3A_24 = tpu.memref_slice %arg3[%dma_start3A_23, %multiple_of3A] : memref<32x1000000xf32, #tpu.memory_space<hbm>> -> memref<32x128xf32, #tpu.memory_space<hbm>>
    tpu.enqueue_dma source(%dma_start3A_24 : memref<32x128xf32, #tpu.memory_space<hbm>>) target(%arg6 : memref<32x128xf32, #tpu.memory_space<vmem>>) target_semaphore(%arg15 : memref<!tpu.dma_semaphore, #tpu.memory_space<semaphore_mem>>)
    %slice3A_25 = vector.extract_strided_slice %get3A_17 {offsets = [1], sizes = [1], strides = [1]} : vector<16xi32> to vector<1xi32>
    %squeeze3A_26 = vector.extract %slice3A_25[0] : i32 from vector<1xi32>
    %shift_right_logical3A_27 = arith.constant 7 : i32
    %shift_right_logical3A_28 = arith.shrui %squeeze3A_26, %shift_right_logical3A_27 : i32
    %mul3A_29 = arith.constant 128 : i32
    %mul3A_30 = arith.muli %shift_right_logical3A_28, %mul3A_29 : i32
    %multiple_of3A_31 = tpu.assume_multiple %mul3A_30, 128 : i32
    %dma_start3A_32 = arith.constant 0 : i32
    %dma_start3A_33 = tpu.memref_slice %arg3[%dma_start3A_32, %multiple_of3A_31] : memref<32x1000000xf32, #tpu.memory_space<hbm>> -> memref<32x128xf32, #tpu.memory_space<hbm>>
    %dma_start3A_34 = arith.constant 0 : i32
    %dma_start3A_35 = tpu.memref_slice %arg3[%dma_start3A_34, %multiple_of3A_31] : memref<32x1000000xf32, #tpu.memory_space<hbm>> -> memref<32x128xf32, #tpu.memory_space<hbm>>
    tpu.enqueue_dma source(%dma_start3A_35 : memref<32x128xf32, #tpu.memory_space<hbm>>) target(%arg7 : memref<32x128xf32, #tpu.memory_space<vmem>>) target_semaphore(%arg16 : memref<!tpu.dma_semaphore, #tpu.memory_space<semaphore_mem>>)
    %slice3A_36 = vector.extract_strided_slice %get3A_17 {offsets = [2], sizes = [1], strides = [1]} : vector<16xi32> to vector<1xi32>
    %squeeze3A_37 = vector.extract %slice3A_36[0] : i32 from vector<1xi32>
    %shift_right_logical3A_38 = arith.constant 7 : i32
    %shift_right_logical3A_39 = arith.shrui %squeeze3A_37, %shift_right_logical3A_38 : i32
    %mul3A_40 = arith.constant 128 : i32
    %mul3A_41 = arith.muli %shift_right_logical3A_39, %mul3A_40 : i32
    %multiple_of3A_42 = tpu.assume_multiple %mul3A_41, 128 : i32
    %dma_start3A_43 = arith.constant 0 : i32
    %dma_start3A_44 = tpu.memref_slice %arg3[%dma_start3A_43, %multiple_of3A_42] : memref<32x1000000xf32, #tpu.memory_space<hbm>> -> memref<32x128xf32, #tpu.memory_space<hbm>>
    %dma_start3A_45 = arith.constant 0 : i32
    %dma_start3A_46 = tpu.memref_slice %arg3[%dma_start3A_45, %multiple_of3A_42] : memref<32x1000000xf32, #tpu.memory_space<hbm>> -> memref<32x128xf32, #tpu.memory_space<hbm>>
    tpu.enqueue_dma source(%dma_start3A_46 : memref<32x128xf32, #tpu.memory_space<hbm>>) target(%arg8 : memref<32x128xf32, #tpu.memory_space<vmem>>) target_semaphore(%arg17 : memref<!tpu.dma_semaphore, #tpu.memory_space<semaphore_mem>>)
    %slice3A_47 = vector.extract_strided_slice %get3A_17 {offsets = [3], sizes = [1], strides = [1]} : vector<16xi32> to vector<1xi32>
    %squeeze3A_48 = vector.extract %slice3A_47[0] : i32 from vector<1xi32>
    %shift_right_logical3A_49 = arith.constant 7 : i32
    %shift_right_logical3A_50 = arith.shrui %squeeze3A_48, %shift_right_logical3A_49 : i32
    %mul3A_51 = arith.constant 128 : i32
    %mul3A_52 = arith.muli %shift_right_logical3A_50, %mul3A_51 : i32
    %multiple_of3A_53 = tpu.assume_multiple %mul3A_52, 128 : i32
    %dma_start3A_54 = arith.constant 0 : i32
    %dma_start3A_55 = tpu.memref_slice %arg3[%dma_start3A_54, %multiple_of3A_53] : memref<32x1000000xf32, #tpu.memory_space<hbm>> -> memref<32x128xf32, #tpu.memory_space<hbm>>
    %dma_start3A_56 = arith.constant 0 : i32
    %dma_start3A_57 = tpu.memref_slice %arg3[%dma_start3A_56, %multiple_of3A_53] : memref<32x1000000xf32, #tpu.memory_space<hbm>> -> memref<32x128xf32, #tpu.memory_space<hbm>>
    tpu.enqueue_dma source(%dma_start3A_57 : memref<32x128xf32, #tpu.memory_space<hbm>>) target(%arg9 : memref<32x128xf32, #tpu.memory_space<vmem>>) target_semaphore(%arg18 : memref<!tpu.dma_semaphore, #tpu.memory_space<semaphore_mem>>)
    %slice3A_58 = vector.extract_strided_slice %get3A_17 {offsets = [4], sizes = [1], strides = [1]} : vector<16xi32> to vector<1xi32>
    %squeeze3A_59 = vector.extract %slice3A_58[0] : i32 from vector<1xi32>
    %shift_right_logical3A_60 = arith.constant 7 : i32
    %shift_right_logical3A_61 = arith.shrui %squeeze3A_59, %shift_right_logical3A_60 : i32
    %mul3A_62 = arith.constant 128 : i32
    %mul3A_63 = arith.muli %shift_right_logical3A_61, %mul3A_62 : i32
    %multiple_of3A_64 = tpu.assume_multiple %mul3A_63, 128 : i32
    %dma_start3A_65 = arith.constant 0 : i32
    %dma_start3A_66 = tpu.memref_slice %arg3[%dma_start3A_65, %multiple_of3A_64] : memref<32x1000000xf32, #tpu.memory_space<hbm>> -> memref<32x128xf32, #tpu.memory_space<hbm>>
    %dma_start3A_67 = arith.constant 0 : i32
    %dma_start3A_68 = tpu.memref_slice %arg3[%dma_start3A_67, %multiple_of3A_64] : memref<32x1000000xf32, #tpu.memory_space<hbm>> -> memref<32x128xf32, #tpu.memory_space<hbm>>
    tpu.enqueue_dma source(%dma_start3A_68 : memref<32x128xf32, #tpu.memory_space<hbm>>) target(%arg10 : memref<32x128xf32, #tpu.memory_space<vmem>>) target_semaphore(%arg19 : memref<!tpu.dma_semaphore, #tpu.memory_space<semaphore_mem>>)
    %slice3A_69 = vector.extract_strided_slice %get3A_17 {offsets = [5], sizes = [1], strides = [1]} : vector<16xi32> to vector<1xi32>
    %squeeze3A_70 = vector.extract %slice3A_69[0] : i32 from vector<1xi32>
    %shift_right_logical3A_71 = arith.constant 7 : i32
    %shift_right_logical3A_72 = arith.shrui %squeeze3A_70, %shift_right_logical3A_71 : i32
    %mul3A_73 = arith.constant 128 : i32
    %mul3A_74 = arith.muli %shift_right_logical3A_72, %mul3A_73 : i32
    %multiple_of3A_75 = tpu.assume_multiple %mul3A_74, 128 : i32
    %dma_start3A_76 = arith.constant 0 : i32
    %dma_start3A_77 = tpu.memref_slice %arg3[%dma_start3A_76, %multiple_of3A_75] : memref<32x1000000xf32, #tpu.memory_space<hbm>> -> memref<32x128xf32, #tpu.memory_space<hbm>>
    %dma_start3A_78 = arith.constant 0 : i32
    %dma_start3A_79 = tpu.memref_slice %arg3[%dma_start3A_78, %multiple_of3A_75] : memref<32x1000000xf32, #tpu.memory_space<hbm>> -> memref<32x128xf32, #tpu.memory_space<hbm>>
    tpu.enqueue_dma source(%dma_start3A_79 : memref<32x128xf32, #tpu.memory_space<hbm>>) target(%arg11 : memref<32x128xf32, #tpu.memory_space<vmem>>) target_semaphore(%arg20 : memref<!tpu.dma_semaphore, #tpu.memory_space<semaphore_mem>>)
    %slice3A_80 = vector.extract_strided_slice %get3A_17 {offsets = [6], sizes = [1], strides = [1]} : vector<16xi32> to vector<1xi32>
    %squeeze3A_81 = vector.extract %slice3A_80[0] : i32 from vector<1xi32>
    %shift_right_logical3A_82 = arith.constant 7 : i32
    %shift_right_logical3A_83 = arith.shrui %squeeze3A_81, %shift_right_logical3A_82 : i32
    %mul3A_84 = arith.constant 128 : i32
    %mul3A_85 = arith.muli %shift_right_logical3A_83, %mul3A_84 : i32
    %multiple_of3A_86 = tpu.assume_multiple %mul3A_85, 128 : i32
    %dma_start3A_87 = arith.constant 0 : i32
    %dma_start3A_88 = tpu.memref_slice %arg3[%dma_start3A_87, %multiple_of3A_86] : memref<32x1000000xf32, #tpu.memory_space<hbm>> -> memref<32x128xf32, #tpu.memory_space<hbm>>
    %dma_start3A_89 = arith.constant 0 : i32
    %dma_start3A_90 = tpu.memref_slice %arg3[%dma_start3A_89, %multiple_of3A_86] : memref<32x1000000xf32, #tpu.memory_space<hbm>> -> memref<32x128xf32, #tpu.memory_space<hbm>>
    tpu.enqueue_dma source(%dma_start3A_90 : memref<32x128xf32, #tpu.memory_space<hbm>>) target(%arg12 : memref<32x128xf32, #tpu.memory_space<vmem>>) target_semaphore(%arg21 : memref<!tpu.dma_semaphore, #tpu.memory_space<semaphore_mem>>)
    %slice3A_91 = vector.extract_strided_slice %get3A_17 {offsets = [7], sizes = [1], strides = [1]} : vector<16xi32> to vector<1xi32>
    %squeeze3A_92 = vector.extract %slice3A_91[0] : i32 from vector<1xi32>
    %shift_right_logical3A_93 = arith.constant 7 : i32
    %shift_right_logical3A_94 = arith.shrui %squeeze3A_92, %shift_right_logical3A_93 : i32
    %mul3A_95 = arith.constant 128 : i32
    %mul3A_96 = arith.muli %shift_right_logical3A_94, %mul3A_95 : i32
    %multiple_of3A_97 = tpu.assume_multiple %mul3A_96, 128 : i32
    %dma_start3A_98 = arith.constant 0 : i32
    %dma_start3A_99 = tpu.memref_slice %arg3[%dma_start3A_98, %multiple_of3A_97] : memref<32x1000000xf32, #tpu.memory_space<hbm>> -> memref<32x128xf32, #tpu.memory_space<hbm>>
    %dma_start3A_100 = arith.constant 0 : i32
    %dma_start3A_101 = tpu.memref_slice %arg3[%dma_start3A_100, %multiple_of3A_97] : memref<32x1000000xf32, #tpu.memory_space<hbm>> -> memref<32x128xf32, #tpu.memory_space<hbm>>
    tpu.enqueue_dma source(%dma_start3A_101 : memref<32x128xf32, #tpu.memory_space<hbm>>) target(%arg13 : memref<32x128xf32, #tpu.memory_space<vmem>>) target_semaphore(%arg22 : memref<!tpu.dma_semaphore, #tpu.memory_space<semaphore_mem>>)
    %scan3A = arith.constant 0 : i32
    %scan3A_102 = arith.constant 0 : i32
    %scan3A_103 = arith.constant 8 : i32
    %scan3A_104 = arith.addi %scan3A_102, %scan3A_103 : i32
    %scan3A_105 = arith.constant 1 : i32
    scf.for %scan3A_407 = %scan3A_102 to %scan3A_104 step %scan3A_105  : i32 {
      %mul3A_408 = arith.constant 16 : i32
      %mul3A_409 = arith.muli %scan3A_407, %mul3A_408 : i32
      %add3A_410 = arith.constant 0 : i32
      %add3A_411 = arith.addi %add3A_410, %mul3A_409 : i32
      %get3A_412 = arith.index_cast %add3A_411 : i32 to index
      %get3A_413 = tpu.vector_load %arg5[%get3A_412] {strides = array<i32>} : memref<544xi32, #tpu.memory_space<vmem>>, vector<16xi32>,
      %mul3A_414 = arith.constant 16 : i32
      %mul3A_415 = arith.muli %scan3A_407, %mul3A_414 : i32
      %add3A_416 = arith.constant 0 : i32
      %add3A_417 = arith.addi %add3A_416, %mul3A_415 : i32
      %add3A_418 = arith.constant 16 : i32
      %add3A_419 = arith.addi %add3A_417, %add3A_418 : i32
      %get3A_420 = arith.index_cast %add3A_419 : i32 to index
      %get3A_421 = tpu.vector_load %arg5[%get3A_420] {strides = array<i32>} : memref<544xi32, #tpu.memory_space<vmem>>, vector<16xi32>,
      %mul3A_422 = arith.constant 16 : i32
      %mul3A_423 = arith.muli %scan3A_407, %mul3A_422 : i32
      %add3A_424 = arith.constant 0 : i32
      %add3A_425 = arith.addi %mul3A_423, %add3A_424 : i32
      %dma_wait3A_426 = arith.constant 0 : i32
      %dma_wait3A_427 = arith.constant 0 : i32
      %dma_wait3A_428 = tpu.memref_slice %arg3[%dma_wait3A_426, %dma_wait3A_427] : memref<32x1000000xf32, #tpu.memory_space<hbm>> -> memref<32x128xf32, #tpu.memory_space<hbm>>
      %dma_wait3A_429 = arith.constant 0 : i32
      %dma_wait3A_430 = arith.constant 0 : i32
      %dma_wait3A_431 = tpu.memref_slice %arg3[%dma_wait3A_429, %dma_wait3A_430] : memref<32x1000000xf32, #tpu.memory_space<hbm>> -> memref<32x128xf32, #tpu.memory_space<hbm>>
      tpu.wait_dma2 semaphore(%arg15 : memref<!tpu.dma_semaphore, #tpu.memory_space<semaphore_mem>>) src(%dma_wait3A_431 : memref<32x128xf32, #tpu.memory_space<hbm>>) dst(%arg6 : memref<32x128xf32, #tpu.memory_space<vmem>>)
      %slice3A_432 = vector.extract_strided_slice %get3A_413 {offsets = [0], sizes = [1], strides = [1]} : vector<16xi32> to vector<1xi32>
      %squeeze3A_433 = vector.extract %slice3A_432[0] : i32 from vector<1xi32>
      %and3A = arith.constant 127 : i32
      %and3A_434 = arith.andi %squeeze3A_433, %and3A : i32
      %broadcast_in_dim3A_435 = vector.broadcast %and3A_434 : i32 to vector<16xi32>
      %broadcast_in_dim3A_436 = vector.broadcast %add3A_425 : i32 to vector<16xi32>
      %gather3A = tpu.vector_load_idx %arg6[%iota3A, %broadcast_in_dim3A_435] : memref<32x128xf32, #tpu.memory_space<vmem>>[vector<16xi32>, vector<16xi32>], vector<16xf32>,
      %add3A_437 = arith.constant 16 : i32
      %add3A_438 = vector.broadcast %add3A_437 : i32 to vector<16xi32>
      %add3A_439 = arith.addi %iota3A, %add3A_438 : vector<16xi32>
      %gather3A_440 = tpu.vector_load_idx %arg6[%add3A_439, %broadcast_in_dim3A_435] : memref<32x128xf32, #tpu.memory_space<vmem>>[vector<16xi32>, vector<16xi32>], vector<16xf32>,
      tpu.vector_store_idx %arg14[%iota3A, %broadcast_in_dim3A_436], %gather3A : memref<32x128xf32, #tpu.memory_space<vmem>>[vector<16xi32>, vector<16xi32>], vector<16xf32>,
      %add3A_441 = arith.constant 16 : i32
      %add3A_442 = vector.broadcast %add3A_441 : i32 to vector<16xi32>
      %add3A_443 = arith.addi %iota3A, %add3A_442 : vector<16xi32>
      tpu.vector_store_idx %arg14[%add3A_443, %broadcast_in_dim3A_436], %gather3A_440 : memref<32x128xf32, #tpu.memory_space<vmem>>[vector<16xi32>, vector<16xi32>], vector<16xf32>,
      %slice3A_444 = vector.extract_strided_slice %get3A_413 {offsets = [8], sizes = [1], strides = [1]} : vector<16xi32> to vector<1xi32>
      %squeeze3A_445 = vector.extract %slice3A_444[0] : i32 from vector<1xi32>
      %shift_right_logical3A_446 = arith.constant 7 : i32
      %shift_right_logical3A_447 = arith.shrui %squeeze3A_445, %shift_right_logical3A_446 : i32
      %mul3A_448 = arith.constant 128 : i32
      %mul3A_449 = arith.muli %shift_right_logical3A_447, %mul3A_448 : i32
      %multiple_of3A_450 = tpu.assume_multiple %mul3A_449, 128 : i32
      %dma_start3A_451 = arith.constant 0 : i32
      %dma_start3A_452 = tpu.memref_slice %arg3[%dma_start3A_451, %multiple_of3A_450] : memref<32x1000000xf32, #tpu.memory_space<hbm>> -> memref<32x128xf32, #tpu.memory_space<hbm>>
      %dma_start3A_453 = arith.constant 0 : i32
      %dma_start3A_454 = tpu.memref_slice %arg3[%dma_start3A_453, %multiple_of3A_450] : memref<32x1000000xf32, #tpu.memory_space<hbm>> -> memref<32x128xf32, #tpu.memory_space<hbm>>
      tpu.enqueue_dma source(%dma_start3A_454 : memref<32x128xf32, #tpu.memory_space<hbm>>) target(%arg6 : memref<32x128xf32, #tpu.memory_space<vmem>>) target_semaphore(%arg15 : memref<!tpu.dma_semaphore, #tpu.memory_space<semaphore_mem>>)
      %mul3A_455 = arith.constant 16 : i32
      %mul3A_456 = arith.muli %scan3A_407, %mul3A_455 : i32
      %add3A_457 = arith.constant 1 : i32
      %add3A_458 = arith.addi %mul3A_456, %add3A_457 : i32
      %dma_wait3A_459 = arith.constant 0 : i32
      %dma_wait3A_460 = arith.constant 0 : i32
      %dma_wait3A_461 = tpu.memref_slice %arg3[%dma_wait3A_459, %dma_wait3A_460] : memref<32x1000000xf32, #tpu.memory_space<hbm>> -> memref<32x128xf32, #tpu.memory_space<hbm>>
      %dma_wait3A_462 = arith.constant 0 : i32
      %dma_wait3A_463 = arith.constant 0 : i32
      %dma_wait3A_464 = tpu.memref_slice %arg3[%dma_wait3A_462, %dma_wait3A_463] : memref<32x1000000xf32, #tpu.memory_space<hbm>> -> memref<32x128xf32, #tpu.memory_space<hbm>>
      tpu.wait_dma2 semaphore(%arg16 : memref<!tpu.dma_semaphore, #tpu.memory_space<semaphore_mem>>) src(%dma_wait3A_464 : memref<32x128xf32, #tpu.memory_space<hbm>>) dst(%arg7 : memref<32x128xf32, #tpu.memory_space<vmem>>)
      %slice3A_465 = vector.extract_strided_slice %get3A_413 {offsets = [1], sizes = [1], strides = [1]} : vector<16xi32> to vector<1xi32>
      %squeeze3A_466 = vector.extract %slice3A_465[0] : i32 from vector<1xi32>
      %and3A_467 = arith.constant 127 : i32
      %and3A_468 = arith.andi %squeeze3A_466, %and3A_467 : i32
      %broadcast_in_dim3A_469 = vector.broadcast %and3A_468 : i32 to vector<16xi32>
      %broadcast_in_dim3A_470 = vector.broadcast %add3A_458 : i32 to vector<16xi32>
      %gather3A_471 = tpu.vector_load_idx %arg7[%iota3A, %broadcast_in_dim3A_469] : memref<32x128xf32, #tpu.memory_space<vmem>>[vector<16xi32>, vector<16xi32>], vector<16xf32>,
      %add3A_472 = arith.constant 16 : i32
      %add3A_473 = vector.broadcast %add3A_472 : i32 to vector<16xi32>
      %add3A_474 = arith.addi %iota3A, %add3A_473 : vector<16xi32>
      %gather3A_475 = tpu.vector_load_idx %arg7[%add3A_474, %broadcast_in_dim3A_469] : memref<32x128xf32, #tpu.memory_space<vmem>>[vector<16xi32>, vector<16xi32>], vector<16xf32>,
      tpu.vector_store_idx %arg14[%iota3A, %broadcast_in_dim3A_470], %gather3A_471 : memref<32x128xf32, #tpu.memory_space<vmem>>[vector<16xi32>, vector<16xi32>], vector<16xf32>,
      %add3A_476 = arith.constant 16 : i32
      %add3A_477 = vector.broadcast %add3A_476 : i32 to vector<16xi32>
      %add3A_478 = arith.addi %iota3A, %add3A_477 : vector<16xi32>
      tpu.vector_store_idx %arg14[%add3A_478, %broadcast_in_dim3A_470], %gather3A_475 : memref<32x128xf32, #tpu.memory_space<vmem>>[vector<16xi32>, vector<16xi32>], vector<16xf32>,
      %slice3A_479 = vector.extract_strided_slice %get3A_413 {offsets = [9], sizes = [1], strides = [1]} : vector<16xi32> to vector<1xi32>
      %squeeze3A_480 = vector.extract %slice3A_479[0] : i32 from vector<1xi32>
      %shift_right_logical3A_481 = arith.constant 7 : i32
      %shift_right_logical3A_482 = arith.shrui %squeeze3A_480, %shift_right_logical3A_481 : i32
      %mul3A_483 = arith.constant 128 : i32
      %mul3A_484 = arith.muli %shift_right_logical3A_482, %mul3A_483 : i32
      %multiple_of3A_485 = tpu.assume_multiple %mul3A_484, 128 : i32
      %dma_start3A_486 = arith.constant 0 : i32
      %dma_start3A_487 = tpu.memref_slice %arg3[%dma_start3A_486, %multiple_of3A_485] : memref<32x1000000xf32, #tpu.memory_space<hbm>> -> memref<32x128xf32, #tpu.memory_space<hbm>>
      %dma_start3A_488 = arith.constant 0 : i32
      %dma_start3A_489 = tpu.memref_slice %arg3[%dma_start3A_488, %multiple_of3A_485] : memref<32x1000000xf32, #tpu.memory_space<hbm>> -> memref<32x128xf32, #tpu.memory_space<hbm>>
      tpu.enqueue_dma source(%dma_start3A_489 : memref<32x128xf32, #tpu.memory_space<hbm>>) target(%arg7 : memref<32x128xf32, #tpu.memory_space<vmem>>) target_semaphore(%arg16 : memref<!tpu.dma_semaphore, #tpu.memory_space<semaphore_mem>>)
      %mul3A_490 = arith.constant 16 : i32
      %mul3A_491 = arith.muli %scan3A_407, %mul3A_490 : i32
      %add3A_492 = arith.constant 2 : i32
      %add3A_493 = arith.addi %mul3A_491, %add3A_492 : i32
      %dma_wait3A_494 = arith.constant 0 : i32
      %dma_wait3A_495 = arith.constant 0 : i32
      %dma_wait3A_496 = tpu.memref_slice %arg3[%dma_wait3A_494, %dma_wait3A_495] : memref<32x1000000xf32, #tpu.memory_space<hbm>> -> memref<32x128xf32, #tpu.memory_space<hbm>>
      %dma_wait3A_497 = arith.constant 0 : i32
      %dma_wait3A_498 = arith.constant 0 : i32
      %dma_wait3A_499 = tpu.memref_slice %arg3[%dma_wait3A_497, %dma_wait3A_498] : memref<32x1000000xf32, #tpu.memory_space<hbm>> -> memref<32x128xf32, #tpu.memory_space<hbm>>
      tpu.wait_dma2 semaphore(%arg17 : memref<!tpu.dma_semaphore, #tpu.memory_space<semaphore_mem>>) src(%dma_wait3A_499 : memref<32x128xf32, #tpu.memory_space<hbm>>) dst(%arg8 : memref<32x128xf32, #tpu.memory_space<vmem>>)
      %slice3A_500 = vector.extract_strided_slice %get3A_413 {offsets = [2], sizes = [1], strides = [1]} : vector<16xi32> to vector<1xi32>
      %squeeze3A_501 = vector.extract %slice3A_500[0] : i32 from vector<1xi32>
      %and3A_502 = arith.constant 127 : i32
      %and3A_503 = arith.andi %squeeze3A_501, %and3A_502 : i32
      %broadcast_in_dim3A_504 = vector.broadcast %and3A_503 : i32 to vector<16xi32>
      %broadcast_in_dim3A_505 = vector.broadcast %add3A_493 : i32 to vector<16xi32>
      %gather3A_506 = tpu.vector_load_idx %arg8[%iota3A, %broadcast_in_dim3A_504] : memref<32x128xf32, #tpu.memory_space<vmem>>[vector<16xi32>, vector<16xi32>], vector<16xf32>,
      %add3A_507 = arith.constant 16 : i32
      %add3A_508 = vector.broadcast %add3A_507 : i32 to vector<16xi32>
      %add3A_509 = arith.addi %iota3A, %add3A_508 : vector<16xi32>
      %gather3A_510 = tpu.vector_load_idx %arg8[%add3A_509, %broadcast_in_dim3A_504] : memref<32x128xf32, #tpu.memory_space<vmem>>[vector<16xi32>, vector<16xi32>], vector<16xf32>,
      tpu.vector_store_idx %arg14[%iota3A, %broadcast_in_dim3A_505], %gather3A_506 : memref<32x128xf32, #tpu.memory_space<vmem>>[vector<16xi32>, vector<16xi32>], vector<16xf32>,
      %add3A_511 = arith.constant 16 : i32
      %add3A_512 = vector.broadcast %add3A_511 : i32 to vector<16xi32>
      %add3A_513 = arith.addi %iota3A, %add3A_512 : vector<16xi32>
      tpu.vector_store_idx %arg14[%add3A_513, %broadcast_in_dim3A_505], %gather3A_510 : memref<32x128xf32, #tpu.memory_space<vmem>>[vector<16xi32>, vector<16xi32>], vector<16xf32>,
      %slice3A_514 = vector.extract_strided_slice %get3A_413 {offsets = [10], sizes = [1], strides = [1]} : vector<16xi32> to vector<1xi32>
      %squeeze3A_515 = vector.extract %slice3A_514[0] : i32 from vector<1xi32>
      %shift_right_logical3A_516 = arith.constant 7 : i32
      %shift_right_logical3A_517 = arith.shrui %squeeze3A_515, %shift_right_logical3A_516 : i32
      %mul3A_518 = arith.constant 128 : i32
      %mul3A_519 = arith.muli %shift_right_logical3A_517, %mul3A_518 : i32
      %multiple_of3A_520 = tpu.assume_multiple %mul3A_519, 128 : i32
      %dma_start3A_521 = arith.constant 0 : i32
      %dma_start3A_522 = tpu.memref_slice %arg3[%dma_start3A_521, %multiple_of3A_520] : memref<32x1000000xf32, #tpu.memory_space<hbm>> -> memref<32x128xf32, #tpu.memory_space<hbm>>
      %dma_start3A_523 = arith.constant 0 : i32
      %dma_start3A_524 = tpu.memref_slice %arg3[%dma_start3A_523, %multiple_of3A_520] : memref<32x1000000xf32, #tpu.memory_space<hbm>> -> memref<32x128xf32, #tpu.memory_space<hbm>>
      tpu.enqueue_dma source(%dma_start3A_524 : memref<32x128xf32, #tpu.memory_space<hbm>>) target(%arg8 : memref<32x128xf32, #tpu.memory_space<vmem>>) target_semaphore(%arg17 : memref<!tpu.dma_semaphore, #tpu.memory_space<semaphore_mem>>)
      %mul3A_525 = arith.constant 16 : i32
      %mul3A_526 = arith.muli %scan3A_407, %mul3A_525 : i32
      %add3A_527 = arith.constant 3 : i32
      %add3A_528 = arith.addi %mul3A_526, %add3A_527 : i32
      %dma_wait3A_529 = arith.constant 0 : i32
      %dma_wait3A_530 = arith.constant 0 : i32
      %dma_wait3A_531 = tpu.memref_slice %arg3[%dma_wait3A_529, %dma_wait3A_530] : memref<32x1000000xf32, #tpu.memory_space<hbm>> -> memref<32x128xf32, #tpu.memory_space<hbm>>
      %dma_wait3A_532 = arith.constant 0 : i32
      %dma_wait3A_533 = arith.constant 0 : i32
      %dma_wait3A_534 = tpu.memref_slice %arg3[%dma_wait3A_532, %dma_wait3A_533] : memref<32x1000000xf32, #tpu.memory_space<hbm>> -> memref<32x128xf32, #tpu.memory_space<hbm>>
      tpu.wait_dma2 semaphore(%arg18 : memref<!tpu.dma_semaphore, #tpu.memory_space<semaphore_mem>>) src(%dma_wait3A_534 : memref<32x128xf32, #tpu.memory_space<hbm>>) dst(%arg9 : memref<32x128xf32, #tpu.memory_space<vmem>>)
      %slice3A_535 = vector.extract_strided_slice %get3A_413 {offsets = [3], sizes = [1], strides = [1]} : vector<16xi32> to vector<1xi32>
      %squeeze3A_536 = vector.extract %slice3A_535[0] : i32 from vector<1xi32>
      %and3A_537 = arith.constant 127 : i32
      %and3A_538 = arith.andi %squeeze3A_536, %and3A_537 : i32
      %broadcast_in_dim3A_539 = vector.broadcast %and3A_538 : i32 to vector<16xi32>
      %broadcast_in_dim3A_540 = vector.broadcast %add3A_528 : i32 to vector<16xi32>
      %gather3A_541 = tpu.vector_load_idx %arg9[%iota3A, %broadcast_in_dim3A_539] : memref<32x128xf32, #tpu.memory_space<vmem>>[vector<16xi32>, vector<16xi32>], vector<16xf32>,
      %add3A_542 = arith.constant 16 : i32
      %add3A_543 = vector.broadcast %add3A_542 : i32 to vector<16xi32>
      %add3A_544 = arith.addi %iota3A, %add3A_543 : vector<16xi32>
      %gather3A_545 = tpu.vector_load_idx %arg9[%add3A_544, %broadcast_in_dim3A_539] : memref<32x128xf32, #tpu.memory_space<vmem>>[vector<16xi32>, vector<16xi32>], vector<16xf32>,
      tpu.vector_store_idx %arg14[%iota3A, %broadcast_in_dim3A_540], %gather3A_541 : memref<32x128xf32, #tpu.memory_space<vmem>>[vector<16xi32>, vector<16xi32>], vector<16xf32>,
      %add3A_546 = arith.constant 16 : i32
      %add3A_547 = vector.broadcast %add3A_546 : i32 to vector<16xi32>
      %add3A_548 = arith.addi %iota3A, %add3A_547 : vector<16xi32>
      tpu.vector_store_idx %arg14[%add3A_548, %broadcast_in_dim3A_540], %gather3A_545 : memref<32x128xf32, #tpu.memory_space<vmem>>[vector<16xi32>, vector<16xi32>], vector<16xf32>,
      %slice3A_549 = vector.extract_strided_slice %get3A_413 {offsets = [11], sizes = [1], strides = [1]} : vector<16xi32> to vector<1xi32>
      %squeeze3A_550 = vector.extract %slice3A_549[0] : i32 from vector<1xi32>
      %shift_right_logical3A_551 = arith.constant 7 : i32
      %shift_right_logical3A_552 = arith.shrui %squeeze3A_550, %shift_right_logical3A_551 : i32
      %mul3A_553 = arith.constant 128 : i32
      %mul3A_554 = arith.muli %shift_right_logical3A_552, %mul3A_553 : i32
      %multiple_of3A_555 = tpu.assume_multiple %mul3A_554, 128 : i32
      %dma_start3A_556 = arith.constant 0 : i32
      %dma_start3A_557 = tpu.memref_slice %arg3[%dma_start3A_556, %multiple_of3A_555] : memref<32x1000000xf32, #tpu.memory_space<hbm>> -> memref<32x128xf32, #tpu.memory_space<hbm>>
      %dma_start3A_558 = arith.constant 0 : i32
      %dma_start3A_559 = tpu.memref_slice %arg3[%dma_start3A_558, %multiple_of3A_555] : memref<32x1000000xf32, #tpu.memory_space<hbm>> -> memref<32x128xf32, #tpu.memory_space<hbm>>
      tpu.enqueue_dma source(%dma_start3A_559 : memref<32x128xf32, #tpu.memory_space<hbm>>) target(%arg9 : memref<32x128xf32, #tpu.memory_space<vmem>>) target_semaphore(%arg18 : memref<!tpu.dma_semaphore, #tpu.memory_space<semaphore_mem>>)
      %mul3A_560 = arith.constant 16 : i32
      %mul3A_561 = arith.muli %scan3A_407, %mul3A_560 : i32
      %add3A_562 = arith.constant 4 : i32
      %add3A_563 = arith.addi %mul3A_561, %add3A_562 : i32
      %dma_wait3A_564 = arith.constant 0 : i32
      %dma_wait3A_565 = arith.constant 0 : i32
      %dma_wait3A_566 = tpu.memref_slice %arg3[%dma_wait3A_564, %dma_wait3A_565] : memref<32x1000000xf32, #tpu.memory_space<hbm>> -> memref<32x128xf32, #tpu.memory_space<hbm>>
      %dma_wait3A_567 = arith.constant 0 : i32
      %dma_wait3A_568 = arith.constant 0 : i32
      %dma_wait3A_569 = tpu.memref_slice %arg3[%dma_wait3A_567, %dma_wait3A_568] : memref<32x1000000xf32, #tpu.memory_space<hbm>> -> memref<32x128xf32, #tpu.memory_space<hbm>>
      tpu.wait_dma2 semaphore(%arg19 : memref<!tpu.dma_semaphore, #tpu.memory_space<semaphore_mem>>) src(%dma_wait3A_569 : memref<32x128xf32, #tpu.memory_space<hbm>>) dst(%arg10 : memref<32x128xf32, #tpu.memory_space<vmem>>)
      %slice3A_570 = vector.extract_strided_slice %get3A_413 {offsets = [4], sizes = [1], strides = [1]} : vector<16xi32> to vector<1xi32>
      %squeeze3A_571 = vector.extract %slice3A_570[0] : i32 from vector<1xi32>
      %and3A_572 = arith.constant 127 : i32
      %and3A_573 = arith.andi %squeeze3A_571, %and3A_572 : i32
      %broadcast_in_dim3A_574 = vector.broadcast %and3A_573 : i32 to vector<16xi32>
      %broadcast_in_dim3A_575 = vector.broadcast %add3A_563 : i32 to vector<16xi32>
      %gather3A_576 = tpu.vector_load_idx %arg10[%iota3A, %broadcast_in_dim3A_574] : memref<32x128xf32, #tpu.memory_space<vmem>>[vector<16xi32>, vector<16xi32>], vector<16xf32>,
      %add3A_577 = arith.constant 16 : i32
      %add3A_578 = vector.broadcast %add3A_577 : i32 to vector<16xi32>
      %add3A_579 = arith.addi %iota3A, %add3A_578 : vector<16xi32>
      %gather3A_580 = tpu.vector_load_idx %arg10[%add3A_579, %broadcast_in_dim3A_574] : memref<32x128xf32, #tpu.memory_space<vmem>>[vector<16xi32>, vector<16xi32>], vector<16xf32>,
      tpu.vector_store_idx %arg14[%iota3A, %broadcast_in_dim3A_575], %gather3A_576 : memref<32x128xf32, #tpu.memory_space<vmem>>[vector<16xi32>, vector<16xi32>], vector<16xf32>,
      %add3A_581 = arith.constant 16 : i32
      %add3A_582 = vector.broadcast %add3A_581 : i32 to vector<16xi32>
      %add3A_583 = arith.addi %iota3A, %add3A_582 : vector<16xi32>
      tpu.vector_store_idx %arg14[%add3A_583, %broadcast_in_dim3A_575], %gather3A_580 : memref<32x128xf32, #tpu.memory_space<vmem>>[vector<16xi32>, vector<16xi32>], vector<16xf32>,
      %slice3A_584 = vector.extract_strided_slice %get3A_413 {offsets = [12], sizes = [1], strides = [1]} : vector<16xi32> to vector<1xi32>
      %squeeze3A_585 = vector.extract %slice3A_584[0] : i32 from vector<1xi32>
      %shift_right_logical3A_586 = arith.constant 7 : i32
      %shift_right_logical3A_587 = arith.shrui %squeeze3A_585, %shift_right_logical3A_586 : i32
      %mul3A_588 = arith.constant 128 : i32
      %mul3A_589 = arith.muli %shift_right_logical3A_587, %mul3A_588 : i32
      %multiple_of3A_590 = tpu.assume_multiple %mul3A_589, 128 : i32
      %dma_start3A_591 = arith.constant 0 : i32
      %dma_start3A_592 = tpu.memref_slice %arg3[%dma_start3A_591, %multiple_of3A_590] : memref<32x1000000xf32, #tpu.memory_space<hbm>> -> memref<32x128xf32, #tpu.memory_space<hbm>>
      %dma_start3A_593 = arith.constant 0 : i32
      %dma_start3A_594 = tpu.memref_slice %arg3[%dma_start3A_593, %multiple_of3A_590] : memref<32x1000000xf32, #tpu.memory_space<hbm>> -> memref<32x128xf32, #tpu.memory_space<hbm>>
      tpu.enqueue_dma source(%dma_start3A_594 : memref<32x128xf32, #tpu.memory_space<hbm>>) target(%arg10 : memref<32x128xf32, #tpu.memory_space<vmem>>) target_semaphore(%arg19 : memref<!tpu.dma_semaphore, #tpu.memory_space<semaphore_mem>>)
      %mul3A_595 = arith.constant 16 : i32
      %mul3A_596 = arith.muli %scan3A_407, %mul3A_595 : i32
      %add3A_597 = arith.constant 5 : i32
      %add3A_598 = arith.addi %mul3A_596, %add3A_597 : i32
      %dma_wait3A_599 = arith.constant 0 : i32
      %dma_wait3A_600 = arith.constant 0 : i32
      %dma_wait3A_601 = tpu.memref_slice %arg3[%dma_wait3A_599, %dma_wait3A_600] : memref<32x1000000xf32, #tpu.memory_space<hbm>> -> memref<32x128xf32, #tpu.memory_space<hbm>>
      %dma_wait3A_602 = arith.constant 0 : i32
      %dma_wait3A_603 = arith.constant 0 : i32
      %dma_wait3A_604 = tpu.memref_slice %arg3[%dma_wait3A_602, %dma_wait3A_603] : memref<32x1000000xf32, #tpu.memory_space<hbm>> -> memref<32x128xf32, #tpu.memory_space<hbm>>
      tpu.wait_dma2 semaphore(%arg20 : memref<!tpu.dma_semaphore, #tpu.memory_space<semaphore_mem>>) src(%dma_wait3A_604 : memref<32x128xf32, #tpu.memory_space<hbm>>) dst(%arg11 : memref<32x128xf32, #tpu.memory_space<vmem>>)
      %slice3A_605 = vector.extract_strided_slice %get3A_413 {offsets = [5], sizes = [1], strides = [1]} : vector<16xi32> to vector<1xi32>
      %squeeze3A_606 = vector.extract %slice3A_605[0] : i32 from vector<1xi32>
      %and3A_607 = arith.constant 127 : i32
      %and3A_608 = arith.andi %squeeze3A_606, %and3A_607 : i32
      %broadcast_in_dim3A_609 = vector.broadcast %and3A_608 : i32 to vector<16xi32>
      %broadcast_in_dim3A_610 = vector.broadcast %add3A_598 : i32 to vector<16xi32>
      %gather3A_611 = tpu.vector_load_idx %arg11[%iota3A, %broadcast_in_dim3A_609] : memref<32x128xf32, #tpu.memory_space<vmem>>[vector<16xi32>, vector<16xi32>], vector<16xf32>,
      %add3A_612 = arith.constant 16 : i32
      %add3A_613 = vector.broadcast %add3A_612 : i32 to vector<16xi32>
      %add3A_614 = arith.addi %iota3A, %add3A_613 : vector<16xi32>
      %gather3A_615 = tpu.vector_load_idx %arg11[%add3A_614, %broadcast_in_dim3A_609] : memref<32x128xf32, #tpu.memory_space<vmem>>[vector<16xi32>, vector<16xi32>], vector<16xf32>,
      tpu.vector_store_idx %arg14[%iota3A, %broadcast_in_dim3A_610], %gather3A_611 : memref<32x128xf32, #tpu.memory_space<vmem>>[vector<16xi32>, vector<16xi32>], vector<16xf32>,
      %add3A_616 = arith.constant 16 : i32
      %add3A_617 = vector.broadcast %add3A_616 : i32 to vector<16xi32>
      %add3A_618 = arith.addi %iota3A, %add3A_617 : vector<16xi32>
      tpu.vector_store_idx %arg14[%add3A_618, %broadcast_in_dim3A_610], %gather3A_615 : memref<32x128xf32, #tpu.memory_space<vmem>>[vector<16xi32>, vector<16xi32>], vector<16xf32>,
      %slice3A_619 = vector.extract_strided_slice %get3A_413 {offsets = [13], sizes = [1], strides = [1]} : vector<16xi32> to vector<1xi32>
      %squeeze3A_620 = vector.extract %slice3A_619[0] : i32 from vector<1xi32>
      %shift_right_logical3A_621 = arith.constant 7 : i32
      %shift_right_logical3A_622 = arith.shrui %squeeze3A_620, %shift_right_logical3A_621 : i32
      %mul3A_623 = arith.constant 128 : i32
      %mul3A_624 = arith.muli %shift_right_logical3A_622, %mul3A_623 : i32
      %multiple_of3A_625 = tpu.assume_multiple %mul3A_624, 128 : i32
      %dma_start3A_626 = arith.constant 0 : i32
      %dma_start3A_627 = tpu.memref_slice %arg3[%dma_start3A_626, %multiple_of3A_625] : memref<32x1000000xf32, #tpu.memory_space<hbm>> -> memref<32x128xf32, #tpu.memory_space<hbm>>
      %dma_start3A_628 = arith.constant 0 : i32
      %dma_start3A_629 = tpu.memref_slice %arg3[%dma_start3A_628, %multiple_of3A_625] : memref<32x1000000xf32, #tpu.memory_space<hbm>> -> memref<32x128xf32, #tpu.memory_space<hbm>>
      tpu.enqueue_dma source(%dma_start3A_629 : memref<32x128xf32, #tpu.memory_space<hbm>>) target(%arg11 : memref<32x128xf32, #tpu.memory_space<vmem>>) target_semaphore(%arg20 : memref<!tpu.dma_semaphore, #tpu.memory_space<semaphore_mem>>)
      %mul3A_630 = arith.constant 16 : i32
      %mul3A_631 = arith.muli %scan3A_407, %mul3A_630 : i32
      %add3A_632 = arith.constant 6 : i32
      %add3A_633 = arith.addi %mul3A_631, %add3A_632 : i32
      %dma_wait3A_634 = arith.constant 0 : i32
      %dma_wait3A_635 = arith.constant 0 : i32
      %dma_wait3A_636 = tpu.memref_slice %arg3[%dma_wait3A_634, %dma_wait3A_635] : memref<32x1000000xf32, #tpu.memory_space<hbm>> -> memref<32x128xf32, #tpu.memory_space<hbm>>
      %dma_wait3A_637 = arith.constant 0 : i32
      %dma_wait3A_638 = arith.constant 0 : i32
      %dma_wait3A_639 = tpu.memref_slice %arg3[%dma_wait3A_637, %dma_wait3A_638] : memref<32x1000000xf32, #tpu.memory_space<hbm>> -> memref<32x128xf32, #tpu.memory_space<hbm>>
      tpu.wait_dma2 semaphore(%arg21 : memref<!tpu.dma_semaphore, #tpu.memory_space<semaphore_mem>>) src(%dma_wait3A_639 : memref<32x128xf32, #tpu.memory_space<hbm>>) dst(%arg12 : memref<32x128xf32, #tpu.memory_space<vmem>>)
      %slice3A_640 = vector.extract_strided_slice %get3A_413 {offsets = [6], sizes = [1], strides = [1]} : vector<16xi32> to vector<1xi32>
      %squeeze3A_641 = vector.extract %slice3A_640[0] : i32 from vector<1xi32>
      %and3A_642 = arith.constant 127 : i32
      %and3A_643 = arith.andi %squeeze3A_641, %and3A_642 : i32
      %broadcast_in_dim3A_644 = vector.broadcast %and3A_643 : i32 to vector<16xi32>
      %broadcast_in_dim3A_645 = vector.broadcast %add3A_633 : i32 to vector<16xi32>
      %gather3A_646 = tpu.vector_load_idx %arg12[%iota3A, %broadcast_in_dim3A_644] : memref<32x128xf32, #tpu.memory_space<vmem>>[vector<16xi32>, vector<16xi32>], vector<16xf32>,
      %add3A_647 = arith.constant 16 : i32
      %add3A_648 = vector.broadcast %add3A_647 : i32 to vector<16xi32>
      %add3A_649 = arith.addi %iota3A, %add3A_648 : vector<16xi32>
      %gather3A_650 = tpu.vector_load_idx %arg12[%add3A_649, %broadcast_in_dim3A_644] : memref<32x128xf32, #tpu.memory_space<vmem>>[vector<16xi32>, vector<16xi32>], vector<16xf32>,
      tpu.vector_store_idx %arg14[%iota3A, %broadcast_in_dim3A_645], %gather3A_646 : memref<32x128xf32, #tpu.memory_space<vmem>>[vector<16xi32>, vector<16xi32>], vector<16xf32>,
      %add3A_651 = arith.constant 16 : i32
      %add3A_652 = vector.broadcast %add3A_651 : i32 to vector<16xi32>
      %add3A_653 = arith.addi %iota3A, %add3A_652 : vector<16xi32>
      tpu.vector_store_idx %arg14[%add3A_653, %broadcast_in_dim3A_645], %gather3A_650 : memref<32x128xf32, #tpu.memory_space<vmem>>[vector<16xi32>, vector<16xi32>], vector<16xf32>,
      %slice3A_654 = vector.extract_strided_slice %get3A_413 {offsets = [14], sizes = [1], strides = [1]} : vector<16xi32> to vector<1xi32>
      %squeeze3A_655 = vector.extract %slice3A_654[0] : i32 from vector<1xi32>
      %shift_right_logical3A_656 = arith.constant 7 : i32
      %shift_right_logical3A_657 = arith.shrui %squeeze3A_655, %shift_right_logical3A_656 : i32
      %mul3A_658 = arith.constant 128 : i32
      %mul3A_659 = arith.muli %shift_right_logical3A_657, %mul3A_658 : i32
      %multiple_of3A_660 = tpu.assume_multiple %mul3A_659, 128 : i32
      %dma_start3A_661 = arith.constant 0 : i32
      %dma_start3A_662 = tpu.memref_slice %arg3[%dma_start3A_661, %multiple_of3A_660] : memref<32x1000000xf32, #tpu.memory_space<hbm>> -> memref<32x128xf32, #tpu.memory_space<hbm>>
      %dma_start3A_663 = arith.constant 0 : i32
      %dma_start3A_664 = tpu.memref_slice %arg3[%dma_start3A_663, %multiple_of3A_660] : memref<32x1000000xf32, #tpu.memory_space<hbm>> -> memref<32x128xf32, #tpu.memory_space<hbm>>
      tpu.enqueue_dma source(%dma_start3A_664 : memref<32x128xf32, #tpu.memory_space<hbm>>) target(%arg12 : memref<32x128xf32, #tpu.memory_space<vmem>>) target_semaphore(%arg21 : memref<!tpu.dma_semaphore, #tpu.memory_space<semaphore_mem>>)
      %mul3A_665 = arith.constant 16 : i32
      %mul3A_666 = arith.muli %scan3A_407, %mul3A_665 : i32
      %add3A_667 = arith.constant 7 : i32
      %add3A_668 = arith.addi %mul3A_666, %add3A_667 : i32
      %dma_wait3A_669 = arith.constant 0 : i32
      %dma_wait3A_670 = arith.constant 0 : i32
      %dma_wait3A_671 = tpu.memref_slice %arg3[%dma_wait3A_669, %dma_wait3A_670] : memref<32x1000000xf32, #tpu.memory_space<hbm>> -> memref<32x128xf32, #tpu.memory_space<hbm>>
      %dma_wait3A_672 = arith.constant 0 : i32
      %dma_wait3A_673 = arith.constant 0 : i32
      %dma_wait3A_674 = tpu.memref_slice %arg3[%dma_wait3A_672, %dma_wait3A_673] : memref<32x1000000xf32, #tpu.memory_space<hbm>> -> memref<32x128xf32, #tpu.memory_space<hbm>>
      tpu.wait_dma2 semaphore(%arg22 : memref<!tpu.dma_semaphore, #tpu.memory_space<semaphore_mem>>) src(%dma_wait3A_674 : memref<32x128xf32, #tpu.memory_space<hbm>>) dst(%arg13 : memref<32x128xf32, #tpu.memory_space<vmem>>)
      %slice3A_675 = vector.extract_strided_slice %get3A_413 {offsets = [7], sizes = [1], strides = [1]} : vector<16xi32> to vector<1xi32>
      %squeeze3A_676 = vector.extract %slice3A_675[0] : i32 from vector<1xi32>
      %and3A_677 = arith.constant 127 : i32
      %and3A_678 = arith.andi %squeeze3A_676, %and3A_677 : i32
      %broadcast_in_dim3A_679 = vector.broadcast %and3A_678 : i32 to vector<16xi32>
      %broadcast_in_dim3A_680 = vector.broadcast %add3A_668 : i32 to vector<16xi32>
      %gather3A_681 = tpu.vector_load_idx %arg13[%iota3A, %broadcast_in_dim3A_679] : memref<32x128xf32, #tpu.memory_space<vmem>>[vector<16xi32>, vector<16xi32>], vector<16xf32>,
      %add3A_682 = arith.constant 16 : i32
      %add3A_683 = vector.broadcast %add3A_682 : i32 to vector<16xi32>
      %add3A_684 = arith.addi %iota3A, %add3A_683 : vector<16xi32>
      %gather3A_685 = tpu.vector_load_idx %arg13[%add3A_684, %broadcast_in_dim3A_679] : memref<32x128xf32, #tpu.memory_space<vmem>>[vector<16xi32>, vector<16xi32>], vector<16xf32>,
      tpu.vector_store_idx %arg14[%iota3A, %broadcast_in_dim3A_680], %gather3A_681 : memref<32x128xf32, #tpu.memory_space<vmem>>[vector<16xi32>, vector<16xi32>], vector<16xf32>,
      %add3A_686 = arith.constant 16 : i32
      %add3A_687 = vector.broadcast %add3A_686 : i32 to vector<16xi32>
      %add3A_688 = arith.addi %iota3A, %add3A_687 : vector<16xi32>
      tpu.vector_store_idx %arg14[%add3A_688, %broadcast_in_dim3A_680], %gather3A_685 : memref<32x128xf32, #tpu.memory_space<vmem>>[vector<16xi32>, vector<16xi32>], vector<16xf32>,
      %slice3A_689 = vector.extract_strided_slice %get3A_413 {offsets = [15], sizes = [1], strides = [1]} : vector<16xi32> to vector<1xi32>
      %squeeze3A_690 = vector.extract %slice3A_689[0] : i32 from vector<1xi32>
      %shift_right_logical3A_691 = arith.constant 7 : i32
      %shift_right_logical3A_692 = arith.shrui %squeeze3A_690, %shift_right_logical3A_691 : i32
      %mul3A_693 = arith.constant 128 : i32
      %mul3A_694 = arith.muli %shift_right_logical3A_692, %mul3A_693 : i32
      %multiple_of3A_695 = tpu.assume_multiple %mul3A_694, 128 : i32
      %dma_start3A_696 = arith.constant 0 : i32
      %dma_start3A_697 = tpu.memref_slice %arg3[%dma_start3A_696, %multiple_of3A_695] : memref<32x1000000xf32, #tpu.memory_space<hbm>> -> memref<32x128xf32, #tpu.memory_space<hbm>>
      %dma_start3A_698 = arith.constant 0 : i32
      %dma_start3A_699 = tpu.memref_slice %arg3[%dma_start3A_698, %multiple_of3A_695] : memref<32x1000000xf32, #tpu.memory_space<hbm>> -> memref<32x128xf32, #tpu.memory_space<hbm>>
      tpu.enqueue_dma source(%dma_start3A_699 : memref<32x128xf32, #tpu.memory_space<hbm>>) target(%arg13 : memref<32x128xf32, #tpu.memory_space<vmem>>) target_semaphore(%arg22 : memref<!tpu.dma_semaphore, #tpu.memory_space<semaphore_mem>>)
      %mul3A_700 = arith.constant 16 : i32
      %mul3A_701 = arith.muli %scan3A_407, %mul3A_700 : i32
      %add3A_702 = arith.constant 8 : i32
      %add3A_703 = arith.addi %mul3A_701, %add3A_702 : i32
      %dma_wait3A_704 = arith.constant 0 : i32
      %dma_wait3A_705 = arith.constant 0 : i32
      %dma_wait3A_706 = tpu.memref_slice %arg3[%dma_wait3A_704, %dma_wait3A_705] : memref<32x1000000xf32, #tpu.memory_space<hbm>> -> memref<32x128xf32, #tpu.memory_space<hbm>>
      %dma_wait3A_707 = arith.constant 0 : i32
      %dma_wait3A_708 = arith.constant 0 : i32
      %dma_wait3A_709 = tpu.memref_slice %arg3[%dma_wait3A_707, %dma_wait3A_708] : memref<32x1000000xf32, #tpu.memory_space<hbm>> -> memref<32x128xf32, #tpu.memory_space<hbm>>
      tpu.wait_dma2 semaphore(%arg15 : memref<!tpu.dma_semaphore, #tpu.memory_space<semaphore_mem>>) src(%dma_wait3A_709 : memref<32x128xf32, #tpu.memory_space<hbm>>) dst(%arg6 : memref<32x128xf32, #tpu.memory_space<vmem>>)
      %slice3A_710 = vector.extract_strided_slice %get3A_413 {offsets = [8], sizes = [1], strides = [1]} : vector<16xi32> to vector<1xi32>
      %squeeze3A_711 = vector.extract %slice3A_710[0] : i32 from vector<1xi32>
      %and3A_712 = arith.constant 127 : i32
      %and3A_713 = arith.andi %squeeze3A_711, %and3A_712 : i32
      %broadcast_in_dim3A_714 = vector.broadcast %and3A_713 : i32 to vector<16xi32>
      %broadcast_in_dim3A_715 = vector.broadcast %add3A_703 : i32 to vector<16xi32>
      %gather3A_716 = tpu.vector_load_idx %arg6[%iota3A, %broadcast_in_dim3A_714] : memref<32x128xf32, #tpu.memory_space<vmem>>[vector<16xi32>, vector<16xi32>], vector<16xf32>,
      %add3A_717 = arith.constant 16 : i32
      %add3A_718 = vector.broadcast %add3A_717 : i32 to vector<16xi32>
      %add3A_719 = arith.addi %iota3A, %add3A_718 : vector<16xi32>
      %gather3A_720 = tpu.vector_load_idx %arg6[%add3A_719, %broadcast_in_dim3A_714] : memref<32x128xf32, #tpu.memory_space<vmem>>[vector<16xi32>, vector<16xi32>], vector<16xf32>,
      tpu.vector_store_idx %arg14[%iota3A, %broadcast_in_dim3A_715], %gather3A_716 : memref<32x128xf32, #tpu.memory_space<vmem>>[vector<16xi32>, vector<16xi32>], vector<16xf32>,
      %add3A_721 = arith.constant 16 : i32
      %add3A_722 = vector.broadcast %add3A_721 : i32 to vector<16xi32>
      %add3A_723 = arith.addi %iota3A, %add3A_722 : vector<16xi32>
      tpu.vector_store_idx %arg14[%add3A_723, %broadcast_in_dim3A_715], %gather3A_720 : memref<32x128xf32, #tpu.memory_space<vmem>>[vector<16xi32>, vector<16xi32>], vector<16xf32>,
      %slice3A_724 = vector.extract_strided_slice %get3A_421 {offsets = [0], sizes = [1], strides = [1]} : vector<16xi32> to vector<1xi32>
      %squeeze3A_725 = vector.extract %slice3A_724[0] : i32 from vector<1xi32>
      %lt3A = arith.constant 7 : i32
      %lt3A_726 = arith.cmpi slt, %scan3A_407, %lt3A : i32
      %convert_element_type3A = arith.extui %lt3A_726 : i1 to i32
      %cond3A = arith.constant 0 : i32
      %cond3A_727 = arith.cmpi ne, %convert_element_type3A, %cond3A : i32
      scf.if %cond3A_727 {
        %shift_right_logical3A_945 = arith.constant 7 : i32
        %shift_right_logical3A_946 = arith.shrui %squeeze3A_725, %shift_right_logical3A_945 : i32
        %mul3A_947 = arith.constant 128 : i32
        %mul3A_948 = arith.muli %shift_right_logical3A_946, %mul3A_947 : i32
        %multiple_of3A_949 = tpu.assume_multiple %mul3A_948, 128 : i32
        %dma_start3A_950 = arith.constant 0 : i32
        %dma_start3A_951 = tpu.memref_slice %arg3[%dma_start3A_950, %multiple_of3A_949] : memref<32x1000000xf32, #tpu.memory_space<hbm>> -> memref<32x128xf32, #tpu.memory_space<hbm>>
        %dma_start3A_952 = arith.constant 0 : i32
        %dma_start3A_953 = tpu.memref_slice %arg3[%dma_start3A_952, %multiple_of3A_949] : memref<32x1000000xf32, #tpu.memory_space<hbm>> -> memref<32x128xf32, #tpu.memory_space<hbm>>
        tpu.enqueue_dma source(%dma_start3A_953 : memref<32x128xf32, #tpu.memory_space<hbm>>) target(%arg6 : memref<32x128xf32, #tpu.memory_space<vmem>>) target_semaphore(%arg15 : memref<!tpu.dma_semaphore, #tpu.memory_space<semaphore_mem>>)
      } else {
      }
      %mul3A_728 = arith.constant 16 : i32
      %mul3A_729 = arith.muli %scan3A_407, %mul3A_728 : i32
      %add3A_730 = arith.constant 9 : i32
      %add3A_731 = arith.addi %mul3A_729, %add3A_730 : i32
      %dma_wait3A_732 = arith.constant 0 : i32
      %dma_wait3A_733 = arith.constant 0 : i32
      %dma_wait3A_734 = tpu.memref_slice %arg3[%dma_wait3A_732, %dma_wait3A_733] : memref<32x1000000xf32, #tpu.memory_space<hbm>> -> memref<32x128xf32, #tpu.memory_space<hbm>>
      %dma_wait3A_735 = arith.constant 0 : i32
      %dma_wait3A_736 = arith.constant 0 : i32
      %dma_wait3A_737 = tpu.memref_slice %arg3[%dma_wait3A_735, %dma_wait3A_736] : memref<32x1000000xf32, #tpu.memory_space<hbm>> -> memref<32x128xf32, #tpu.memory_space<hbm>>
      tpu.wait_dma2 semaphore(%arg16 : memref<!tpu.dma_semaphore, #tpu.memory_space<semaphore_mem>>) src(%dma_wait3A_737 : memref<32x128xf32, #tpu.memory_space<hbm>>) dst(%arg7 : memref<32x128xf32, #tpu.memory_space<vmem>>)
      %slice3A_738 = vector.extract_strided_slice %get3A_413 {offsets = [9], sizes = [1], strides = [1]} : vector<16xi32> to vector<1xi32>
      %squeeze3A_739 = vector.extract %slice3A_738[0] : i32 from vector<1xi32>
      %and3A_740 = arith.constant 127 : i32
      %and3A_741 = arith.andi %squeeze3A_739, %and3A_740 : i32
      %broadcast_in_dim3A_742 = vector.broadcast %and3A_741 : i32 to vector<16xi32>
      %broadcast_in_dim3A_743 = vector.broadcast %add3A_731 : i32 to vector<16xi32>
      %gather3A_744 = tpu.vector_load_idx %arg7[%iota3A, %broadcast_in_dim3A_742] : memref<32x128xf32, #tpu.memory_space<vmem>>[vector<16xi32>, vector<16xi32>], vector<16xf32>,
      %add3A_745 = arith.constant 16 : i32
      %add3A_746 = vector.broadcast %add3A_745 : i32 to vector<16xi32>
      %add3A_747 = arith.addi %iota3A, %add3A_746 : vector<16xi32>
      %gather3A_748 = tpu.vector_load_idx %arg7[%add3A_747, %broadcast_in_dim3A_742] : memref<32x128xf32, #tpu.memory_space<vmem>>[vector<16xi32>, vector<16xi32>], vector<16xf32>,
      tpu.vector_store_idx %arg14[%iota3A, %broadcast_in_dim3A_743], %gather3A_744 : memref<32x128xf32, #tpu.memory_space<vmem>>[vector<16xi32>, vector<16xi32>], vector<16xf32>,
      %add3A_749 = arith.constant 16 : i32
      %add3A_750 = vector.broadcast %add3A_749 : i32 to vector<16xi32>
      %add3A_751 = arith.addi %iota3A, %add3A_750 : vector<16xi32>
      tpu.vector_store_idx %arg14[%add3A_751, %broadcast_in_dim3A_743], %gather3A_748 : memref<32x128xf32, #tpu.memory_space<vmem>>[vector<16xi32>, vector<16xi32>], vector<16xf32>,
      %slice3A_752 = vector.extract_strided_slice %get3A_421 {offsets = [1], sizes = [1], strides = [1]} : vector<16xi32> to vector<1xi32>
      %squeeze3A_753 = vector.extract %slice3A_752[0] : i32 from vector<1xi32>
      %lt3A_754 = arith.constant 7 : i32
      %lt3A_755 = arith.cmpi slt, %scan3A_407, %lt3A_754 : i32
      %convert_element_type3A_756 = arith.extui %lt3A_755 : i1 to i32
      %cond3A_757 = arith.constant 0 : i32
      %cond3A_758 = arith.cmpi ne, %convert_element_type3A_756, %cond3A_757 : i32
      scf.if %cond3A_758 {
        %shift_right_logical3A_945 = arith.constant 7 : i32
        %shift_right_logical3A_946 = arith.shrui %squeeze3A_753, %shift_right_logical3A_945 : i32
        %mul3A_947 = arith.constant 128 : i32
        %mul3A_948 = arith.muli %shift_right_logical3A_946, %mul3A_947 : i32
        %multiple_of3A_949 = tpu.assume_multiple %mul3A_948, 128 : i32
        %dma_start3A_950 = arith.constant 0 : i32
        %dma_start3A_951 = tpu.memref_slice %arg3[%dma_start3A_950, %multiple_of3A_949] : memref<32x1000000xf32, #tpu.memory_space<hbm>> -> memref<32x128xf32, #tpu.memory_space<hbm>>
        %dma_start3A_952 = arith.constant 0 : i32
        %dma_start3A_953 = tpu.memref_slice %arg3[%dma_start3A_952, %multiple_of3A_949] : memref<32x1000000xf32, #tpu.memory_space<hbm>> -> memref<32x128xf32, #tpu.memory_space<hbm>>
        tpu.enqueue_dma source(%dma_start3A_953 : memref<32x128xf32, #tpu.memory_space<hbm>>) target(%arg7 : memref<32x128xf32, #tpu.memory_space<vmem>>) target_semaphore(%arg16 : memref<!tpu.dma_semaphore, #tpu.memory_space<semaphore_mem>>)
      } else {
      }
      %mul3A_759 = arith.constant 16 : i32
      %mul3A_760 = arith.muli %scan3A_407, %mul3A_759 : i32
      %add3A_761 = arith.constant 10 : i32
      %add3A_762 = arith.addi %mul3A_760, %add3A_761 : i32
      %dma_wait3A_763 = arith.constant 0 : i32
      %dma_wait3A_764 = arith.constant 0 : i32
      %dma_wait3A_765 = tpu.memref_slice %arg3[%dma_wait3A_763, %dma_wait3A_764] : memref<32x1000000xf32, #tpu.memory_space<hbm>> -> memref<32x128xf32, #tpu.memory_space<hbm>>
      %dma_wait3A_766 = arith.constant 0 : i32
      %dma_wait3A_767 = arith.constant 0 : i32
      %dma_wait3A_768 = tpu.memref_slice %arg3[%dma_wait3A_766, %dma_wait3A_767] : memref<32x1000000xf32, #tpu.memory_space<hbm>> -> memref<32x128xf32, #tpu.memory_space<hbm>>
      tpu.wait_dma2 semaphore(%arg17 : memref<!tpu.dma_semaphore, #tpu.memory_space<semaphore_mem>>) src(%dma_wait3A_768 : memref<32x128xf32, #tpu.memory_space<hbm>>) dst(%arg8 : memref<32x128xf32, #tpu.memory_space<vmem>>)
      %slice3A_769 = vector.extract_strided_slice %get3A_413 {offsets = [10], sizes = [1], strides = [1]} : vector<16xi32> to vector<1xi32>
      %squeeze3A_770 = vector.extract %slice3A_769[0] : i32 from vector<1xi32>
      %and3A_771 = arith.constant 127 : i32
      %and3A_772 = arith.andi %squeeze3A_770, %and3A_771 : i32
      %broadcast_in_dim3A_773 = vector.broadcast %and3A_772 : i32 to vector<16xi32>
      %broadcast_in_dim3A_774 = vector.broadcast %add3A_762 : i32 to vector<16xi32>
      %gather3A_775 = tpu.vector_load_idx %arg8[%iota3A, %broadcast_in_dim3A_773] : memref<32x128xf32, #tpu.memory_space<vmem>>[vector<16xi32>, vector<16xi32>], vector<16xf32>,
      %add3A_776 = arith.constant 16 : i32
      %add3A_777 = vector.broadcast %add3A_776 : i32 to vector<16xi32>
      %add3A_778 = arith.addi %iota3A, %add3A_777 : vector<16xi32>
      %gather3A_779 = tpu.vector_load_idx %arg8[%add3A_778, %broadcast_in_dim3A_773] : memref<32x128xf32, #tpu.memory_space<vmem>>[vector<16xi32>, vector<16xi32>], vector<16xf32>,
      tpu.vector_store_idx %arg14[%iota3A, %broadcast_in_dim3A_774], %gather3A_775 : memref<32x128xf32, #tpu.memory_space<vmem>>[vector<16xi32>, vector<16xi32>], vector<16xf32>,
      %add3A_780 = arith.constant 16 : i32
      %add3A_781 = vector.broadcast %add3A_780 : i32 to vector<16xi32>
      %add3A_782 = arith.addi %iota3A, %add3A_781 : vector<16xi32>
      tpu.vector_store_idx %arg14[%add3A_782, %broadcast_in_dim3A_774], %gather3A_779 : memref<32x128xf32, #tpu.memory_space<vmem>>[vector<16xi32>, vector<16xi32>], vector<16xf32>,
      %slice3A_783 = vector.extract_strided_slice %get3A_421 {offsets = [2], sizes = [1], strides = [1]} : vector<16xi32> to vector<1xi32>
      %squeeze3A_784 = vector.extract %slice3A_783[0] : i32 from vector<1xi32>
      %lt3A_785 = arith.constant 7 : i32
      %lt3A_786 = arith.cmpi slt, %scan3A_407, %lt3A_785 : i32
      %convert_element_type3A_787 = arith.extui %lt3A_786 : i1 to i32
      %cond3A_788 = arith.constant 0 : i32
      %cond3A_789 = arith.cmpi ne, %convert_element_type3A_787, %cond3A_788 : i32
      scf.if %cond3A_789 {
        %shift_right_logical3A_945 = arith.constant 7 : i32
        %shift_right_logical3A_946 = arith.shrui %squeeze3A_784, %shift_right_logical3A_945 : i32
        %mul3A_947 = arith.constant 128 : i32
        %mul3A_948 = arith.muli %shift_right_logical3A_946, %mul3A_947 : i32
        %multiple_of3A_949 = tpu.assume_multiple %mul3A_948, 128 : i32
        %dma_start3A_950 = arith.constant 0 : i32
        %dma_start3A_951 = tpu.memref_slice %arg3[%dma_start3A_950, %multiple_of3A_949] : memref<32x1000000xf32, #tpu.memory_space<hbm>> -> memref<32x128xf32, #tpu.memory_space<hbm>>
        %dma_start3A_952 = arith.constant 0 : i32
        %dma_start3A_953 = tpu.memref_slice %arg3[%dma_start3A_952, %multiple_of3A_949] : memref<32x1000000xf32, #tpu.memory_space<hbm>> -> memref<32x128xf32, #tpu.memory_space<hbm>>
        tpu.enqueue_dma source(%dma_start3A_953 : memref<32x128xf32, #tpu.memory_space<hbm>>) target(%arg8 : memref<32x128xf32, #tpu.memory_space<vmem>>) target_semaphore(%arg17 : memref<!tpu.dma_semaphore, #tpu.memory_space<semaphore_mem>>)
      } else {
      }
      %mul3A_790 = arith.constant 16 : i32
      %mul3A_791 = arith.muli %scan3A_407, %mul3A_790 : i32
      %add3A_792 = arith.constant 11 : i32
      %add3A_793 = arith.addi %mul3A_791, %add3A_792 : i32
      %dma_wait3A_794 = arith.constant 0 : i32
      %dma_wait3A_795 = arith.constant 0 : i32
      %dma_wait3A_796 = tpu.memref_slice %arg3[%dma_wait3A_794, %dma_wait3A_795] : memref<32x1000000xf32, #tpu.memory_space<hbm>> -> memref<32x128xf32, #tpu.memory_space<hbm>>
      %dma_wait3A_797 = arith.constant 0 : i32
      %dma_wait3A_798 = arith.constant 0 : i32
      %dma_wait3A_799 = tpu.memref_slice %arg3[%dma_wait3A_797, %dma_wait3A_798] : memref<32x1000000xf32, #tpu.memory_space<hbm>> -> memref<32x128xf32, #tpu.memory_space<hbm>>
      tpu.wait_dma2 semaphore(%arg18 : memref<!tpu.dma_semaphore, #tpu.memory_space<semaphore_mem>>) src(%dma_wait3A_799 : memref<32x128xf32, #tpu.memory_space<hbm>>) dst(%arg9 : memref<32x128xf32, #tpu.memory_space<vmem>>)
      %slice3A_800 = vector.extract_strided_slice %get3A_413 {offsets = [11], sizes = [1], strides = [1]} : vector<16xi32> to vector<1xi32>
      %squeeze3A_801 = vector.extract %slice3A_800[0] : i32 from vector<1xi32>
      %and3A_802 = arith.constant 127 : i32
      %and3A_803 = arith.andi %squeeze3A_801, %and3A_802 : i32
      %broadcast_in_dim3A_804 = vector.broadcast %and3A_803 : i32 to vector<16xi32>
      %broadcast_in_dim3A_805 = vector.broadcast %add3A_793 : i32 to vector<16xi32>
      %gather3A_806 = tpu.vector_load_idx %arg9[%iota3A, %broadcast_in_dim3A_804] : memref<32x128xf32, #tpu.memory_space<vmem>>[vector<16xi32>, vector<16xi32>], vector<16xf32>,
      %add3A_807 = arith.constant 16 : i32
      %add3A_808 = vector.broadcast %add3A_807 : i32 to vector<16xi32>
      %add3A_809 = arith.addi %iota3A, %add3A_808 : vector<16xi32>
      %gather3A_810 = tpu.vector_load_idx %arg9[%add3A_809, %broadcast_in_dim3A_804] : memref<32x128xf32, #tpu.memory_space<vmem>>[vector<16xi32>, vector<16xi32>], vector<16xf32>,
      tpu.vector_store_idx %arg14[%iota3A, %broadcast_in_dim3A_805], %gather3A_806 : memref<32x128xf32, #tpu.memory_space<vmem>>[vector<16xi32>, vector<16xi32>], vector<16xf32>,
      %add3A_811 = arith.constant 16 : i32
      %add3A_812 = vector.broadcast %add3A_811 : i32 to vector<16xi32>
      %add3A_813 = arith.addi %iota3A, %add3A_812 : vector<16xi32>
      tpu.vector_store_idx %arg14[%add3A_813, %broadcast_in_dim3A_805], %gather3A_810 : memref<32x128xf32, #tpu.memory_space<vmem>>[vector<16xi32>, vector<16xi32>], vector<16xf32>,
      %slice3A_814 = vector.extract_strided_slice %get3A_421 {offsets = [3], sizes = [1], strides = [1]} : vector<16xi32> to vector<1xi32>
      %squeeze3A_815 = vector.extract %slice3A_814[0] : i32 from vector<1xi32>
      %lt3A_816 = arith.constant 7 : i32
      %lt3A_817 = arith.cmpi slt, %scan3A_407, %lt3A_816 : i32
      %convert_element_type3A_818 = arith.extui %lt3A_817 : i1 to i32
      %cond3A_819 = arith.constant 0 : i32
      %cond3A_820 = arith.cmpi ne, %convert_element_type3A_818, %cond3A_819 : i32
      scf.if %cond3A_820 {
        %shift_right_logical3A_945 = arith.constant 7 : i32
        %shift_right_logical3A_946 = arith.shrui %squeeze3A_815, %shift_right_logical3A_945 : i32
        %mul3A_947 = arith.constant 128 : i32
        %mul3A_948 = arith.muli %shift_right_logical3A_946, %mul3A_947 : i32
        %multiple_of3A_949 = tpu.assume_multiple %mul3A_948, 128 : i32
        %dma_start3A_950 = arith.constant 0 : i32
        %dma_start3A_951 = tpu.memref_slice %arg3[%dma_start3A_950, %multiple_of3A_949] : memref<32x1000000xf32, #tpu.memory_space<hbm>> -> memref<32x128xf32, #tpu.memory_space<hbm>>
        %dma_start3A_952 = arith.constant 0 : i32
        %dma_start3A_953 = tpu.memref_slice %arg3[%dma_start3A_952, %multiple_of3A_949] : memref<32x1000000xf32, #tpu.memory_space<hbm>> -> memref<32x128xf32, #tpu.memory_space<hbm>>
        tpu.enqueue_dma source(%dma_start3A_953 : memref<32x128xf32, #tpu.memory_space<hbm>>) target(%arg9 : memref<32x128xf32, #tpu.memory_space<vmem>>) target_semaphore(%arg18 : memref<!tpu.dma_semaphore, #tpu.memory_space<semaphore_mem>>)
      } else {
      }
      %mul3A_821 = arith.constant 16 : i32
      %mul3A_822 = arith.muli %scan3A_407, %mul3A_821 : i32
      %add3A_823 = arith.constant 12 : i32
      %add3A_824 = arith.addi %mul3A_822, %add3A_823 : i32
      %dma_wait3A_825 = arith.constant 0 : i32
      %dma_wait3A_826 = arith.constant 0 : i32
      %dma_wait3A_827 = tpu.memref_slice %arg3[%dma_wait3A_825, %dma_wait3A_826] : memref<32x1000000xf32, #tpu.memory_space<hbm>> -> memref<32x128xf32, #tpu.memory_space<hbm>>
      %dma_wait3A_828 = arith.constant 0 : i32
      %dma_wait3A_829 = arith.constant 0 : i32
      %dma_wait3A_830 = tpu.memref_slice %arg3[%dma_wait3A_828, %dma_wait3A_829] : memref<32x1000000xf32, #tpu.memory_space<hbm>> -> memref<32x128xf32, #tpu.memory_space<hbm>>
      tpu.wait_dma2 semaphore(%arg19 : memref<!tpu.dma_semaphore, #tpu.memory_space<semaphore_mem>>) src(%dma_wait3A_830 : memref<32x128xf32, #tpu.memory_space<hbm>>) dst(%arg10 : memref<32x128xf32, #tpu.memory_space<vmem>>)
      %slice3A_831 = vector.extract_strided_slice %get3A_413 {offsets = [12], sizes = [1], strides = [1]} : vector<16xi32> to vector<1xi32>
      %squeeze3A_832 = vector.extract %slice3A_831[0] : i32 from vector<1xi32>
      %and3A_833 = arith.constant 127 : i32
      %and3A_834 = arith.andi %squeeze3A_832, %and3A_833 : i32
      %broadcast_in_dim3A_835 = vector.broadcast %and3A_834 : i32 to vector<16xi32>
      %broadcast_in_dim3A_836 = vector.broadcast %add3A_824 : i32 to vector<16xi32>
      %gather3A_837 = tpu.vector_load_idx %arg10[%iota3A, %broadcast_in_dim3A_835] : memref<32x128xf32, #tpu.memory_space<vmem>>[vector<16xi32>, vector<16xi32>], vector<16xf32>,
      %add3A_838 = arith.constant 16 : i32
      %add3A_839 = vector.broadcast %add3A_838 : i32 to vector<16xi32>
      %add3A_840 = arith.addi %iota3A, %add3A_839 : vector<16xi32>
      %gather3A_841 = tpu.vector_load_idx %arg10[%add3A_840, %broadcast_in_dim3A_835] : memref<32x128xf32, #tpu.memory_space<vmem>>[vector<16xi32>, vector<16xi32>], vector<16xf32>,
      tpu.vector_store_idx %arg14[%iota3A, %broadcast_in_dim3A_836], %gather3A_837 : memref<32x128xf32, #tpu.memory_space<vmem>>[vector<16xi32>, vector<16xi32>], vector<16xf32>,
      %add3A_842 = arith.constant 16 : i32
      %add3A_843 = vector.broadcast %add3A_842 : i32 to vector<16xi32>
      %add3A_844 = arith.addi %iota3A, %add3A_843 : vector<16xi32>
      tpu.vector_store_idx %arg14[%add3A_844, %broadcast_in_dim3A_836], %gather3A_841 : memref<32x128xf32, #tpu.memory_space<vmem>>[vector<16xi32>, vector<16xi32>], vector<16xf32>,
      %slice3A_845 = vector.extract_strided_slice %get3A_421 {offsets = [4], sizes = [1], strides = [1]} : vector<16xi32> to vector<1xi32>
      %squeeze3A_846 = vector.extract %slice3A_845[0] : i32 from vector<1xi32>
      %lt3A_847 = arith.constant 7 : i32
      %lt3A_848 = arith.cmpi slt, %scan3A_407, %lt3A_847 : i32
      %convert_element_type3A_849 = arith.extui %lt3A_848 : i1 to i32
      %cond3A_850 = arith.constant 0 : i32
      %cond3A_851 = arith.cmpi ne, %convert_element_type3A_849, %cond3A_850 : i32
      scf.if %cond3A_851 {
        %shift_right_logical3A_945 = arith.constant 7 : i32
        %shift_right_logical3A_946 = arith.shrui %squeeze3A_846, %shift_right_logical3A_945 : i32
        %mul3A_947 = arith.constant 128 : i32
        %mul3A_948 = arith.muli %shift_right_logical3A_946, %mul3A_947 : i32
        %multiple_of3A_949 = tpu.assume_multiple %mul3A_948, 128 : i32
        %dma_start3A_950 = arith.constant 0 : i32
        %dma_start3A_951 = tpu.memref_slice %arg3[%dma_start3A_950, %multiple_of3A_949] : memref<32x1000000xf32, #tpu.memory_space<hbm>> -> memref<32x128xf32, #tpu.memory_space<hbm>>
        %dma_start3A_952 = arith.constant 0 : i32
        %dma_start3A_953 = tpu.memref_slice %arg3[%dma_start3A_952, %multiple_of3A_949] : memref<32x1000000xf32, #tpu.memory_space<hbm>> -> memref<32x128xf32, #tpu.memory_space<hbm>>
        tpu.enqueue_dma source(%dma_start3A_953 : memref<32x128xf32, #tpu.memory_space<hbm>>) target(%arg10 : memref<32x128xf32, #tpu.memory_space<vmem>>) target_semaphore(%arg19 : memref<!tpu.dma_semaphore, #tpu.memory_space<semaphore_mem>>)
      } else {
      }
      %mul3A_852 = arith.constant 16 : i32
      %mul3A_853 = arith.muli %scan3A_407, %mul3A_852 : i32
      %add3A_854 = arith.constant 13 : i32
      %add3A_855 = arith.addi %mul3A_853, %add3A_854 : i32
      %dma_wait3A_856 = arith.constant 0 : i32
      %dma_wait3A_857 = arith.constant 0 : i32
      %dma_wait3A_858 = tpu.memref_slice %arg3[%dma_wait3A_856, %dma_wait3A_857] : memref<32x1000000xf32, #tpu.memory_space<hbm>> -> memref<32x128xf32, #tpu.memory_space<hbm>>
      %dma_wait3A_859 = arith.constant 0 : i32
      %dma_wait3A_860 = arith.constant 0 : i32
      %dma_wait3A_861 = tpu.memref_slice %arg3[%dma_wait3A_859, %dma_wait3A_860] : memref<32x1000000xf32, #tpu.memory_space<hbm>> -> memref<32x128xf32, #tpu.memory_space<hbm>>
      tpu.wait_dma2 semaphore(%arg20 : memref<!tpu.dma_semaphore, #tpu.memory_space<semaphore_mem>>) src(%dma_wait3A_861 : memref<32x128xf32, #tpu.memory_space<hbm>>) dst(%arg11 : memref<32x128xf32, #tpu.memory_space<vmem>>)
      %slice3A_862 = vector.extract_strided_slice %get3A_413 {offsets = [13], sizes = [1], strides = [1]} : vector<16xi32> to vector<1xi32>
      %squeeze3A_863 = vector.extract %slice3A_862[0] : i32 from vector<1xi32>
      %and3A_864 = arith.constant 127 : i32
      %and3A_865 = arith.andi %squeeze3A_863, %and3A_864 : i32
      %broadcast_in_dim3A_866 = vector.broadcast %and3A_865 : i32 to vector<16xi32>
      %broadcast_in_dim3A_867 = vector.broadcast %add3A_855 : i32 to vector<16xi32>
      %gather3A_868 = tpu.vector_load_idx %arg11[%iota3A, %broadcast_in_dim3A_866] : memref<32x128xf32, #tpu.memory_space<vmem>>[vector<16xi32>, vector<16xi32>], vector<16xf32>,
      %add3A_869 = arith.constant 16 : i32
      %add3A_870 = vector.broadcast %add3A_869 : i32 to vector<16xi32>
      %add3A_871 = arith.addi %iota3A, %add3A_870 : vector<16xi32>
      %gather3A_872 = tpu.vector_load_idx %arg11[%add3A_871, %broadcast_in_dim3A_866] : memref<32x128xf32, #tpu.memory_space<vmem>>[vector<16xi32>, vector<16xi32>], vector<16xf32>,
      tpu.vector_store_idx %arg14[%iota3A, %broadcast_in_dim3A_867], %gather3A_868 : memref<32x128xf32, #tpu.memory_space<vmem>>[vector<16xi32>, vector<16xi32>], vector<16xf32>,
      %add3A_873 = arith.constant 16 : i32
      %add3A_874 = vector.broadcast %add3A_873 : i32 to vector<16xi32>
      %add3A_875 = arith.addi %iota3A, %add3A_874 : vector<16xi32>
      tpu.vector_store_idx %arg14[%add3A_875, %broadcast_in_dim3A_867], %gather3A_872 : memref<32x128xf32, #tpu.memory_space<vmem>>[vector<16xi32>, vector<16xi32>], vector<16xf32>,
      %slice3A_876 = vector.extract_strided_slice %get3A_421 {offsets = [5], sizes = [1], strides = [1]} : vector<16xi32> to vector<1xi32>
      %squeeze3A_877 = vector.extract %slice3A_876[0] : i32 from vector<1xi32>
      %lt3A_878 = arith.constant 7 : i32
      %lt3A_879 = arith.cmpi slt, %scan3A_407, %lt3A_878 : i32
      %convert_element_type3A_880 = arith.extui %lt3A_879 : i1 to i32
      %cond3A_881 = arith.constant 0 : i32
      %cond3A_882 = arith.cmpi ne, %convert_element_type3A_880, %cond3A_881 : i32
      scf.if %cond3A_882 {
        %shift_right_logical3A_945 = arith.constant 7 : i32
        %shift_right_logical3A_946 = arith.shrui %squeeze3A_877, %shift_right_logical3A_945 : i32
        %mul3A_947 = arith.constant 128 : i32
        %mul3A_948 = arith.muli %shift_right_logical3A_946, %mul3A_947 : i32
        %multiple_of3A_949 = tpu.assume_multiple %mul3A_948, 128 : i32
        %dma_start3A_950 = arith.constant 0 : i32
        %dma_start3A_951 = tpu.memref_slice %arg3[%dma_start3A_950, %multiple_of3A_949] : memref<32x1000000xf32, #tpu.memory_space<hbm>> -> memref<32x128xf32, #tpu.memory_space<hbm>>
        %dma_start3A_952 = arith.constant 0 : i32
        %dma_start3A_953 = tpu.memref_slice %arg3[%dma_start3A_952, %multiple_of3A_949] : memref<32x1000000xf32, #tpu.memory_space<hbm>> -> memref<32x128xf32, #tpu.memory_space<hbm>>
        tpu.enqueue_dma source(%dma_start3A_953 : memref<32x128xf32, #tpu.memory_space<hbm>>) target(%arg11 : memref<32x128xf32, #tpu.memory_space<vmem>>) target_semaphore(%arg20 : memref<!tpu.dma_semaphore, #tpu.memory_space<semaphore_mem>>)
      } else {
      }
      %mul3A_883 = arith.constant 16 : i32
      %mul3A_884 = arith.muli %scan3A_407, %mul3A_883 : i32
      %add3A_885 = arith.constant 14 : i32
      %add3A_886 = arith.addi %mul3A_884, %add3A_885 : i32
      %dma_wait3A_887 = arith.constant 0 : i32
      %dma_wait3A_888 = arith.constant 0 : i32
      %dma_wait3A_889 = tpu.memref_slice %arg3[%dma_wait3A_887, %dma_wait3A_888] : memref<32x1000000xf32, #tpu.memory_space<hbm>> -> memref<32x128xf32, #tpu.memory_space<hbm>>
      %dma_wait3A_890 = arith.constant 0 : i32
      %dma_wait3A_891 = arith.constant 0 : i32
      %dma_wait3A_892 = tpu.memref_slice %arg3[%dma_wait3A_890, %dma_wait3A_891] : memref<32x1000000xf32, #tpu.memory_space<hbm>> -> memref<32x128xf32, #tpu.memory_space<hbm>>
      tpu.wait_dma2 semaphore(%arg21 : memref<!tpu.dma_semaphore, #tpu.memory_space<semaphore_mem>>) src(%dma_wait3A_892 : memref<32x128xf32, #tpu.memory_space<hbm>>) dst(%arg12 : memref<32x128xf32, #tpu.memory_space<vmem>>)
      %slice3A_893 = vector.extract_strided_slice %get3A_413 {offsets = [14], sizes = [1], strides = [1]} : vector<16xi32> to vector<1xi32>
      %squeeze3A_894 = vector.extract %slice3A_893[0] : i32 from vector<1xi32>
      %and3A_895 = arith.constant 127 : i32
      %and3A_896 = arith.andi %squeeze3A_894, %and3A_895 : i32
      %broadcast_in_dim3A_897 = vector.broadcast %and3A_896 : i32 to vector<16xi32>
      %broadcast_in_dim3A_898 = vector.broadcast %add3A_886 : i32 to vector<16xi32>
      %gather3A_899 = tpu.vector_load_idx %arg12[%iota3A, %broadcast_in_dim3A_897] : memref<32x128xf32, #tpu.memory_space<vmem>>[vector<16xi32>, vector<16xi32>], vector<16xf32>,
      %add3A_900 = arith.constant 16 : i32
      %add3A_901 = vector.broadcast %add3A_900 : i32 to vector<16xi32>
      %add3A_902 = arith.addi %iota3A, %add3A_901 : vector<16xi32>
      %gather3A_903 = tpu.vector_load_idx %arg12[%add3A_902, %broadcast_in_dim3A_897] : memref<32x128xf32, #tpu.memory_space<vmem>>[vector<16xi32>, vector<16xi32>], vector<16xf32>,
      tpu.vector_store_idx %arg14[%iota3A, %broadcast_in_dim3A_898], %gather3A_899 : memref<32x128xf32, #tpu.memory_space<vmem>>[vector<16xi32>, vector<16xi32>], vector<16xf32>,
      %add3A_904 = arith.constant 16 : i32
      %add3A_905 = vector.broadcast %add3A_904 : i32 to vector<16xi32>
      %add3A_906 = arith.addi %iota3A, %add3A_905 : vector<16xi32>
      tpu.vector_store_idx %arg14[%add3A_906, %broadcast_in_dim3A_898], %gather3A_903 : memref<32x128xf32, #tpu.memory_space<vmem>>[vector<16xi32>, vector<16xi32>], vector<16xf32>,
      %slice3A_907 = vector.extract_strided_slice %get3A_421 {offsets = [6], sizes = [1], strides = [1]} : vector<16xi32> to vector<1xi32>
      %squeeze3A_908 = vector.extract %slice3A_907[0] : i32 from vector<1xi32>
      %lt3A_909 = arith.constant 7 : i32
      %lt3A_910 = arith.cmpi slt, %scan3A_407, %lt3A_909 : i32
      %convert_element_type3A_911 = arith.extui %lt3A_910 : i1 to i32
      %cond3A_912 = arith.constant 0 : i32
      %cond3A_913 = arith.cmpi ne, %convert_element_type3A_911, %cond3A_912 : i32
      scf.if %cond3A_913 {
        %shift_right_logical3A_945 = arith.constant 7 : i32
        %shift_right_logical3A_946 = arith.shrui %squeeze3A_908, %shift_right_logical3A_945 : i32
        %mul3A_947 = arith.constant 128 : i32
        %mul3A_948 = arith.muli %shift_right_logical3A_946, %mul3A_947 : i32
        %multiple_of3A_949 = tpu.assume_multiple %mul3A_948, 128 : i32
        %dma_start3A_950 = arith.constant 0 : i32
        %dma_start3A_951 = tpu.memref_slice %arg3[%dma_start3A_950, %multiple_of3A_949] : memref<32x1000000xf32, #tpu.memory_space<hbm>> -> memref<32x128xf32, #tpu.memory_space<hbm>>
        %dma_start3A_952 = arith.constant 0 : i32
        %dma_start3A_953 = tpu.memref_slice %arg3[%dma_start3A_952, %multiple_of3A_949] : memref<32x1000000xf32, #tpu.memory_space<hbm>> -> memref<32x128xf32, #tpu.memory_space<hbm>>
        tpu.enqueue_dma source(%dma_start3A_953 : memref<32x128xf32, #tpu.memory_space<hbm>>) target(%arg12 : memref<32x128xf32, #tpu.memory_space<vmem>>) target_semaphore(%arg21 : memref<!tpu.dma_semaphore, #tpu.memory_space<semaphore_mem>>)
      } else {
      }
      %mul3A_914 = arith.constant 16 : i32
      %mul3A_915 = arith.muli %scan3A_407, %mul3A_914 : i32
      %add3A_916 = arith.constant 15 : i32
      %add3A_917 = arith.addi %mul3A_915, %add3A_916 : i32
      %dma_wait3A_918 = arith.constant 0 : i32
      %dma_wait3A_919 = arith.constant 0 : i32
      %dma_wait3A_920 = tpu.memref_slice %arg3[%dma_wait3A_918, %dma_wait3A_919] : memref<32x1000000xf32, #tpu.memory_space<hbm>> -> memref<32x128xf32, #tpu.memory_space<hbm>>
      %dma_wait3A_921 = arith.constant 0 : i32
      %dma_wait3A_922 = arith.constant 0 : i32
      %dma_wait3A_923 = tpu.memref_slice %arg3[%dma_wait3A_921, %dma_wait3A_922] : memref<32x1000000xf32, #tpu.memory_space<hbm>> -> memref<32x128xf32, #tpu.memory_space<hbm>>
      tpu.wait_dma2 semaphore(%arg22 : memref<!tpu.dma_semaphore, #tpu.memory_space<semaphore_mem>>) src(%dma_wait3A_923 : memref<32x128xf32, #tpu.memory_space<hbm>>) dst(%arg13 : memref<32x128xf32, #tpu.memory_space<vmem>>)
      %slice3A_924 = vector.extract_strided_slice %get3A_413 {offsets = [15], sizes = [1], strides = [1]} : vector<16xi32> to vector<1xi32>
      %squeeze3A_925 = vector.extract %slice3A_924[0] : i32 from vector<1xi32>
      %and3A_926 = arith.constant 127 : i32
      %and3A_927 = arith.andi %squeeze3A_925, %and3A_926 : i32
      %broadcast_in_dim3A_928 = vector.broadcast %and3A_927 : i32 to vector<16xi32>
      %broadcast_in_dim3A_929 = vector.broadcast %add3A_917 : i32 to vector<16xi32>
      %gather3A_930 = tpu.vector_load_idx %arg13[%iota3A, %broadcast_in_dim3A_928] : memref<32x128xf32, #tpu.memory_space<vmem>>[vector<16xi32>, vector<16xi32>], vector<16xf32>,
      %add3A_931 = arith.constant 16 : i32
      %add3A_932 = vector.broadcast %add3A_931 : i32 to vector<16xi32>
      %add3A_933 = arith.addi %iota3A, %add3A_932 : vector<16xi32>
      %gather3A_934 = tpu.vector_load_idx %arg13[%add3A_933, %broadcast_in_dim3A_928] : memref<32x128xf32, #tpu.memory_space<vmem>>[vector<16xi32>, vector<16xi32>], vector<16xf32>,
      tpu.vector_store_idx %arg14[%iota3A, %broadcast_in_dim3A_929], %gather3A_930 : memref<32x128xf32, #tpu.memory_space<vmem>>[vector<16xi32>, vector<16xi32>], vector<16xf32>,
      %add3A_935 = arith.constant 16 : i32
      %add3A_936 = vector.broadcast %add3A_935 : i32 to vector<16xi32>
      %add3A_937 = arith.addi %iota3A, %add3A_936 : vector<16xi32>
      tpu.vector_store_idx %arg14[%add3A_937, %broadcast_in_dim3A_929], %gather3A_934 : memref<32x128xf32, #tpu.memory_space<vmem>>[vector<16xi32>, vector<16xi32>], vector<16xf32>,
      %slice3A_938 = vector.extract_strided_slice %get3A_421 {offsets = [7], sizes = [1], strides = [1]} : vector<16xi32> to vector<1xi32>
      %squeeze3A_939 = vector.extract %slice3A_938[0] : i32 from vector<1xi32>
      %lt3A_940 = arith.constant 7 : i32
      %lt3A_941 = arith.cmpi slt, %scan3A_407, %lt3A_940 : i32
      %convert_element_type3A_942 = arith.extui %lt3A_941 : i1 to i32
      %cond3A_943 = arith.constant 0 : i32
      %cond3A_944 = arith.cmpi ne, %convert_element_type3A_942, %cond3A_943 : i32
      scf.if %cond3A_944 {
        %shift_right_logical3A_945 = arith.constant 7 : i32
        %shift_right_logical3A_946 = arith.shrui %squeeze3A_939, %shift_right_logical3A_945 : i32
        %mul3A_947 = arith.constant 128 : i32
        %mul3A_948 = arith.muli %shift_right_logical3A_946, %mul3A_947 : i32
        %multiple_of3A_949 = tpu.assume_multiple %mul3A_948, 128 : i32
        %dma_start3A_950 = arith.constant 0 : i32
        %dma_start3A_951 = tpu.memref_slice %arg3[%dma_start3A_950, %multiple_of3A_949] : memref<32x1000000xf32, #tpu.memory_space<hbm>> -> memref<32x128xf32, #tpu.memory_space<hbm>>
        %dma_start3A_952 = arith.constant 0 : i32
        %dma_start3A_953 = tpu.memref_slice %arg3[%dma_start3A_952, %multiple_of3A_949] : memref<32x1000000xf32, #tpu.memory_space<hbm>> -> memref<32x128xf32, #tpu.memory_space<hbm>>
        tpu.enqueue_dma source(%dma_start3A_953 : memref<32x128xf32, #tpu.memory_space<hbm>>) target(%arg13 : memref<32x128xf32, #tpu.memory_space<vmem>>) target_semaphore(%arg22 : memref<!tpu.dma_semaphore, #tpu.memory_space<semaphore_mem>>)
      } else {
      }
    }
    %scan3A_106 = arith.constant 8 : i32
    %add3A_107 = arith.constant 0 : i32
    %add3A_108 = arith.addi %mul3A_2, %add3A_107 : i32
    %multiple_of3A_109 = tpu.assume_multiple %add3A_108, 128 : i32
    "tpu.region"() ({
      %run_scoped3A = tpu.sem_alloc : memref<!tpu.dma_semaphore, #tpu.memory_space<semaphore_mem>>
      %dma_start3A_407 = arith.constant 0 : i32
      %dma_start3A_408 = tpu.memref_slice %arg4[%dma_start3A_407, %multiple_of3A_109] : memref<32x16384xf32, #tpu.memory_space<hbm>> -> memref<32x128xf32, #tpu.memory_space<hbm>>
      %dma_start3A_409 = arith.constant 0 : i32
      %dma_start3A_410 = tpu.memref_slice %arg4[%dma_start3A_409, %multiple_of3A_109] : memref<32x16384xf32, #tpu.memory_space<hbm>> -> memref<32x128xf32, #tpu.memory_space<hbm>>
      tpu.enqueue_dma source(%arg14 : memref<32x128xf32, #tpu.memory_space<vmem>>) target(%dma_start3A_410 : memref<32x128xf32, #tpu.memory_space<hbm>>) target_semaphore(%run_scoped3A : memref<!tpu.dma_semaphore, #tpu.memory_space<semaphore_mem>>)
      %dma_wait3A_411 = arith.constant 0 : i32
      %dma_wait3A_412 = tpu.memref_slice %arg4[%dma_wait3A_411, %multiple_of3A_109] : memref<32x16384xf32, #tpu.memory_space<hbm>> -> memref<32x128xf32, #tpu.memory_space<hbm>>
      %dma_wait3A_413 = arith.constant 0 : i32
      %dma_wait3A_414 = tpu.memref_slice %arg4[%dma_wait3A_413, %multiple_of3A_109] : memref<32x16384xf32, #tpu.memory_space<hbm>> -> memref<32x128xf32, #tpu.memory_space<hbm>>
      tpu.wait_dma2 semaphore(%run_scoped3A : memref<!tpu.dma_semaphore, #tpu.memory_space<semaphore_mem>>) src(%arg14 : memref<32x128xf32, #tpu.memory_space<vmem>>) dst(%dma_wait3A_414 : memref<32x128xf32, #tpu.memory_space<hbm>>)
      tpu.yield
    }) : () -> ()
    %get3A_110 = arith.constant 128 : index
    %get3A_111 = tpu.vector_load %arg5[%get3A_110] {strides = array<i32>} : memref<544xi32, #tpu.memory_space<vmem>>, vector<16xi32>,
    %slice3A_112 = vector.extract_strided_slice %get3A_111 {offsets = [0], sizes = [1], strides = [1]} : vector<16xi32> to vector<1xi32>
    %squeeze3A_113 = vector.extract %slice3A_112[0] : i32 from vector<1xi32>
    %shift_right_logical3A_114 = arith.constant 7 : i32
    %shift_right_logical3A_115 = arith.shrui %squeeze3A_113, %shift_right_logical3A_114 : i32
    %mul3A_116 = arith.constant 128 : i32
    %mul3A_117 = arith.muli %shift_right_logical3A_115, %mul3A_116 : i32
    %multiple_of3A_118 = tpu.assume_multiple %mul3A_117, 128 : i32
    %dma_start3A_119 = arith.constant 0 : i32
    %dma_start3A_120 = tpu.memref_slice %arg3[%dma_start3A_119, %multiple_of3A_118] : memref<32x1000000xf32, #tpu.memory_space<hbm>> -> memref<32x128xf32, #tpu.memory_space<hbm>>
    %dma_start3A_121 = arith.constant 0 : i32
    %dma_start3A_122 = tpu.memref_slice %arg3[%dma_start3A_121, %multiple_of3A_118] : memref<32x1000000xf32, #tpu.memory_space<hbm>> -> memref<32x128xf32, #tpu.memory_space<hbm>>
    tpu.enqueue_dma source(%dma_start3A_122 : memref<32x128xf32, #tpu.memory_space<hbm>>) target(%arg6 : memref<32x128xf32, #tpu.memory_space<vmem>>) target_semaphore(%arg15 : memref<!tpu.dma_semaphore, #tpu.memory_space<semaphore_mem>>)
    %slice3A_123 = vector.extract_strided_slice %get3A_111 {offsets = [1], sizes = [1], strides = [1]} : vector<16xi32> to vector<1xi32>
    %squeeze3A_124 = vector.extract %slice3A_123[0] : i32 from vector<1xi32>
    %shift_right_logical3A_125 = arith.constant 7 : i32
    %shift_right_logical3A_126 = arith.shrui %squeeze3A_124, %shift_right_logical3A_125 : i32
    %mul3A_127 = arith.constant 128 : i32
    %mul3A_128 = arith.muli %shift_right_logical3A_126, %mul3A_127 : i32
    %multiple_of3A_129 = tpu.assume_multiple %mul3A_128, 128 : i32
    %dma_start3A_130 = arith.constant 0 : i32
    %dma_start3A_131 = tpu.memref_slice %arg3[%dma_start3A_130, %multiple_of3A_129] : memref<32x1000000xf32, #tpu.memory_space<hbm>> -> memref<32x128xf32, #tpu.memory_space<hbm>>
    %dma_start3A_132 = arith.constant 0 : i32
    %dma_start3A_133 = tpu.memref_slice %arg3[%dma_start3A_132, %multiple_of3A_129] : memref<32x1000000xf32, #tpu.memory_space<hbm>> -> memref<32x128xf32, #tpu.memory_space<hbm>>
    tpu.enqueue_dma source(%dma_start3A_133 : memref<32x128xf32, #tpu.memory_space<hbm>>) target(%arg7 : memref<32x128xf32, #tpu.memory_space<vmem>>) target_semaphore(%arg16 : memref<!tpu.dma_semaphore, #tpu.memory_space<semaphore_mem>>)
    %slice3A_134 = vector.extract_strided_slice %get3A_111 {offsets = [2], sizes = [1], strides = [1]} : vector<16xi32> to vector<1xi32>
    %squeeze3A_135 = vector.extract %slice3A_134[0] : i32 from vector<1xi32>
    %shift_right_logical3A_136 = arith.constant 7 : i32
    %shift_right_logical3A_137 = arith.shrui %squeeze3A_135, %shift_right_logical3A_136 : i32
    %mul3A_138 = arith.constant 128 : i32
    %mul3A_139 = arith.muli %shift_right_logical3A_137, %mul3A_138 : i32
    %multiple_of3A_140 = tpu.assume_multiple %mul3A_139, 128 : i32
    %dma_start3A_141 = arith.constant 0 : i32
    %dma_start3A_142 = tpu.memref_slice %arg3[%dma_start3A_141, %multiple_of3A_140] : memref<32x1000000xf32, #tpu.memory_space<hbm>> -> memref<32x128xf32, #tpu.memory_space<hbm>>
    %dma_start3A_143 = arith.constant 0 : i32
    %dma_start3A_144 = tpu.memref_slice %arg3[%dma_start3A_143, %multiple_of3A_140] : memref<32x1000000xf32, #tpu.memory_space<hbm>> -> memref<32x128xf32, #tpu.memory_space<hbm>>
    tpu.enqueue_dma source(%dma_start3A_144 : memref<32x128xf32, #tpu.memory_space<hbm>>) target(%arg8 : memref<32x128xf32, #tpu.memory_space<vmem>>) target_semaphore(%arg17 : memref<!tpu.dma_semaphore, #tpu.memory_space<semaphore_mem>>)
    %slice3A_145 = vector.extract_strided_slice %get3A_111 {offsets = [3], sizes = [1], strides = [1]} : vector<16xi32> to vector<1xi32>
    %squeeze3A_146 = vector.extract %slice3A_145[0] : i32 from vector<1xi32>
    %shift_right_logical3A_147 = arith.constant 7 : i32
    %shift_right_logical3A_148 = arith.shrui %squeeze3A_146, %shift_right_logical3A_147 : i32
    %mul3A_149 = arith.constant 128 : i32
    %mul3A_150 = arith.muli %shift_right_logical3A_148, %mul3A_149 : i32
    %multiple_of3A_151 = tpu.assume_multiple %mul3A_150, 128 : i32
    %dma_start3A_152 = arith.constant 0 : i32
    %dma_start3A_153 = tpu.memref_slice %arg3[%dma_start3A_152, %multiple_of3A_151] : memref<32x1000000xf32, #tpu.memory_space<hbm>> -> memref<32x128xf32, #tpu.memory_space<hbm>>
    %dma_start3A_154 = arith.constant 0 : i32
    %dma_start3A_155 = tpu.memref_slice %arg3[%dma_start3A_154, %multiple_of3A_151] : memref<32x1000000xf32, #tpu.memory_space<hbm>> -> memref<32x128xf32, #tpu.memory_space<hbm>>
    tpu.enqueue_dma source(%dma_start3A_155 : memref<32x128xf32, #tpu.memory_space<hbm>>) target(%arg9 : memref<32x128xf32, #tpu.memory_space<vmem>>) target_semaphore(%arg18 : memref<!tpu.dma_semaphore, #tpu.memory_space<semaphore_mem>>)
    %slice3A_156 = vector.extract_strided_slice %get3A_111 {offsets = [4], sizes = [1], strides = [1]} : vector<16xi32> to vector<1xi32>
    %squeeze3A_157 = vector.extract %slice3A_156[0] : i32 from vector<1xi32>
    %shift_right_logical3A_158 = arith.constant 7 : i32
    %shift_right_logical3A_159 = arith.shrui %squeeze3A_157, %shift_right_logical3A_158 : i32
    %mul3A_160 = arith.constant 128 : i32
    %mul3A_161 = arith.muli %shift_right_logical3A_159, %mul3A_160 : i32
    %multiple_of3A_162 = tpu.assume_multiple %mul3A_161, 128 : i32
    %dma_start3A_163 = arith.constant 0 : i32
    %dma_start3A_164 = tpu.memref_slice %arg3[%dma_start3A_163, %multiple_of3A_162] : memref<32x1000000xf32, #tpu.memory_space<hbm>> -> memref<32x128xf32, #tpu.memory_space<hbm>>
    %dma_start3A_165 = arith.constant 0 : i32
    %dma_start3A_166 = tpu.memref_slice %arg3[%dma_start3A_165, %multiple_of3A_162] : memref<32x1000000xf32, #tpu.memory_space<hbm>> -> memref<32x128xf32, #tpu.memory_space<hbm>>
    tpu.enqueue_dma source(%dma_start3A_166 : memref<32x128xf32, #tpu.memory_space<hbm>>) target(%arg10 : memref<32x128xf32, #tpu.memory_space<vmem>>) target_semaphore(%arg19 : memref<!tpu.dma_semaphore, #tpu.memory_space<semaphore_mem>>)
    %slice3A_167 = vector.extract_strided_slice %get3A_111 {offsets = [5], sizes = [1], strides = [1]} : vector<16xi32> to vector<1xi32>
    %squeeze3A_168 = vector.extract %slice3A_167[0] : i32 from vector<1xi32>
    %shift_right_logical3A_169 = arith.constant 7 : i32
    %shift_right_logical3A_170 = arith.shrui %squeeze3A_168, %shift_right_logical3A_169 : i32
    %mul3A_171 = arith.constant 128 : i32
    %mul3A_172 = arith.muli %shift_right_logical3A_170, %mul3A_171 : i32
    %multiple_of3A_173 = tpu.assume_multiple %mul3A_172, 128 : i32
    %dma_start3A_174 = arith.constant 0 : i32
    %dma_start3A_175 = tpu.memref_slice %arg3[%dma_start3A_174, %multiple_of3A_173] : memref<32x1000000xf32, #tpu.memory_space<hbm>> -> memref<32x128xf32, #tpu.memory_space<hbm>>
    %dma_start3A_176 = arith.constant 0 : i32
    %dma_start3A_177 = tpu.memref_slice %arg3[%dma_start3A_176, %multiple_of3A_173] : memref<32x1000000xf32, #tpu.memory_space<hbm>> -> memref<32x128xf32, #tpu.memory_space<hbm>>
    tpu.enqueue_dma source(%dma_start3A_177 : memref<32x128xf32, #tpu.memory_space<hbm>>) target(%arg11 : memref<32x128xf32, #tpu.memory_space<vmem>>) target_semaphore(%arg20 : memref<!tpu.dma_semaphore, #tpu.memory_space<semaphore_mem>>)
    %slice3A_178 = vector.extract_strided_slice %get3A_111 {offsets = [6], sizes = [1], strides = [1]} : vector<16xi32> to vector<1xi32>
    %squeeze3A_179 = vector.extract %slice3A_178[0] : i32 from vector<1xi32>
    %shift_right_logical3A_180 = arith.constant 7 : i32
    %shift_right_logical3A_181 = arith.shrui %squeeze3A_179, %shift_right_logical3A_180 : i32
    %mul3A_182 = arith.constant 128 : i32
    %mul3A_183 = arith.muli %shift_right_logical3A_181, %mul3A_182 : i32
    %multiple_of3A_184 = tpu.assume_multiple %mul3A_183, 128 : i32
    %dma_start3A_185 = arith.constant 0 : i32
    %dma_start3A_186 = tpu.memref_slice %arg3[%dma_start3A_185, %multiple_of3A_184] : memref<32x1000000xf32, #tpu.memory_space<hbm>> -> memref<32x128xf32, #tpu.memory_space<hbm>>
    %dma_start3A_187 = arith.constant 0 : i32
    %dma_start3A_188 = tpu.memref_slice %arg3[%dma_start3A_187, %multiple_of3A_184] : memref<32x1000000xf32, #tpu.memory_space<hbm>> -> memref<32x128xf32, #tpu.memory_space<hbm>>
    tpu.enqueue_dma source(%dma_start3A_188 : memref<32x128xf32, #tpu.memory_space<hbm>>) target(%arg12 : memref<32x128xf32, #tpu.memory_space<vmem>>) target_semaphore(%arg21 : memref<!tpu.dma_semaphore, #tpu.memory_space<semaphore_mem>>)
    %slice3A_189 = vector.extract_strided_slice %get3A_111 {offsets = [7], sizes = [1], strides = [1]} : vector<16xi32> to vector<1xi32>
    %squeeze3A_190 = vector.extract %slice3A_189[0] : i32 from vector<1xi32>
    %shift_right_logical3A_191 = arith.constant 7 : i32
    %shift_right_logical3A_192 = arith.shrui %squeeze3A_190, %shift_right_logical3A_191 : i32
    %mul3A_193 = arith.constant 128 : i32
    %mul3A_194 = arith.muli %shift_right_logical3A_192, %mul3A_193 : i32
    %multiple_of3A_195 = tpu.assume_multiple %mul3A_194, 128 : i32
    %dma_start3A_196 = arith.constant 0 : i32
    %dma_start3A_197 = tpu.memref_slice %arg3[%dma_start3A_196, %multiple_of3A_195] : memref<32x1000000xf32, #tpu.memory_space<hbm>> -> memref<32x128xf32, #tpu.memory_space<hbm>>
    %dma_start3A_198 = arith.constant 0 : i32
    %dma_start3A_199 = tpu.memref_slice %arg3[%dma_start3A_198, %multiple_of3A_195] : memref<32x1000000xf32, #tpu.memory_space<hbm>> -> memref<32x128xf32, #tpu.memory_space<hbm>>
    tpu.enqueue_dma source(%dma_start3A_199 : memref<32x128xf32, #tpu.memory_space<hbm>>) target(%arg13 : memref<32x128xf32, #tpu.memory_space<vmem>>) target_semaphore(%arg22 : memref<!tpu.dma_semaphore, #tpu.memory_space<semaphore_mem>>)
    %scan3A_200 = arith.constant 0 : i32
    %scan3A_201 = arith.constant 0 : i32
    %scan3A_202 = arith.constant 8 : i32
    %scan3A_203 = arith.addi %scan3A_201, %scan3A_202 : i32
    %scan3A_204 = arith.constant 1 : i32
    scf.for %scan3A_407 = %scan3A_201 to %scan3A_203 step %scan3A_204  : i32 {
      %mul3A_408 = arith.constant 16 : i32
      %mul3A_409 = arith.muli %scan3A_407, %mul3A_408 : i32
      %add3A_410 = arith.constant 128 : i32
      %add3A_411 = arith.addi %add3A_410, %mul3A_409 : i32
      %get3A_412 = arith.index_cast %add3A_411 : i32 to index
      %get3A_413 = tpu.vector_load %arg5[%get3A_412] {strides = array<i32>} : memref<544xi32, #tpu.memory_space<vmem>>, vector<16xi32>,
      %mul3A_414 = arith.constant 16 : i32
      %mul3A_415 = arith.muli %scan3A_407, %mul3A_414 : i32
      %add3A_416 = arith.constant 128 : i32
      %add3A_417 = arith.addi %add3A_416, %mul3A_415 : i32
      %add3A_418 = arith.constant 16 : i32
      %add3A_419 = arith.addi %add3A_417, %add3A_418 : i32
      %get3A_420 = arith.index_cast %add3A_419 : i32 to index
      %get3A_421 = tpu.vector_load %arg5[%get3A_420] {strides = array<i32>} : memref<544xi32, #tpu.memory_space<vmem>>, vector<16xi32>,
      %mul3A_422 = arith.constant 16 : i32
      %mul3A_423 = arith.muli %scan3A_407, %mul3A_422 : i32
      %add3A_424 = arith.constant 0 : i32
      %add3A_425 = arith.addi %mul3A_423, %add3A_424 : i32
      %dma_wait3A_426 = arith.constant 0 : i32
      %dma_wait3A_427 = arith.constant 0 : i32
      %dma_wait3A_428 = tpu.memref_slice %arg3[%dma_wait3A_426, %dma_wait3A_427] : memref<32x1000000xf32, #tpu.memory_space<hbm>> -> memref<32x128xf32, #tpu.memory_space<hbm>>
      %dma_wait3A_429 = arith.constant 0 : i32
      %dma_wait3A_430 = arith.constant 0 : i32
      %dma_wait3A_431 = tpu.memref_slice %arg3[%dma_wait3A_429, %dma_wait3A_430] : memref<32x1000000xf32, #tpu.memory_space<hbm>> -> memref<32x128xf32, #tpu.memory_space<hbm>>
      tpu.wait_dma2 semaphore(%arg15 : memref<!tpu.dma_semaphore, #tpu.memory_space<semaphore_mem>>) src(%dma_wait3A_431 : memref<32x128xf32, #tpu.memory_space<hbm>>) dst(%arg6 : memref<32x128xf32, #tpu.memory_space<vmem>>)
      %slice3A_432 = vector.extract_strided_slice %get3A_413 {offsets = [0], sizes = [1], strides = [1]} : vector<16xi32> to vector<1xi32>
      %squeeze3A_433 = vector.extract %slice3A_432[0] : i32 from vector<1xi32>
      %and3A = arith.constant 127 : i32
      %and3A_434 = arith.andi %squeeze3A_433, %and3A : i32
      %broadcast_in_dim3A_435 = vector.broadcast %and3A_434 : i32 to vector<16xi32>
      %broadcast_in_dim3A_436 = vector.broadcast %add3A_425 : i32 to vector<16xi32>
      %gather3A = tpu.vector_load_idx %arg6[%iota3A, %broadcast_in_dim3A_435] : memref<32x128xf32, #tpu.memory_space<vmem>>[vector<16xi32>, vector<16xi32>], vector<16xf32>,
      %add3A_437 = arith.constant 16 : i32
      %add3A_438 = vector.broadcast %add3A_437 : i32 to vector<16xi32>
      %add3A_439 = arith.addi %iota3A, %add3A_438 : vector<16xi32>
      %gather3A_440 = tpu.vector_load_idx %arg6[%add3A_439, %broadcast_in_dim3A_435] : memref<32x128xf32, #tpu.memory_space<vmem>>[vector<16xi32>, vector<16xi32>], vector<16xf32>,
      tpu.vector_store_idx %arg14[%iota3A, %broadcast_in_dim3A_436], %gather3A : memref<32x128xf32, #tpu.memory_space<vmem>>[vector<16xi32>, vector<16xi32>], vector<16xf32>,
      %add3A_441 = arith.constant 16 : i32
      %add3A_442 = vector.broadcast %add3A_441 : i32 to vector<16xi32>
      %add3A_443 = arith.addi %iota3A, %add3A_442 : vector<16xi32>
      tpu.vector_store_idx %arg14[%add3A_443, %broadcast_in_dim3A_436], %gather3A_440 : memref<32x128xf32, #tpu.memory_space<vmem>>[vector<16xi32>, vector<16xi32>], vector<16xf32>,
      %slice3A_444 = vector.extract_strided_slice %get3A_413 {offsets = [8], sizes = [1], strides = [1]} : vector<16xi32> to vector<1xi32>
      %squeeze3A_445 = vector.extract %slice3A_444[0] : i32 from vector<1xi32>
      %shift_right_logical3A_446 = arith.constant 7 : i32
      %shift_right_logical3A_447 = arith.shrui %squeeze3A_445, %shift_right_logical3A_446 : i32
      %mul3A_448 = arith.constant 128 : i32
      %mul3A_449 = arith.muli %shift_right_logical3A_447, %mul3A_448 : i32
      %multiple_of3A_450 = tpu.assume_multiple %mul3A_449, 128 : i32
      %dma_start3A_451 = arith.constant 0 : i32
      %dma_start3A_452 = tpu.memref_slice %arg3[%dma_start3A_451, %multiple_of3A_450] : memref<32x1000000xf32, #tpu.memory_space<hbm>> -> memref<32x128xf32, #tpu.memory_space<hbm>>
      %dma_start3A_453 = arith.constant 0 : i32
      %dma_start3A_454 = tpu.memref_slice %arg3[%dma_start3A_453, %multiple_of3A_450] : memref<32x1000000xf32, #tpu.memory_space<hbm>> -> memref<32x128xf32, #tpu.memory_space<hbm>>
      tpu.enqueue_dma source(%dma_start3A_454 : memref<32x128xf32, #tpu.memory_space<hbm>>) target(%arg6 : memref<32x128xf32, #tpu.memory_space<vmem>>) target_semaphore(%arg15 : memref<!tpu.dma_semaphore, #tpu.memory_space<semaphore_mem>>)
      %mul3A_455 = arith.constant 16 : i32
      %mul3A_456 = arith.muli %scan3A_407, %mul3A_455 : i32
      %add3A_457 = arith.constant 1 : i32
      %add3A_458 = arith.addi %mul3A_456, %add3A_457 : i32
      %dma_wait3A_459 = arith.constant 0 : i32
      %dma_wait3A_460 = arith.constant 0 : i32
      %dma_wait3A_461 = tpu.memref_slice %arg3[%dma_wait3A_459, %dma_wait3A_460] : memref<32x1000000xf32, #tpu.memory_space<hbm>> -> memref<32x128xf32, #tpu.memory_space<hbm>>
      %dma_wait3A_462 = arith.constant 0 : i32
      %dma_wait3A_463 = arith.constant 0 : i32
      %dma_wait3A_464 = tpu.memref_slice %arg3[%dma_wait3A_462, %dma_wait3A_463] : memref<32x1000000xf32, #tpu.memory_space<hbm>> -> memref<32x128xf32, #tpu.memory_space<hbm>>
      tpu.wait_dma2 semaphore(%arg16 : memref<!tpu.dma_semaphore, #tpu.memory_space<semaphore_mem>>) src(%dma_wait3A_464 : memref<32x128xf32, #tpu.memory_space<hbm>>) dst(%arg7 : memref<32x128xf32, #tpu.memory_space<vmem>>)
      %slice3A_465 = vector.extract_strided_slice %get3A_413 {offsets = [1], sizes = [1], strides = [1]} : vector<16xi32> to vector<1xi32>
      %squeeze3A_466 = vector.extract %slice3A_465[0] : i32 from vector<1xi32>
      %and3A_467 = arith.constant 127 : i32
      %and3A_468 = arith.andi %squeeze3A_466, %and3A_467 : i32
      %broadcast_in_dim3A_469 = vector.broadcast %and3A_468 : i32 to vector<16xi32>
      %broadcast_in_dim3A_470 = vector.broadcast %add3A_458 : i32 to vector<16xi32>
      %gather3A_471 = tpu.vector_load_idx %arg7[%iota3A, %broadcast_in_dim3A_469] : memref<32x128xf32, #tpu.memory_space<vmem>>[vector<16xi32>, vector<16xi32>], vector<16xf32>,
      %add3A_472 = arith.constant 16 : i32
      %add3A_473 = vector.broadcast %add3A_472 : i32 to vector<16xi32>
      %add3A_474 = arith.addi %iota3A, %add3A_473 : vector<16xi32>
      %gather3A_475 = tpu.vector_load_idx %arg7[%add3A_474, %broadcast_in_dim3A_469] : memref<32x128xf32, #tpu.memory_space<vmem>>[vector<16xi32>, vector<16xi32>], vector<16xf32>,
      tpu.vector_store_idx %arg14[%iota3A, %broadcast_in_dim3A_470], %gather3A_471 : memref<32x128xf32, #tpu.memory_space<vmem>>[vector<16xi32>, vector<16xi32>], vector<16xf32>,
      %add3A_476 = arith.constant 16 : i32
      %add3A_477 = vector.broadcast %add3A_476 : i32 to vector<16xi32>
      %add3A_478 = arith.addi %iota3A, %add3A_477 : vector<16xi32>
      tpu.vector_store_idx %arg14[%add3A_478, %broadcast_in_dim3A_470], %gather3A_475 : memref<32x128xf32, #tpu.memory_space<vmem>>[vector<16xi32>, vector<16xi32>], vector<16xf32>,
      %slice3A_479 = vector.extract_strided_slice %get3A_413 {offsets = [9], sizes = [1], strides = [1]} : vector<16xi32> to vector<1xi32>
      %squeeze3A_480 = vector.extract %slice3A_479[0] : i32 from vector<1xi32>
      %shift_right_logical3A_481 = arith.constant 7 : i32
      %shift_right_logical3A_482 = arith.shrui %squeeze3A_480, %shift_right_logical3A_481 : i32
      %mul3A_483 = arith.constant 128 : i32
      %mul3A_484 = arith.muli %shift_right_logical3A_482, %mul3A_483 : i32
      %multiple_of3A_485 = tpu.assume_multiple %mul3A_484, 128 : i32
      %dma_start3A_486 = arith.constant 0 : i32
      %dma_start3A_487 = tpu.memref_slice %arg3[%dma_start3A_486, %multiple_of3A_485] : memref<32x1000000xf32, #tpu.memory_space<hbm>> -> memref<32x128xf32, #tpu.memory_space<hbm>>
      %dma_start3A_488 = arith.constant 0 : i32
      %dma_start3A_489 = tpu.memref_slice %arg3[%dma_start3A_488, %multiple_of3A_485] : memref<32x1000000xf32, #tpu.memory_space<hbm>> -> memref<32x128xf32, #tpu.memory_space<hbm>>
      tpu.enqueue_dma source(%dma_start3A_489 : memref<32x128xf32, #tpu.memory_space<hbm>>) target(%arg7 : memref<32x128xf32, #tpu.memory_space<vmem>>) target_semaphore(%arg16 : memref<!tpu.dma_semaphore, #tpu.memory_space<semaphore_mem>>)
      %mul3A_490 = arith.constant 16 : i32
      %mul3A_491 = arith.muli %scan3A_407, %mul3A_490 : i32
      %add3A_492 = arith.constant 2 : i32
      %add3A_493 = arith.addi %mul3A_491, %add3A_492 : i32
      %dma_wait3A_494 = arith.constant 0 : i32
      %dma_wait3A_495 = arith.constant 0 : i32
      %dma_wait3A_496 = tpu.memref_slice %arg3[%dma_wait3A_494, %dma_wait3A_495] : memref<32x1000000xf32, #tpu.memory_space<hbm>> -> memref<32x128xf32, #tpu.memory_space<hbm>>
      %dma_wait3A_497 = arith.constant 0 : i32
      %dma_wait3A_498 = arith.constant 0 : i32
      %dma_wait3A_499 = tpu.memref_slice %arg3[%dma_wait3A_497, %dma_wait3A_498] : memref<32x1000000xf32, #tpu.memory_space<hbm>> -> memref<32x128xf32, #tpu.memory_space<hbm>>
      tpu.wait_dma2 semaphore(%arg17 : memref<!tpu.dma_semaphore, #tpu.memory_space<semaphore_mem>>) src(%dma_wait3A_499 : memref<32x128xf32, #tpu.memory_space<hbm>>) dst(%arg8 : memref<32x128xf32, #tpu.memory_space<vmem>>)
      %slice3A_500 = vector.extract_strided_slice %get3A_413 {offsets = [2], sizes = [1], strides = [1]} : vector<16xi32> to vector<1xi32>
      %squeeze3A_501 = vector.extract %slice3A_500[0] : i32 from vector<1xi32>
      %and3A_502 = arith.constant 127 : i32
      %and3A_503 = arith.andi %squeeze3A_501, %and3A_502 : i32
      %broadcast_in_dim3A_504 = vector.broadcast %and3A_503 : i32 to vector<16xi32>
      %broadcast_in_dim3A_505 = vector.broadcast %add3A_493 : i32 to vector<16xi32>
      %gather3A_506 = tpu.vector_load_idx %arg8[%iota3A, %broadcast_in_dim3A_504] : memref<32x128xf32, #tpu.memory_space<vmem>>[vector<16xi32>, vector<16xi32>], vector<16xf32>,
      %add3A_507 = arith.constant 16 : i32
      %add3A_508 = vector.broadcast %add3A_507 : i32 to vector<16xi32>
      %add3A_509 = arith.addi %iota3A, %add3A_508 : vector<16xi32>
      %gather3A_510 = tpu.vector_load_idx %arg8[%add3A_509, %broadcast_in_dim3A_504] : memref<32x128xf32, #tpu.memory_space<vmem>>[vector<16xi32>, vector<16xi32>], vector<16xf32>,
      tpu.vector_store_idx %arg14[%iota3A, %broadcast_in_dim3A_505], %gather3A_506 : memref<32x128xf32, #tpu.memory_space<vmem>>[vector<16xi32>, vector<16xi32>], vector<16xf32>,
      %add3A_511 = arith.constant 16 : i32
      %add3A_512 = vector.broadcast %add3A_511 : i32 to vector<16xi32>
      %add3A_513 = arith.addi %iota3A, %add3A_512 : vector<16xi32>
      tpu.vector_store_idx %arg14[%add3A_513, %broadcast_in_dim3A_505], %gather3A_510 : memref<32x128xf32, #tpu.memory_space<vmem>>[vector<16xi32>, vector<16xi32>], vector<16xf32>,
      %slice3A_514 = vector.extract_strided_slice %get3A_413 {offsets = [10], sizes = [1], strides = [1]} : vector<16xi32> to vector<1xi32>
      %squeeze3A_515 = vector.extract %slice3A_514[0] : i32 from vector<1xi32>
      %shift_right_logical3A_516 = arith.constant 7 : i32
      %shift_right_logical3A_517 = arith.shrui %squeeze3A_515, %shift_right_logical3A_516 : i32
      %mul3A_518 = arith.constant 128 : i32
      %mul3A_519 = arith.muli %shift_right_logical3A_517, %mul3A_518 : i32
      %multiple_of3A_520 = tpu.assume_multiple %mul3A_519, 128 : i32
      %dma_start3A_521 = arith.constant 0 : i32
      %dma_start3A_522 = tpu.memref_slice %arg3[%dma_start3A_521, %multiple_of3A_520] : memref<32x1000000xf32, #tpu.memory_space<hbm>> -> memref<32x128xf32, #tpu.memory_space<hbm>>
      %dma_start3A_523 = arith.constant 0 : i32
      %dma_start3A_524 = tpu.memref_slice %arg3[%dma_start3A_523, %multiple_of3A_520] : memref<32x1000000xf32, #tpu.memory_space<hbm>> -> memref<32x128xf32, #tpu.memory_space<hbm>>
      tpu.enqueue_dma source(%dma_start3A_524 : memref<32x128xf32, #tpu.memory_space<hbm>>) target(%arg8 : memref<32x128xf32, #tpu.memory_space<vmem>>) target_semaphore(%arg17 : memref<!tpu.dma_semaphore, #tpu.memory_space<semaphore_mem>>)
      %mul3A_525 = arith.constant 16 : i32
      %mul3A_526 = arith.muli %scan3A_407, %mul3A_525 : i32
      %add3A_527 = arith.constant 3 : i32
      %add3A_528 = arith.addi %mul3A_526, %add3A_527 : i32
      %dma_wait3A_529 = arith.constant 0 : i32
      %dma_wait3A_530 = arith.constant 0 : i32
      %dma_wait3A_531 = tpu.memref_slice %arg3[%dma_wait3A_529, %dma_wait3A_530] : memref<32x1000000xf32, #tpu.memory_space<hbm>> -> memref<32x128xf32, #tpu.memory_space<hbm>>
      %dma_wait3A_532 = arith.constant 0 : i32
      %dma_wait3A_533 = arith.constant 0 : i32
      %dma_wait3A_534 = tpu.memref_slice %arg3[%dma_wait3A_532, %dma_wait3A_533] : memref<32x1000000xf32, #tpu.memory_space<hbm>> -> memref<32x128xf32, #tpu.memory_space<hbm>>
      tpu.wait_dma2 semaphore(%arg18 : memref<!tpu.dma_semaphore, #tpu.memory_space<semaphore_mem>>) src(%dma_wait3A_534 : memref<32x128xf32, #tpu.memory_space<hbm>>) dst(%arg9 : memref<32x128xf32, #tpu.memory_space<vmem>>)
      %slice3A_535 = vector.extract_strided_slice %get3A_413 {offsets = [3], sizes = [1], strides = [1]} : vector<16xi32> to vector<1xi32>
      %squeeze3A_536 = vector.extract %slice3A_535[0] : i32 from vector<1xi32>
      %and3A_537 = arith.constant 127 : i32
      %and3A_538 = arith.andi %squeeze3A_536, %and3A_537 : i32
      %broadcast_in_dim3A_539 = vector.broadcast %and3A_538 : i32 to vector<16xi32>
      %broadcast_in_dim3A_540 = vector.broadcast %add3A_528 : i32 to vector<16xi32>
      %gather3A_541 = tpu.vector_load_idx %arg9[%iota3A, %broadcast_in_dim3A_539] : memref<32x128xf32, #tpu.memory_space<vmem>>[vector<16xi32>, vector<16xi32>], vector<16xf32>,
      %add3A_542 = arith.constant 16 : i32
      %add3A_543 = vector.broadcast %add3A_542 : i32 to vector<16xi32>
      %add3A_544 = arith.addi %iota3A, %add3A_543 : vector<16xi32>
      %gather3A_545 = tpu.vector_load_idx %arg9[%add3A_544, %broadcast_in_dim3A_539] : memref<32x128xf32, #tpu.memory_space<vmem>>[vector<16xi32>, vector<16xi32>], vector<16xf32>,
      tpu.vector_store_idx %arg14[%iota3A, %broadcast_in_dim3A_540], %gather3A_541 : memref<32x128xf32, #tpu.memory_space<vmem>>[vector<16xi32>, vector<16xi32>], vector<16xf32>,
      %add3A_546 = arith.constant 16 : i32
      %add3A_547 = vector.broadcast %add3A_546 : i32 to vector<16xi32>
      %add3A_548 = arith.addi %iota3A, %add3A_547 : vector<16xi32>
      tpu.vector_store_idx %arg14[%add3A_548, %broadcast_in_dim3A_540], %gather3A_545 : memref<32x128xf32, #tpu.memory_space<vmem>>[vector<16xi32>, vector<16xi32>], vector<16xf32>,
      %slice3A_549 = vector.extract_strided_slice %get3A_413 {offsets = [11], sizes = [1], strides = [1]} : vector<16xi32> to vector<1xi32>
      %squeeze3A_550 = vector.extract %slice3A_549[0] : i32 from vector<1xi32>
      %shift_right_logical3A_551 = arith.constant 7 : i32
      %shift_right_logical3A_552 = arith.shrui %squeeze3A_550, %shift_right_logical3A_551 : i32
      %mul3A_553 = arith.constant 128 : i32
      %mul3A_554 = arith.muli %shift_right_logical3A_552, %mul3A_553 : i32
      %multiple_of3A_555 = tpu.assume_multiple %mul3A_554, 128 : i32
      %dma_start3A_556 = arith.constant 0 : i32
      %dma_start3A_557 = tpu.memref_slice %arg3[%dma_start3A_556, %multiple_of3A_555] : memref<32x1000000xf32, #tpu.memory_space<hbm>> -> memref<32x128xf32, #tpu.memory_space<hbm>>
      %dma_start3A_558 = arith.constant 0 : i32
      %dma_start3A_559 = tpu.memref_slice %arg3[%dma_start3A_558, %multiple_of3A_555] : memref<32x1000000xf32, #tpu.memory_space<hbm>> -> memref<32x128xf32, #tpu.memory_space<hbm>>
      tpu.enqueue_dma source(%dma_start3A_559 : memref<32x128xf32, #tpu.memory_space<hbm>>) target(%arg9 : memref<32x128xf32, #tpu.memory_space<vmem>>) target_semaphore(%arg18 : memref<!tpu.dma_semaphore, #tpu.memory_space<semaphore_mem>>)
      %mul3A_560 = arith.constant 16 : i32
      %mul3A_561 = arith.muli %scan3A_407, %mul3A_560 : i32
      %add3A_562 = arith.constant 4 : i32
      %add3A_563 = arith.addi %mul3A_561, %add3A_562 : i32
      %dma_wait3A_564 = arith.constant 0 : i32
      %dma_wait3A_565 = arith.constant 0 : i32
      %dma_wait3A_566 = tpu.memref_slice %arg3[%dma_wait3A_564, %dma_wait3A_565] : memref<32x1000000xf32, #tpu.memory_space<hbm>> -> memref<32x128xf32, #tpu.memory_space<hbm>>
      %dma_wait3A_567 = arith.constant 0 : i32
      %dma_wait3A_568 = arith.constant 0 : i32
      %dma_wait3A_569 = tpu.memref_slice %arg3[%dma_wait3A_567, %dma_wait3A_568] : memref<32x1000000xf32, #tpu.memory_space<hbm>> -> memref<32x128xf32, #tpu.memory_space<hbm>>
      tpu.wait_dma2 semaphore(%arg19 : memref<!tpu.dma_semaphore, #tpu.memory_space<semaphore_mem>>) src(%dma_wait3A_569 : memref<32x128xf32, #tpu.memory_space<hbm>>) dst(%arg10 : memref<32x128xf32, #tpu.memory_space<vmem>>)
      %slice3A_570 = vector.extract_strided_slice %get3A_413 {offsets = [4], sizes = [1], strides = [1]} : vector<16xi32> to vector<1xi32>
      %squeeze3A_571 = vector.extract %slice3A_570[0] : i32 from vector<1xi32>
      %and3A_572 = arith.constant 127 : i32
      %and3A_573 = arith.andi %squeeze3A_571, %and3A_572 : i32
      %broadcast_in_dim3A_574 = vector.broadcast %and3A_573 : i32 to vector<16xi32>
      %broadcast_in_dim3A_575 = vector.broadcast %add3A_563 : i32 to vector<16xi32>
      %gather3A_576 = tpu.vector_load_idx %arg10[%iota3A, %broadcast_in_dim3A_574] : memref<32x128xf32, #tpu.memory_space<vmem>>[vector<16xi32>, vector<16xi32>], vector<16xf32>,
      %add3A_577 = arith.constant 16 : i32
      %add3A_578 = vector.broadcast %add3A_577 : i32 to vector<16xi32>
      %add3A_579 = arith.addi %iota3A, %add3A_578 : vector<16xi32>
      %gather3A_580 = tpu.vector_load_idx %arg10[%add3A_579, %broadcast_in_dim3A_574] : memref<32x128xf32, #tpu.memory_space<vmem>>[vector<16xi32>, vector<16xi32>], vector<16xf32>,
      tpu.vector_store_idx %arg14[%iota3A, %broadcast_in_dim3A_575], %gather3A_576 : memref<32x128xf32, #tpu.memory_space<vmem>>[vector<16xi32>, vector<16xi32>], vector<16xf32>,
      %add3A_581 = arith.constant 16 : i32
      %add3A_582 = vector.broadcast %add3A_581 : i32 to vector<16xi32>
      %add3A_583 = arith.addi %iota3A, %add3A_582 : vector<16xi32>
      tpu.vector_store_idx %arg14[%add3A_583, %broadcast_in_dim3A_575], %gather3A_580 : memref<32x128xf32, #tpu.memory_space<vmem>>[vector<16xi32>, vector<16xi32>], vector<16xf32>,
      %slice3A_584 = vector.extract_strided_slice %get3A_413 {offsets = [12], sizes = [1], strides = [1]} : vector<16xi32> to vector<1xi32>
      %squeeze3A_585 = vector.extract %slice3A_584[0] : i32 from vector<1xi32>
      %shift_right_logical3A_586 = arith.constant 7 : i32
      %shift_right_logical3A_587 = arith.shrui %squeeze3A_585, %shift_right_logical3A_586 : i32
      %mul3A_588 = arith.constant 128 : i32
      %mul3A_589 = arith.muli %shift_right_logical3A_587, %mul3A_588 : i32
      %multiple_of3A_590 = tpu.assume_multiple %mul3A_589, 128 : i32
      %dma_start3A_591 = arith.constant 0 : i32
      %dma_start3A_592 = tpu.memref_slice %arg3[%dma_start3A_591, %multiple_of3A_590] : memref<32x1000000xf32, #tpu.memory_space<hbm>> -> memref<32x128xf32, #tpu.memory_space<hbm>>
      %dma_start3A_593 = arith.constant 0 : i32
      %dma_start3A_594 = tpu.memref_slice %arg3[%dma_start3A_593, %multiple_of3A_590] : memref<32x1000000xf32, #tpu.memory_space<hbm>> -> memref<32x128xf32, #tpu.memory_space<hbm>>
      tpu.enqueue_dma source(%dma_start3A_594 : memref<32x128xf32, #tpu.memory_space<hbm>>) target(%arg10 : memref<32x128xf32, #tpu.memory_space<vmem>>) target_semaphore(%arg19 : memref<!tpu.dma_semaphore, #tpu.memory_space<semaphore_mem>>)
      %mul3A_595 = arith.constant 16 : i32
      %mul3A_596 = arith.muli %scan3A_407, %mul3A_595 : i32
      %add3A_597 = arith.constant 5 : i32
      %add3A_598 = arith.addi %mul3A_596, %add3A_597 : i32
      %dma_wait3A_599 = arith.constant 0 : i32
      %dma_wait3A_600 = arith.constant 0 : i32
      %dma_wait3A_601 = tpu.memref_slice %arg3[%dma_wait3A_599, %dma_wait3A_600] : memref<32x1000000xf32, #tpu.memory_space<hbm>> -> memref<32x128xf32, #tpu.memory_space<hbm>>
      %dma_wait3A_602 = arith.constant 0 : i32
      %dma_wait3A_603 = arith.constant 0 : i32
      %dma_wait3A_604 = tpu.memref_slice %arg3[%dma_wait3A_602, %dma_wait3A_603] : memref<32x1000000xf32, #tpu.memory_space<hbm>> -> memref<32x128xf32, #tpu.memory_space<hbm>>
      tpu.wait_dma2 semaphore(%arg20 : memref<!tpu.dma_semaphore, #tpu.memory_space<semaphore_mem>>) src(%dma_wait3A_604 : memref<32x128xf32, #tpu.memory_space<hbm>>) dst(%arg11 : memref<32x128xf32, #tpu.memory_space<vmem>>)
      %slice3A_605 = vector.extract_strided_slice %get3A_413 {offsets = [5], sizes = [1], strides = [1]} : vector<16xi32> to vector<1xi32>
      %squeeze3A_606 = vector.extract %slice3A_605[0] : i32 from vector<1xi32>
      %and3A_607 = arith.constant 127 : i32
      %and3A_608 = arith.andi %squeeze3A_606, %and3A_607 : i32
      %broadcast_in_dim3A_609 = vector.broadcast %and3A_608 : i32 to vector<16xi32>
      %broadcast_in_dim3A_610 = vector.broadcast %add3A_598 : i32 to vector<16xi32>
      %gather3A_611 = tpu.vector_load_idx %arg11[%iota3A, %broadcast_in_dim3A_609] : memref<32x128xf32, #tpu.memory_space<vmem>>[vector<16xi32>, vector<16xi32>], vector<16xf32>,
      %add3A_612 = arith.constant 16 : i32
      %add3A_613 = vector.broadcast %add3A_612 : i32 to vector<16xi32>
      %add3A_614 = arith.addi %iota3A, %add3A_613 : vector<16xi32>
      %gather3A_615 = tpu.vector_load_idx %arg11[%add3A_614, %broadcast_in_dim3A_609] : memref<32x128xf32, #tpu.memory_space<vmem>>[vector<16xi32>, vector<16xi32>], vector<16xf32>,
      tpu.vector_store_idx %arg14[%iota3A, %broadcast_in_dim3A_610], %gather3A_611 : memref<32x128xf32, #tpu.memory_space<vmem>>[vector<16xi32>, vector<16xi32>], vector<16xf32>,
      %add3A_616 = arith.constant 16 : i32
      %add3A_617 = vector.broadcast %add3A_616 : i32 to vector<16xi32>
      %add3A_618 = arith.addi %iota3A, %add3A_617 : vector<16xi32>
      tpu.vector_store_idx %arg14[%add3A_618, %broadcast_in_dim3A_610], %gather3A_615 : memref<32x128xf32, #tpu.memory_space<vmem>>[vector<16xi32>, vector<16xi32>], vector<16xf32>,
      %slice3A_619 = vector.extract_strided_slice %get3A_413 {offsets = [13], sizes = [1], strides = [1]} : vector<16xi32> to vector<1xi32>
      %squeeze3A_620 = vector.extract %slice3A_619[0] : i32 from vector<1xi32>
      %shift_right_logical3A_621 = arith.constant 7 : i32
      %shift_right_logical3A_622 = arith.shrui %squeeze3A_620, %shift_right_logical3A_621 : i32
      %mul3A_623 = arith.constant 128 : i32
      %mul3A_624 = arith.muli %shift_right_logical3A_622, %mul3A_623 : i32
      %multiple_of3A_625 = tpu.assume_multiple %mul3A_624, 128 : i32
      %dma_start3A_626 = arith.constant 0 : i32
      %dma_start3A_627 = tpu.memref_slice %arg3[%dma_start3A_626, %multiple_of3A_625] : memref<32x1000000xf32, #tpu.memory_space<hbm>> -> memref<32x128xf32, #tpu.memory_space<hbm>>
      %dma_start3A_628 = arith.constant 0 : i32
      %dma_start3A_629 = tpu.memref_slice %arg3[%dma_start3A_628, %multiple_of3A_625] : memref<32x1000000xf32, #tpu.memory_space<hbm>> -> memref<32x128xf32, #tpu.memory_space<hbm>>
      tpu.enqueue_dma source(%dma_start3A_629 : memref<32x128xf32, #tpu.memory_space<hbm>>) target(%arg11 : memref<32x128xf32, #tpu.memory_space<vmem>>) target_semaphore(%arg20 : memref<!tpu.dma_semaphore, #tpu.memory_space<semaphore_mem>>)
      %mul3A_630 = arith.constant 16 : i32
      %mul3A_631 = arith.muli %scan3A_407, %mul3A_630 : i32
      %add3A_632 = arith.constant 6 : i32
      %add3A_633 = arith.addi %mul3A_631, %add3A_632 : i32
      %dma_wait3A_634 = arith.constant 0 : i32
      %dma_wait3A_635 = arith.constant 0 : i32
      %dma_wait3A_636 = tpu.memref_slice %arg3[%dma_wait3A_634, %dma_wait3A_635] : memref<32x1000000xf32, #tpu.memory_space<hbm>> -> memref<32x128xf32, #tpu.memory_space<hbm>>
      %dma_wait3A_637 = arith.constant 0 : i32
      %dma_wait3A_638 = arith.constant 0 : i32
      %dma_wait3A_639 = tpu.memref_slice %arg3[%dma_wait3A_637, %dma_wait3A_638] : memref<32x1000000xf32, #tpu.memory_space<hbm>> -> memref<32x128xf32, #tpu.memory_space<hbm>>
      tpu.wait_dma2 semaphore(%arg21 : memref<!tpu.dma_semaphore, #tpu.memory_space<semaphore_mem>>) src(%dma_wait3A_639 : memref<32x128xf32, #tpu.memory_space<hbm>>) dst(%arg12 : memref<32x128xf32, #tpu.memory_space<vmem>>)
      %slice3A_640 = vector.extract_strided_slice %get3A_413 {offsets = [6], sizes = [1], strides = [1]} : vector<16xi32> to vector<1xi32>
      %squeeze3A_641 = vector.extract %slice3A_640[0] : i32 from vector<1xi32>
      %and3A_642 = arith.constant 127 : i32
      %and3A_643 = arith.andi %squeeze3A_641, %and3A_642 : i32
      %broadcast_in_dim3A_644 = vector.broadcast %and3A_643 : i32 to vector<16xi32>
      %broadcast_in_dim3A_645 = vector.broadcast %add3A_633 : i32 to vector<16xi32>
      %gather3A_646 = tpu.vector_load_idx %arg12[%iota3A, %broadcast_in_dim3A_644] : memref<32x128xf32, #tpu.memory_space<vmem>>[vector<16xi32>, vector<16xi32>], vector<16xf32>,
      %add3A_647 = arith.constant 16 : i32
      %add3A_648 = vector.broadcast %add3A_647 : i32 to vector<16xi32>
      %add3A_649 = arith.addi %iota3A, %add3A_648 : vector<16xi32>
      %gather3A_650 = tpu.vector_load_idx %arg12[%add3A_649, %broadcast_in_dim3A_644] : memref<32x128xf32, #tpu.memory_space<vmem>>[vector<16xi32>, vector<16xi32>], vector<16xf32>,
      tpu.vector_store_idx %arg14[%iota3A, %broadcast_in_dim3A_645], %gather3A_646 : memref<32x128xf32, #tpu.memory_space<vmem>>[vector<16xi32>, vector<16xi32>], vector<16xf32>,
      %add3A_651 = arith.constant 16 : i32
      %add3A_652 = vector.broadcast %add3A_651 : i32 to vector<16xi32>
      %add3A_653 = arith.addi %iota3A, %add3A_652 : vector<16xi32>
      tpu.vector_store_idx %arg14[%add3A_653, %broadcast_in_dim3A_645], %gather3A_650 : memref<32x128xf32, #tpu.memory_space<vmem>>[vector<16xi32>, vector<16xi32>], vector<16xf32>,
      %slice3A_654 = vector.extract_strided_slice %get3A_413 {offsets = [14], sizes = [1], strides = [1]} : vector<16xi32> to vector<1xi32>
      %squeeze3A_655 = vector.extract %slice3A_654[0] : i32 from vector<1xi32>
      %shift_right_logical3A_656 = arith.constant 7 : i32
      %shift_right_logical3A_657 = arith.shrui %squeeze3A_655, %shift_right_logical3A_656 : i32
      %mul3A_658 = arith.constant 128 : i32
      %mul3A_659 = arith.muli %shift_right_logical3A_657, %mul3A_658 : i32
      %multiple_of3A_660 = tpu.assume_multiple %mul3A_659, 128 : i32
      %dma_start3A_661 = arith.constant 0 : i32
      %dma_start3A_662 = tpu.memref_slice %arg3[%dma_start3A_661, %multiple_of3A_660] : memref<32x1000000xf32, #tpu.memory_space<hbm>> -> memref<32x128xf32, #tpu.memory_space<hbm>>
      %dma_start3A_663 = arith.constant 0 : i32
      %dma_start3A_664 = tpu.memref_slice %arg3[%dma_start3A_663, %multiple_of3A_660] : memref<32x1000000xf32, #tpu.memory_space<hbm>> -> memref<32x128xf32, #tpu.memory_space<hbm>>
      tpu.enqueue_dma source(%dma_start3A_664 : memref<32x128xf32, #tpu.memory_space<hbm>>) target(%arg12 : memref<32x128xf32, #tpu.memory_space<vmem>>) target_semaphore(%arg21 : memref<!tpu.dma_semaphore, #tpu.memory_space<semaphore_mem>>)
      %mul3A_665 = arith.constant 16 : i32
      %mul3A_666 = arith.muli %scan3A_407, %mul3A_665 : i32
      %add3A_667 = arith.constant 7 : i32
      %add3A_668 = arith.addi %mul3A_666, %add3A_667 : i32
      %dma_wait3A_669 = arith.constant 0 : i32
      %dma_wait3A_670 = arith.constant 0 : i32
      %dma_wait3A_671 = tpu.memref_slice %arg3[%dma_wait3A_669, %dma_wait3A_670] : memref<32x1000000xf32, #tpu.memory_space<hbm>> -> memref<32x128xf32, #tpu.memory_space<hbm>>
      %dma_wait3A_672 = arith.constant 0 : i32
      %dma_wait3A_673 = arith.constant 0 : i32
      %dma_wait3A_674 = tpu.memref_slice %arg3[%dma_wait3A_672, %dma_wait3A_673] : memref<32x1000000xf32, #tpu.memory_space<hbm>> -> memref<32x128xf32, #tpu.memory_space<hbm>>
      tpu.wait_dma2 semaphore(%arg22 : memref<!tpu.dma_semaphore, #tpu.memory_space<semaphore_mem>>) src(%dma_wait3A_674 : memref<32x128xf32, #tpu.memory_space<hbm>>) dst(%arg13 : memref<32x128xf32, #tpu.memory_space<vmem>>)
      %slice3A_675 = vector.extract_strided_slice %get3A_413 {offsets = [7], sizes = [1], strides = [1]} : vector<16xi32> to vector<1xi32>
      %squeeze3A_676 = vector.extract %slice3A_675[0] : i32 from vector<1xi32>
      %and3A_677 = arith.constant 127 : i32
      %and3A_678 = arith.andi %squeeze3A_676, %and3A_677 : i32
      %broadcast_in_dim3A_679 = vector.broadcast %and3A_678 : i32 to vector<16xi32>
      %broadcast_in_dim3A_680 = vector.broadcast %add3A_668 : i32 to vector<16xi32>
      %gather3A_681 = tpu.vector_load_idx %arg13[%iota3A, %broadcast_in_dim3A_679] : memref<32x128xf32, #tpu.memory_space<vmem>>[vector<16xi32>, vector<16xi32>], vector<16xf32>,
      %add3A_682 = arith.constant 16 : i32
      %add3A_683 = vector.broadcast %add3A_682 : i32 to vector<16xi32>
      %add3A_684 = arith.addi %iota3A, %add3A_683 : vector<16xi32>
      %gather3A_685 = tpu.vector_load_idx %arg13[%add3A_684, %broadcast_in_dim3A_679] : memref<32x128xf32, #tpu.memory_space<vmem>>[vector<16xi32>, vector<16xi32>], vector<16xf32>,
      tpu.vector_store_idx %arg14[%iota3A, %broadcast_in_dim3A_680], %gather3A_681 : memref<32x128xf32, #tpu.memory_space<vmem>>[vector<16xi32>, vector<16xi32>], vector<16xf32>,
      %add3A_686 = arith.constant 16 : i32
      %add3A_687 = vector.broadcast %add3A_686 : i32 to vector<16xi32>
      %add3A_688 = arith.addi %iota3A, %add3A_687 : vector<16xi32>
      tpu.vector_store_idx %arg14[%add3A_688, %broadcast_in_dim3A_680], %gather3A_685 : memref<32x128xf32, #tpu.memory_space<vmem>>[vector<16xi32>, vector<16xi32>], vector<16xf32>,
      %slice3A_689 = vector.extract_strided_slice %get3A_413 {offsets = [15], sizes = [1], strides = [1]} : vector<16xi32> to vector<1xi32>
      %squeeze3A_690 = vector.extract %slice3A_689[0] : i32 from vector<1xi32>
      %shift_right_logical3A_691 = arith.constant 7 : i32
      %shift_right_logical3A_692 = arith.shrui %squeeze3A_690, %shift_right_logical3A_691 : i32
      %mul3A_693 = arith.constant 128 : i32
      %mul3A_694 = arith.muli %shift_right_logical3A_692, %mul3A_693 : i32
      %multiple_of3A_695 = tpu.assume_multiple %mul3A_694, 128 : i32
      %dma_start3A_696 = arith.constant 0 : i32
      %dma_start3A_697 = tpu.memref_slice %arg3[%dma_start3A_696, %multiple_of3A_695] : memref<32x1000000xf32, #tpu.memory_space<hbm>> -> memref<32x128xf32, #tpu.memory_space<hbm>>
      %dma_start3A_698 = arith.constant 0 : i32
      %dma_start3A_699 = tpu.memref_slice %arg3[%dma_start3A_698, %multiple_of3A_695] : memref<32x1000000xf32, #tpu.memory_space<hbm>> -> memref<32x128xf32, #tpu.memory_space<hbm>>
      tpu.enqueue_dma source(%dma_start3A_699 : memref<32x128xf32, #tpu.memory_space<hbm>>) target(%arg13 : memref<32x128xf32, #tpu.memory_space<vmem>>) target_semaphore(%arg22 : memref<!tpu.dma_semaphore, #tpu.memory_space<semaphore_mem>>)
      %mul3A_700 = arith.constant 16 : i32
      %mul3A_701 = arith.muli %scan3A_407, %mul3A_700 : i32
      %add3A_702 = arith.constant 8 : i32
      %add3A_703 = arith.addi %mul3A_701, %add3A_702 : i32
      %dma_wait3A_704 = arith.constant 0 : i32
      %dma_wait3A_705 = arith.constant 0 : i32
      %dma_wait3A_706 = tpu.memref_slice %arg3[%dma_wait3A_704, %dma_wait3A_705] : memref<32x1000000xf32, #tpu.memory_space<hbm>> -> memref<32x128xf32, #tpu.memory_space<hbm>>
      %dma_wait3A_707 = arith.constant 0 : i32
      %dma_wait3A_708 = arith.constant 0 : i32
      %dma_wait3A_709 = tpu.memref_slice %arg3[%dma_wait3A_707, %dma_wait3A_708] : memref<32x1000000xf32, #tpu.memory_space<hbm>> -> memref<32x128xf32, #tpu.memory_space<hbm>>
      tpu.wait_dma2 semaphore(%arg15 : memref<!tpu.dma_semaphore, #tpu.memory_space<semaphore_mem>>) src(%dma_wait3A_709 : memref<32x128xf32, #tpu.memory_space<hbm>>) dst(%arg6 : memref<32x128xf32, #tpu.memory_space<vmem>>)
      %slice3A_710 = vector.extract_strided_slice %get3A_413 {offsets = [8], sizes = [1], strides = [1]} : vector<16xi32> to vector<1xi32>
      %squeeze3A_711 = vector.extract %slice3A_710[0] : i32 from vector<1xi32>
      %and3A_712 = arith.constant 127 : i32
      %and3A_713 = arith.andi %squeeze3A_711, %and3A_712 : i32
      %broadcast_in_dim3A_714 = vector.broadcast %and3A_713 : i32 to vector<16xi32>
      %broadcast_in_dim3A_715 = vector.broadcast %add3A_703 : i32 to vector<16xi32>
      %gather3A_716 = tpu.vector_load_idx %arg6[%iota3A, %broadcast_in_dim3A_714] : memref<32x128xf32, #tpu.memory_space<vmem>>[vector<16xi32>, vector<16xi32>], vector<16xf32>,
      %add3A_717 = arith.constant 16 : i32
      %add3A_718 = vector.broadcast %add3A_717 : i32 to vector<16xi32>
      %add3A_719 = arith.addi %iota3A, %add3A_718 : vector<16xi32>
      %gather3A_720 = tpu.vector_load_idx %arg6[%add3A_719, %broadcast_in_dim3A_714] : memref<32x128xf32, #tpu.memory_space<vmem>>[vector<16xi32>, vector<16xi32>], vector<16xf32>,
      tpu.vector_store_idx %arg14[%iota3A, %broadcast_in_dim3A_715], %gather3A_716 : memref<32x128xf32, #tpu.memory_space<vmem>>[vector<16xi32>, vector<16xi32>], vector<16xf32>,
      %add3A_721 = arith.constant 16 : i32
      %add3A_722 = vector.broadcast %add3A_721 : i32 to vector<16xi32>
      %add3A_723 = arith.addi %iota3A, %add3A_722 : vector<16xi32>
      tpu.vector_store_idx %arg14[%add3A_723, %broadcast_in_dim3A_715], %gather3A_720 : memref<32x128xf32, #tpu.memory_space<vmem>>[vector<16xi32>, vector<16xi32>], vector<16xf32>,
      %slice3A_724 = vector.extract_strided_slice %get3A_421 {offsets = [0], sizes = [1], strides = [1]} : vector<16xi32> to vector<1xi32>
      %squeeze3A_725 = vector.extract %slice3A_724[0] : i32 from vector<1xi32>
      %lt3A = arith.constant 7 : i32
      %lt3A_726 = arith.cmpi slt, %scan3A_407, %lt3A : i32
      %convert_element_type3A = arith.extui %lt3A_726 : i1 to i32
      %cond3A = arith.constant 0 : i32
      %cond3A_727 = arith.cmpi ne, %convert_element_type3A, %cond3A : i32
      scf.if %cond3A_727 {
        %shift_right_logical3A_945 = arith.constant 7 : i32
        %shift_right_logical3A_946 = arith.shrui %squeeze3A_725, %shift_right_logical3A_945 : i32
        %mul3A_947 = arith.constant 128 : i32
        %mul3A_948 = arith.muli %shift_right_logical3A_946, %mul3A_947 : i32
        %multiple_of3A_949 = tpu.assume_multiple %mul3A_948, 128 : i32
        %dma_start3A_950 = arith.constant 0 : i32
        %dma_start3A_951 = tpu.memref_slice %arg3[%dma_start3A_950, %multiple_of3A_949] : memref<32x1000000xf32, #tpu.memory_space<hbm>> -> memref<32x128xf32, #tpu.memory_space<hbm>>
        %dma_start3A_952 = arith.constant 0 : i32
        %dma_start3A_953 = tpu.memref_slice %arg3[%dma_start3A_952, %multiple_of3A_949] : memref<32x1000000xf32, #tpu.memory_space<hbm>> -> memref<32x128xf32, #tpu.memory_space<hbm>>
        tpu.enqueue_dma source(%dma_start3A_953 : memref<32x128xf32, #tpu.memory_space<hbm>>) target(%arg6 : memref<32x128xf32, #tpu.memory_space<vmem>>) target_semaphore(%arg15 : memref<!tpu.dma_semaphore, #tpu.memory_space<semaphore_mem>>)
      } else {
      }
      %mul3A_728 = arith.constant 16 : i32
      %mul3A_729 = arith.muli %scan3A_407, %mul3A_728 : i32
      %add3A_730 = arith.constant 9 : i32
      %add3A_731 = arith.addi %mul3A_729, %add3A_730 : i32
      %dma_wait3A_732 = arith.constant 0 : i32
      %dma_wait3A_733 = arith.constant 0 : i32
      %dma_wait3A_734 = tpu.memref_slice %arg3[%dma_wait3A_732, %dma_wait3A_733] : memref<32x1000000xf32, #tpu.memory_space<hbm>> -> memref<32x128xf32, #tpu.memory_space<hbm>>
      %dma_wait3A_735 = arith.constant 0 : i32
      %dma_wait3A_736 = arith.constant 0 : i32
      %dma_wait3A_737 = tpu.memref_slice %arg3[%dma_wait3A_735, %dma_wait3A_736] : memref<32x1000000xf32, #tpu.memory_space<hbm>> -> memref<32x128xf32, #tpu.memory_space<hbm>>
      tpu.wait_dma2 semaphore(%arg16 : memref<!tpu.dma_semaphore, #tpu.memory_space<semaphore_mem>>) src(%dma_wait3A_737 : memref<32x128xf32, #tpu.memory_space<hbm>>) dst(%arg7 : memref<32x128xf32, #tpu.memory_space<vmem>>)
      %slice3A_738 = vector.extract_strided_slice %get3A_413 {offsets = [9], sizes = [1], strides = [1]} : vector<16xi32> to vector<1xi32>
      %squeeze3A_739 = vector.extract %slice3A_738[0] : i32 from vector<1xi32>
      %and3A_740 = arith.constant 127 : i32
      %and3A_741 = arith.andi %squeeze3A_739, %and3A_740 : i32
      %broadcast_in_dim3A_742 = vector.broadcast %and3A_741 : i32 to vector<16xi32>
      %broadcast_in_dim3A_743 = vector.broadcast %add3A_731 : i32 to vector<16xi32>
      %gather3A_744 = tpu.vector_load_idx %arg7[%iota3A, %broadcast_in_dim3A_742] : memref<32x128xf32, #tpu.memory_space<vmem>>[vector<16xi32>, vector<16xi32>], vector<16xf32>,
      %add3A_745 = arith.constant 16 : i32
      %add3A_746 = vector.broadcast %add3A_745 : i32 to vector<16xi32>
      %add3A_747 = arith.addi %iota3A, %add3A_746 : vector<16xi32>
      %gather3A_748 = tpu.vector_load_idx %arg7[%add3A_747, %broadcast_in_dim3A_742] : memref<32x128xf32, #tpu.memory_space<vmem>>[vector<16xi32>, vector<16xi32>], vector<16xf32>,
      tpu.vector_store_idx %arg14[%iota3A, %broadcast_in_dim3A_743], %gather3A_744 : memref<32x128xf32, #tpu.memory_space<vmem>>[vector<16xi32>, vector<16xi32>], vector<16xf32>,
      %add3A_749 = arith.constant 16 : i32
      %add3A_750 = vector.broadcast %add3A_749 : i32 to vector<16xi32>
      %add3A_751 = arith.addi %iota3A, %add3A_750 : vector<16xi32>
      tpu.vector_store_idx %arg14[%add3A_751, %broadcast_in_dim3A_743], %gather3A_748 : memref<32x128xf32, #tpu.memory_space<vmem>>[vector<16xi32>, vector<16xi32>], vector<16xf32>,
      %slice3A_752 = vector.extract_strided_slice %get3A_421 {offsets = [1], sizes = [1], strides = [1]} : vector<16xi32> to vector<1xi32>
      %squeeze3A_753 = vector.extract %slice3A_752[0] : i32 from vector<1xi32>
      %lt3A_754 = arith.constant 7 : i32
      %lt3A_755 = arith.cmpi slt, %scan3A_407, %lt3A_754 : i32
      %convert_element_type3A_756 = arith.extui %lt3A_755 : i1 to i32
      %cond3A_757 = arith.constant 0 : i32
      %cond3A_758 = arith.cmpi ne, %convert_element_type3A_756, %cond3A_757 : i32
      scf.if %cond3A_758 {
        %shift_right_logical3A_945 = arith.constant 7 : i32
        %shift_right_logical3A_946 = arith.shrui %squeeze3A_753, %shift_right_logical3A_945 : i32
        %mul3A_947 = arith.constant 128 : i32
        %mul3A_948 = arith.muli %shift_right_logical3A_946, %mul3A_947 : i32
        %multiple_of3A_949 = tpu.assume_multiple %mul3A_948, 128 : i32
        %dma_start3A_950 = arith.constant 0 : i32
        %dma_start3A_951 = tpu.memref_slice %arg3[%dma_start3A_950, %multiple_of3A_949] : memref<32x1000000xf32, #tpu.memory_space<hbm>> -> memref<32x128xf32, #tpu.memory_space<hbm>>
        %dma_start3A_952 = arith.constant 0 : i32
        %dma_start3A_953 = tpu.memref_slice %arg3[%dma_start3A_952, %multiple_of3A_949] : memref<32x1000000xf32, #tpu.memory_space<hbm>> -> memref<32x128xf32, #tpu.memory_space<hbm>>
        tpu.enqueue_dma source(%dma_start3A_953 : memref<32x128xf32, #tpu.memory_space<hbm>>) target(%arg7 : memref<32x128xf32, #tpu.memory_space<vmem>>) target_semaphore(%arg16 : memref<!tpu.dma_semaphore, #tpu.memory_space<semaphore_mem>>)
      } else {
      }
      %mul3A_759 = arith.constant 16 : i32
      %mul3A_760 = arith.muli %scan3A_407, %mul3A_759 : i32
      %add3A_761 = arith.constant 10 : i32
      %add3A_762 = arith.addi %mul3A_760, %add3A_761 : i32
      %dma_wait3A_763 = arith.constant 0 : i32
      %dma_wait3A_764 = arith.constant 0 : i32
      %dma_wait3A_765 = tpu.memref_slice %arg3[%dma_wait3A_763, %dma_wait3A_764] : memref<32x1000000xf32, #tpu.memory_space<hbm>> -> memref<32x128xf32, #tpu.memory_space<hbm>>
      %dma_wait3A_766 = arith.constant 0 : i32
      %dma_wait3A_767 = arith.constant 0 : i32
      %dma_wait3A_768 = tpu.memref_slice %arg3[%dma_wait3A_766, %dma_wait3A_767] : memref<32x1000000xf32, #tpu.memory_space<hbm>> -> memref<32x128xf32, #tpu.memory_space<hbm>>
      tpu.wait_dma2 semaphore(%arg17 : memref<!tpu.dma_semaphore, #tpu.memory_space<semaphore_mem>>) src(%dma_wait3A_768 : memref<32x128xf32, #tpu.memory_space<hbm>>) dst(%arg8 : memref<32x128xf32, #tpu.memory_space<vmem>>)
      %slice3A_769 = vector.extract_strided_slice %get3A_413 {offsets = [10], sizes = [1], strides = [1]} : vector<16xi32> to vector<1xi32>
      %squeeze3A_770 = vector.extract %slice3A_769[0] : i32 from vector<1xi32>
      %and3A_771 = arith.constant 127 : i32
      %and3A_772 = arith.andi %squeeze3A_770, %and3A_771 : i32
      %broadcast_in_dim3A_773 = vector.broadcast %and3A_772 : i32 to vector<16xi32>
      %broadcast_in_dim3A_774 = vector.broadcast %add3A_762 : i32 to vector<16xi32>
      %gather3A_775 = tpu.vector_load_idx %arg8[%iota3A, %broadcast_in_dim3A_773] : memref<32x128xf32, #tpu.memory_space<vmem>>[vector<16xi32>, vector<16xi32>], vector<16xf32>,
      %add3A_776 = arith.constant 16 : i32
      %add3A_777 = vector.broadcast %add3A_776 : i32 to vector<16xi32>
      %add3A_778 = arith.addi %iota3A, %add3A_777 : vector<16xi32>
      %gather3A_779 = tpu.vector_load_idx %arg8[%add3A_778, %broadcast_in_dim3A_773] : memref<32x128xf32, #tpu.memory_space<vmem>>[vector<16xi32>, vector<16xi32>], vector<16xf32>,
      tpu.vector_store_idx %arg14[%iota3A, %broadcast_in_dim3A_774], %gather3A_775 : memref<32x128xf32, #tpu.memory_space<vmem>>[vector<16xi32>, vector<16xi32>], vector<16xf32>,
      %add3A_780 = arith.constant 16 : i32
      %add3A_781 = vector.broadcast %add3A_780 : i32 to vector<16xi32>
      %add3A_782 = arith.addi %iota3A, %add3A_781 : vector<16xi32>
      tpu.vector_store_idx %arg14[%add3A_782, %broadcast_in_dim3A_774], %gather3A_779 : memref<32x128xf32, #tpu.memory_space<vmem>>[vector<16xi32>, vector<16xi32>], vector<16xf32>,
      %slice3A_783 = vector.extract_strided_slice %get3A_421 {offsets = [2], sizes = [1], strides = [1]} : vector<16xi32> to vector<1xi32>
      %squeeze3A_784 = vector.extract %slice3A_783[0] : i32 from vector<1xi32>
      %lt3A_785 = arith.constant 7 : i32
      %lt3A_786 = arith.cmpi slt, %scan3A_407, %lt3A_785 : i32
      %convert_element_type3A_787 = arith.extui %lt3A_786 : i1 to i32
      %cond3A_788 = arith.constant 0 : i32
      %cond3A_789 = arith.cmpi ne, %convert_element_type3A_787, %cond3A_788 : i32
      scf.if %cond3A_789 {
        %shift_right_logical3A_945 = arith.constant 7 : i32
        %shift_right_logical3A_946 = arith.shrui %squeeze3A_784, %shift_right_logical3A_945 : i32
        %mul3A_947 = arith.constant 128 : i32
        %mul3A_948 = arith.muli %shift_right_logical3A_946, %mul3A_947 : i32
        %multiple_of3A_949 = tpu.assume_multiple %mul3A_948, 128 : i32
        %dma_start3A_950 = arith.constant 0 : i32
        %dma_start3A_951 = tpu.memref_slice %arg3[%dma_start3A_950, %multiple_of3A_949] : memref<32x1000000xf32, #tpu.memory_space<hbm>> -> memref<32x128xf32, #tpu.memory_space<hbm>>
        %dma_start3A_952 = arith.constant 0 : i32
        %dma_start3A_953 = tpu.memref_slice %arg3[%dma_start3A_952, %multiple_of3A_949] : memref<32x1000000xf32, #tpu.memory_space<hbm>> -> memref<32x128xf32, #tpu.memory_space<hbm>>
        tpu.enqueue_dma source(%dma_start3A_953 : memref<32x128xf32, #tpu.memory_space<hbm>>) target(%arg8 : memref<32x128xf32, #tpu.memory_space<vmem>>) target_semaphore(%arg17 : memref<!tpu.dma_semaphore, #tpu.memory_space<semaphore_mem>>)
      } else {
      }
      %mul3A_790 = arith.constant 16 : i32
      %mul3A_791 = arith.muli %scan3A_407, %mul3A_790 : i32
      %add3A_792 = arith.constant 11 : i32
      %add3A_793 = arith.addi %mul3A_791, %add3A_792 : i32
      %dma_wait3A_794 = arith.constant 0 : i32
      %dma_wait3A_795 = arith.constant 0 : i32
      %dma_wait3A_796 = tpu.memref_slice %arg3[%dma_wait3A_794, %dma_wait3A_795] : memref<32x1000000xf32, #tpu.memory_space<hbm>> -> memref<32x128xf32, #tpu.memory_space<hbm>>
      %dma_wait3A_797 = arith.constant 0 : i32
      %dma_wait3A_798 = arith.constant 0 : i32
      %dma_wait3A_799 = tpu.memref_slice %arg3[%dma_wait3A_797, %dma_wait3A_798] : memref<32x1000000xf32, #tpu.memory_space<hbm>> -> memref<32x128xf32, #tpu.memory_space<hbm>>
      tpu.wait_dma2 semaphore(%arg18 : memref<!tpu.dma_semaphore, #tpu.memory_space<semaphore_mem>>) src(%dma_wait3A_799 : memref<32x128xf32, #tpu.memory_space<hbm>>) dst(%arg9 : memref<32x128xf32, #tpu.memory_space<vmem>>)
      %slice3A_800 = vector.extract_strided_slice %get3A_413 {offsets = [11], sizes = [1], strides = [1]} : vector<16xi32> to vector<1xi32>
      %squeeze3A_801 = vector.extract %slice3A_800[0] : i32 from vector<1xi32>
      %and3A_802 = arith.constant 127 : i32
      %and3A_803 = arith.andi %squeeze3A_801, %and3A_802 : i32
      %broadcast_in_dim3A_804 = vector.broadcast %and3A_803 : i32 to vector<16xi32>
      %broadcast_in_dim3A_805 = vector.broadcast %add3A_793 : i32 to vector<16xi32>
      %gather3A_806 = tpu.vector_load_idx %arg9[%iota3A, %broadcast_in_dim3A_804] : memref<32x128xf32, #tpu.memory_space<vmem>>[vector<16xi32>, vector<16xi32>], vector<16xf32>,
      %add3A_807 = arith.constant 16 : i32
      %add3A_808 = vector.broadcast %add3A_807 : i32 to vector<16xi32>
      %add3A_809 = arith.addi %iota3A, %add3A_808 : vector<16xi32>
      %gather3A_810 = tpu.vector_load_idx %arg9[%add3A_809, %broadcast_in_dim3A_804] : memref<32x128xf32, #tpu.memory_space<vmem>>[vector<16xi32>, vector<16xi32>], vector<16xf32>,
      tpu.vector_store_idx %arg14[%iota3A, %broadcast_in_dim3A_805], %gather3A_806 : memref<32x128xf32, #tpu.memory_space<vmem>>[vector<16xi32>, vector<16xi32>], vector<16xf32>,
      %add3A_811 = arith.constant 16 : i32
      %add3A_812 = vector.broadcast %add3A_811 : i32 to vector<16xi32>
      %add3A_813 = arith.addi %iota3A, %add3A_812 : vector<16xi32>
      tpu.vector_store_idx %arg14[%add3A_813, %broadcast_in_dim3A_805], %gather3A_810 : memref<32x128xf32, #tpu.memory_space<vmem>>[vector<16xi32>, vector<16xi32>], vector<16xf32>,
      %slice3A_814 = vector.extract_strided_slice %get3A_421 {offsets = [3], sizes = [1], strides = [1]} : vector<16xi32> to vector<1xi32>
      %squeeze3A_815 = vector.extract %slice3A_814[0] : i32 from vector<1xi32>
      %lt3A_816 = arith.constant 7 : i32
      %lt3A_817 = arith.cmpi slt, %scan3A_407, %lt3A_816 : i32
      %convert_element_type3A_818 = arith.extui %lt3A_817 : i1 to i32
      %cond3A_819 = arith.constant 0 : i32
      %cond3A_820 = arith.cmpi ne, %convert_element_type3A_818, %cond3A_819 : i32
      scf.if %cond3A_820 {
        %shift_right_logical3A_945 = arith.constant 7 : i32
        %shift_right_logical3A_946 = arith.shrui %squeeze3A_815, %shift_right_logical3A_945 : i32
        %mul3A_947 = arith.constant 128 : i32
        %mul3A_948 = arith.muli %shift_right_logical3A_946, %mul3A_947 : i32
        %multiple_of3A_949 = tpu.assume_multiple %mul3A_948, 128 : i32
        %dma_start3A_950 = arith.constant 0 : i32
        %dma_start3A_951 = tpu.memref_slice %arg3[%dma_start3A_950, %multiple_of3A_949] : memref<32x1000000xf32, #tpu.memory_space<hbm>> -> memref<32x128xf32, #tpu.memory_space<hbm>>
        %dma_start3A_952 = arith.constant 0 : i32
        %dma_start3A_953 = tpu.memref_slice %arg3[%dma_start3A_952, %multiple_of3A_949] : memref<32x1000000xf32, #tpu.memory_space<hbm>> -> memref<32x128xf32, #tpu.memory_space<hbm>>
        tpu.enqueue_dma source(%dma_start3A_953 : memref<32x128xf32, #tpu.memory_space<hbm>>) target(%arg9 : memref<32x128xf32, #tpu.memory_space<vmem>>) target_semaphore(%arg18 : memref<!tpu.dma_semaphore, #tpu.memory_space<semaphore_mem>>)
      } else {
      }
      %mul3A_821 = arith.constant 16 : i32
      %mul3A_822 = arith.muli %scan3A_407, %mul3A_821 : i32
      %add3A_823 = arith.constant 12 : i32
      %add3A_824 = arith.addi %mul3A_822, %add3A_823 : i32
      %dma_wait3A_825 = arith.constant 0 : i32
      %dma_wait3A_826 = arith.constant 0 : i32
      %dma_wait3A_827 = tpu.memref_slice %arg3[%dma_wait3A_825, %dma_wait3A_826] : memref<32x1000000xf32, #tpu.memory_space<hbm>> -> memref<32x128xf32, #tpu.memory_space<hbm>>
      %dma_wait3A_828 = arith.constant 0 : i32
      %dma_wait3A_829 = arith.constant 0 : i32
      %dma_wait3A_830 = tpu.memref_slice %arg3[%dma_wait3A_828, %dma_wait3A_829] : memref<32x1000000xf32, #tpu.memory_space<hbm>> -> memref<32x128xf32, #tpu.memory_space<hbm>>
      tpu.wait_dma2 semaphore(%arg19 : memref<!tpu.dma_semaphore, #tpu.memory_space<semaphore_mem>>) src(%dma_wait3A_830 : memref<32x128xf32, #tpu.memory_space<hbm>>) dst(%arg10 : memref<32x128xf32, #tpu.memory_space<vmem>>)
      %slice3A_831 = vector.extract_strided_slice %get3A_413 {offsets = [12], sizes = [1], strides = [1]} : vector<16xi32> to vector<1xi32>
      %squeeze3A_832 = vector.extract %slice3A_831[0] : i32 from vector<1xi32>
      %and3A_833 = arith.constant 127 : i32
      %and3A_834 = arith.andi %squeeze3A_832, %and3A_833 : i32
      %broadcast_in_dim3A_835 = vector.broadcast %and3A_834 : i32 to vector<16xi32>
      %broadcast_in_dim3A_836 = vector.broadcast %add3A_824 : i32 to vector<16xi32>
      %gather3A_837 = tpu.vector_load_idx %arg10[%iota3A, %broadcast_in_dim3A_835] : memref<32x128xf32, #tpu.memory_space<vmem>>[vector<16xi32>, vector<16xi32>], vector<16xf32>,
      %add3A_838 = arith.constant 16 : i32
      %add3A_839 = vector.broadcast %add3A_838 : i32 to vector<16xi32>
      %add3A_840 = arith.addi %iota3A, %add3A_839 : vector<16xi32>
      %gather3A_841 = tpu.vector_load_idx %arg10[%add3A_840, %broadcast_in_dim3A_835] : memref<32x128xf32, #tpu.memory_space<vmem>>[vector<16xi32>, vector<16xi32>], vector<16xf32>,
      tpu.vector_store_idx %arg14[%iota3A, %broadcast_in_dim3A_836], %gather3A_837 : memref<32x128xf32, #tpu.memory_space<vmem>>[vector<16xi32>, vector<16xi32>], vector<16xf32>,
      %add3A_842 = arith.constant 16 : i32
      %add3A_843 = vector.broadcast %add3A_842 : i32 to vector<16xi32>
      %add3A_844 = arith.addi %iota3A, %add3A_843 : vector<16xi32>
      tpu.vector_store_idx %arg14[%add3A_844, %broadcast_in_dim3A_836], %gather3A_841 : memref<32x128xf32, #tpu.memory_space<vmem>>[vector<16xi32>, vector<16xi32>], vector<16xf32>,
      %slice3A_845 = vector.extract_strided_slice %get3A_421 {offsets = [4], sizes = [1], strides = [1]} : vector<16xi32> to vector<1xi32>
      %squeeze3A_846 = vector.extract %slice3A_845[0] : i32 from vector<1xi32>
      %lt3A_847 = arith.constant 7 : i32
      %lt3A_848 = arith.cmpi slt, %scan3A_407, %lt3A_847 : i32
      %convert_element_type3A_849 = arith.extui %lt3A_848 : i1 to i32
      %cond3A_850 = arith.constant 0 : i32
      %cond3A_851 = arith.cmpi ne, %convert_element_type3A_849, %cond3A_850 : i32
      scf.if %cond3A_851 {
        %shift_right_logical3A_945 = arith.constant 7 : i32
        %shift_right_logical3A_946 = arith.shrui %squeeze3A_846, %shift_right_logical3A_945 : i32
        %mul3A_947 = arith.constant 128 : i32
        %mul3A_948 = arith.muli %shift_right_logical3A_946, %mul3A_947 : i32
        %multiple_of3A_949 = tpu.assume_multiple %mul3A_948, 128 : i32
        %dma_start3A_950 = arith.constant 0 : i32
        %dma_start3A_951 = tpu.memref_slice %arg3[%dma_start3A_950, %multiple_of3A_949] : memref<32x1000000xf32, #tpu.memory_space<hbm>> -> memref<32x128xf32, #tpu.memory_space<hbm>>
        %dma_start3A_952 = arith.constant 0 : i32
        %dma_start3A_953 = tpu.memref_slice %arg3[%dma_start3A_952, %multiple_of3A_949] : memref<32x1000000xf32, #tpu.memory_space<hbm>> -> memref<32x128xf32, #tpu.memory_space<hbm>>
        tpu.enqueue_dma source(%dma_start3A_953 : memref<32x128xf32, #tpu.memory_space<hbm>>) target(%arg10 : memref<32x128xf32, #tpu.memory_space<vmem>>) target_semaphore(%arg19 : memref<!tpu.dma_semaphore, #tpu.memory_space<semaphore_mem>>)
      } else {
      }
      %mul3A_852 = arith.constant 16 : i32
      %mul3A_853 = arith.muli %scan3A_407, %mul3A_852 : i32
      %add3A_854 = arith.constant 13 : i32
      %add3A_855 = arith.addi %mul3A_853, %add3A_854 : i32
      %dma_wait3A_856 = arith.constant 0 : i32
      %dma_wait3A_857 = arith.constant 0 : i32
      %dma_wait3A_858 = tpu.memref_slice %arg3[%dma_wait3A_856, %dma_wait3A_857] : memref<32x1000000xf32, #tpu.memory_space<hbm>> -> memref<32x128xf32, #tpu.memory_space<hbm>>
      %dma_wait3A_859 = arith.constant 0 : i32
      %dma_wait3A_860 = arith.constant 0 : i32
      %dma_wait3A_861 = tpu.memref_slice %arg3[%dma_wait3A_859, %dma_wait3A_860] : memref<32x1000000xf32, #tpu.memory_space<hbm>> -> memref<32x128xf32, #tpu.memory_space<hbm>>
      tpu.wait_dma2 semaphore(%arg20 : memref<!tpu.dma_semaphore, #tpu.memory_space<semaphore_mem>>) src(%dma_wait3A_861 : memref<32x128xf32, #tpu.memory_space<hbm>>) dst(%arg11 : memref<32x128xf32, #tpu.memory_space<vmem>>)
      %slice3A_862 = vector.extract_strided_slice %get3A_413 {offsets = [13], sizes = [1], strides = [1]} : vector<16xi32> to vector<1xi32>
      %squeeze3A_863 = vector.extract %slice3A_862[0] : i32 from vector<1xi32>
      %and3A_864 = arith.constant 127 : i32
      %and3A_865 = arith.andi %squeeze3A_863, %and3A_864 : i32
      %broadcast_in_dim3A_866 = vector.broadcast %and3A_865 : i32 to vector<16xi32>
      %broadcast_in_dim3A_867 = vector.broadcast %add3A_855 : i32 to vector<16xi32>
      %gather3A_868 = tpu.vector_load_idx %arg11[%iota3A, %broadcast_in_dim3A_866] : memref<32x128xf32, #tpu.memory_space<vmem>>[vector<16xi32>, vector<16xi32>], vector<16xf32>,
      %add3A_869 = arith.constant 16 : i32
      %add3A_870 = vector.broadcast %add3A_869 : i32 to vector<16xi32>
      %add3A_871 = arith.addi %iota3A, %add3A_870 : vector<16xi32>
      %gather3A_872 = tpu.vector_load_idx %arg11[%add3A_871, %broadcast_in_dim3A_866] : memref<32x128xf32, #tpu.memory_space<vmem>>[vector<16xi32>, vector<16xi32>], vector<16xf32>,
      tpu.vector_store_idx %arg14[%iota3A, %broadcast_in_dim3A_867], %gather3A_868 : memref<32x128xf32, #tpu.memory_space<vmem>>[vector<16xi32>, vector<16xi32>], vector<16xf32>,
      %add3A_873 = arith.constant 16 : i32
      %add3A_874 = vector.broadcast %add3A_873 : i32 to vector<16xi32>
      %add3A_875 = arith.addi %iota3A, %add3A_874 : vector<16xi32>
      tpu.vector_store_idx %arg14[%add3A_875, %broadcast_in_dim3A_867], %gather3A_872 : memref<32x128xf32, #tpu.memory_space<vmem>>[vector<16xi32>, vector<16xi32>], vector<16xf32>,
      %slice3A_876 = vector.extract_strided_slice %get3A_421 {offsets = [5], sizes = [1], strides = [1]} : vector<16xi32> to vector<1xi32>
      %squeeze3A_877 = vector.extract %slice3A_876[0] : i32 from vector<1xi32>
      %lt3A_878 = arith.constant 7 : i32
      %lt3A_879 = arith.cmpi slt, %scan3A_407, %lt3A_878 : i32
      %convert_element_type3A_880 = arith.extui %lt3A_879 : i1 to i32
      %cond3A_881 = arith.constant 0 : i32
      %cond3A_882 = arith.cmpi ne, %convert_element_type3A_880, %cond3A_881 : i32
      scf.if %cond3A_882 {
        %shift_right_logical3A_945 = arith.constant 7 : i32
        %shift_right_logical3A_946 = arith.shrui %squeeze3A_877, %shift_right_logical3A_945 : i32
        %mul3A_947 = arith.constant 128 : i32
        %mul3A_948 = arith.muli %shift_right_logical3A_946, %mul3A_947 : i32
        %multiple_of3A_949 = tpu.assume_multiple %mul3A_948, 128 : i32
        %dma_start3A_950 = arith.constant 0 : i32
        %dma_start3A_951 = tpu.memref_slice %arg3[%dma_start3A_950, %multiple_of3A_949] : memref<32x1000000xf32, #tpu.memory_space<hbm>> -> memref<32x128xf32, #tpu.memory_space<hbm>>
        %dma_start3A_952 = arith.constant 0 : i32
        %dma_start3A_953 = tpu.memref_slice %arg3[%dma_start3A_952, %multiple_of3A_949] : memref<32x1000000xf32, #tpu.memory_space<hbm>> -> memref<32x128xf32, #tpu.memory_space<hbm>>
        tpu.enqueue_dma source(%dma_start3A_953 : memref<32x128xf32, #tpu.memory_space<hbm>>) target(%arg11 : memref<32x128xf32, #tpu.memory_space<vmem>>) target_semaphore(%arg20 : memref<!tpu.dma_semaphore, #tpu.memory_space<semaphore_mem>>)
      } else {
      }
      %mul3A_883 = arith.constant 16 : i32
      %mul3A_884 = arith.muli %scan3A_407, %mul3A_883 : i32
      %add3A_885 = arith.constant 14 : i32
      %add3A_886 = arith.addi %mul3A_884, %add3A_885 : i32
      %dma_wait3A_887 = arith.constant 0 : i32
      %dma_wait3A_888 = arith.constant 0 : i32
      %dma_wait3A_889 = tpu.memref_slice %arg3[%dma_wait3A_887, %dma_wait3A_888] : memref<32x1000000xf32, #tpu.memory_space<hbm>> -> memref<32x128xf32, #tpu.memory_space<hbm>>
      %dma_wait3A_890 = arith.constant 0 : i32
      %dma_wait3A_891 = arith.constant 0 : i32
      %dma_wait3A_892 = tpu.memref_slice %arg3[%dma_wait3A_890, %dma_wait3A_891] : memref<32x1000000xf32, #tpu.memory_space<hbm>> -> memref<32x128xf32, #tpu.memory_space<hbm>>
      tpu.wait_dma2 semaphore(%arg21 : memref<!tpu.dma_semaphore, #tpu.memory_space<semaphore_mem>>) src(%dma_wait3A_892 : memref<32x128xf32, #tpu.memory_space<hbm>>) dst(%arg12 : memref<32x128xf32, #tpu.memory_space<vmem>>)
      %slice3A_893 = vector.extract_strided_slice %get3A_413 {offsets = [14], sizes = [1], strides = [1]} : vector<16xi32> to vector<1xi32>
      %squeeze3A_894 = vector.extract %slice3A_893[0] : i32 from vector<1xi32>
      %and3A_895 = arith.constant 127 : i32
      %and3A_896 = arith.andi %squeeze3A_894, %and3A_895 : i32
      %broadcast_in_dim3A_897 = vector.broadcast %and3A_896 : i32 to vector<16xi32>
      %broadcast_in_dim3A_898 = vector.broadcast %add3A_886 : i32 to vector<16xi32>
      %gather3A_899 = tpu.vector_load_idx %arg12[%iota3A, %broadcast_in_dim3A_897] : memref<32x128xf32, #tpu.memory_space<vmem>>[vector<16xi32>, vector<16xi32>], vector<16xf32>,
      %add3A_900 = arith.constant 16 : i32
      %add3A_901 = vector.broadcast %add3A_900 : i32 to vector<16xi32>
      %add3A_902 = arith.addi %iota3A, %add3A_901 : vector<16xi32>
      %gather3A_903 = tpu.vector_load_idx %arg12[%add3A_902, %broadcast_in_dim3A_897] : memref<32x128xf32, #tpu.memory_space<vmem>>[vector<16xi32>, vector<16xi32>], vector<16xf32>,
      tpu.vector_store_idx %arg14[%iota3A, %broadcast_in_dim3A_898], %gather3A_899 : memref<32x128xf32, #tpu.memory_space<vmem>>[vector<16xi32>, vector<16xi32>], vector<16xf32>,
      %add3A_904 = arith.constant 16 : i32
      %add3A_905 = vector.broadcast %add3A_904 : i32 to vector<16xi32>
      %add3A_906 = arith.addi %iota3A, %add3A_905 : vector<16xi32>
      tpu.vector_store_idx %arg14[%add3A_906, %broadcast_in_dim3A_898], %gather3A_903 : memref<32x128xf32, #tpu.memory_space<vmem>>[vector<16xi32>, vector<16xi32>], vector<16xf32>,
      %slice3A_907 = vector.extract_strided_slice %get3A_421 {offsets = [6], sizes = [1], strides = [1]} : vector<16xi32> to vector<1xi32>
      %squeeze3A_908 = vector.extract %slice3A_907[0] : i32 from vector<1xi32>
      %lt3A_909 = arith.constant 7 : i32
      %lt3A_910 = arith.cmpi slt, %scan3A_407, %lt3A_909 : i32
      %convert_element_type3A_911 = arith.extui %lt3A_910 : i1 to i32
      %cond3A_912 = arith.constant 0 : i32
      %cond3A_913 = arith.cmpi ne, %convert_element_type3A_911, %cond3A_912 : i32
      scf.if %cond3A_913 {
        %shift_right_logical3A_945 = arith.constant 7 : i32
        %shift_right_logical3A_946 = arith.shrui %squeeze3A_908, %shift_right_logical3A_945 : i32
        %mul3A_947 = arith.constant 128 : i32
        %mul3A_948 = arith.muli %shift_right_logical3A_946, %mul3A_947 : i32
        %multiple_of3A_949 = tpu.assume_multiple %mul3A_948, 128 : i32
        %dma_start3A_950 = arith.constant 0 : i32
        %dma_start3A_951 = tpu.memref_slice %arg3[%dma_start3A_950, %multiple_of3A_949] : memref<32x1000000xf32, #tpu.memory_space<hbm>> -> memref<32x128xf32, #tpu.memory_space<hbm>>
        %dma_start3A_952 = arith.constant 0 : i32
        %dma_start3A_953 = tpu.memref_slice %arg3[%dma_start3A_952, %multiple_of3A_949] : memref<32x1000000xf32, #tpu.memory_space<hbm>> -> memref<32x128xf32, #tpu.memory_space<hbm>>
        tpu.enqueue_dma source(%dma_start3A_953 : memref<32x128xf32, #tpu.memory_space<hbm>>) target(%arg12 : memref<32x128xf32, #tpu.memory_space<vmem>>) target_semaphore(%arg21 : memref<!tpu.dma_semaphore, #tpu.memory_space<semaphore_mem>>)
      } else {
      }
      %mul3A_914 = arith.constant 16 : i32
      %mul3A_915 = arith.muli %scan3A_407, %mul3A_914 : i32
      %add3A_916 = arith.constant 15 : i32
      %add3A_917 = arith.addi %mul3A_915, %add3A_916 : i32
      %dma_wait3A_918 = arith.constant 0 : i32
      %dma_wait3A_919 = arith.constant 0 : i32
      %dma_wait3A_920 = tpu.memref_slice %arg3[%dma_wait3A_918, %dma_wait3A_919] : memref<32x1000000xf32, #tpu.memory_space<hbm>> -> memref<32x128xf32, #tpu.memory_space<hbm>>
      %dma_wait3A_921 = arith.constant 0 : i32
      %dma_wait3A_922 = arith.constant 0 : i32
      %dma_wait3A_923 = tpu.memref_slice %arg3[%dma_wait3A_921, %dma_wait3A_922] : memref<32x1000000xf32, #tpu.memory_space<hbm>> -> memref<32x128xf32, #tpu.memory_space<hbm>>
      tpu.wait_dma2 semaphore(%arg22 : memref<!tpu.dma_semaphore, #tpu.memory_space<semaphore_mem>>) src(%dma_wait3A_923 : memref<32x128xf32, #tpu.memory_space<hbm>>) dst(%arg13 : memref<32x128xf32, #tpu.memory_space<vmem>>)
      %slice3A_924 = vector.extract_strided_slice %get3A_413 {offsets = [15], sizes = [1], strides = [1]} : vector<16xi32> to vector<1xi32>
      %squeeze3A_925 = vector.extract %slice3A_924[0] : i32 from vector<1xi32>
      %and3A_926 = arith.constant 127 : i32
      %and3A_927 = arith.andi %squeeze3A_925, %and3A_926 : i32
      %broadcast_in_dim3A_928 = vector.broadcast %and3A_927 : i32 to vector<16xi32>
      %broadcast_in_dim3A_929 = vector.broadcast %add3A_917 : i32 to vector<16xi32>
      %gather3A_930 = tpu.vector_load_idx %arg13[%iota3A, %broadcast_in_dim3A_928] : memref<32x128xf32, #tpu.memory_space<vmem>>[vector<16xi32>, vector<16xi32>], vector<16xf32>,
      %add3A_931 = arith.constant 16 : i32
      %add3A_932 = vector.broadcast %add3A_931 : i32 to vector<16xi32>
      %add3A_933 = arith.addi %iota3A, %add3A_932 : vector<16xi32>
      %gather3A_934 = tpu.vector_load_idx %arg13[%add3A_933, %broadcast_in_dim3A_928] : memref<32x128xf32, #tpu.memory_space<vmem>>[vector<16xi32>, vector<16xi32>], vector<16xf32>,
      tpu.vector_store_idx %arg14[%iota3A, %broadcast_in_dim3A_929], %gather3A_930 : memref<32x128xf32, #tpu.memory_space<vmem>>[vector<16xi32>, vector<16xi32>], vector<16xf32>,
      %add3A_935 = arith.constant 16 : i32
      %add3A_936 = vector.broadcast %add3A_935 : i32 to vector<16xi32>
      %add3A_937 = arith.addi %iota3A, %add3A_936 : vector<16xi32>
      tpu.vector_store_idx %arg14[%add3A_937, %broadcast_in_dim3A_929], %gather3A_934 : memref<32x128xf32, #tpu.memory_space<vmem>>[vector<16xi32>, vector<16xi32>], vector<16xf32>,
      %slice3A_938 = vector.extract_strided_slice %get3A_421 {offsets = [7], sizes = [1], strides = [1]} : vector<16xi32> to vector<1xi32>
      %squeeze3A_939 = vector.extract %slice3A_938[0] : i32 from vector<1xi32>
      %lt3A_940 = arith.constant 7 : i32
      %lt3A_941 = arith.cmpi slt, %scan3A_407, %lt3A_940 : i32
      %convert_element_type3A_942 = arith.extui %lt3A_941 : i1 to i32
      %cond3A_943 = arith.constant 0 : i32
      %cond3A_944 = arith.cmpi ne, %convert_element_type3A_942, %cond3A_943 : i32
      scf.if %cond3A_944 {
        %shift_right_logical3A_945 = arith.constant 7 : i32
        %shift_right_logical3A_946 = arith.shrui %squeeze3A_939, %shift_right_logical3A_945 : i32
        %mul3A_947 = arith.constant 128 : i32
        %mul3A_948 = arith.muli %shift_right_logical3A_946, %mul3A_947 : i32
        %multiple_of3A_949 = tpu.assume_multiple %mul3A_948, 128 : i32
        %dma_start3A_950 = arith.constant 0 : i32
        %dma_start3A_951 = tpu.memref_slice %arg3[%dma_start3A_950, %multiple_of3A_949] : memref<32x1000000xf32, #tpu.memory_space<hbm>> -> memref<32x128xf32, #tpu.memory_space<hbm>>
        %dma_start3A_952 = arith.constant 0 : i32
        %dma_start3A_953 = tpu.memref_slice %arg3[%dma_start3A_952, %multiple_of3A_949] : memref<32x1000000xf32, #tpu.memory_space<hbm>> -> memref<32x128xf32, #tpu.memory_space<hbm>>
        tpu.enqueue_dma source(%dma_start3A_953 : memref<32x128xf32, #tpu.memory_space<hbm>>) target(%arg13 : memref<32x128xf32, #tpu.memory_space<vmem>>) target_semaphore(%arg22 : memref<!tpu.dma_semaphore, #tpu.memory_space<semaphore_mem>>)
      } else {
      }
    }
    %scan3A_205 = arith.constant 8 : i32
    %add3A_206 = arith.constant 128 : i32
    %add3A_207 = arith.addi %mul3A_2, %add3A_206 : i32
    %multiple_of3A_208 = tpu.assume_multiple %add3A_207, 128 : i32
    "tpu.region"() ({
      %run_scoped3A = tpu.sem_alloc : memref<!tpu.dma_semaphore, #tpu.memory_space<semaphore_mem>>
      %dma_start3A_407 = arith.constant 0 : i32
      %dma_start3A_408 = tpu.memref_slice %arg4[%dma_start3A_407, %multiple_of3A_208] : memref<32x16384xf32, #tpu.memory_space<hbm>> -> memref<32x128xf32, #tpu.memory_space<hbm>>
      %dma_start3A_409 = arith.constant 0 : i32
      %dma_start3A_410 = tpu.memref_slice %arg4[%dma_start3A_409, %multiple_of3A_208] : memref<32x16384xf32, #tpu.memory_space<hbm>> -> memref<32x128xf32, #tpu.memory_space<hbm>>
      tpu.enqueue_dma source(%arg14 : memref<32x128xf32, #tpu.memory_space<vmem>>) target(%dma_start3A_410 : memref<32x128xf32, #tpu.memory_space<hbm>>) target_semaphore(%run_scoped3A : memref<!tpu.dma_semaphore, #tpu.memory_space<semaphore_mem>>)
      %dma_wait3A_411 = arith.constant 0 : i32
      %dma_wait3A_412 = tpu.memref_slice %arg4[%dma_wait3A_411, %multiple_of3A_208] : memref<32x16384xf32, #tpu.memory_space<hbm>> -> memref<32x128xf32, #tpu.memory_space<hbm>>
      %dma_wait3A_413 = arith.constant 0 : i32
      %dma_wait3A_414 = tpu.memref_slice %arg4[%dma_wait3A_413, %multiple_of3A_208] : memref<32x16384xf32, #tpu.memory_space<hbm>> -> memref<32x128xf32, #tpu.memory_space<hbm>>
      tpu.wait_dma2 semaphore(%run_scoped3A : memref<!tpu.dma_semaphore, #tpu.memory_space<semaphore_mem>>) src(%arg14 : memref<32x128xf32, #tpu.memory_space<vmem>>) dst(%dma_wait3A_414 : memref<32x128xf32, #tpu.memory_space<hbm>>)
      tpu.yield
    }) : () -> ()
    %get3A_209 = arith.constant 256 : index
    %get3A_210 = tpu.vector_load %arg5[%get3A_209] {strides = array<i32>} : memref<544xi32, #tpu.memory_space<vmem>>, vector<16xi32>,
    %slice3A_211 = vector.extract_strided_slice %get3A_210 {offsets = [0], sizes = [1], strides = [1]} : vector<16xi32> to vector<1xi32>
    %squeeze3A_212 = vector.extract %slice3A_211[0] : i32 from vector<1xi32>
    %shift_right_logical3A_213 = arith.constant 7 : i32
    %shift_right_logical3A_214 = arith.shrui %squeeze3A_212, %shift_right_logical3A_213 : i32
    %mul3A_215 = arith.constant 128 : i32
    %mul3A_216 = arith.muli %shift_right_logical3A_214, %mul3A_215 : i32
    %multiple_of3A_217 = tpu.assume_multiple %mul3A_216, 128 : i32
    %dma_start3A_218 = arith.constant 0 : i32
    %dma_start3A_219 = tpu.memref_slice %arg3[%dma_start3A_218, %multiple_of3A_217] : memref<32x1000000xf32, #tpu.memory_space<hbm>> -> memref<32x128xf32, #tpu.memory_space<hbm>>
    %dma_start3A_220 = arith.constant 0 : i32
    %dma_start3A_221 = tpu.memref_slice %arg3[%dma_start3A_220, %multiple_of3A_217] : memref<32x1000000xf32, #tpu.memory_space<hbm>> -> memref<32x128xf32, #tpu.memory_space<hbm>>
    tpu.enqueue_dma source(%dma_start3A_221 : memref<32x128xf32, #tpu.memory_space<hbm>>) target(%arg6 : memref<32x128xf32, #tpu.memory_space<vmem>>) target_semaphore(%arg15 : memref<!tpu.dma_semaphore, #tpu.memory_space<semaphore_mem>>)
    %slice3A_222 = vector.extract_strided_slice %get3A_210 {offsets = [1], sizes = [1], strides = [1]} : vector<16xi32> to vector<1xi32>
    %squeeze3A_223 = vector.extract %slice3A_222[0] : i32 from vector<1xi32>
    %shift_right_logical3A_224 = arith.constant 7 : i32
    %shift_right_logical3A_225 = arith.shrui %squeeze3A_223, %shift_right_logical3A_224 : i32
    %mul3A_226 = arith.constant 128 : i32
    %mul3A_227 = arith.muli %shift_right_logical3A_225, %mul3A_226 : i32
    %multiple_of3A_228 = tpu.assume_multiple %mul3A_227, 128 : i32
    %dma_start3A_229 = arith.constant 0 : i32
    %dma_start3A_230 = tpu.memref_slice %arg3[%dma_start3A_229, %multiple_of3A_228] : memref<32x1000000xf32, #tpu.memory_space<hbm>> -> memref<32x128xf32, #tpu.memory_space<hbm>>
    %dma_start3A_231 = arith.constant 0 : i32
    %dma_start3A_232 = tpu.memref_slice %arg3[%dma_start3A_231, %multiple_of3A_228] : memref<32x1000000xf32, #tpu.memory_space<hbm>> -> memref<32x128xf32, #tpu.memory_space<hbm>>
    tpu.enqueue_dma source(%dma_start3A_232 : memref<32x128xf32, #tpu.memory_space<hbm>>) target(%arg7 : memref<32x128xf32, #tpu.memory_space<vmem>>) target_semaphore(%arg16 : memref<!tpu.dma_semaphore, #tpu.memory_space<semaphore_mem>>)
    %slice3A_233 = vector.extract_strided_slice %get3A_210 {offsets = [2], sizes = [1], strides = [1]} : vector<16xi32> to vector<1xi32>
    %squeeze3A_234 = vector.extract %slice3A_233[0] : i32 from vector<1xi32>
    %shift_right_logical3A_235 = arith.constant 7 : i32
    %shift_right_logical3A_236 = arith.shrui %squeeze3A_234, %shift_right_logical3A_235 : i32
    %mul3A_237 = arith.constant 128 : i32
    %mul3A_238 = arith.muli %shift_right_logical3A_236, %mul3A_237 : i32
    %multiple_of3A_239 = tpu.assume_multiple %mul3A_238, 128 : i32
    %dma_start3A_240 = arith.constant 0 : i32
    %dma_start3A_241 = tpu.memref_slice %arg3[%dma_start3A_240, %multiple_of3A_239] : memref<32x1000000xf32, #tpu.memory_space<hbm>> -> memref<32x128xf32, #tpu.memory_space<hbm>>
    %dma_start3A_242 = arith.constant 0 : i32
    %dma_start3A_243 = tpu.memref_slice %arg3[%dma_start3A_242, %multiple_of3A_239] : memref<32x1000000xf32, #tpu.memory_space<hbm>> -> memref<32x128xf32, #tpu.memory_space<hbm>>
    tpu.enqueue_dma source(%dma_start3A_243 : memref<32x128xf32, #tpu.memory_space<hbm>>) target(%arg8 : memref<32x128xf32, #tpu.memory_space<vmem>>) target_semaphore(%arg17 : memref<!tpu.dma_semaphore, #tpu.memory_space<semaphore_mem>>)
    %slice3A_244 = vector.extract_strided_slice %get3A_210 {offsets = [3], sizes = [1], strides = [1]} : vector<16xi32> to vector<1xi32>
    %squeeze3A_245 = vector.extract %slice3A_244[0] : i32 from vector<1xi32>
    %shift_right_logical3A_246 = arith.constant 7 : i32
    %shift_right_logical3A_247 = arith.shrui %squeeze3A_245, %shift_right_logical3A_246 : i32
    %mul3A_248 = arith.constant 128 : i32
    %mul3A_249 = arith.muli %shift_right_logical3A_247, %mul3A_248 : i32
    %multiple_of3A_250 = tpu.assume_multiple %mul3A_249, 128 : i32
    %dma_start3A_251 = arith.constant 0 : i32
    %dma_start3A_252 = tpu.memref_slice %arg3[%dma_start3A_251, %multiple_of3A_250] : memref<32x1000000xf32, #tpu.memory_space<hbm>> -> memref<32x128xf32, #tpu.memory_space<hbm>>
    %dma_start3A_253 = arith.constant 0 : i32
    %dma_start3A_254 = tpu.memref_slice %arg3[%dma_start3A_253, %multiple_of3A_250] : memref<32x1000000xf32, #tpu.memory_space<hbm>> -> memref<32x128xf32, #tpu.memory_space<hbm>>
    tpu.enqueue_dma source(%dma_start3A_254 : memref<32x128xf32, #tpu.memory_space<hbm>>) target(%arg9 : memref<32x128xf32, #tpu.memory_space<vmem>>) target_semaphore(%arg18 : memref<!tpu.dma_semaphore, #tpu.memory_space<semaphore_mem>>)
    %slice3A_255 = vector.extract_strided_slice %get3A_210 {offsets = [4], sizes = [1], strides = [1]} : vector<16xi32> to vector<1xi32>
    %squeeze3A_256 = vector.extract %slice3A_255[0] : i32 from vector<1xi32>
    %shift_right_logical3A_257 = arith.constant 7 : i32
    %shift_right_logical3A_258 = arith.shrui %squeeze3A_256, %shift_right_logical3A_257 : i32
    %mul3A_259 = arith.constant 128 : i32
    %mul3A_260 = arith.muli %shift_right_logical3A_258, %mul3A_259 : i32
    %multiple_of3A_261 = tpu.assume_multiple %mul3A_260, 128 : i32
    %dma_start3A_262 = arith.constant 0 : i32
    %dma_start3A_263 = tpu.memref_slice %arg3[%dma_start3A_262, %multiple_of3A_261] : memref<32x1000000xf32, #tpu.memory_space<hbm>> -> memref<32x128xf32, #tpu.memory_space<hbm>>
    %dma_start3A_264 = arith.constant 0 : i32
    %dma_start3A_265 = tpu.memref_slice %arg3[%dma_start3A_264, %multiple_of3A_261] : memref<32x1000000xf32, #tpu.memory_space<hbm>> -> memref<32x128xf32, #tpu.memory_space<hbm>>
    tpu.enqueue_dma source(%dma_start3A_265 : memref<32x128xf32, #tpu.memory_space<hbm>>) target(%arg10 : memref<32x128xf32, #tpu.memory_space<vmem>>) target_semaphore(%arg19 : memref<!tpu.dma_semaphore, #tpu.memory_space<semaphore_mem>>)
    %slice3A_266 = vector.extract_strided_slice %get3A_210 {offsets = [5], sizes = [1], strides = [1]} : vector<16xi32> to vector<1xi32>
    %squeeze3A_267 = vector.extract %slice3A_266[0] : i32 from vector<1xi32>
    %shift_right_logical3A_268 = arith.constant 7 : i32
    %shift_right_logical3A_269 = arith.shrui %squeeze3A_267, %shift_right_logical3A_268 : i32
    %mul3A_270 = arith.constant 128 : i32
    %mul3A_271 = arith.muli %shift_right_logical3A_269, %mul3A_270 : i32
    %multiple_of3A_272 = tpu.assume_multiple %mul3A_271, 128 : i32
    %dma_start3A_273 = arith.constant 0 : i32
    %dma_start3A_274 = tpu.memref_slice %arg3[%dma_start3A_273, %multiple_of3A_272] : memref<32x1000000xf32, #tpu.memory_space<hbm>> -> memref<32x128xf32, #tpu.memory_space<hbm>>
    %dma_start3A_275 = arith.constant 0 : i32
    %dma_start3A_276 = tpu.memref_slice %arg3[%dma_start3A_275, %multiple_of3A_272] : memref<32x1000000xf32, #tpu.memory_space<hbm>> -> memref<32x128xf32, #tpu.memory_space<hbm>>
    tpu.enqueue_dma source(%dma_start3A_276 : memref<32x128xf32, #tpu.memory_space<hbm>>) target(%arg11 : memref<32x128xf32, #tpu.memory_space<vmem>>) target_semaphore(%arg20 : memref<!tpu.dma_semaphore, #tpu.memory_space<semaphore_mem>>)
    %slice3A_277 = vector.extract_strided_slice %get3A_210 {offsets = [6], sizes = [1], strides = [1]} : vector<16xi32> to vector<1xi32>
    %squeeze3A_278 = vector.extract %slice3A_277[0] : i32 from vector<1xi32>
    %shift_right_logical3A_279 = arith.constant 7 : i32
    %shift_right_logical3A_280 = arith.shrui %squeeze3A_278, %shift_right_logical3A_279 : i32
    %mul3A_281 = arith.constant 128 : i32
    %mul3A_282 = arith.muli %shift_right_logical3A_280, %mul3A_281 : i32
    %multiple_of3A_283 = tpu.assume_multiple %mul3A_282, 128 : i32
    %dma_start3A_284 = arith.constant 0 : i32
    %dma_start3A_285 = tpu.memref_slice %arg3[%dma_start3A_284, %multiple_of3A_283] : memref<32x1000000xf32, #tpu.memory_space<hbm>> -> memref<32x128xf32, #tpu.memory_space<hbm>>
    %dma_start3A_286 = arith.constant 0 : i32
    %dma_start3A_287 = tpu.memref_slice %arg3[%dma_start3A_286, %multiple_of3A_283] : memref<32x1000000xf32, #tpu.memory_space<hbm>> -> memref<32x128xf32, #tpu.memory_space<hbm>>
    tpu.enqueue_dma source(%dma_start3A_287 : memref<32x128xf32, #tpu.memory_space<hbm>>) target(%arg12 : memref<32x128xf32, #tpu.memory_space<vmem>>) target_semaphore(%arg21 : memref<!tpu.dma_semaphore, #tpu.memory_space<semaphore_mem>>)
    %slice3A_288 = vector.extract_strided_slice %get3A_210 {offsets = [7], sizes = [1], strides = [1]} : vector<16xi32> to vector<1xi32>
    %squeeze3A_289 = vector.extract %slice3A_288[0] : i32 from vector<1xi32>
    %shift_right_logical3A_290 = arith.constant 7 : i32
    %shift_right_logical3A_291 = arith.shrui %squeeze3A_289, %shift_right_logical3A_290 : i32
    %mul3A_292 = arith.constant 128 : i32
    %mul3A_293 = arith.muli %shift_right_logical3A_291, %mul3A_292 : i32
    %multiple_of3A_294 = tpu.assume_multiple %mul3A_293, 128 : i32
    %dma_start3A_295 = arith.constant 0 : i32
    %dma_start3A_296 = tpu.memref_slice %arg3[%dma_start3A_295, %multiple_of3A_294] : memref<32x1000000xf32, #tpu.memory_space<hbm>> -> memref<32x128xf32, #tpu.memory_space<hbm>>
    %dma_start3A_297 = arith.constant 0 : i32
    %dma_start3A_298 = tpu.memref_slice %arg3[%dma_start3A_297, %multiple_of3A_294] : memref<32x1000000xf32, #tpu.memory_space<hbm>> -> memref<32x128xf32, #tpu.memory_space<hbm>>
    tpu.enqueue_dma source(%dma_start3A_298 : memref<32x128xf32, #tpu.memory_space<hbm>>) target(%arg13 : memref<32x128xf32, #tpu.memory_space<vmem>>) target_semaphore(%arg22 : memref<!tpu.dma_semaphore, #tpu.memory_space<semaphore_mem>>)
    %scan3A_299 = arith.constant 0 : i32
    %scan3A_300 = arith.constant 0 : i32
    %scan3A_301 = arith.constant 8 : i32
    %scan3A_302 = arith.addi %scan3A_300, %scan3A_301 : i32
    %scan3A_303 = arith.constant 1 : i32
    scf.for %scan3A_407 = %scan3A_300 to %scan3A_302 step %scan3A_303  : i32 {
      %mul3A_408 = arith.constant 16 : i32
      %mul3A_409 = arith.muli %scan3A_407, %mul3A_408 : i32
      %add3A_410 = arith.constant 256 : i32
      %add3A_411 = arith.addi %add3A_410, %mul3A_409 : i32
      %get3A_412 = arith.index_cast %add3A_411 : i32 to index
      %get3A_413 = tpu.vector_load %arg5[%get3A_412] {strides = array<i32>} : memref<544xi32, #tpu.memory_space<vmem>>, vector<16xi32>,
      %mul3A_414 = arith.constant 16 : i32
      %mul3A_415 = arith.muli %scan3A_407, %mul3A_414 : i32
      %add3A_416 = arith.constant 256 : i32
      %add3A_417 = arith.addi %add3A_416, %mul3A_415 : i32
      %add3A_418 = arith.constant 16 : i32
      %add3A_419 = arith.addi %add3A_417, %add3A_418 : i32
      %get3A_420 = arith.index_cast %add3A_419 : i32 to index
      %get3A_421 = tpu.vector_load %arg5[%get3A_420] {strides = array<i32>} : memref<544xi32, #tpu.memory_space<vmem>>, vector<16xi32>,
      %mul3A_422 = arith.constant 16 : i32
      %mul3A_423 = arith.muli %scan3A_407, %mul3A_422 : i32
      %add3A_424 = arith.constant 0 : i32
      %add3A_425 = arith.addi %mul3A_423, %add3A_424 : i32
      %dma_wait3A_426 = arith.constant 0 : i32
      %dma_wait3A_427 = arith.constant 0 : i32
      %dma_wait3A_428 = tpu.memref_slice %arg3[%dma_wait3A_426, %dma_wait3A_427] : memref<32x1000000xf32, #tpu.memory_space<hbm>> -> memref<32x128xf32, #tpu.memory_space<hbm>>
      %dma_wait3A_429 = arith.constant 0 : i32
      %dma_wait3A_430 = arith.constant 0 : i32
      %dma_wait3A_431 = tpu.memref_slice %arg3[%dma_wait3A_429, %dma_wait3A_430] : memref<32x1000000xf32, #tpu.memory_space<hbm>> -> memref<32x128xf32, #tpu.memory_space<hbm>>
      tpu.wait_dma2 semaphore(%arg15 : memref<!tpu.dma_semaphore, #tpu.memory_space<semaphore_mem>>) src(%dma_wait3A_431 : memref<32x128xf32, #tpu.memory_space<hbm>>) dst(%arg6 : memref<32x128xf32, #tpu.memory_space<vmem>>)
      %slice3A_432 = vector.extract_strided_slice %get3A_413 {offsets = [0], sizes = [1], strides = [1]} : vector<16xi32> to vector<1xi32>
      %squeeze3A_433 = vector.extract %slice3A_432[0] : i32 from vector<1xi32>
      %and3A = arith.constant 127 : i32
      %and3A_434 = arith.andi %squeeze3A_433, %and3A : i32
      %broadcast_in_dim3A_435 = vector.broadcast %and3A_434 : i32 to vector<16xi32>
      %broadcast_in_dim3A_436 = vector.broadcast %add3A_425 : i32 to vector<16xi32>
      %gather3A = tpu.vector_load_idx %arg6[%iota3A, %broadcast_in_dim3A_435] : memref<32x128xf32, #tpu.memory_space<vmem>>[vector<16xi32>, vector<16xi32>], vector<16xf32>,
      %add3A_437 = arith.constant 16 : i32
      %add3A_438 = vector.broadcast %add3A_437 : i32 to vector<16xi32>
      %add3A_439 = arith.addi %iota3A, %add3A_438 : vector<16xi32>
      %gather3A_440 = tpu.vector_load_idx %arg6[%add3A_439, %broadcast_in_dim3A_435] : memref<32x128xf32, #tpu.memory_space<vmem>>[vector<16xi32>, vector<16xi32>], vector<16xf32>,
      tpu.vector_store_idx %arg14[%iota3A, %broadcast_in_dim3A_436], %gather3A : memref<32x128xf32, #tpu.memory_space<vmem>>[vector<16xi32>, vector<16xi32>], vector<16xf32>,
      %add3A_441 = arith.constant 16 : i32
      %add3A_442 = vector.broadcast %add3A_441 : i32 to vector<16xi32>
      %add3A_443 = arith.addi %iota3A, %add3A_442 : vector<16xi32>
      tpu.vector_store_idx %arg14[%add3A_443, %broadcast_in_dim3A_436], %gather3A_440 : memref<32x128xf32, #tpu.memory_space<vmem>>[vector<16xi32>, vector<16xi32>], vector<16xf32>,
      %slice3A_444 = vector.extract_strided_slice %get3A_413 {offsets = [8], sizes = [1], strides = [1]} : vector<16xi32> to vector<1xi32>
      %squeeze3A_445 = vector.extract %slice3A_444[0] : i32 from vector<1xi32>
      %shift_right_logical3A_446 = arith.constant 7 : i32
      %shift_right_logical3A_447 = arith.shrui %squeeze3A_445, %shift_right_logical3A_446 : i32
      %mul3A_448 = arith.constant 128 : i32
      %mul3A_449 = arith.muli %shift_right_logical3A_447, %mul3A_448 : i32
      %multiple_of3A_450 = tpu.assume_multiple %mul3A_449, 128 : i32
      %dma_start3A_451 = arith.constant 0 : i32
      %dma_start3A_452 = tpu.memref_slice %arg3[%dma_start3A_451, %multiple_of3A_450] : memref<32x1000000xf32, #tpu.memory_space<hbm>> -> memref<32x128xf32, #tpu.memory_space<hbm>>
      %dma_start3A_453 = arith.constant 0 : i32
      %dma_start3A_454 = tpu.memref_slice %arg3[%dma_start3A_453, %multiple_of3A_450] : memref<32x1000000xf32, #tpu.memory_space<hbm>> -> memref<32x128xf32, #tpu.memory_space<hbm>>
      tpu.enqueue_dma source(%dma_start3A_454 : memref<32x128xf32, #tpu.memory_space<hbm>>) target(%arg6 : memref<32x128xf32, #tpu.memory_space<vmem>>) target_semaphore(%arg15 : memref<!tpu.dma_semaphore, #tpu.memory_space<semaphore_mem>>)
      %mul3A_455 = arith.constant 16 : i32
      %mul3A_456 = arith.muli %scan3A_407, %mul3A_455 : i32
      %add3A_457 = arith.constant 1 : i32
      %add3A_458 = arith.addi %mul3A_456, %add3A_457 : i32
      %dma_wait3A_459 = arith.constant 0 : i32
      %dma_wait3A_460 = arith.constant 0 : i32
      %dma_wait3A_461 = tpu.memref_slice %arg3[%dma_wait3A_459, %dma_wait3A_460] : memref<32x1000000xf32, #tpu.memory_space<hbm>> -> memref<32x128xf32, #tpu.memory_space<hbm>>
      %dma_wait3A_462 = arith.constant 0 : i32
      %dma_wait3A_463 = arith.constant 0 : i32
      %dma_wait3A_464 = tpu.memref_slice %arg3[%dma_wait3A_462, %dma_wait3A_463] : memref<32x1000000xf32, #tpu.memory_space<hbm>> -> memref<32x128xf32, #tpu.memory_space<hbm>>
      tpu.wait_dma2 semaphore(%arg16 : memref<!tpu.dma_semaphore, #tpu.memory_space<semaphore_mem>>) src(%dma_wait3A_464 : memref<32x128xf32, #tpu.memory_space<hbm>>) dst(%arg7 : memref<32x128xf32, #tpu.memory_space<vmem>>)
      %slice3A_465 = vector.extract_strided_slice %get3A_413 {offsets = [1], sizes = [1], strides = [1]} : vector<16xi32> to vector<1xi32>
      %squeeze3A_466 = vector.extract %slice3A_465[0] : i32 from vector<1xi32>
      %and3A_467 = arith.constant 127 : i32
      %and3A_468 = arith.andi %squeeze3A_466, %and3A_467 : i32
      %broadcast_in_dim3A_469 = vector.broadcast %and3A_468 : i32 to vector<16xi32>
      %broadcast_in_dim3A_470 = vector.broadcast %add3A_458 : i32 to vector<16xi32>
      %gather3A_471 = tpu.vector_load_idx %arg7[%iota3A, %broadcast_in_dim3A_469] : memref<32x128xf32, #tpu.memory_space<vmem>>[vector<16xi32>, vector<16xi32>], vector<16xf32>,
      %add3A_472 = arith.constant 16 : i32
      %add3A_473 = vector.broadcast %add3A_472 : i32 to vector<16xi32>
      %add3A_474 = arith.addi %iota3A, %add3A_473 : vector<16xi32>
      %gather3A_475 = tpu.vector_load_idx %arg7[%add3A_474, %broadcast_in_dim3A_469] : memref<32x128xf32, #tpu.memory_space<vmem>>[vector<16xi32>, vector<16xi32>], vector<16xf32>,
      tpu.vector_store_idx %arg14[%iota3A, %broadcast_in_dim3A_470], %gather3A_471 : memref<32x128xf32, #tpu.memory_space<vmem>>[vector<16xi32>, vector<16xi32>], vector<16xf32>,
      %add3A_476 = arith.constant 16 : i32
      %add3A_477 = vector.broadcast %add3A_476 : i32 to vector<16xi32>
      %add3A_478 = arith.addi %iota3A, %add3A_477 : vector<16xi32>
      tpu.vector_store_idx %arg14[%add3A_478, %broadcast_in_dim3A_470], %gather3A_475 : memref<32x128xf32, #tpu.memory_space<vmem>>[vector<16xi32>, vector<16xi32>], vector<16xf32>,
      %slice3A_479 = vector.extract_strided_slice %get3A_413 {offsets = [9], sizes = [1], strides = [1]} : vector<16xi32> to vector<1xi32>
      %squeeze3A_480 = vector.extract %slice3A_479[0] : i32 from vector<1xi32>
      %shift_right_logical3A_481 = arith.constant 7 : i32
      %shift_right_logical3A_482 = arith.shrui %squeeze3A_480, %shift_right_logical3A_481 : i32
      %mul3A_483 = arith.constant 128 : i32
      %mul3A_484 = arith.muli %shift_right_logical3A_482, %mul3A_483 : i32
      %multiple_of3A_485 = tpu.assume_multiple %mul3A_484, 128 : i32
      %dma_start3A_486 = arith.constant 0 : i32
      %dma_start3A_487 = tpu.memref_slice %arg3[%dma_start3A_486, %multiple_of3A_485] : memref<32x1000000xf32, #tpu.memory_space<hbm>> -> memref<32x128xf32, #tpu.memory_space<hbm>>
      %dma_start3A_488 = arith.constant 0 : i32
      %dma_start3A_489 = tpu.memref_slice %arg3[%dma_start3A_488, %multiple_of3A_485] : memref<32x1000000xf32, #tpu.memory_space<hbm>> -> memref<32x128xf32, #tpu.memory_space<hbm>>
      tpu.enqueue_dma source(%dma_start3A_489 : memref<32x128xf32, #tpu.memory_space<hbm>>) target(%arg7 : memref<32x128xf32, #tpu.memory_space<vmem>>) target_semaphore(%arg16 : memref<!tpu.dma_semaphore, #tpu.memory_space<semaphore_mem>>)
      %mul3A_490 = arith.constant 16 : i32
      %mul3A_491 = arith.muli %scan3A_407, %mul3A_490 : i32
      %add3A_492 = arith.constant 2 : i32
      %add3A_493 = arith.addi %mul3A_491, %add3A_492 : i32
      %dma_wait3A_494 = arith.constant 0 : i32
      %dma_wait3A_495 = arith.constant 0 : i32
      %dma_wait3A_496 = tpu.memref_slice %arg3[%dma_wait3A_494, %dma_wait3A_495] : memref<32x1000000xf32, #tpu.memory_space<hbm>> -> memref<32x128xf32, #tpu.memory_space<hbm>>
      %dma_wait3A_497 = arith.constant 0 : i32
      %dma_wait3A_498 = arith.constant 0 : i32
      %dma_wait3A_499 = tpu.memref_slice %arg3[%dma_wait3A_497, %dma_wait3A_498] : memref<32x1000000xf32, #tpu.memory_space<hbm>> -> memref<32x128xf32, #tpu.memory_space<hbm>>
      tpu.wait_dma2 semaphore(%arg17 : memref<!tpu.dma_semaphore, #tpu.memory_space<semaphore_mem>>) src(%dma_wait3A_499 : memref<32x128xf32, #tpu.memory_space<hbm>>) dst(%arg8 : memref<32x128xf32, #tpu.memory_space<vmem>>)
      %slice3A_500 = vector.extract_strided_slice %get3A_413 {offsets = [2], sizes = [1], strides = [1]} : vector<16xi32> to vector<1xi32>
      %squeeze3A_501 = vector.extract %slice3A_500[0] : i32 from vector<1xi32>
      %and3A_502 = arith.constant 127 : i32
      %and3A_503 = arith.andi %squeeze3A_501, %and3A_502 : i32
      %broadcast_in_dim3A_504 = vector.broadcast %and3A_503 : i32 to vector<16xi32>
      %broadcast_in_dim3A_505 = vector.broadcast %add3A_493 : i32 to vector<16xi32>
      %gather3A_506 = tpu.vector_load_idx %arg8[%iota3A, %broadcast_in_dim3A_504] : memref<32x128xf32, #tpu.memory_space<vmem>>[vector<16xi32>, vector<16xi32>], vector<16xf32>,
      %add3A_507 = arith.constant 16 : i32
      %add3A_508 = vector.broadcast %add3A_507 : i32 to vector<16xi32>
      %add3A_509 = arith.addi %iota3A, %add3A_508 : vector<16xi32>
      %gather3A_510 = tpu.vector_load_idx %arg8[%add3A_509, %broadcast_in_dim3A_504] : memref<32x128xf32, #tpu.memory_space<vmem>>[vector<16xi32>, vector<16xi32>], vector<16xf32>,
      tpu.vector_store_idx %arg14[%iota3A, %broadcast_in_dim3A_505], %gather3A_506 : memref<32x128xf32, #tpu.memory_space<vmem>>[vector<16xi32>, vector<16xi32>], vector<16xf32>,
      %add3A_511 = arith.constant 16 : i32
      %add3A_512 = vector.broadcast %add3A_511 : i32 to vector<16xi32>
      %add3A_513 = arith.addi %iota3A, %add3A_512 : vector<16xi32>
      tpu.vector_store_idx %arg14[%add3A_513, %broadcast_in_dim3A_505], %gather3A_510 : memref<32x128xf32, #tpu.memory_space<vmem>>[vector<16xi32>, vector<16xi32>], vector<16xf32>,
      %slice3A_514 = vector.extract_strided_slice %get3A_413 {offsets = [10], sizes = [1], strides = [1]} : vector<16xi32> to vector<1xi32>
      %squeeze3A_515 = vector.extract %slice3A_514[0] : i32 from vector<1xi32>
      %shift_right_logical3A_516 = arith.constant 7 : i32
      %shift_right_logical3A_517 = arith.shrui %squeeze3A_515, %shift_right_logical3A_516 : i32
      %mul3A_518 = arith.constant 128 : i32
      %mul3A_519 = arith.muli %shift_right_logical3A_517, %mul3A_518 : i32
      %multiple_of3A_520 = tpu.assume_multiple %mul3A_519, 128 : i32
      %dma_start3A_521 = arith.constant 0 : i32
      %dma_start3A_522 = tpu.memref_slice %arg3[%dma_start3A_521, %multiple_of3A_520] : memref<32x1000000xf32, #tpu.memory_space<hbm>> -> memref<32x128xf32, #tpu.memory_space<hbm>>
      %dma_start3A_523 = arith.constant 0 : i32
      %dma_start3A_524 = tpu.memref_slice %arg3[%dma_start3A_523, %multiple_of3A_520] : memref<32x1000000xf32, #tpu.memory_space<hbm>> -> memref<32x128xf32, #tpu.memory_space<hbm>>
      tpu.enqueue_dma source(%dma_start3A_524 : memref<32x128xf32, #tpu.memory_space<hbm>>) target(%arg8 : memref<32x128xf32, #tpu.memory_space<vmem>>) target_semaphore(%arg17 : memref<!tpu.dma_semaphore, #tpu.memory_space<semaphore_mem>>)
      %mul3A_525 = arith.constant 16 : i32
      %mul3A_526 = arith.muli %scan3A_407, %mul3A_525 : i32
      %add3A_527 = arith.constant 3 : i32
      %add3A_528 = arith.addi %mul3A_526, %add3A_527 : i32
      %dma_wait3A_529 = arith.constant 0 : i32
      %dma_wait3A_530 = arith.constant 0 : i32
      %dma_wait3A_531 = tpu.memref_slice %arg3[%dma_wait3A_529, %dma_wait3A_530] : memref<32x1000000xf32, #tpu.memory_space<hbm>> -> memref<32x128xf32, #tpu.memory_space<hbm>>
      %dma_wait3A_532 = arith.constant 0 : i32
      %dma_wait3A_533 = arith.constant 0 : i32
      %dma_wait3A_534 = tpu.memref_slice %arg3[%dma_wait3A_532, %dma_wait3A_533] : memref<32x1000000xf32, #tpu.memory_space<hbm>> -> memref<32x128xf32, #tpu.memory_space<hbm>>
      tpu.wait_dma2 semaphore(%arg18 : memref<!tpu.dma_semaphore, #tpu.memory_space<semaphore_mem>>) src(%dma_wait3A_534 : memref<32x128xf32, #tpu.memory_space<hbm>>) dst(%arg9 : memref<32x128xf32, #tpu.memory_space<vmem>>)
      %slice3A_535 = vector.extract_strided_slice %get3A_413 {offsets = [3], sizes = [1], strides = [1]} : vector<16xi32> to vector<1xi32>
      %squeeze3A_536 = vector.extract %slice3A_535[0] : i32 from vector<1xi32>
      %and3A_537 = arith.constant 127 : i32
      %and3A_538 = arith.andi %squeeze3A_536, %and3A_537 : i32
      %broadcast_in_dim3A_539 = vector.broadcast %and3A_538 : i32 to vector<16xi32>
      %broadcast_in_dim3A_540 = vector.broadcast %add3A_528 : i32 to vector<16xi32>
      %gather3A_541 = tpu.vector_load_idx %arg9[%iota3A, %broadcast_in_dim3A_539] : memref<32x128xf32, #tpu.memory_space<vmem>>[vector<16xi32>, vector<16xi32>], vector<16xf32>,
      %add3A_542 = arith.constant 16 : i32
      %add3A_543 = vector.broadcast %add3A_542 : i32 to vector<16xi32>
      %add3A_544 = arith.addi %iota3A, %add3A_543 : vector<16xi32>
      %gather3A_545 = tpu.vector_load_idx %arg9[%add3A_544, %broadcast_in_dim3A_539] : memref<32x128xf32, #tpu.memory_space<vmem>>[vector<16xi32>, vector<16xi32>], vector<16xf32>,
      tpu.vector_store_idx %arg14[%iota3A, %broadcast_in_dim3A_540], %gather3A_541 : memref<32x128xf32, #tpu.memory_space<vmem>>[vector<16xi32>, vector<16xi32>], vector<16xf32>,
      %add3A_546 = arith.constant 16 : i32
      %add3A_547 = vector.broadcast %add3A_546 : i32 to vector<16xi32>
      %add3A_548 = arith.addi %iota3A, %add3A_547 : vector<16xi32>
      tpu.vector_store_idx %arg14[%add3A_548, %broadcast_in_dim3A_540], %gather3A_545 : memref<32x128xf32, #tpu.memory_space<vmem>>[vector<16xi32>, vector<16xi32>], vector<16xf32>,
      %slice3A_549 = vector.extract_strided_slice %get3A_413 {offsets = [11], sizes = [1], strides = [1]} : vector<16xi32> to vector<1xi32>
      %squeeze3A_550 = vector.extract %slice3A_549[0] : i32 from vector<1xi32>
      %shift_right_logical3A_551 = arith.constant 7 : i32
      %shift_right_logical3A_552 = arith.shrui %squeeze3A_550, %shift_right_logical3A_551 : i32
      %mul3A_553 = arith.constant 128 : i32
      %mul3A_554 = arith.muli %shift_right_logical3A_552, %mul3A_553 : i32
      %multiple_of3A_555 = tpu.assume_multiple %mul3A_554, 128 : i32
      %dma_start3A_556 = arith.constant 0 : i32
      %dma_start3A_557 = tpu.memref_slice %arg3[%dma_start3A_556, %multiple_of3A_555] : memref<32x1000000xf32, #tpu.memory_space<hbm>> -> memref<32x128xf32, #tpu.memory_space<hbm>>
      %dma_start3A_558 = arith.constant 0 : i32
      %dma_start3A_559 = tpu.memref_slice %arg3[%dma_start3A_558, %multiple_of3A_555] : memref<32x1000000xf32, #tpu.memory_space<hbm>> -> memref<32x128xf32, #tpu.memory_space<hbm>>
      tpu.enqueue_dma source(%dma_start3A_559 : memref<32x128xf32, #tpu.memory_space<hbm>>) target(%arg9 : memref<32x128xf32, #tpu.memory_space<vmem>>) target_semaphore(%arg18 : memref<!tpu.dma_semaphore, #tpu.memory_space<semaphore_mem>>)
      %mul3A_560 = arith.constant 16 : i32
      %mul3A_561 = arith.muli %scan3A_407, %mul3A_560 : i32
      %add3A_562 = arith.constant 4 : i32
      %add3A_563 = arith.addi %mul3A_561, %add3A_562 : i32
      %dma_wait3A_564 = arith.constant 0 : i32
      %dma_wait3A_565 = arith.constant 0 : i32
      %dma_wait3A_566 = tpu.memref_slice %arg3[%dma_wait3A_564, %dma_wait3A_565] : memref<32x1000000xf32, #tpu.memory_space<hbm>> -> memref<32x128xf32, #tpu.memory_space<hbm>>
      %dma_wait3A_567 = arith.constant 0 : i32
      %dma_wait3A_568 = arith.constant 0 : i32
      %dma_wait3A_569 = tpu.memref_slice %arg3[%dma_wait3A_567, %dma_wait3A_568] : memref<32x1000000xf32, #tpu.memory_space<hbm>> -> memref<32x128xf32, #tpu.memory_space<hbm>>
      tpu.wait_dma2 semaphore(%arg19 : memref<!tpu.dma_semaphore, #tpu.memory_space<semaphore_mem>>) src(%dma_wait3A_569 : memref<32x128xf32, #tpu.memory_space<hbm>>) dst(%arg10 : memref<32x128xf32, #tpu.memory_space<vmem>>)
      %slice3A_570 = vector.extract_strided_slice %get3A_413 {offsets = [4], sizes = [1], strides = [1]} : vector<16xi32> to vector<1xi32>
      %squeeze3A_571 = vector.extract %slice3A_570[0] : i32 from vector<1xi32>
      %and3A_572 = arith.constant 127 : i32
      %and3A_573 = arith.andi %squeeze3A_571, %and3A_572 : i32
      %broadcast_in_dim3A_574 = vector.broadcast %and3A_573 : i32 to vector<16xi32>
      %broadcast_in_dim3A_575 = vector.broadcast %add3A_563 : i32 to vector<16xi32>
      %gather3A_576 = tpu.vector_load_idx %arg10[%iota3A, %broadcast_in_dim3A_574] : memref<32x128xf32, #tpu.memory_space<vmem>>[vector<16xi32>, vector<16xi32>], vector<16xf32>,
      %add3A_577 = arith.constant 16 : i32
      %add3A_578 = vector.broadcast %add3A_577 : i32 to vector<16xi32>
      %add3A_579 = arith.addi %iota3A, %add3A_578 : vector<16xi32>
      %gather3A_580 = tpu.vector_load_idx %arg10[%add3A_579, %broadcast_in_dim3A_574] : memref<32x128xf32, #tpu.memory_space<vmem>>[vector<16xi32>, vector<16xi32>], vector<16xf32>,
      tpu.vector_store_idx %arg14[%iota3A, %broadcast_in_dim3A_575], %gather3A_576 : memref<32x128xf32, #tpu.memory_space<vmem>>[vector<16xi32>, vector<16xi32>], vector<16xf32>,
      %add3A_581 = arith.constant 16 : i32
      %add3A_582 = vector.broadcast %add3A_581 : i32 to vector<16xi32>
      %add3A_583 = arith.addi %iota3A, %add3A_582 : vector<16xi32>
      tpu.vector_store_idx %arg14[%add3A_583, %broadcast_in_dim3A_575], %gather3A_580 : memref<32x128xf32, #tpu.memory_space<vmem>>[vector<16xi32>, vector<16xi32>], vector<16xf32>,
      %slice3A_584 = vector.extract_strided_slice %get3A_413 {offsets = [12], sizes = [1], strides = [1]} : vector<16xi32> to vector<1xi32>
      %squeeze3A_585 = vector.extract %slice3A_584[0] : i32 from vector<1xi32>
      %shift_right_logical3A_586 = arith.constant 7 : i32
      %shift_right_logical3A_587 = arith.shrui %squeeze3A_585, %shift_right_logical3A_586 : i32
      %mul3A_588 = arith.constant 128 : i32
      %mul3A_589 = arith.muli %shift_right_logical3A_587, %mul3A_588 : i32
      %multiple_of3A_590 = tpu.assume_multiple %mul3A_589, 128 : i32
      %dma_start3A_591 = arith.constant 0 : i32
      %dma_start3A_592 = tpu.memref_slice %arg3[%dma_start3A_591, %multiple_of3A_590] : memref<32x1000000xf32, #tpu.memory_space<hbm>> -> memref<32x128xf32, #tpu.memory_space<hbm>>
      %dma_start3A_593 = arith.constant 0 : i32
      %dma_start3A_594 = tpu.memref_slice %arg3[%dma_start3A_593, %multiple_of3A_590] : memref<32x1000000xf32, #tpu.memory_space<hbm>> -> memref<32x128xf32, #tpu.memory_space<hbm>>
      tpu.enqueue_dma source(%dma_start3A_594 : memref<32x128xf32, #tpu.memory_space<hbm>>) target(%arg10 : memref<32x128xf32, #tpu.memory_space<vmem>>) target_semaphore(%arg19 : memref<!tpu.dma_semaphore, #tpu.memory_space<semaphore_mem>>)
      %mul3A_595 = arith.constant 16 : i32
      %mul3A_596 = arith.muli %scan3A_407, %mul3A_595 : i32
      %add3A_597 = arith.constant 5 : i32
      %add3A_598 = arith.addi %mul3A_596, %add3A_597 : i32
      %dma_wait3A_599 = arith.constant 0 : i32
      %dma_wait3A_600 = arith.constant 0 : i32
      %dma_wait3A_601 = tpu.memref_slice %arg3[%dma_wait3A_599, %dma_wait3A_600] : memref<32x1000000xf32, #tpu.memory_space<hbm>> -> memref<32x128xf32, #tpu.memory_space<hbm>>
      %dma_wait3A_602 = arith.constant 0 : i32
      %dma_wait3A_603 = arith.constant 0 : i32
      %dma_wait3A_604 = tpu.memref_slice %arg3[%dma_wait3A_602, %dma_wait3A_603] : memref<32x1000000xf32, #tpu.memory_space<hbm>> -> memref<32x128xf32, #tpu.memory_space<hbm>>
      tpu.wait_dma2 semaphore(%arg20 : memref<!tpu.dma_semaphore, #tpu.memory_space<semaphore_mem>>) src(%dma_wait3A_604 : memref<32x128xf32, #tpu.memory_space<hbm>>) dst(%arg11 : memref<32x128xf32, #tpu.memory_space<vmem>>)
      %slice3A_605 = vector.extract_strided_slice %get3A_413 {offsets = [5], sizes = [1], strides = [1]} : vector<16xi32> to vector<1xi32>
      %squeeze3A_606 = vector.extract %slice3A_605[0] : i32 from vector<1xi32>
      %and3A_607 = arith.constant 127 : i32
      %and3A_608 = arith.andi %squeeze3A_606, %and3A_607 : i32
      %broadcast_in_dim3A_609 = vector.broadcast %and3A_608 : i32 to vector<16xi32>
      %broadcast_in_dim3A_610 = vector.broadcast %add3A_598 : i32 to vector<16xi32>
      %gather3A_611 = tpu.vector_load_idx %arg11[%iota3A, %broadcast_in_dim3A_609] : memref<32x128xf32, #tpu.memory_space<vmem>>[vector<16xi32>, vector<16xi32>], vector<16xf32>,
      %add3A_612 = arith.constant 16 : i32
      %add3A_613 = vector.broadcast %add3A_612 : i32 to vector<16xi32>
      %add3A_614 = arith.addi %iota3A, %add3A_613 : vector<16xi32>
      %gather3A_615 = tpu.vector_load_idx %arg11[%add3A_614, %broadcast_in_dim3A_609] : memref<32x128xf32, #tpu.memory_space<vmem>>[vector<16xi32>, vector<16xi32>], vector<16xf32>,
      tpu.vector_store_idx %arg14[%iota3A, %broadcast_in_dim3A_610], %gather3A_611 : memref<32x128xf32, #tpu.memory_space<vmem>>[vector<16xi32>, vector<16xi32>], vector<16xf32>,
      %add3A_616 = arith.constant 16 : i32
      %add3A_617 = vector.broadcast %add3A_616 : i32 to vector<16xi32>
      %add3A_618 = arith.addi %iota3A, %add3A_617 : vector<16xi32>
      tpu.vector_store_idx %arg14[%add3A_618, %broadcast_in_dim3A_610], %gather3A_615 : memref<32x128xf32, #tpu.memory_space<vmem>>[vector<16xi32>, vector<16xi32>], vector<16xf32>,
      %slice3A_619 = vector.extract_strided_slice %get3A_413 {offsets = [13], sizes = [1], strides = [1]} : vector<16xi32> to vector<1xi32>
      %squeeze3A_620 = vector.extract %slice3A_619[0] : i32 from vector<1xi32>
      %shift_right_logical3A_621 = arith.constant 7 : i32
      %shift_right_logical3A_622 = arith.shrui %squeeze3A_620, %shift_right_logical3A_621 : i32
      %mul3A_623 = arith.constant 128 : i32
      %mul3A_624 = arith.muli %shift_right_logical3A_622, %mul3A_623 : i32
      %multiple_of3A_625 = tpu.assume_multiple %mul3A_624, 128 : i32
      %dma_start3A_626 = arith.constant 0 : i32
      %dma_start3A_627 = tpu.memref_slice %arg3[%dma_start3A_626, %multiple_of3A_625] : memref<32x1000000xf32, #tpu.memory_space<hbm>> -> memref<32x128xf32, #tpu.memory_space<hbm>>
      %dma_start3A_628 = arith.constant 0 : i32
      %dma_start3A_629 = tpu.memref_slice %arg3[%dma_start3A_628, %multiple_of3A_625] : memref<32x1000000xf32, #tpu.memory_space<hbm>> -> memref<32x128xf32, #tpu.memory_space<hbm>>
      tpu.enqueue_dma source(%dma_start3A_629 : memref<32x128xf32, #tpu.memory_space<hbm>>) target(%arg11 : memref<32x128xf32, #tpu.memory_space<vmem>>) target_semaphore(%arg20 : memref<!tpu.dma_semaphore, #tpu.memory_space<semaphore_mem>>)
      %mul3A_630 = arith.constant 16 : i32
      %mul3A_631 = arith.muli %scan3A_407, %mul3A_630 : i32
      %add3A_632 = arith.constant 6 : i32
      %add3A_633 = arith.addi %mul3A_631, %add3A_632 : i32
      %dma_wait3A_634 = arith.constant 0 : i32
      %dma_wait3A_635 = arith.constant 0 : i32
      %dma_wait3A_636 = tpu.memref_slice %arg3[%dma_wait3A_634, %dma_wait3A_635] : memref<32x1000000xf32, #tpu.memory_space<hbm>> -> memref<32x128xf32, #tpu.memory_space<hbm>>
      %dma_wait3A_637 = arith.constant 0 : i32
      %dma_wait3A_638 = arith.constant 0 : i32
      %dma_wait3A_639 = tpu.memref_slice %arg3[%dma_wait3A_637, %dma_wait3A_638] : memref<32x1000000xf32, #tpu.memory_space<hbm>> -> memref<32x128xf32, #tpu.memory_space<hbm>>
      tpu.wait_dma2 semaphore(%arg21 : memref<!tpu.dma_semaphore, #tpu.memory_space<semaphore_mem>>) src(%dma_wait3A_639 : memref<32x128xf32, #tpu.memory_space<hbm>>) dst(%arg12 : memref<32x128xf32, #tpu.memory_space<vmem>>)
      %slice3A_640 = vector.extract_strided_slice %get3A_413 {offsets = [6], sizes = [1], strides = [1]} : vector<16xi32> to vector<1xi32>
      %squeeze3A_641 = vector.extract %slice3A_640[0] : i32 from vector<1xi32>
      %and3A_642 = arith.constant 127 : i32
      %and3A_643 = arith.andi %squeeze3A_641, %and3A_642 : i32
      %broadcast_in_dim3A_644 = vector.broadcast %and3A_643 : i32 to vector<16xi32>
      %broadcast_in_dim3A_645 = vector.broadcast %add3A_633 : i32 to vector<16xi32>
      %gather3A_646 = tpu.vector_load_idx %arg12[%iota3A, %broadcast_in_dim3A_644] : memref<32x128xf32, #tpu.memory_space<vmem>>[vector<16xi32>, vector<16xi32>], vector<16xf32>,
      %add3A_647 = arith.constant 16 : i32
      %add3A_648 = vector.broadcast %add3A_647 : i32 to vector<16xi32>
      %add3A_649 = arith.addi %iota3A, %add3A_648 : vector<16xi32>
      %gather3A_650 = tpu.vector_load_idx %arg12[%add3A_649, %broadcast_in_dim3A_644] : memref<32x128xf32, #tpu.memory_space<vmem>>[vector<16xi32>, vector<16xi32>], vector<16xf32>,
      tpu.vector_store_idx %arg14[%iota3A, %broadcast_in_dim3A_645], %gather3A_646 : memref<32x128xf32, #tpu.memory_space<vmem>>[vector<16xi32>, vector<16xi32>], vector<16xf32>,
      %add3A_651 = arith.constant 16 : i32
      %add3A_652 = vector.broadcast %add3A_651 : i32 to vector<16xi32>
      %add3A_653 = arith.addi %iota3A, %add3A_652 : vector<16xi32>
      tpu.vector_store_idx %arg14[%add3A_653, %broadcast_in_dim3A_645], %gather3A_650 : memref<32x128xf32, #tpu.memory_space<vmem>>[vector<16xi32>, vector<16xi32>], vector<16xf32>,
      %slice3A_654 = vector.extract_strided_slice %get3A_413 {offsets = [14], sizes = [1], strides = [1]} : vector<16xi32> to vector<1xi32>
      %squeeze3A_655 = vector.extract %slice3A_654[0] : i32 from vector<1xi32>
      %shift_right_logical3A_656 = arith.constant 7 : i32
      %shift_right_logical3A_657 = arith.shrui %squeeze3A_655, %shift_right_logical3A_656 : i32
      %mul3A_658 = arith.constant 128 : i32
      %mul3A_659 = arith.muli %shift_right_logical3A_657, %mul3A_658 : i32
      %multiple_of3A_660 = tpu.assume_multiple %mul3A_659, 128 : i32
      %dma_start3A_661 = arith.constant 0 : i32
      %dma_start3A_662 = tpu.memref_slice %arg3[%dma_start3A_661, %multiple_of3A_660] : memref<32x1000000xf32, #tpu.memory_space<hbm>> -> memref<32x128xf32, #tpu.memory_space<hbm>>
      %dma_start3A_663 = arith.constant 0 : i32
      %dma_start3A_664 = tpu.memref_slice %arg3[%dma_start3A_663, %multiple_of3A_660] : memref<32x1000000xf32, #tpu.memory_space<hbm>> -> memref<32x128xf32, #tpu.memory_space<hbm>>
      tpu.enqueue_dma source(%dma_start3A_664 : memref<32x128xf32, #tpu.memory_space<hbm>>) target(%arg12 : memref<32x128xf32, #tpu.memory_space<vmem>>) target_semaphore(%arg21 : memref<!tpu.dma_semaphore, #tpu.memory_space<semaphore_mem>>)
      %mul3A_665 = arith.constant 16 : i32
      %mul3A_666 = arith.muli %scan3A_407, %mul3A_665 : i32
      %add3A_667 = arith.constant 7 : i32
      %add3A_668 = arith.addi %mul3A_666, %add3A_667 : i32
      %dma_wait3A_669 = arith.constant 0 : i32
      %dma_wait3A_670 = arith.constant 0 : i32
      %dma_wait3A_671 = tpu.memref_slice %arg3[%dma_wait3A_669, %dma_wait3A_670] : memref<32x1000000xf32, #tpu.memory_space<hbm>> -> memref<32x128xf32, #tpu.memory_space<hbm>>
      %dma_wait3A_672 = arith.constant 0 : i32
      %dma_wait3A_673 = arith.constant 0 : i32
      %dma_wait3A_674 = tpu.memref_slice %arg3[%dma_wait3A_672, %dma_wait3A_673] : memref<32x1000000xf32, #tpu.memory_space<hbm>> -> memref<32x128xf32, #tpu.memory_space<hbm>>
      tpu.wait_dma2 semaphore(%arg22 : memref<!tpu.dma_semaphore, #tpu.memory_space<semaphore_mem>>) src(%dma_wait3A_674 : memref<32x128xf32, #tpu.memory_space<hbm>>) dst(%arg13 : memref<32x128xf32, #tpu.memory_space<vmem>>)
      %slice3A_675 = vector.extract_strided_slice %get3A_413 {offsets = [7], sizes = [1], strides = [1]} : vector<16xi32> to vector<1xi32>
      %squeeze3A_676 = vector.extract %slice3A_675[0] : i32 from vector<1xi32>
      %and3A_677 = arith.constant 127 : i32
      %and3A_678 = arith.andi %squeeze3A_676, %and3A_677 : i32
      %broadcast_in_dim3A_679 = vector.broadcast %and3A_678 : i32 to vector<16xi32>
      %broadcast_in_dim3A_680 = vector.broadcast %add3A_668 : i32 to vector<16xi32>
      %gather3A_681 = tpu.vector_load_idx %arg13[%iota3A, %broadcast_in_dim3A_679] : memref<32x128xf32, #tpu.memory_space<vmem>>[vector<16xi32>, vector<16xi32>], vector<16xf32>,
      %add3A_682 = arith.constant 16 : i32
      %add3A_683 = vector.broadcast %add3A_682 : i32 to vector<16xi32>
      %add3A_684 = arith.addi %iota3A, %add3A_683 : vector<16xi32>
      %gather3A_685 = tpu.vector_load_idx %arg13[%add3A_684, %broadcast_in_dim3A_679] : memref<32x128xf32, #tpu.memory_space<vmem>>[vector<16xi32>, vector<16xi32>], vector<16xf32>,
      tpu.vector_store_idx %arg14[%iota3A, %broadcast_in_dim3A_680], %gather3A_681 : memref<32x128xf32, #tpu.memory_space<vmem>>[vector<16xi32>, vector<16xi32>], vector<16xf32>,
      %add3A_686 = arith.constant 16 : i32
      %add3A_687 = vector.broadcast %add3A_686 : i32 to vector<16xi32>
      %add3A_688 = arith.addi %iota3A, %add3A_687 : vector<16xi32>
      tpu.vector_store_idx %arg14[%add3A_688, %broadcast_in_dim3A_680], %gather3A_685 : memref<32x128xf32, #tpu.memory_space<vmem>>[vector<16xi32>, vector<16xi32>], vector<16xf32>,
      %slice3A_689 = vector.extract_strided_slice %get3A_413 {offsets = [15], sizes = [1], strides = [1]} : vector<16xi32> to vector<1xi32>
      %squeeze3A_690 = vector.extract %slice3A_689[0] : i32 from vector<1xi32>
      %shift_right_logical3A_691 = arith.constant 7 : i32
      %shift_right_logical3A_692 = arith.shrui %squeeze3A_690, %shift_right_logical3A_691 : i32
      %mul3A_693 = arith.constant 128 : i32
      %mul3A_694 = arith.muli %shift_right_logical3A_692, %mul3A_693 : i32
      %multiple_of3A_695 = tpu.assume_multiple %mul3A_694, 128 : i32
      %dma_start3A_696 = arith.constant 0 : i32
      %dma_start3A_697 = tpu.memref_slice %arg3[%dma_start3A_696, %multiple_of3A_695] : memref<32x1000000xf32, #tpu.memory_space<hbm>> -> memref<32x128xf32, #tpu.memory_space<hbm>>
      %dma_start3A_698 = arith.constant 0 : i32
      %dma_start3A_699 = tpu.memref_slice %arg3[%dma_start3A_698, %multiple_of3A_695] : memref<32x1000000xf32, #tpu.memory_space<hbm>> -> memref<32x128xf32, #tpu.memory_space<hbm>>
      tpu.enqueue_dma source(%dma_start3A_699 : memref<32x128xf32, #tpu.memory_space<hbm>>) target(%arg13 : memref<32x128xf32, #tpu.memory_space<vmem>>) target_semaphore(%arg22 : memref<!tpu.dma_semaphore, #tpu.memory_space<semaphore_mem>>)
      %mul3A_700 = arith.constant 16 : i32
      %mul3A_701 = arith.muli %scan3A_407, %mul3A_700 : i32
      %add3A_702 = arith.constant 8 : i32
      %add3A_703 = arith.addi %mul3A_701, %add3A_702 : i32
      %dma_wait3A_704 = arith.constant 0 : i32
      %dma_wait3A_705 = arith.constant 0 : i32
      %dma_wait3A_706 = tpu.memref_slice %arg3[%dma_wait3A_704, %dma_wait3A_705] : memref<32x1000000xf32, #tpu.memory_space<hbm>> -> memref<32x128xf32, #tpu.memory_space<hbm>>
      %dma_wait3A_707 = arith.constant 0 : i32
      %dma_wait3A_708 = arith.constant 0 : i32
      %dma_wait3A_709 = tpu.memref_slice %arg3[%dma_wait3A_707, %dma_wait3A_708] : memref<32x1000000xf32, #tpu.memory_space<hbm>> -> memref<32x128xf32, #tpu.memory_space<hbm>>
      tpu.wait_dma2 semaphore(%arg15 : memref<!tpu.dma_semaphore, #tpu.memory_space<semaphore_mem>>) src(%dma_wait3A_709 : memref<32x128xf32, #tpu.memory_space<hbm>>) dst(%arg6 : memref<32x128xf32, #tpu.memory_space<vmem>>)
      %slice3A_710 = vector.extract_strided_slice %get3A_413 {offsets = [8], sizes = [1], strides = [1]} : vector<16xi32> to vector<1xi32>
      %squeeze3A_711 = vector.extract %slice3A_710[0] : i32 from vector<1xi32>
      %and3A_712 = arith.constant 127 : i32
      %and3A_713 = arith.andi %squeeze3A_711, %and3A_712 : i32
      %broadcast_in_dim3A_714 = vector.broadcast %and3A_713 : i32 to vector<16xi32>
      %broadcast_in_dim3A_715 = vector.broadcast %add3A_703 : i32 to vector<16xi32>
      %gather3A_716 = tpu.vector_load_idx %arg6[%iota3A, %broadcast_in_dim3A_714] : memref<32x128xf32, #tpu.memory_space<vmem>>[vector<16xi32>, vector<16xi32>], vector<16xf32>,
      %add3A_717 = arith.constant 16 : i32
      %add3A_718 = vector.broadcast %add3A_717 : i32 to vector<16xi32>
      %add3A_719 = arith.addi %iota3A, %add3A_718 : vector<16xi32>
      %gather3A_720 = tpu.vector_load_idx %arg6[%add3A_719, %broadcast_in_dim3A_714] : memref<32x128xf32, #tpu.memory_space<vmem>>[vector<16xi32>, vector<16xi32>], vector<16xf32>,
      tpu.vector_store_idx %arg14[%iota3A, %broadcast_in_dim3A_715], %gather3A_716 : memref<32x128xf32, #tpu.memory_space<vmem>>[vector<16xi32>, vector<16xi32>], vector<16xf32>,
      %add3A_721 = arith.constant 16 : i32
      %add3A_722 = vector.broadcast %add3A_721 : i32 to vector<16xi32>
      %add3A_723 = arith.addi %iota3A, %add3A_722 : vector<16xi32>
      tpu.vector_store_idx %arg14[%add3A_723, %broadcast_in_dim3A_715], %gather3A_720 : memref<32x128xf32, #tpu.memory_space<vmem>>[vector<16xi32>, vector<16xi32>], vector<16xf32>,
      %slice3A_724 = vector.extract_strided_slice %get3A_421 {offsets = [0], sizes = [1], strides = [1]} : vector<16xi32> to vector<1xi32>
      %squeeze3A_725 = vector.extract %slice3A_724[0] : i32 from vector<1xi32>
      %lt3A = arith.constant 7 : i32
      %lt3A_726 = arith.cmpi slt, %scan3A_407, %lt3A : i32
      %convert_element_type3A = arith.extui %lt3A_726 : i1 to i32
      %cond3A = arith.constant 0 : i32
      %cond3A_727 = arith.cmpi ne, %convert_element_type3A, %cond3A : i32
      scf.if %cond3A_727 {
        %shift_right_logical3A_945 = arith.constant 7 : i32
        %shift_right_logical3A_946 = arith.shrui %squeeze3A_725, %shift_right_logical3A_945 : i32
        %mul3A_947 = arith.constant 128 : i32
        %mul3A_948 = arith.muli %shift_right_logical3A_946, %mul3A_947 : i32
        %multiple_of3A_949 = tpu.assume_multiple %mul3A_948, 128 : i32
        %dma_start3A_950 = arith.constant 0 : i32
        %dma_start3A_951 = tpu.memref_slice %arg3[%dma_start3A_950, %multiple_of3A_949] : memref<32x1000000xf32, #tpu.memory_space<hbm>> -> memref<32x128xf32, #tpu.memory_space<hbm>>
        %dma_start3A_952 = arith.constant 0 : i32
        %dma_start3A_953 = tpu.memref_slice %arg3[%dma_start3A_952, %multiple_of3A_949] : memref<32x1000000xf32, #tpu.memory_space<hbm>> -> memref<32x128xf32, #tpu.memory_space<hbm>>
        tpu.enqueue_dma source(%dma_start3A_953 : memref<32x128xf32, #tpu.memory_space<hbm>>) target(%arg6 : memref<32x128xf32, #tpu.memory_space<vmem>>) target_semaphore(%arg15 : memref<!tpu.dma_semaphore, #tpu.memory_space<semaphore_mem>>)
      } else {
      }
      %mul3A_728 = arith.constant 16 : i32
      %mul3A_729 = arith.muli %scan3A_407, %mul3A_728 : i32
      %add3A_730 = arith.constant 9 : i32
      %add3A_731 = arith.addi %mul3A_729, %add3A_730 : i32
      %dma_wait3A_732 = arith.constant 0 : i32
      %dma_wait3A_733 = arith.constant 0 : i32
      %dma_wait3A_734 = tpu.memref_slice %arg3[%dma_wait3A_732, %dma_wait3A_733] : memref<32x1000000xf32, #tpu.memory_space<hbm>> -> memref<32x128xf32, #tpu.memory_space<hbm>>
      %dma_wait3A_735 = arith.constant 0 : i32
      %dma_wait3A_736 = arith.constant 0 : i32
      %dma_wait3A_737 = tpu.memref_slice %arg3[%dma_wait3A_735, %dma_wait3A_736] : memref<32x1000000xf32, #tpu.memory_space<hbm>> -> memref<32x128xf32, #tpu.memory_space<hbm>>
      tpu.wait_dma2 semaphore(%arg16 : memref<!tpu.dma_semaphore, #tpu.memory_space<semaphore_mem>>) src(%dma_wait3A_737 : memref<32x128xf32, #tpu.memory_space<hbm>>) dst(%arg7 : memref<32x128xf32, #tpu.memory_space<vmem>>)
      %slice3A_738 = vector.extract_strided_slice %get3A_413 {offsets = [9], sizes = [1], strides = [1]} : vector<16xi32> to vector<1xi32>
      %squeeze3A_739 = vector.extract %slice3A_738[0] : i32 from vector<1xi32>
      %and3A_740 = arith.constant 127 : i32
      %and3A_741 = arith.andi %squeeze3A_739, %and3A_740 : i32
      %broadcast_in_dim3A_742 = vector.broadcast %and3A_741 : i32 to vector<16xi32>
      %broadcast_in_dim3A_743 = vector.broadcast %add3A_731 : i32 to vector<16xi32>
      %gather3A_744 = tpu.vector_load_idx %arg7[%iota3A, %broadcast_in_dim3A_742] : memref<32x128xf32, #tpu.memory_space<vmem>>[vector<16xi32>, vector<16xi32>], vector<16xf32>,
      %add3A_745 = arith.constant 16 : i32
      %add3A_746 = vector.broadcast %add3A_745 : i32 to vector<16xi32>
      %add3A_747 = arith.addi %iota3A, %add3A_746 : vector<16xi32>
      %gather3A_748 = tpu.vector_load_idx %arg7[%add3A_747, %broadcast_in_dim3A_742] : memref<32x128xf32, #tpu.memory_space<vmem>>[vector<16xi32>, vector<16xi32>], vector<16xf32>,
      tpu.vector_store_idx %arg14[%iota3A, %broadcast_in_dim3A_743], %gather3A_744 : memref<32x128xf32, #tpu.memory_space<vmem>>[vector<16xi32>, vector<16xi32>], vector<16xf32>,
      %add3A_749 = arith.constant 16 : i32
      %add3A_750 = vector.broadcast %add3A_749 : i32 to vector<16xi32>
      %add3A_751 = arith.addi %iota3A, %add3A_750 : vector<16xi32>
      tpu.vector_store_idx %arg14[%add3A_751, %broadcast_in_dim3A_743], %gather3A_748 : memref<32x128xf32, #tpu.memory_space<vmem>>[vector<16xi32>, vector<16xi32>], vector<16xf32>,
      %slice3A_752 = vector.extract_strided_slice %get3A_421 {offsets = [1], sizes = [1], strides = [1]} : vector<16xi32> to vector<1xi32>
      %squeeze3A_753 = vector.extract %slice3A_752[0] : i32 from vector<1xi32>
      %lt3A_754 = arith.constant 7 : i32
      %lt3A_755 = arith.cmpi slt, %scan3A_407, %lt3A_754 : i32
      %convert_element_type3A_756 = arith.extui %lt3A_755 : i1 to i32
      %cond3A_757 = arith.constant 0 : i32
      %cond3A_758 = arith.cmpi ne, %convert_element_type3A_756, %cond3A_757 : i32
      scf.if %cond3A_758 {
        %shift_right_logical3A_945 = arith.constant 7 : i32
        %shift_right_logical3A_946 = arith.shrui %squeeze3A_753, %shift_right_logical3A_945 : i32
        %mul3A_947 = arith.constant 128 : i32
        %mul3A_948 = arith.muli %shift_right_logical3A_946, %mul3A_947 : i32
        %multiple_of3A_949 = tpu.assume_multiple %mul3A_948, 128 : i32
        %dma_start3A_950 = arith.constant 0 : i32
        %dma_start3A_951 = tpu.memref_slice %arg3[%dma_start3A_950, %multiple_of3A_949] : memref<32x1000000xf32, #tpu.memory_space<hbm>> -> memref<32x128xf32, #tpu.memory_space<hbm>>
        %dma_start3A_952 = arith.constant 0 : i32
        %dma_start3A_953 = tpu.memref_slice %arg3[%dma_start3A_952, %multiple_of3A_949] : memref<32x1000000xf32, #tpu.memory_space<hbm>> -> memref<32x128xf32, #tpu.memory_space<hbm>>
        tpu.enqueue_dma source(%dma_start3A_953 : memref<32x128xf32, #tpu.memory_space<hbm>>) target(%arg7 : memref<32x128xf32, #tpu.memory_space<vmem>>) target_semaphore(%arg16 : memref<!tpu.dma_semaphore, #tpu.memory_space<semaphore_mem>>)
      } else {
      }
      %mul3A_759 = arith.constant 16 : i32
      %mul3A_760 = arith.muli %scan3A_407, %mul3A_759 : i32
      %add3A_761 = arith.constant 10 : i32
      %add3A_762 = arith.addi %mul3A_760, %add3A_761 : i32
      %dma_wait3A_763 = arith.constant 0 : i32
      %dma_wait3A_764 = arith.constant 0 : i32
      %dma_wait3A_765 = tpu.memref_slice %arg3[%dma_wait3A_763, %dma_wait3A_764] : memref<32x1000000xf32, #tpu.memory_space<hbm>> -> memref<32x128xf32, #tpu.memory_space<hbm>>
      %dma_wait3A_766 = arith.constant 0 : i32
      %dma_wait3A_767 = arith.constant 0 : i32
      %dma_wait3A_768 = tpu.memref_slice %arg3[%dma_wait3A_766, %dma_wait3A_767] : memref<32x1000000xf32, #tpu.memory_space<hbm>> -> memref<32x128xf32, #tpu.memory_space<hbm>>
      tpu.wait_dma2 semaphore(%arg17 : memref<!tpu.dma_semaphore, #tpu.memory_space<semaphore_mem>>) src(%dma_wait3A_768 : memref<32x128xf32, #tpu.memory_space<hbm>>) dst(%arg8 : memref<32x128xf32, #tpu.memory_space<vmem>>)
      %slice3A_769 = vector.extract_strided_slice %get3A_413 {offsets = [10], sizes = [1], strides = [1]} : vector<16xi32> to vector<1xi32>
      %squeeze3A_770 = vector.extract %slice3A_769[0] : i32 from vector<1xi32>
      %and3A_771 = arith.constant 127 : i32
      %and3A_772 = arith.andi %squeeze3A_770, %and3A_771 : i32
      %broadcast_in_dim3A_773 = vector.broadcast %and3A_772 : i32 to vector<16xi32>
      %broadcast_in_dim3A_774 = vector.broadcast %add3A_762 : i32 to vector<16xi32>
      %gather3A_775 = tpu.vector_load_idx %arg8[%iota3A, %broadcast_in_dim3A_773] : memref<32x128xf32, #tpu.memory_space<vmem>>[vector<16xi32>, vector<16xi32>], vector<16xf32>,
      %add3A_776 = arith.constant 16 : i32
      %add3A_777 = vector.broadcast %add3A_776 : i32 to vector<16xi32>
      %add3A_778 = arith.addi %iota3A, %add3A_777 : vector<16xi32>
      %gather3A_779 = tpu.vector_load_idx %arg8[%add3A_778, %broadcast_in_dim3A_773] : memref<32x128xf32, #tpu.memory_space<vmem>>[vector<16xi32>, vector<16xi32>], vector<16xf32>,
      tpu.vector_store_idx %arg14[%iota3A, %broadcast_in_dim3A_774], %gather3A_775 : memref<32x128xf32, #tpu.memory_space<vmem>>[vector<16xi32>, vector<16xi32>], vector<16xf32>,
      %add3A_780 = arith.constant 16 : i32
      %add3A_781 = vector.broadcast %add3A_780 : i32 to vector<16xi32>
      %add3A_782 = arith.addi %iota3A, %add3A_781 : vector<16xi32>
      tpu.vector_store_idx %arg14[%add3A_782, %broadcast_in_dim3A_774], %gather3A_779 : memref<32x128xf32, #tpu.memory_space<vmem>>[vector<16xi32>, vector<16xi32>], vector<16xf32>,
      %slice3A_783 = vector.extract_strided_slice %get3A_421 {offsets = [2], sizes = [1], strides = [1]} : vector<16xi32> to vector<1xi32>
      %squeeze3A_784 = vector.extract %slice3A_783[0] : i32 from vector<1xi32>
      %lt3A_785 = arith.constant 7 : i32
      %lt3A_786 = arith.cmpi slt, %scan3A_407, %lt3A_785 : i32
      %convert_element_type3A_787 = arith.extui %lt3A_786 : i1 to i32
      %cond3A_788 = arith.constant 0 : i32
      %cond3A_789 = arith.cmpi ne, %convert_element_type3A_787, %cond3A_788 : i32
      scf.if %cond3A_789 {
        %shift_right_logical3A_945 = arith.constant 7 : i32
        %shift_right_logical3A_946 = arith.shrui %squeeze3A_784, %shift_right_logical3A_945 : i32
        %mul3A_947 = arith.constant 128 : i32
        %mul3A_948 = arith.muli %shift_right_logical3A_946, %mul3A_947 : i32
        %multiple_of3A_949 = tpu.assume_multiple %mul3A_948, 128 : i32
        %dma_start3A_950 = arith.constant 0 : i32
        %dma_start3A_951 = tpu.memref_slice %arg3[%dma_start3A_950, %multiple_of3A_949] : memref<32x1000000xf32, #tpu.memory_space<hbm>> -> memref<32x128xf32, #tpu.memory_space<hbm>>
        %dma_start3A_952 = arith.constant 0 : i32
        %dma_start3A_953 = tpu.memref_slice %arg3[%dma_start3A_952, %multiple_of3A_949] : memref<32x1000000xf32, #tpu.memory_space<hbm>> -> memref<32x128xf32, #tpu.memory_space<hbm>>
        tpu.enqueue_dma source(%dma_start3A_953 : memref<32x128xf32, #tpu.memory_space<hbm>>) target(%arg8 : memref<32x128xf32, #tpu.memory_space<vmem>>) target_semaphore(%arg17 : memref<!tpu.dma_semaphore, #tpu.memory_space<semaphore_mem>>)
      } else {
      }
      %mul3A_790 = arith.constant 16 : i32
      %mul3A_791 = arith.muli %scan3A_407, %mul3A_790 : i32
      %add3A_792 = arith.constant 11 : i32
      %add3A_793 = arith.addi %mul3A_791, %add3A_792 : i32
      %dma_wait3A_794 = arith.constant 0 : i32
      %dma_wait3A_795 = arith.constant 0 : i32
      %dma_wait3A_796 = tpu.memref_slice %arg3[%dma_wait3A_794, %dma_wait3A_795] : memref<32x1000000xf32, #tpu.memory_space<hbm>> -> memref<32x128xf32, #tpu.memory_space<hbm>>
      %dma_wait3A_797 = arith.constant 0 : i32
      %dma_wait3A_798 = arith.constant 0 : i32
      %dma_wait3A_799 = tpu.memref_slice %arg3[%dma_wait3A_797, %dma_wait3A_798] : memref<32x1000000xf32, #tpu.memory_space<hbm>> -> memref<32x128xf32, #tpu.memory_space<hbm>>
      tpu.wait_dma2 semaphore(%arg18 : memref<!tpu.dma_semaphore, #tpu.memory_space<semaphore_mem>>) src(%dma_wait3A_799 : memref<32x128xf32, #tpu.memory_space<hbm>>) dst(%arg9 : memref<32x128xf32, #tpu.memory_space<vmem>>)
      %slice3A_800 = vector.extract_strided_slice %get3A_413 {offsets = [11], sizes = [1], strides = [1]} : vector<16xi32> to vector<1xi32>
      %squeeze3A_801 = vector.extract %slice3A_800[0] : i32 from vector<1xi32>
      %and3A_802 = arith.constant 127 : i32
      %and3A_803 = arith.andi %squeeze3A_801, %and3A_802 : i32
      %broadcast_in_dim3A_804 = vector.broadcast %and3A_803 : i32 to vector<16xi32>
      %broadcast_in_dim3A_805 = vector.broadcast %add3A_793 : i32 to vector<16xi32>
      %gather3A_806 = tpu.vector_load_idx %arg9[%iota3A, %broadcast_in_dim3A_804] : memref<32x128xf32, #tpu.memory_space<vmem>>[vector<16xi32>, vector<16xi32>], vector<16xf32>,
      %add3A_807 = arith.constant 16 : i32
      %add3A_808 = vector.broadcast %add3A_807 : i32 to vector<16xi32>
      %add3A_809 = arith.addi %iota3A, %add3A_808 : vector<16xi32>
      %gather3A_810 = tpu.vector_load_idx %arg9[%add3A_809, %broadcast_in_dim3A_804] : memref<32x128xf32, #tpu.memory_space<vmem>>[vector<16xi32>, vector<16xi32>], vector<16xf32>,
      tpu.vector_store_idx %arg14[%iota3A, %broadcast_in_dim3A_805], %gather3A_806 : memref<32x128xf32, #tpu.memory_space<vmem>>[vector<16xi32>, vector<16xi32>], vector<16xf32>,
      %add3A_811 = arith.constant 16 : i32
      %add3A_812 = vector.broadcast %add3A_811 : i32 to vector<16xi32>
      %add3A_813 = arith.addi %iota3A, %add3A_812 : vector<16xi32>
      tpu.vector_store_idx %arg14[%add3A_813, %broadcast_in_dim3A_805], %gather3A_810 : memref<32x128xf32, #tpu.memory_space<vmem>>[vector<16xi32>, vector<16xi32>], vector<16xf32>,
      %slice3A_814 = vector.extract_strided_slice %get3A_421 {offsets = [3], sizes = [1], strides = [1]} : vector<16xi32> to vector<1xi32>
      %squeeze3A_815 = vector.extract %slice3A_814[0] : i32 from vector<1xi32>
      %lt3A_816 = arith.constant 7 : i32
      %lt3A_817 = arith.cmpi slt, %scan3A_407, %lt3A_816 : i32
      %convert_element_type3A_818 = arith.extui %lt3A_817 : i1 to i32
      %cond3A_819 = arith.constant 0 : i32
      %cond3A_820 = arith.cmpi ne, %convert_element_type3A_818, %cond3A_819 : i32
      scf.if %cond3A_820 {
        %shift_right_logical3A_945 = arith.constant 7 : i32
        %shift_right_logical3A_946 = arith.shrui %squeeze3A_815, %shift_right_logical3A_945 : i32
        %mul3A_947 = arith.constant 128 : i32
        %mul3A_948 = arith.muli %shift_right_logical3A_946, %mul3A_947 : i32
        %multiple_of3A_949 = tpu.assume_multiple %mul3A_948, 128 : i32
        %dma_start3A_950 = arith.constant 0 : i32
        %dma_start3A_951 = tpu.memref_slice %arg3[%dma_start3A_950, %multiple_of3A_949] : memref<32x1000000xf32, #tpu.memory_space<hbm>> -> memref<32x128xf32, #tpu.memory_space<hbm>>
        %dma_start3A_952 = arith.constant 0 : i32
        %dma_start3A_953 = tpu.memref_slice %arg3[%dma_start3A_952, %multiple_of3A_949] : memref<32x1000000xf32, #tpu.memory_space<hbm>> -> memref<32x128xf32, #tpu.memory_space<hbm>>
        tpu.enqueue_dma source(%dma_start3A_953 : memref<32x128xf32, #tpu.memory_space<hbm>>) target(%arg9 : memref<32x128xf32, #tpu.memory_space<vmem>>) target_semaphore(%arg18 : memref<!tpu.dma_semaphore, #tpu.memory_space<semaphore_mem>>)
      } else {
      }
      %mul3A_821 = arith.constant 16 : i32
      %mul3A_822 = arith.muli %scan3A_407, %mul3A_821 : i32
      %add3A_823 = arith.constant 12 : i32
      %add3A_824 = arith.addi %mul3A_822, %add3A_823 : i32
      %dma_wait3A_825 = arith.constant 0 : i32
      %dma_wait3A_826 = arith.constant 0 : i32
      %dma_wait3A_827 = tpu.memref_slice %arg3[%dma_wait3A_825, %dma_wait3A_826] : memref<32x1000000xf32, #tpu.memory_space<hbm>> -> memref<32x128xf32, #tpu.memory_space<hbm>>
      %dma_wait3A_828 = arith.constant 0 : i32
      %dma_wait3A_829 = arith.constant 0 : i32
      %dma_wait3A_830 = tpu.memref_slice %arg3[%dma_wait3A_828, %dma_wait3A_829] : memref<32x1000000xf32, #tpu.memory_space<hbm>> -> memref<32x128xf32, #tpu.memory_space<hbm>>
      tpu.wait_dma2 semaphore(%arg19 : memref<!tpu.dma_semaphore, #tpu.memory_space<semaphore_mem>>) src(%dma_wait3A_830 : memref<32x128xf32, #tpu.memory_space<hbm>>) dst(%arg10 : memref<32x128xf32, #tpu.memory_space<vmem>>)
      %slice3A_831 = vector.extract_strided_slice %get3A_413 {offsets = [12], sizes = [1], strides = [1]} : vector<16xi32> to vector<1xi32>
      %squeeze3A_832 = vector.extract %slice3A_831[0] : i32 from vector<1xi32>
      %and3A_833 = arith.constant 127 : i32
      %and3A_834 = arith.andi %squeeze3A_832, %and3A_833 : i32
      %broadcast_in_dim3A_835 = vector.broadcast %and3A_834 : i32 to vector<16xi32>
      %broadcast_in_dim3A_836 = vector.broadcast %add3A_824 : i32 to vector<16xi32>
      %gather3A_837 = tpu.vector_load_idx %arg10[%iota3A, %broadcast_in_dim3A_835] : memref<32x128xf32, #tpu.memory_space<vmem>>[vector<16xi32>, vector<16xi32>], vector<16xf32>,
      %add3A_838 = arith.constant 16 : i32
      %add3A_839 = vector.broadcast %add3A_838 : i32 to vector<16xi32>
      %add3A_840 = arith.addi %iota3A, %add3A_839 : vector<16xi32>
      %gather3A_841 = tpu.vector_load_idx %arg10[%add3A_840, %broadcast_in_dim3A_835] : memref<32x128xf32, #tpu.memory_space<vmem>>[vector<16xi32>, vector<16xi32>], vector<16xf32>,
      tpu.vector_store_idx %arg14[%iota3A, %broadcast_in_dim3A_836], %gather3A_837 : memref<32x128xf32, #tpu.memory_space<vmem>>[vector<16xi32>, vector<16xi32>], vector<16xf32>,
      %add3A_842 = arith.constant 16 : i32
      %add3A_843 = vector.broadcast %add3A_842 : i32 to vector<16xi32>
      %add3A_844 = arith.addi %iota3A, %add3A_843 : vector<16xi32>
      tpu.vector_store_idx %arg14[%add3A_844, %broadcast_in_dim3A_836], %gather3A_841 : memref<32x128xf32, #tpu.memory_space<vmem>>[vector<16xi32>, vector<16xi32>], vector<16xf32>,
      %slice3A_845 = vector.extract_strided_slice %get3A_421 {offsets = [4], sizes = [1], strides = [1]} : vector<16xi32> to vector<1xi32>
      %squeeze3A_846 = vector.extract %slice3A_845[0] : i32 from vector<1xi32>
      %lt3A_847 = arith.constant 7 : i32
      %lt3A_848 = arith.cmpi slt, %scan3A_407, %lt3A_847 : i32
      %convert_element_type3A_849 = arith.extui %lt3A_848 : i1 to i32
      %cond3A_850 = arith.constant 0 : i32
      %cond3A_851 = arith.cmpi ne, %convert_element_type3A_849, %cond3A_850 : i32
      scf.if %cond3A_851 {
        %shift_right_logical3A_945 = arith.constant 7 : i32
        %shift_right_logical3A_946 = arith.shrui %squeeze3A_846, %shift_right_logical3A_945 : i32
        %mul3A_947 = arith.constant 128 : i32
        %mul3A_948 = arith.muli %shift_right_logical3A_946, %mul3A_947 : i32
        %multiple_of3A_949 = tpu.assume_multiple %mul3A_948, 128 : i32
        %dma_start3A_950 = arith.constant 0 : i32
        %dma_start3A_951 = tpu.memref_slice %arg3[%dma_start3A_950, %multiple_of3A_949] : memref<32x1000000xf32, #tpu.memory_space<hbm>> -> memref<32x128xf32, #tpu.memory_space<hbm>>
        %dma_start3A_952 = arith.constant 0 : i32
        %dma_start3A_953 = tpu.memref_slice %arg3[%dma_start3A_952, %multiple_of3A_949] : memref<32x1000000xf32, #tpu.memory_space<hbm>> -> memref<32x128xf32, #tpu.memory_space<hbm>>
        tpu.enqueue_dma source(%dma_start3A_953 : memref<32x128xf32, #tpu.memory_space<hbm>>) target(%arg10 : memref<32x128xf32, #tpu.memory_space<vmem>>) target_semaphore(%arg19 : memref<!tpu.dma_semaphore, #tpu.memory_space<semaphore_mem>>)
      } else {
      }
      %mul3A_852 = arith.constant 16 : i32
      %mul3A_853 = arith.muli %scan3A_407, %mul3A_852 : i32
      %add3A_854 = arith.constant 13 : i32
      %add3A_855 = arith.addi %mul3A_853, %add3A_854 : i32
      %dma_wait3A_856 = arith.constant 0 : i32
      %dma_wait3A_857 = arith.constant 0 : i32
      %dma_wait3A_858 = tpu.memref_slice %arg3[%dma_wait3A_856, %dma_wait3A_857] : memref<32x1000000xf32, #tpu.memory_space<hbm>> -> memref<32x128xf32, #tpu.memory_space<hbm>>
      %dma_wait3A_859 = arith.constant 0 : i32
      %dma_wait3A_860 = arith.constant 0 : i32
      %dma_wait3A_861 = tpu.memref_slice %arg3[%dma_wait3A_859, %dma_wait3A_860] : memref<32x1000000xf32, #tpu.memory_space<hbm>> -> memref<32x128xf32, #tpu.memory_space<hbm>>
      tpu.wait_dma2 semaphore(%arg20 : memref<!tpu.dma_semaphore, #tpu.memory_space<semaphore_mem>>) src(%dma_wait3A_861 : memref<32x128xf32, #tpu.memory_space<hbm>>) dst(%arg11 : memref<32x128xf32, #tpu.memory_space<vmem>>)
      %slice3A_862 = vector.extract_strided_slice %get3A_413 {offsets = [13], sizes = [1], strides = [1]} : vector<16xi32> to vector<1xi32>
      %squeeze3A_863 = vector.extract %slice3A_862[0] : i32 from vector<1xi32>
      %and3A_864 = arith.constant 127 : i32
      %and3A_865 = arith.andi %squeeze3A_863, %and3A_864 : i32
      %broadcast_in_dim3A_866 = vector.broadcast %and3A_865 : i32 to vector<16xi32>
      %broadcast_in_dim3A_867 = vector.broadcast %add3A_855 : i32 to vector<16xi32>
      %gather3A_868 = tpu.vector_load_idx %arg11[%iota3A, %broadcast_in_dim3A_866] : memref<32x128xf32, #tpu.memory_space<vmem>>[vector<16xi32>, vector<16xi32>], vector<16xf32>,
      %add3A_869 = arith.constant 16 : i32
      %add3A_870 = vector.broadcast %add3A_869 : i32 to vector<16xi32>
      %add3A_871 = arith.addi %iota3A, %add3A_870 : vector<16xi32>
      %gather3A_872 = tpu.vector_load_idx %arg11[%add3A_871, %broadcast_in_dim3A_866] : memref<32x128xf32, #tpu.memory_space<vmem>>[vector<16xi32>, vector<16xi32>], vector<16xf32>,
      tpu.vector_store_idx %arg14[%iota3A, %broadcast_in_dim3A_867], %gather3A_868 : memref<32x128xf32, #tpu.memory_space<vmem>>[vector<16xi32>, vector<16xi32>], vector<16xf32>,
      %add3A_873 = arith.constant 16 : i32
      %add3A_874 = vector.broadcast %add3A_873 : i32 to vector<16xi32>
      %add3A_875 = arith.addi %iota3A, %add3A_874 : vector<16xi32>
      tpu.vector_store_idx %arg14[%add3A_875, %broadcast_in_dim3A_867], %gather3A_872 : memref<32x128xf32, #tpu.memory_space<vmem>>[vector<16xi32>, vector<16xi32>], vector<16xf32>,
      %slice3A_876 = vector.extract_strided_slice %get3A_421 {offsets = [5], sizes = [1], strides = [1]} : vector<16xi32> to vector<1xi32>
      %squeeze3A_877 = vector.extract %slice3A_876[0] : i32 from vector<1xi32>
      %lt3A_878 = arith.constant 7 : i32
      %lt3A_879 = arith.cmpi slt, %scan3A_407, %lt3A_878 : i32
      %convert_element_type3A_880 = arith.extui %lt3A_879 : i1 to i32
      %cond3A_881 = arith.constant 0 : i32
      %cond3A_882 = arith.cmpi ne, %convert_element_type3A_880, %cond3A_881 : i32
      scf.if %cond3A_882 {
        %shift_right_logical3A_945 = arith.constant 7 : i32
        %shift_right_logical3A_946 = arith.shrui %squeeze3A_877, %shift_right_logical3A_945 : i32
        %mul3A_947 = arith.constant 128 : i32
        %mul3A_948 = arith.muli %shift_right_logical3A_946, %mul3A_947 : i32
        %multiple_of3A_949 = tpu.assume_multiple %mul3A_948, 128 : i32
        %dma_start3A_950 = arith.constant 0 : i32
        %dma_start3A_951 = tpu.memref_slice %arg3[%dma_start3A_950, %multiple_of3A_949] : memref<32x1000000xf32, #tpu.memory_space<hbm>> -> memref<32x128xf32, #tpu.memory_space<hbm>>
        %dma_start3A_952 = arith.constant 0 : i32
        %dma_start3A_953 = tpu.memref_slice %arg3[%dma_start3A_952, %multiple_of3A_949] : memref<32x1000000xf32, #tpu.memory_space<hbm>> -> memref<32x128xf32, #tpu.memory_space<hbm>>
        tpu.enqueue_dma source(%dma_start3A_953 : memref<32x128xf32, #tpu.memory_space<hbm>>) target(%arg11 : memref<32x128xf32, #tpu.memory_space<vmem>>) target_semaphore(%arg20 : memref<!tpu.dma_semaphore, #tpu.memory_space<semaphore_mem>>)
      } else {
      }
      %mul3A_883 = arith.constant 16 : i32
      %mul3A_884 = arith.muli %scan3A_407, %mul3A_883 : i32
      %add3A_885 = arith.constant 14 : i32
      %add3A_886 = arith.addi %mul3A_884, %add3A_885 : i32
      %dma_wait3A_887 = arith.constant 0 : i32
      %dma_wait3A_888 = arith.constant 0 : i32
      %dma_wait3A_889 = tpu.memref_slice %arg3[%dma_wait3A_887, %dma_wait3A_888] : memref<32x1000000xf32, #tpu.memory_space<hbm>> -> memref<32x128xf32, #tpu.memory_space<hbm>>
      %dma_wait3A_890 = arith.constant 0 : i32
      %dma_wait3A_891 = arith.constant 0 : i32
      %dma_wait3A_892 = tpu.memref_slice %arg3[%dma_wait3A_890, %dma_wait3A_891] : memref<32x1000000xf32, #tpu.memory_space<hbm>> -> memref<32x128xf32, #tpu.memory_space<hbm>>
      tpu.wait_dma2 semaphore(%arg21 : memref<!tpu.dma_semaphore, #tpu.memory_space<semaphore_mem>>) src(%dma_wait3A_892 : memref<32x128xf32, #tpu.memory_space<hbm>>) dst(%arg12 : memref<32x128xf32, #tpu.memory_space<vmem>>)
      %slice3A_893 = vector.extract_strided_slice %get3A_413 {offsets = [14], sizes = [1], strides = [1]} : vector<16xi32> to vector<1xi32>
      %squeeze3A_894 = vector.extract %slice3A_893[0] : i32 from vector<1xi32>
      %and3A_895 = arith.constant 127 : i32
      %and3A_896 = arith.andi %squeeze3A_894, %and3A_895 : i32
      %broadcast_in_dim3A_897 = vector.broadcast %and3A_896 : i32 to vector<16xi32>
      %broadcast_in_dim3A_898 = vector.broadcast %add3A_886 : i32 to vector<16xi32>
      %gather3A_899 = tpu.vector_load_idx %arg12[%iota3A, %broadcast_in_dim3A_897] : memref<32x128xf32, #tpu.memory_space<vmem>>[vector<16xi32>, vector<16xi32>], vector<16xf32>,
      %add3A_900 = arith.constant 16 : i32
      %add3A_901 = vector.broadcast %add3A_900 : i32 to vector<16xi32>
      %add3A_902 = arith.addi %iota3A, %add3A_901 : vector<16xi32>
      %gather3A_903 = tpu.vector_load_idx %arg12[%add3A_902, %broadcast_in_dim3A_897] : memref<32x128xf32, #tpu.memory_space<vmem>>[vector<16xi32>, vector<16xi32>], vector<16xf32>,
      tpu.vector_store_idx %arg14[%iota3A, %broadcast_in_dim3A_898], %gather3A_899 : memref<32x128xf32, #tpu.memory_space<vmem>>[vector<16xi32>, vector<16xi32>], vector<16xf32>,
      %add3A_904 = arith.constant 16 : i32
      %add3A_905 = vector.broadcast %add3A_904 : i32 to vector<16xi32>
      %add3A_906 = arith.addi %iota3A, %add3A_905 : vector<16xi32>
      tpu.vector_store_idx %arg14[%add3A_906, %broadcast_in_dim3A_898], %gather3A_903 : memref<32x128xf32, #tpu.memory_space<vmem>>[vector<16xi32>, vector<16xi32>], vector<16xf32>,
      %slice3A_907 = vector.extract_strided_slice %get3A_421 {offsets = [6], sizes = [1], strides = [1]} : vector<16xi32> to vector<1xi32>
      %squeeze3A_908 = vector.extract %slice3A_907[0] : i32 from vector<1xi32>
      %lt3A_909 = arith.constant 7 : i32
      %lt3A_910 = arith.cmpi slt, %scan3A_407, %lt3A_909 : i32
      %convert_element_type3A_911 = arith.extui %lt3A_910 : i1 to i32
      %cond3A_912 = arith.constant 0 : i32
      %cond3A_913 = arith.cmpi ne, %convert_element_type3A_911, %cond3A_912 : i32
      scf.if %cond3A_913 {
        %shift_right_logical3A_945 = arith.constant 7 : i32
        %shift_right_logical3A_946 = arith.shrui %squeeze3A_908, %shift_right_logical3A_945 : i32
        %mul3A_947 = arith.constant 128 : i32
        %mul3A_948 = arith.muli %shift_right_logical3A_946, %mul3A_947 : i32
        %multiple_of3A_949 = tpu.assume_multiple %mul3A_948, 128 : i32
        %dma_start3A_950 = arith.constant 0 : i32
        %dma_start3A_951 = tpu.memref_slice %arg3[%dma_start3A_950, %multiple_of3A_949] : memref<32x1000000xf32, #tpu.memory_space<hbm>> -> memref<32x128xf32, #tpu.memory_space<hbm>>
        %dma_start3A_952 = arith.constant 0 : i32
        %dma_start3A_953 = tpu.memref_slice %arg3[%dma_start3A_952, %multiple_of3A_949] : memref<32x1000000xf32, #tpu.memory_space<hbm>> -> memref<32x128xf32, #tpu.memory_space<hbm>>
        tpu.enqueue_dma source(%dma_start3A_953 : memref<32x128xf32, #tpu.memory_space<hbm>>) target(%arg12 : memref<32x128xf32, #tpu.memory_space<vmem>>) target_semaphore(%arg21 : memref<!tpu.dma_semaphore, #tpu.memory_space<semaphore_mem>>)
      } else {
      }
      %mul3A_914 = arith.constant 16 : i32
      %mul3A_915 = arith.muli %scan3A_407, %mul3A_914 : i32
      %add3A_916 = arith.constant 15 : i32
      %add3A_917 = arith.addi %mul3A_915, %add3A_916 : i32
      %dma_wait3A_918 = arith.constant 0 : i32
      %dma_wait3A_919 = arith.constant 0 : i32
      %dma_wait3A_920 = tpu.memref_slice %arg3[%dma_wait3A_918, %dma_wait3A_919] : memref<32x1000000xf32, #tpu.memory_space<hbm>> -> memref<32x128xf32, #tpu.memory_space<hbm>>
      %dma_wait3A_921 = arith.constant 0 : i32
      %dma_wait3A_922 = arith.constant 0 : i32
      %dma_wait3A_923 = tpu.memref_slice %arg3[%dma_wait3A_921, %dma_wait3A_922] : memref<32x1000000xf32, #tpu.memory_space<hbm>> -> memref<32x128xf32, #tpu.memory_space<hbm>>
      tpu.wait_dma2 semaphore(%arg22 : memref<!tpu.dma_semaphore, #tpu.memory_space<semaphore_mem>>) src(%dma_wait3A_923 : memref<32x128xf32, #tpu.memory_space<hbm>>) dst(%arg13 : memref<32x128xf32, #tpu.memory_space<vmem>>)
      %slice3A_924 = vector.extract_strided_slice %get3A_413 {offsets = [15], sizes = [1], strides = [1]} : vector<16xi32> to vector<1xi32>
      %squeeze3A_925 = vector.extract %slice3A_924[0] : i32 from vector<1xi32>
      %and3A_926 = arith.constant 127 : i32
      %and3A_927 = arith.andi %squeeze3A_925, %and3A_926 : i32
      %broadcast_in_dim3A_928 = vector.broadcast %and3A_927 : i32 to vector<16xi32>
      %broadcast_in_dim3A_929 = vector.broadcast %add3A_917 : i32 to vector<16xi32>
      %gather3A_930 = tpu.vector_load_idx %arg13[%iota3A, %broadcast_in_dim3A_928] : memref<32x128xf32, #tpu.memory_space<vmem>>[vector<16xi32>, vector<16xi32>], vector<16xf32>,
      %add3A_931 = arith.constant 16 : i32
      %add3A_932 = vector.broadcast %add3A_931 : i32 to vector<16xi32>
      %add3A_933 = arith.addi %iota3A, %add3A_932 : vector<16xi32>
      %gather3A_934 = tpu.vector_load_idx %arg13[%add3A_933, %broadcast_in_dim3A_928] : memref<32x128xf32, #tpu.memory_space<vmem>>[vector<16xi32>, vector<16xi32>], vector<16xf32>,
      tpu.vector_store_idx %arg14[%iota3A, %broadcast_in_dim3A_929], %gather3A_930 : memref<32x128xf32, #tpu.memory_space<vmem>>[vector<16xi32>, vector<16xi32>], vector<16xf32>,
      %add3A_935 = arith.constant 16 : i32
      %add3A_936 = vector.broadcast %add3A_935 : i32 to vector<16xi32>
      %add3A_937 = arith.addi %iota3A, %add3A_936 : vector<16xi32>
      tpu.vector_store_idx %arg14[%add3A_937, %broadcast_in_dim3A_929], %gather3A_934 : memref<32x128xf32, #tpu.memory_space<vmem>>[vector<16xi32>, vector<16xi32>], vector<16xf32>,
      %slice3A_938 = vector.extract_strided_slice %get3A_421 {offsets = [7], sizes = [1], strides = [1]} : vector<16xi32> to vector<1xi32>
      %squeeze3A_939 = vector.extract %slice3A_938[0] : i32 from vector<1xi32>
      %lt3A_940 = arith.constant 7 : i32
      %lt3A_941 = arith.cmpi slt, %scan3A_407, %lt3A_940 : i32
      %convert_element_type3A_942 = arith.extui %lt3A_941 : i1 to i32
      %cond3A_943 = arith.constant 0 : i32
      %cond3A_944 = arith.cmpi ne, %convert_element_type3A_942, %cond3A_943 : i32
      scf.if %cond3A_944 {
        %shift_right_logical3A_945 = arith.constant 7 : i32
        %shift_right_logical3A_946 = arith.shrui %squeeze3A_939, %shift_right_logical3A_945 : i32
        %mul3A_947 = arith.constant 128 : i32
        %mul3A_948 = arith.muli %shift_right_logical3A_946, %mul3A_947 : i32
        %multiple_of3A_949 = tpu.assume_multiple %mul3A_948, 128 : i32
        %dma_start3A_950 = arith.constant 0 : i32
        %dma_start3A_951 = tpu.memref_slice %arg3[%dma_start3A_950, %multiple_of3A_949] : memref<32x1000000xf32, #tpu.memory_space<hbm>> -> memref<32x128xf32, #tpu.memory_space<hbm>>
        %dma_start3A_952 = arith.constant 0 : i32
        %dma_start3A_953 = tpu.memref_slice %arg3[%dma_start3A_952, %multiple_of3A_949] : memref<32x1000000xf32, #tpu.memory_space<hbm>> -> memref<32x128xf32, #tpu.memory_space<hbm>>
        tpu.enqueue_dma source(%dma_start3A_953 : memref<32x128xf32, #tpu.memory_space<hbm>>) target(%arg13 : memref<32x128xf32, #tpu.memory_space<vmem>>) target_semaphore(%arg22 : memref<!tpu.dma_semaphore, #tpu.memory_space<semaphore_mem>>)
      } else {
      }
    }
    %scan3A_304 = arith.constant 8 : i32
    %add3A_305 = arith.constant 256 : i32
    %add3A_306 = arith.addi %mul3A_2, %add3A_305 : i32
    %multiple_of3A_307 = tpu.assume_multiple %add3A_306, 128 : i32
    "tpu.region"() ({
      %run_scoped3A = tpu.sem_alloc : memref<!tpu.dma_semaphore, #tpu.memory_space<semaphore_mem>>
      %dma_start3A_407 = arith.constant 0 : i32
      %dma_start3A_408 = tpu.memref_slice %arg4[%dma_start3A_407, %multiple_of3A_307] : memref<32x16384xf32, #tpu.memory_space<hbm>> -> memref<32x128xf32, #tpu.memory_space<hbm>>
      %dma_start3A_409 = arith.constant 0 : i32
      %dma_start3A_410 = tpu.memref_slice %arg4[%dma_start3A_409, %multiple_of3A_307] : memref<32x16384xf32, #tpu.memory_space<hbm>> -> memref<32x128xf32, #tpu.memory_space<hbm>>
      tpu.enqueue_dma source(%arg14 : memref<32x128xf32, #tpu.memory_space<vmem>>) target(%dma_start3A_410 : memref<32x128xf32, #tpu.memory_space<hbm>>) target_semaphore(%run_scoped3A : memref<!tpu.dma_semaphore, #tpu.memory_space<semaphore_mem>>)
      %dma_wait3A_411 = arith.constant 0 : i32
      %dma_wait3A_412 = tpu.memref_slice %arg4[%dma_wait3A_411, %multiple_of3A_307] : memref<32x16384xf32, #tpu.memory_space<hbm>> -> memref<32x128xf32, #tpu.memory_space<hbm>>
      %dma_wait3A_413 = arith.constant 0 : i32
      %dma_wait3A_414 = tpu.memref_slice %arg4[%dma_wait3A_413, %multiple_of3A_307] : memref<32x16384xf32, #tpu.memory_space<hbm>> -> memref<32x128xf32, #tpu.memory_space<hbm>>
      tpu.wait_dma2 semaphore(%run_scoped3A : memref<!tpu.dma_semaphore, #tpu.memory_space<semaphore_mem>>) src(%arg14 : memref<32x128xf32, #tpu.memory_space<vmem>>) dst(%dma_wait3A_414 : memref<32x128xf32, #tpu.memory_space<hbm>>)
      tpu.yield
    }) : () -> ()
    %get3A_308 = arith.constant 384 : index
    %get3A_309 = tpu.vector_load %arg5[%get3A_308] {strides = array<i32>} : memref<544xi32, #tpu.memory_space<vmem>>, vector<16xi32>,
    %slice3A_310 = vector.extract_strided_slice %get3A_309 {offsets = [0], sizes = [1], strides = [1]} : vector<16xi32> to vector<1xi32>
    %squeeze3A_311 = vector.extract %slice3A_310[0] : i32 from vector<1xi32>
    %shift_right_logical3A_312 = arith.constant 7 : i32
    %shift_right_logical3A_313 = arith.shrui %squeeze3A_311, %shift_right_logical3A_312 : i32
    %mul3A_314 = arith.constant 128 : i32
    %mul3A_315 = arith.muli %shift_right_logical3A_313, %mul3A_314 : i32
    %multiple_of3A_316 = tpu.assume_multiple %mul3A_315, 128 : i32
    %dma_start3A_317 = arith.constant 0 : i32
    %dma_start3A_318 = tpu.memref_slice %arg3[%dma_start3A_317, %multiple_of3A_316] : memref<32x1000000xf32, #tpu.memory_space<hbm>> -> memref<32x128xf32, #tpu.memory_space<hbm>>
    %dma_start3A_319 = arith.constant 0 : i32
    %dma_start3A_320 = tpu.memref_slice %arg3[%dma_start3A_319, %multiple_of3A_316] : memref<32x1000000xf32, #tpu.memory_space<hbm>> -> memref<32x128xf32, #tpu.memory_space<hbm>>
    tpu.enqueue_dma source(%dma_start3A_320 : memref<32x128xf32, #tpu.memory_space<hbm>>) target(%arg6 : memref<32x128xf32, #tpu.memory_space<vmem>>) target_semaphore(%arg15 : memref<!tpu.dma_semaphore, #tpu.memory_space<semaphore_mem>>)
    %slice3A_321 = vector.extract_strided_slice %get3A_309 {offsets = [1], sizes = [1], strides = [1]} : vector<16xi32> to vector<1xi32>
    %squeeze3A_322 = vector.extract %slice3A_321[0] : i32 from vector<1xi32>
    %shift_right_logical3A_323 = arith.constant 7 : i32
    %shift_right_logical3A_324 = arith.shrui %squeeze3A_322, %shift_right_logical3A_323 : i32
    %mul3A_325 = arith.constant 128 : i32
    %mul3A_326 = arith.muli %shift_right_logical3A_324, %mul3A_325 : i32
    %multiple_of3A_327 = tpu.assume_multiple %mul3A_326, 128 : i32
    %dma_start3A_328 = arith.constant 0 : i32
    %dma_start3A_329 = tpu.memref_slice %arg3[%dma_start3A_328, %multiple_of3A_327] : memref<32x1000000xf32, #tpu.memory_space<hbm>> -> memref<32x128xf32, #tpu.memory_space<hbm>>
    %dma_start3A_330 = arith.constant 0 : i32
    %dma_start3A_331 = tpu.memref_slice %arg3[%dma_start3A_330, %multiple_of3A_327] : memref<32x1000000xf32, #tpu.memory_space<hbm>> -> memref<32x128xf32, #tpu.memory_space<hbm>>
    tpu.enqueue_dma source(%dma_start3A_331 : memref<32x128xf32, #tpu.memory_space<hbm>>) target(%arg7 : memref<32x128xf32, #tpu.memory_space<vmem>>) target_semaphore(%arg16 : memref<!tpu.dma_semaphore, #tpu.memory_space<semaphore_mem>>)
    %slice3A_332 = vector.extract_strided_slice %get3A_309 {offsets = [2], sizes = [1], strides = [1]} : vector<16xi32> to vector<1xi32>
    %squeeze3A_333 = vector.extract %slice3A_332[0] : i32 from vector<1xi32>
    %shift_right_logical3A_334 = arith.constant 7 : i32
    %shift_right_logical3A_335 = arith.shrui %squeeze3A_333, %shift_right_logical3A_334 : i32
    %mul3A_336 = arith.constant 128 : i32
    %mul3A_337 = arith.muli %shift_right_logical3A_335, %mul3A_336 : i32
    %multiple_of3A_338 = tpu.assume_multiple %mul3A_337, 128 : i32
    %dma_start3A_339 = arith.constant 0 : i32
    %dma_start3A_340 = tpu.memref_slice %arg3[%dma_start3A_339, %multiple_of3A_338] : memref<32x1000000xf32, #tpu.memory_space<hbm>> -> memref<32x128xf32, #tpu.memory_space<hbm>>
    %dma_start3A_341 = arith.constant 0 : i32
    %dma_start3A_342 = tpu.memref_slice %arg3[%dma_start3A_341, %multiple_of3A_338] : memref<32x1000000xf32, #tpu.memory_space<hbm>> -> memref<32x128xf32, #tpu.memory_space<hbm>>
    tpu.enqueue_dma source(%dma_start3A_342 : memref<32x128xf32, #tpu.memory_space<hbm>>) target(%arg8 : memref<32x128xf32, #tpu.memory_space<vmem>>) target_semaphore(%arg17 : memref<!tpu.dma_semaphore, #tpu.memory_space<semaphore_mem>>)
    %slice3A_343 = vector.extract_strided_slice %get3A_309 {offsets = [3], sizes = [1], strides = [1]} : vector<16xi32> to vector<1xi32>
    %squeeze3A_344 = vector.extract %slice3A_343[0] : i32 from vector<1xi32>
    %shift_right_logical3A_345 = arith.constant 7 : i32
    %shift_right_logical3A_346 = arith.shrui %squeeze3A_344, %shift_right_logical3A_345 : i32
    %mul3A_347 = arith.constant 128 : i32
    %mul3A_348 = arith.muli %shift_right_logical3A_346, %mul3A_347 : i32
    %multiple_of3A_349 = tpu.assume_multiple %mul3A_348, 128 : i32
    %dma_start3A_350 = arith.constant 0 : i32
    %dma_start3A_351 = tpu.memref_slice %arg3[%dma_start3A_350, %multiple_of3A_349] : memref<32x1000000xf32, #tpu.memory_space<hbm>> -> memref<32x128xf32, #tpu.memory_space<hbm>>
    %dma_start3A_352 = arith.constant 0 : i32
    %dma_start3A_353 = tpu.memref_slice %arg3[%dma_start3A_352, %multiple_of3A_349] : memref<32x1000000xf32, #tpu.memory_space<hbm>> -> memref<32x128xf32, #tpu.memory_space<hbm>>
    tpu.enqueue_dma source(%dma_start3A_353 : memref<32x128xf32, #tpu.memory_space<hbm>>) target(%arg9 : memref<32x128xf32, #tpu.memory_space<vmem>>) target_semaphore(%arg18 : memref<!tpu.dma_semaphore, #tpu.memory_space<semaphore_mem>>)
    %slice3A_354 = vector.extract_strided_slice %get3A_309 {offsets = [4], sizes = [1], strides = [1]} : vector<16xi32> to vector<1xi32>
    %squeeze3A_355 = vector.extract %slice3A_354[0] : i32 from vector<1xi32>
    %shift_right_logical3A_356 = arith.constant 7 : i32
    %shift_right_logical3A_357 = arith.shrui %squeeze3A_355, %shift_right_logical3A_356 : i32
    %mul3A_358 = arith.constant 128 : i32
    %mul3A_359 = arith.muli %shift_right_logical3A_357, %mul3A_358 : i32
    %multiple_of3A_360 = tpu.assume_multiple %mul3A_359, 128 : i32
    %dma_start3A_361 = arith.constant 0 : i32
    %dma_start3A_362 = tpu.memref_slice %arg3[%dma_start3A_361, %multiple_of3A_360] : memref<32x1000000xf32, #tpu.memory_space<hbm>> -> memref<32x128xf32, #tpu.memory_space<hbm>>
    %dma_start3A_363 = arith.constant 0 : i32
    %dma_start3A_364 = tpu.memref_slice %arg3[%dma_start3A_363, %multiple_of3A_360] : memref<32x1000000xf32, #tpu.memory_space<hbm>> -> memref<32x128xf32, #tpu.memory_space<hbm>>
    tpu.enqueue_dma source(%dma_start3A_364 : memref<32x128xf32, #tpu.memory_space<hbm>>) target(%arg10 : memref<32x128xf32, #tpu.memory_space<vmem>>) target_semaphore(%arg19 : memref<!tpu.dma_semaphore, #tpu.memory_space<semaphore_mem>>)
    %slice3A_365 = vector.extract_strided_slice %get3A_309 {offsets = [5], sizes = [1], strides = [1]} : vector<16xi32> to vector<1xi32>
    %squeeze3A_366 = vector.extract %slice3A_365[0] : i32 from vector<1xi32>
    %shift_right_logical3A_367 = arith.constant 7 : i32
    %shift_right_logical3A_368 = arith.shrui %squeeze3A_366, %shift_right_logical3A_367 : i32
    %mul3A_369 = arith.constant 128 : i32
    %mul3A_370 = arith.muli %shift_right_logical3A_368, %mul3A_369 : i32
    %multiple_of3A_371 = tpu.assume_multiple %mul3A_370, 128 : i32
    %dma_start3A_372 = arith.constant 0 : i32
    %dma_start3A_373 = tpu.memref_slice %arg3[%dma_start3A_372, %multiple_of3A_371] : memref<32x1000000xf32, #tpu.memory_space<hbm>> -> memref<32x128xf32, #tpu.memory_space<hbm>>
    %dma_start3A_374 = arith.constant 0 : i32
    %dma_start3A_375 = tpu.memref_slice %arg3[%dma_start3A_374, %multiple_of3A_371] : memref<32x1000000xf32, #tpu.memory_space<hbm>> -> memref<32x128xf32, #tpu.memory_space<hbm>>
    tpu.enqueue_dma source(%dma_start3A_375 : memref<32x128xf32, #tpu.memory_space<hbm>>) target(%arg11 : memref<32x128xf32, #tpu.memory_space<vmem>>) target_semaphore(%arg20 : memref<!tpu.dma_semaphore, #tpu.memory_space<semaphore_mem>>)
    %slice3A_376 = vector.extract_strided_slice %get3A_309 {offsets = [6], sizes = [1], strides = [1]} : vector<16xi32> to vector<1xi32>
    %squeeze3A_377 = vector.extract %slice3A_376[0] : i32 from vector<1xi32>
    %shift_right_logical3A_378 = arith.constant 7 : i32
    %shift_right_logical3A_379 = arith.shrui %squeeze3A_377, %shift_right_logical3A_378 : i32
    %mul3A_380 = arith.constant 128 : i32
    %mul3A_381 = arith.muli %shift_right_logical3A_379, %mul3A_380 : i32
    %multiple_of3A_382 = tpu.assume_multiple %mul3A_381, 128 : i32
    %dma_start3A_383 = arith.constant 0 : i32
    %dma_start3A_384 = tpu.memref_slice %arg3[%dma_start3A_383, %multiple_of3A_382] : memref<32x1000000xf32, #tpu.memory_space<hbm>> -> memref<32x128xf32, #tpu.memory_space<hbm>>
    %dma_start3A_385 = arith.constant 0 : i32
    %dma_start3A_386 = tpu.memref_slice %arg3[%dma_start3A_385, %multiple_of3A_382] : memref<32x1000000xf32, #tpu.memory_space<hbm>> -> memref<32x128xf32, #tpu.memory_space<hbm>>
    tpu.enqueue_dma source(%dma_start3A_386 : memref<32x128xf32, #tpu.memory_space<hbm>>) target(%arg12 : memref<32x128xf32, #tpu.memory_space<vmem>>) target_semaphore(%arg21 : memref<!tpu.dma_semaphore, #tpu.memory_space<semaphore_mem>>)
    %slice3A_387 = vector.extract_strided_slice %get3A_309 {offsets = [7], sizes = [1], strides = [1]} : vector<16xi32> to vector<1xi32>
    %squeeze3A_388 = vector.extract %slice3A_387[0] : i32 from vector<1xi32>
    %shift_right_logical3A_389 = arith.constant 7 : i32
    %shift_right_logical3A_390 = arith.shrui %squeeze3A_388, %shift_right_logical3A_389 : i32
    %mul3A_391 = arith.constant 128 : i32
    %mul3A_392 = arith.muli %shift_right_logical3A_390, %mul3A_391 : i32
    %multiple_of3A_393 = tpu.assume_multiple %mul3A_392, 128 : i32
    %dma_start3A_394 = arith.constant 0 : i32
    %dma_start3A_395 = tpu.memref_slice %arg3[%dma_start3A_394, %multiple_of3A_393] : memref<32x1000000xf32, #tpu.memory_space<hbm>> -> memref<32x128xf32, #tpu.memory_space<hbm>>
    %dma_start3A_396 = arith.constant 0 : i32
    %dma_start3A_397 = tpu.memref_slice %arg3[%dma_start3A_396, %multiple_of3A_393] : memref<32x1000000xf32, #tpu.memory_space<hbm>> -> memref<32x128xf32, #tpu.memory_space<hbm>>
    tpu.enqueue_dma source(%dma_start3A_397 : memref<32x128xf32, #tpu.memory_space<hbm>>) target(%arg13 : memref<32x128xf32, #tpu.memory_space<vmem>>) target_semaphore(%arg22 : memref<!tpu.dma_semaphore, #tpu.memory_space<semaphore_mem>>)
    %scan3A_398 = arith.constant 0 : i32
    %scan3A_399 = arith.constant 0 : i32
    %scan3A_400 = arith.constant 8 : i32
    %scan3A_401 = arith.addi %scan3A_399, %scan3A_400 : i32
    %scan3A_402 = arith.constant 1 : i32
    scf.for %scan3A_407 = %scan3A_399 to %scan3A_401 step %scan3A_402  : i32 {
      %mul3A_408 = arith.constant 16 : i32
      %mul3A_409 = arith.muli %scan3A_407, %mul3A_408 : i32
      %add3A_410 = arith.constant 384 : i32
      %add3A_411 = arith.addi %add3A_410, %mul3A_409 : i32
      %get3A_412 = arith.index_cast %add3A_411 : i32 to index
      %get3A_413 = tpu.vector_load %arg5[%get3A_412] {strides = array<i32>} : memref<544xi32, #tpu.memory_space<vmem>>, vector<16xi32>,
      %mul3A_414 = arith.constant 16 : i32
      %mul3A_415 = arith.muli %scan3A_407, %mul3A_414 : i32
      %add3A_416 = arith.constant 384 : i32
      %add3A_417 = arith.addi %add3A_416, %mul3A_415 : i32
      %add3A_418 = arith.constant 16 : i32
      %add3A_419 = arith.addi %add3A_417, %add3A_418 : i32
      %get3A_420 = arith.index_cast %add3A_419 : i32 to index
      %get3A_421 = tpu.vector_load %arg5[%get3A_420] {strides = array<i32>} : memref<544xi32, #tpu.memory_space<vmem>>, vector<16xi32>,
      %mul3A_422 = arith.constant 16 : i32
      %mul3A_423 = arith.muli %scan3A_407, %mul3A_422 : i32
      %add3A_424 = arith.constant 0 : i32
      %add3A_425 = arith.addi %mul3A_423, %add3A_424 : i32
      %dma_wait3A_426 = arith.constant 0 : i32
      %dma_wait3A_427 = arith.constant 0 : i32
      %dma_wait3A_428 = tpu.memref_slice %arg3[%dma_wait3A_426, %dma_wait3A_427] : memref<32x1000000xf32, #tpu.memory_space<hbm>> -> memref<32x128xf32, #tpu.memory_space<hbm>>
      %dma_wait3A_429 = arith.constant 0 : i32
      %dma_wait3A_430 = arith.constant 0 : i32
      %dma_wait3A_431 = tpu.memref_slice %arg3[%dma_wait3A_429, %dma_wait3A_430] : memref<32x1000000xf32, #tpu.memory_space<hbm>> -> memref<32x128xf32, #tpu.memory_space<hbm>>
      tpu.wait_dma2 semaphore(%arg15 : memref<!tpu.dma_semaphore, #tpu.memory_space<semaphore_mem>>) src(%dma_wait3A_431 : memref<32x128xf32, #tpu.memory_space<hbm>>) dst(%arg6 : memref<32x128xf32, #tpu.memory_space<vmem>>)
      %slice3A_432 = vector.extract_strided_slice %get3A_413 {offsets = [0], sizes = [1], strides = [1]} : vector<16xi32> to vector<1xi32>
      %squeeze3A_433 = vector.extract %slice3A_432[0] : i32 from vector<1xi32>
      %and3A = arith.constant 127 : i32
      %and3A_434 = arith.andi %squeeze3A_433, %and3A : i32
      %broadcast_in_dim3A_435 = vector.broadcast %and3A_434 : i32 to vector<16xi32>
      %broadcast_in_dim3A_436 = vector.broadcast %add3A_425 : i32 to vector<16xi32>
      %gather3A = tpu.vector_load_idx %arg6[%iota3A, %broadcast_in_dim3A_435] : memref<32x128xf32, #tpu.memory_space<vmem>>[vector<16xi32>, vector<16xi32>], vector<16xf32>,
      %add3A_437 = arith.constant 16 : i32
      %add3A_438 = vector.broadcast %add3A_437 : i32 to vector<16xi32>
      %add3A_439 = arith.addi %iota3A, %add3A_438 : vector<16xi32>
      %gather3A_440 = tpu.vector_load_idx %arg6[%add3A_439, %broadcast_in_dim3A_435] : memref<32x128xf32, #tpu.memory_space<vmem>>[vector<16xi32>, vector<16xi32>], vector<16xf32>,
      tpu.vector_store_idx %arg14[%iota3A, %broadcast_in_dim3A_436], %gather3A : memref<32x128xf32, #tpu.memory_space<vmem>>[vector<16xi32>, vector<16xi32>], vector<16xf32>,
      %add3A_441 = arith.constant 16 : i32
      %add3A_442 = vector.broadcast %add3A_441 : i32 to vector<16xi32>
      %add3A_443 = arith.addi %iota3A, %add3A_442 : vector<16xi32>
      tpu.vector_store_idx %arg14[%add3A_443, %broadcast_in_dim3A_436], %gather3A_440 : memref<32x128xf32, #tpu.memory_space<vmem>>[vector<16xi32>, vector<16xi32>], vector<16xf32>,
      %slice3A_444 = vector.extract_strided_slice %get3A_413 {offsets = [8], sizes = [1], strides = [1]} : vector<16xi32> to vector<1xi32>
      %squeeze3A_445 = vector.extract %slice3A_444[0] : i32 from vector<1xi32>
      %shift_right_logical3A_446 = arith.constant 7 : i32
      %shift_right_logical3A_447 = arith.shrui %squeeze3A_445, %shift_right_logical3A_446 : i32
      %mul3A_448 = arith.constant 128 : i32
      %mul3A_449 = arith.muli %shift_right_logical3A_447, %mul3A_448 : i32
      %multiple_of3A_450 = tpu.assume_multiple %mul3A_449, 128 : i32
      %dma_start3A_451 = arith.constant 0 : i32
      %dma_start3A_452 = tpu.memref_slice %arg3[%dma_start3A_451, %multiple_of3A_450] : memref<32x1000000xf32, #tpu.memory_space<hbm>> -> memref<32x128xf32, #tpu.memory_space<hbm>>
      %dma_start3A_453 = arith.constant 0 : i32
      %dma_start3A_454 = tpu.memref_slice %arg3[%dma_start3A_453, %multiple_of3A_450] : memref<32x1000000xf32, #tpu.memory_space<hbm>> -> memref<32x128xf32, #tpu.memory_space<hbm>>
      tpu.enqueue_dma source(%dma_start3A_454 : memref<32x128xf32, #tpu.memory_space<hbm>>) target(%arg6 : memref<32x128xf32, #tpu.memory_space<vmem>>) target_semaphore(%arg15 : memref<!tpu.dma_semaphore, #tpu.memory_space<semaphore_mem>>)
      %mul3A_455 = arith.constant 16 : i32
      %mul3A_456 = arith.muli %scan3A_407, %mul3A_455 : i32
      %add3A_457 = arith.constant 1 : i32
      %add3A_458 = arith.addi %mul3A_456, %add3A_457 : i32
      %dma_wait3A_459 = arith.constant 0 : i32
      %dma_wait3A_460 = arith.constant 0 : i32
      %dma_wait3A_461 = tpu.memref_slice %arg3[%dma_wait3A_459, %dma_wait3A_460] : memref<32x1000000xf32, #tpu.memory_space<hbm>> -> memref<32x128xf32, #tpu.memory_space<hbm>>
      %dma_wait3A_462 = arith.constant 0 : i32
      %dma_wait3A_463 = arith.constant 0 : i32
      %dma_wait3A_464 = tpu.memref_slice %arg3[%dma_wait3A_462, %dma_wait3A_463] : memref<32x1000000xf32, #tpu.memory_space<hbm>> -> memref<32x128xf32, #tpu.memory_space<hbm>>
      tpu.wait_dma2 semaphore(%arg16 : memref<!tpu.dma_semaphore, #tpu.memory_space<semaphore_mem>>) src(%dma_wait3A_464 : memref<32x128xf32, #tpu.memory_space<hbm>>) dst(%arg7 : memref<32x128xf32, #tpu.memory_space<vmem>>)
      %slice3A_465 = vector.extract_strided_slice %get3A_413 {offsets = [1], sizes = [1], strides = [1]} : vector<16xi32> to vector<1xi32>
      %squeeze3A_466 = vector.extract %slice3A_465[0] : i32 from vector<1xi32>
      %and3A_467 = arith.constant 127 : i32
      %and3A_468 = arith.andi %squeeze3A_466, %and3A_467 : i32
      %broadcast_in_dim3A_469 = vector.broadcast %and3A_468 : i32 to vector<16xi32>
      %broadcast_in_dim3A_470 = vector.broadcast %add3A_458 : i32 to vector<16xi32>
      %gather3A_471 = tpu.vector_load_idx %arg7[%iota3A, %broadcast_in_dim3A_469] : memref<32x128xf32, #tpu.memory_space<vmem>>[vector<16xi32>, vector<16xi32>], vector<16xf32>,
      %add3A_472 = arith.constant 16 : i32
      %add3A_473 = vector.broadcast %add3A_472 : i32 to vector<16xi32>
      %add3A_474 = arith.addi %iota3A, %add3A_473 : vector<16xi32>
      %gather3A_475 = tpu.vector_load_idx %arg7[%add3A_474, %broadcast_in_dim3A_469] : memref<32x128xf32, #tpu.memory_space<vmem>>[vector<16xi32>, vector<16xi32>], vector<16xf32>,
      tpu.vector_store_idx %arg14[%iota3A, %broadcast_in_dim3A_470], %gather3A_471 : memref<32x128xf32, #tpu.memory_space<vmem>>[vector<16xi32>, vector<16xi32>], vector<16xf32>,
      %add3A_476 = arith.constant 16 : i32
      %add3A_477 = vector.broadcast %add3A_476 : i32 to vector<16xi32>
      %add3A_478 = arith.addi %iota3A, %add3A_477 : vector<16xi32>
      tpu.vector_store_idx %arg14[%add3A_478, %broadcast_in_dim3A_470], %gather3A_475 : memref<32x128xf32, #tpu.memory_space<vmem>>[vector<16xi32>, vector<16xi32>], vector<16xf32>,
      %slice3A_479 = vector.extract_strided_slice %get3A_413 {offsets = [9], sizes = [1], strides = [1]} : vector<16xi32> to vector<1xi32>
      %squeeze3A_480 = vector.extract %slice3A_479[0] : i32 from vector<1xi32>
      %shift_right_logical3A_481 = arith.constant 7 : i32
      %shift_right_logical3A_482 = arith.shrui %squeeze3A_480, %shift_right_logical3A_481 : i32
      %mul3A_483 = arith.constant 128 : i32
      %mul3A_484 = arith.muli %shift_right_logical3A_482, %mul3A_483 : i32
      %multiple_of3A_485 = tpu.assume_multiple %mul3A_484, 128 : i32
      %dma_start3A_486 = arith.constant 0 : i32
      %dma_start3A_487 = tpu.memref_slice %arg3[%dma_start3A_486, %multiple_of3A_485] : memref<32x1000000xf32, #tpu.memory_space<hbm>> -> memref<32x128xf32, #tpu.memory_space<hbm>>
      %dma_start3A_488 = arith.constant 0 : i32
      %dma_start3A_489 = tpu.memref_slice %arg3[%dma_start3A_488, %multiple_of3A_485] : memref<32x1000000xf32, #tpu.memory_space<hbm>> -> memref<32x128xf32, #tpu.memory_space<hbm>>
      tpu.enqueue_dma source(%dma_start3A_489 : memref<32x128xf32, #tpu.memory_space<hbm>>) target(%arg7 : memref<32x128xf32, #tpu.memory_space<vmem>>) target_semaphore(%arg16 : memref<!tpu.dma_semaphore, #tpu.memory_space<semaphore_mem>>)
      %mul3A_490 = arith.constant 16 : i32
      %mul3A_491 = arith.muli %scan3A_407, %mul3A_490 : i32
      %add3A_492 = arith.constant 2 : i32
      %add3A_493 = arith.addi %mul3A_491, %add3A_492 : i32
      %dma_wait3A_494 = arith.constant 0 : i32
      %dma_wait3A_495 = arith.constant 0 : i32
      %dma_wait3A_496 = tpu.memref_slice %arg3[%dma_wait3A_494, %dma_wait3A_495] : memref<32x1000000xf32, #tpu.memory_space<hbm>> -> memref<32x128xf32, #tpu.memory_space<hbm>>
      %dma_wait3A_497 = arith.constant 0 : i32
      %dma_wait3A_498 = arith.constant 0 : i32
      %dma_wait3A_499 = tpu.memref_slice %arg3[%dma_wait3A_497, %dma_wait3A_498] : memref<32x1000000xf32, #tpu.memory_space<hbm>> -> memref<32x128xf32, #tpu.memory_space<hbm>>
      tpu.wait_dma2 semaphore(%arg17 : memref<!tpu.dma_semaphore, #tpu.memory_space<semaphore_mem>>) src(%dma_wait3A_499 : memref<32x128xf32, #tpu.memory_space<hbm>>) dst(%arg8 : memref<32x128xf32, #tpu.memory_space<vmem>>)
      %slice3A_500 = vector.extract_strided_slice %get3A_413 {offsets = [2], sizes = [1], strides = [1]} : vector<16xi32> to vector<1xi32>
      %squeeze3A_501 = vector.extract %slice3A_500[0] : i32 from vector<1xi32>
      %and3A_502 = arith.constant 127 : i32
      %and3A_503 = arith.andi %squeeze3A_501, %and3A_502 : i32
      %broadcast_in_dim3A_504 = vector.broadcast %and3A_503 : i32 to vector<16xi32>
      %broadcast_in_dim3A_505 = vector.broadcast %add3A_493 : i32 to vector<16xi32>
      %gather3A_506 = tpu.vector_load_idx %arg8[%iota3A, %broadcast_in_dim3A_504] : memref<32x128xf32, #tpu.memory_space<vmem>>[vector<16xi32>, vector<16xi32>], vector<16xf32>,
      %add3A_507 = arith.constant 16 : i32
      %add3A_508 = vector.broadcast %add3A_507 : i32 to vector<16xi32>
      %add3A_509 = arith.addi %iota3A, %add3A_508 : vector<16xi32>
      %gather3A_510 = tpu.vector_load_idx %arg8[%add3A_509, %broadcast_in_dim3A_504] : memref<32x128xf32, #tpu.memory_space<vmem>>[vector<16xi32>, vector<16xi32>], vector<16xf32>,
      tpu.vector_store_idx %arg14[%iota3A, %broadcast_in_dim3A_505], %gather3A_506 : memref<32x128xf32, #tpu.memory_space<vmem>>[vector<16xi32>, vector<16xi32>], vector<16xf32>,
      %add3A_511 = arith.constant 16 : i32
      %add3A_512 = vector.broadcast %add3A_511 : i32 to vector<16xi32>
      %add3A_513 = arith.addi %iota3A, %add3A_512 : vector<16xi32>
      tpu.vector_store_idx %arg14[%add3A_513, %broadcast_in_dim3A_505], %gather3A_510 : memref<32x128xf32, #tpu.memory_space<vmem>>[vector<16xi32>, vector<16xi32>], vector<16xf32>,
      %slice3A_514 = vector.extract_strided_slice %get3A_413 {offsets = [10], sizes = [1], strides = [1]} : vector<16xi32> to vector<1xi32>
      %squeeze3A_515 = vector.extract %slice3A_514[0] : i32 from vector<1xi32>
      %shift_right_logical3A_516 = arith.constant 7 : i32
      %shift_right_logical3A_517 = arith.shrui %squeeze3A_515, %shift_right_logical3A_516 : i32
      %mul3A_518 = arith.constant 128 : i32
      %mul3A_519 = arith.muli %shift_right_logical3A_517, %mul3A_518 : i32
      %multiple_of3A_520 = tpu.assume_multiple %mul3A_519, 128 : i32
      %dma_start3A_521 = arith.constant 0 : i32
      %dma_start3A_522 = tpu.memref_slice %arg3[%dma_start3A_521, %multiple_of3A_520] : memref<32x1000000xf32, #tpu.memory_space<hbm>> -> memref<32x128xf32, #tpu.memory_space<hbm>>
      %dma_start3A_523 = arith.constant 0 : i32
      %dma_start3A_524 = tpu.memref_slice %arg3[%dma_start3A_523, %multiple_of3A_520] : memref<32x1000000xf32, #tpu.memory_space<hbm>> -> memref<32x128xf32, #tpu.memory_space<hbm>>
      tpu.enqueue_dma source(%dma_start3A_524 : memref<32x128xf32, #tpu.memory_space<hbm>>) target(%arg8 : memref<32x128xf32, #tpu.memory_space<vmem>>) target_semaphore(%arg17 : memref<!tpu.dma_semaphore, #tpu.memory_space<semaphore_mem>>)
      %mul3A_525 = arith.constant 16 : i32
      %mul3A_526 = arith.muli %scan3A_407, %mul3A_525 : i32
      %add3A_527 = arith.constant 3 : i32
      %add3A_528 = arith.addi %mul3A_526, %add3A_527 : i32
      %dma_wait3A_529 = arith.constant 0 : i32
      %dma_wait3A_530 = arith.constant 0 : i32
      %dma_wait3A_531 = tpu.memref_slice %arg3[%dma_wait3A_529, %dma_wait3A_530] : memref<32x1000000xf32, #tpu.memory_space<hbm>> -> memref<32x128xf32, #tpu.memory_space<hbm>>
      %dma_wait3A_532 = arith.constant 0 : i32
      %dma_wait3A_533 = arith.constant 0 : i32
      %dma_wait3A_534 = tpu.memref_slice %arg3[%dma_wait3A_532, %dma_wait3A_533] : memref<32x1000000xf32, #tpu.memory_space<hbm>> -> memref<32x128xf32, #tpu.memory_space<hbm>>
      tpu.wait_dma2 semaphore(%arg18 : memref<!tpu.dma_semaphore, #tpu.memory_space<semaphore_mem>>) src(%dma_wait3A_534 : memref<32x128xf32, #tpu.memory_space<hbm>>) dst(%arg9 : memref<32x128xf32, #tpu.memory_space<vmem>>)
      %slice3A_535 = vector.extract_strided_slice %get3A_413 {offsets = [3], sizes = [1], strides = [1]} : vector<16xi32> to vector<1xi32>
      %squeeze3A_536 = vector.extract %slice3A_535[0] : i32 from vector<1xi32>
      %and3A_537 = arith.constant 127 : i32
      %and3A_538 = arith.andi %squeeze3A_536, %and3A_537 : i32
      %broadcast_in_dim3A_539 = vector.broadcast %and3A_538 : i32 to vector<16xi32>
      %broadcast_in_dim3A_540 = vector.broadcast %add3A_528 : i32 to vector<16xi32>
      %gather3A_541 = tpu.vector_load_idx %arg9[%iota3A, %broadcast_in_dim3A_539] : memref<32x128xf32, #tpu.memory_space<vmem>>[vector<16xi32>, vector<16xi32>], vector<16xf32>,
      %add3A_542 = arith.constant 16 : i32
      %add3A_543 = vector.broadcast %add3A_542 : i32 to vector<16xi32>
      %add3A_544 = arith.addi %iota3A, %add3A_543 : vector<16xi32>
      %gather3A_545 = tpu.vector_load_idx %arg9[%add3A_544, %broadcast_in_dim3A_539] : memref<32x128xf32, #tpu.memory_space<vmem>>[vector<16xi32>, vector<16xi32>], vector<16xf32>,
      tpu.vector_store_idx %arg14[%iota3A, %broadcast_in_dim3A_540], %gather3A_541 : memref<32x128xf32, #tpu.memory_space<vmem>>[vector<16xi32>, vector<16xi32>], vector<16xf32>,
      %add3A_546 = arith.constant 16 : i32
      %add3A_547 = vector.broadcast %add3A_546 : i32 to vector<16xi32>
      %add3A_548 = arith.addi %iota3A, %add3A_547 : vector<16xi32>
      tpu.vector_store_idx %arg14[%add3A_548, %broadcast_in_dim3A_540], %gather3A_545 : memref<32x128xf32, #tpu.memory_space<vmem>>[vector<16xi32>, vector<16xi32>], vector<16xf32>,
      %slice3A_549 = vector.extract_strided_slice %get3A_413 {offsets = [11], sizes = [1], strides = [1]} : vector<16xi32> to vector<1xi32>
      %squeeze3A_550 = vector.extract %slice3A_549[0] : i32 from vector<1xi32>
      %shift_right_logical3A_551 = arith.constant 7 : i32
      %shift_right_logical3A_552 = arith.shrui %squeeze3A_550, %shift_right_logical3A_551 : i32
      %mul3A_553 = arith.constant 128 : i32
      %mul3A_554 = arith.muli %shift_right_logical3A_552, %mul3A_553 : i32
      %multiple_of3A_555 = tpu.assume_multiple %mul3A_554, 128 : i32
      %dma_start3A_556 = arith.constant 0 : i32
      %dma_start3A_557 = tpu.memref_slice %arg3[%dma_start3A_556, %multiple_of3A_555] : memref<32x1000000xf32, #tpu.memory_space<hbm>> -> memref<32x128xf32, #tpu.memory_space<hbm>>
      %dma_start3A_558 = arith.constant 0 : i32
      %dma_start3A_559 = tpu.memref_slice %arg3[%dma_start3A_558, %multiple_of3A_555] : memref<32x1000000xf32, #tpu.memory_space<hbm>> -> memref<32x128xf32, #tpu.memory_space<hbm>>
      tpu.enqueue_dma source(%dma_start3A_559 : memref<32x128xf32, #tpu.memory_space<hbm>>) target(%arg9 : memref<32x128xf32, #tpu.memory_space<vmem>>) target_semaphore(%arg18 : memref<!tpu.dma_semaphore, #tpu.memory_space<semaphore_mem>>)
      %mul3A_560 = arith.constant 16 : i32
      %mul3A_561 = arith.muli %scan3A_407, %mul3A_560 : i32
      %add3A_562 = arith.constant 4 : i32
      %add3A_563 = arith.addi %mul3A_561, %add3A_562 : i32
      %dma_wait3A_564 = arith.constant 0 : i32
      %dma_wait3A_565 = arith.constant 0 : i32
      %dma_wait3A_566 = tpu.memref_slice %arg3[%dma_wait3A_564, %dma_wait3A_565] : memref<32x1000000xf32, #tpu.memory_space<hbm>> -> memref<32x128xf32, #tpu.memory_space<hbm>>
      %dma_wait3A_567 = arith.constant 0 : i32
      %dma_wait3A_568 = arith.constant 0 : i32
      %dma_wait3A_569 = tpu.memref_slice %arg3[%dma_wait3A_567, %dma_wait3A_568] : memref<32x1000000xf32, #tpu.memory_space<hbm>> -> memref<32x128xf32, #tpu.memory_space<hbm>>
      tpu.wait_dma2 semaphore(%arg19 : memref<!tpu.dma_semaphore, #tpu.memory_space<semaphore_mem>>) src(%dma_wait3A_569 : memref<32x128xf32, #tpu.memory_space<hbm>>) dst(%arg10 : memref<32x128xf32, #tpu.memory_space<vmem>>)
      %slice3A_570 = vector.extract_strided_slice %get3A_413 {offsets = [4], sizes = [1], strides = [1]} : vector<16xi32> to vector<1xi32>
      %squeeze3A_571 = vector.extract %slice3A_570[0] : i32 from vector<1xi32>
      %and3A_572 = arith.constant 127 : i32
      %and3A_573 = arith.andi %squeeze3A_571, %and3A_572 : i32
      %broadcast_in_dim3A_574 = vector.broadcast %and3A_573 : i32 to vector<16xi32>
      %broadcast_in_dim3A_575 = vector.broadcast %add3A_563 : i32 to vector<16xi32>
      %gather3A_576 = tpu.vector_load_idx %arg10[%iota3A, %broadcast_in_dim3A_574] : memref<32x128xf32, #tpu.memory_space<vmem>>[vector<16xi32>, vector<16xi32>], vector<16xf32>,
      %add3A_577 = arith.constant 16 : i32
      %add3A_578 = vector.broadcast %add3A_577 : i32 to vector<16xi32>
      %add3A_579 = arith.addi %iota3A, %add3A_578 : vector<16xi32>
      %gather3A_580 = tpu.vector_load_idx %arg10[%add3A_579, %broadcast_in_dim3A_574] : memref<32x128xf32, #tpu.memory_space<vmem>>[vector<16xi32>, vector<16xi32>], vector<16xf32>,
      tpu.vector_store_idx %arg14[%iota3A, %broadcast_in_dim3A_575], %gather3A_576 : memref<32x128xf32, #tpu.memory_space<vmem>>[vector<16xi32>, vector<16xi32>], vector<16xf32>,
      %add3A_581 = arith.constant 16 : i32
      %add3A_582 = vector.broadcast %add3A_581 : i32 to vector<16xi32>
      %add3A_583 = arith.addi %iota3A, %add3A_582 : vector<16xi32>
      tpu.vector_store_idx %arg14[%add3A_583, %broadcast_in_dim3A_575], %gather3A_580 : memref<32x128xf32, #tpu.memory_space<vmem>>[vector<16xi32>, vector<16xi32>], vector<16xf32>,
      %slice3A_584 = vector.extract_strided_slice %get3A_413 {offsets = [12], sizes = [1], strides = [1]} : vector<16xi32> to vector<1xi32>
      %squeeze3A_585 = vector.extract %slice3A_584[0] : i32 from vector<1xi32>
      %shift_right_logical3A_586 = arith.constant 7 : i32
      %shift_right_logical3A_587 = arith.shrui %squeeze3A_585, %shift_right_logical3A_586 : i32
      %mul3A_588 = arith.constant 128 : i32
      %mul3A_589 = arith.muli %shift_right_logical3A_587, %mul3A_588 : i32
      %multiple_of3A_590 = tpu.assume_multiple %mul3A_589, 128 : i32
      %dma_start3A_591 = arith.constant 0 : i32
      %dma_start3A_592 = tpu.memref_slice %arg3[%dma_start3A_591, %multiple_of3A_590] : memref<32x1000000xf32, #tpu.memory_space<hbm>> -> memref<32x128xf32, #tpu.memory_space<hbm>>
      %dma_start3A_593 = arith.constant 0 : i32
      %dma_start3A_594 = tpu.memref_slice %arg3[%dma_start3A_593, %multiple_of3A_590] : memref<32x1000000xf32, #tpu.memory_space<hbm>> -> memref<32x128xf32, #tpu.memory_space<hbm>>
      tpu.enqueue_dma source(%dma_start3A_594 : memref<32x128xf32, #tpu.memory_space<hbm>>) target(%arg10 : memref<32x128xf32, #tpu.memory_space<vmem>>) target_semaphore(%arg19 : memref<!tpu.dma_semaphore, #tpu.memory_space<semaphore_mem>>)
      %mul3A_595 = arith.constant 16 : i32
      %mul3A_596 = arith.muli %scan3A_407, %mul3A_595 : i32
      %add3A_597 = arith.constant 5 : i32
      %add3A_598 = arith.addi %mul3A_596, %add3A_597 : i32
      %dma_wait3A_599 = arith.constant 0 : i32
      %dma_wait3A_600 = arith.constant 0 : i32
      %dma_wait3A_601 = tpu.memref_slice %arg3[%dma_wait3A_599, %dma_wait3A_600] : memref<32x1000000xf32, #tpu.memory_space<hbm>> -> memref<32x128xf32, #tpu.memory_space<hbm>>
      %dma_wait3A_602 = arith.constant 0 : i32
      %dma_wait3A_603 = arith.constant 0 : i32
      %dma_wait3A_604 = tpu.memref_slice %arg3[%dma_wait3A_602, %dma_wait3A_603] : memref<32x1000000xf32, #tpu.memory_space<hbm>> -> memref<32x128xf32, #tpu.memory_space<hbm>>
      tpu.wait_dma2 semaphore(%arg20 : memref<!tpu.dma_semaphore, #tpu.memory_space<semaphore_mem>>) src(%dma_wait3A_604 : memref<32x128xf32, #tpu.memory_space<hbm>>) dst(%arg11 : memref<32x128xf32, #tpu.memory_space<vmem>>)
      %slice3A_605 = vector.extract_strided_slice %get3A_413 {offsets = [5], sizes = [1], strides = [1]} : vector<16xi32> to vector<1xi32>
      %squeeze3A_606 = vector.extract %slice3A_605[0] : i32 from vector<1xi32>
      %and3A_607 = arith.constant 127 : i32
      %and3A_608 = arith.andi %squeeze3A_606, %and3A_607 : i32
      %broadcast_in_dim3A_609 = vector.broadcast %and3A_608 : i32 to vector<16xi32>
      %broadcast_in_dim3A_610 = vector.broadcast %add3A_598 : i32 to vector<16xi32>
      %gather3A_611 = tpu.vector_load_idx %arg11[%iota3A, %broadcast_in_dim3A_609] : memref<32x128xf32, #tpu.memory_space<vmem>>[vector<16xi32>, vector<16xi32>], vector<16xf32>,
      %add3A_612 = arith.constant 16 : i32
      %add3A_613 = vector.broadcast %add3A_612 : i32 to vector<16xi32>
      %add3A_614 = arith.addi %iota3A, %add3A_613 : vector<16xi32>
      %gather3A_615 = tpu.vector_load_idx %arg11[%add3A_614, %broadcast_in_dim3A_609] : memref<32x128xf32, #tpu.memory_space<vmem>>[vector<16xi32>, vector<16xi32>], vector<16xf32>,
      tpu.vector_store_idx %arg14[%iota3A, %broadcast_in_dim3A_610], %gather3A_611 : memref<32x128xf32, #tpu.memory_space<vmem>>[vector<16xi32>, vector<16xi32>], vector<16xf32>,
      %add3A_616 = arith.constant 16 : i32
      %add3A_617 = vector.broadcast %add3A_616 : i32 to vector<16xi32>
      %add3A_618 = arith.addi %iota3A, %add3A_617 : vector<16xi32>
      tpu.vector_store_idx %arg14[%add3A_618, %broadcast_in_dim3A_610], %gather3A_615 : memref<32x128xf32, #tpu.memory_space<vmem>>[vector<16xi32>, vector<16xi32>], vector<16xf32>,
      %slice3A_619 = vector.extract_strided_slice %get3A_413 {offsets = [13], sizes = [1], strides = [1]} : vector<16xi32> to vector<1xi32>
      %squeeze3A_620 = vector.extract %slice3A_619[0] : i32 from vector<1xi32>
      %shift_right_logical3A_621 = arith.constant 7 : i32
      %shift_right_logical3A_622 = arith.shrui %squeeze3A_620, %shift_right_logical3A_621 : i32
      %mul3A_623 = arith.constant 128 : i32
      %mul3A_624 = arith.muli %shift_right_logical3A_622, %mul3A_623 : i32
      %multiple_of3A_625 = tpu.assume_multiple %mul3A_624, 128 : i32
      %dma_start3A_626 = arith.constant 0 : i32
      %dma_start3A_627 = tpu.memref_slice %arg3[%dma_start3A_626, %multiple_of3A_625] : memref<32x1000000xf32, #tpu.memory_space<hbm>> -> memref<32x128xf32, #tpu.memory_space<hbm>>
      %dma_start3A_628 = arith.constant 0 : i32
      %dma_start3A_629 = tpu.memref_slice %arg3[%dma_start3A_628, %multiple_of3A_625] : memref<32x1000000xf32, #tpu.memory_space<hbm>> -> memref<32x128xf32, #tpu.memory_space<hbm>>
      tpu.enqueue_dma source(%dma_start3A_629 : memref<32x128xf32, #tpu.memory_space<hbm>>) target(%arg11 : memref<32x128xf32, #tpu.memory_space<vmem>>) target_semaphore(%arg20 : memref<!tpu.dma_semaphore, #tpu.memory_space<semaphore_mem>>)
      %mul3A_630 = arith.constant 16 : i32
      %mul3A_631 = arith.muli %scan3A_407, %mul3A_630 : i32
      %add3A_632 = arith.constant 6 : i32
      %add3A_633 = arith.addi %mul3A_631, %add3A_632 : i32
      %dma_wait3A_634 = arith.constant 0 : i32
      %dma_wait3A_635 = arith.constant 0 : i32
      %dma_wait3A_636 = tpu.memref_slice %arg3[%dma_wait3A_634, %dma_wait3A_635] : memref<32x1000000xf32, #tpu.memory_space<hbm>> -> memref<32x128xf32, #tpu.memory_space<hbm>>
      %dma_wait3A_637 = arith.constant 0 : i32
      %dma_wait3A_638 = arith.constant 0 : i32
      %dma_wait3A_639 = tpu.memref_slice %arg3[%dma_wait3A_637, %dma_wait3A_638] : memref<32x1000000xf32, #tpu.memory_space<hbm>> -> memref<32x128xf32, #tpu.memory_space<hbm>>
      tpu.wait_dma2 semaphore(%arg21 : memref<!tpu.dma_semaphore, #tpu.memory_space<semaphore_mem>>) src(%dma_wait3A_639 : memref<32x128xf32, #tpu.memory_space<hbm>>) dst(%arg12 : memref<32x128xf32, #tpu.memory_space<vmem>>)
      %slice3A_640 = vector.extract_strided_slice %get3A_413 {offsets = [6], sizes = [1], strides = [1]} : vector<16xi32> to vector<1xi32>
      %squeeze3A_641 = vector.extract %slice3A_640[0] : i32 from vector<1xi32>
      %and3A_642 = arith.constant 127 : i32
      %and3A_643 = arith.andi %squeeze3A_641, %and3A_642 : i32
      %broadcast_in_dim3A_644 = vector.broadcast %and3A_643 : i32 to vector<16xi32>
      %broadcast_in_dim3A_645 = vector.broadcast %add3A_633 : i32 to vector<16xi32>
      %gather3A_646 = tpu.vector_load_idx %arg12[%iota3A, %broadcast_in_dim3A_644] : memref<32x128xf32, #tpu.memory_space<vmem>>[vector<16xi32>, vector<16xi32>], vector<16xf32>,
      %add3A_647 = arith.constant 16 : i32
      %add3A_648 = vector.broadcast %add3A_647 : i32 to vector<16xi32>
      %add3A_649 = arith.addi %iota3A, %add3A_648 : vector<16xi32>
      %gather3A_650 = tpu.vector_load_idx %arg12[%add3A_649, %broadcast_in_dim3A_644] : memref<32x128xf32, #tpu.memory_space<vmem>>[vector<16xi32>, vector<16xi32>], vector<16xf32>,
      tpu.vector_store_idx %arg14[%iota3A, %broadcast_in_dim3A_645], %gather3A_646 : memref<32x128xf32, #tpu.memory_space<vmem>>[vector<16xi32>, vector<16xi32>], vector<16xf32>,
      %add3A_651 = arith.constant 16 : i32
      %add3A_652 = vector.broadcast %add3A_651 : i32 to vector<16xi32>
      %add3A_653 = arith.addi %iota3A, %add3A_652 : vector<16xi32>
      tpu.vector_store_idx %arg14[%add3A_653, %broadcast_in_dim3A_645], %gather3A_650 : memref<32x128xf32, #tpu.memory_space<vmem>>[vector<16xi32>, vector<16xi32>], vector<16xf32>,
      %slice3A_654 = vector.extract_strided_slice %get3A_413 {offsets = [14], sizes = [1], strides = [1]} : vector<16xi32> to vector<1xi32>
      %squeeze3A_655 = vector.extract %slice3A_654[0] : i32 from vector<1xi32>
      %shift_right_logical3A_656 = arith.constant 7 : i32
      %shift_right_logical3A_657 = arith.shrui %squeeze3A_655, %shift_right_logical3A_656 : i32
      %mul3A_658 = arith.constant 128 : i32
      %mul3A_659 = arith.muli %shift_right_logical3A_657, %mul3A_658 : i32
      %multiple_of3A_660 = tpu.assume_multiple %mul3A_659, 128 : i32
      %dma_start3A_661 = arith.constant 0 : i32
      %dma_start3A_662 = tpu.memref_slice %arg3[%dma_start3A_661, %multiple_of3A_660] : memref<32x1000000xf32, #tpu.memory_space<hbm>> -> memref<32x128xf32, #tpu.memory_space<hbm>>
      %dma_start3A_663 = arith.constant 0 : i32
      %dma_start3A_664 = tpu.memref_slice %arg3[%dma_start3A_663, %multiple_of3A_660] : memref<32x1000000xf32, #tpu.memory_space<hbm>> -> memref<32x128xf32, #tpu.memory_space<hbm>>
      tpu.enqueue_dma source(%dma_start3A_664 : memref<32x128xf32, #tpu.memory_space<hbm>>) target(%arg12 : memref<32x128xf32, #tpu.memory_space<vmem>>) target_semaphore(%arg21 : memref<!tpu.dma_semaphore, #tpu.memory_space<semaphore_mem>>)
      %mul3A_665 = arith.constant 16 : i32
      %mul3A_666 = arith.muli %scan3A_407, %mul3A_665 : i32
      %add3A_667 = arith.constant 7 : i32
      %add3A_668 = arith.addi %mul3A_666, %add3A_667 : i32
      %dma_wait3A_669 = arith.constant 0 : i32
      %dma_wait3A_670 = arith.constant 0 : i32
      %dma_wait3A_671 = tpu.memref_slice %arg3[%dma_wait3A_669, %dma_wait3A_670] : memref<32x1000000xf32, #tpu.memory_space<hbm>> -> memref<32x128xf32, #tpu.memory_space<hbm>>
      %dma_wait3A_672 = arith.constant 0 : i32
      %dma_wait3A_673 = arith.constant 0 : i32
      %dma_wait3A_674 = tpu.memref_slice %arg3[%dma_wait3A_672, %dma_wait3A_673] : memref<32x1000000xf32, #tpu.memory_space<hbm>> -> memref<32x128xf32, #tpu.memory_space<hbm>>
      tpu.wait_dma2 semaphore(%arg22 : memref<!tpu.dma_semaphore, #tpu.memory_space<semaphore_mem>>) src(%dma_wait3A_674 : memref<32x128xf32, #tpu.memory_space<hbm>>) dst(%arg13 : memref<32x128xf32, #tpu.memory_space<vmem>>)
      %slice3A_675 = vector.extract_strided_slice %get3A_413 {offsets = [7], sizes = [1], strides = [1]} : vector<16xi32> to vector<1xi32>
      %squeeze3A_676 = vector.extract %slice3A_675[0] : i32 from vector<1xi32>
      %and3A_677 = arith.constant 127 : i32
      %and3A_678 = arith.andi %squeeze3A_676, %and3A_677 : i32
      %broadcast_in_dim3A_679 = vector.broadcast %and3A_678 : i32 to vector<16xi32>
      %broadcast_in_dim3A_680 = vector.broadcast %add3A_668 : i32 to vector<16xi32>
      %gather3A_681 = tpu.vector_load_idx %arg13[%iota3A, %broadcast_in_dim3A_679] : memref<32x128xf32, #tpu.memory_space<vmem>>[vector<16xi32>, vector<16xi32>], vector<16xf32>,
      %add3A_682 = arith.constant 16 : i32
      %add3A_683 = vector.broadcast %add3A_682 : i32 to vector<16xi32>
      %add3A_684 = arith.addi %iota3A, %add3A_683 : vector<16xi32>
      %gather3A_685 = tpu.vector_load_idx %arg13[%add3A_684, %broadcast_in_dim3A_679] : memref<32x128xf32, #tpu.memory_space<vmem>>[vector<16xi32>, vector<16xi32>], vector<16xf32>,
      tpu.vector_store_idx %arg14[%iota3A, %broadcast_in_dim3A_680], %gather3A_681 : memref<32x128xf32, #tpu.memory_space<vmem>>[vector<16xi32>, vector<16xi32>], vector<16xf32>,
      %add3A_686 = arith.constant 16 : i32
      %add3A_687 = vector.broadcast %add3A_686 : i32 to vector<16xi32>
      %add3A_688 = arith.addi %iota3A, %add3A_687 : vector<16xi32>
      tpu.vector_store_idx %arg14[%add3A_688, %broadcast_in_dim3A_680], %gather3A_685 : memref<32x128xf32, #tpu.memory_space<vmem>>[vector<16xi32>, vector<16xi32>], vector<16xf32>,
      %slice3A_689 = vector.extract_strided_slice %get3A_413 {offsets = [15], sizes = [1], strides = [1]} : vector<16xi32> to vector<1xi32>
      %squeeze3A_690 = vector.extract %slice3A_689[0] : i32 from vector<1xi32>
      %shift_right_logical3A_691 = arith.constant 7 : i32
      %shift_right_logical3A_692 = arith.shrui %squeeze3A_690, %shift_right_logical3A_691 : i32
      %mul3A_693 = arith.constant 128 : i32
      %mul3A_694 = arith.muli %shift_right_logical3A_692, %mul3A_693 : i32
      %multiple_of3A_695 = tpu.assume_multiple %mul3A_694, 128 : i32
      %dma_start3A_696 = arith.constant 0 : i32
      %dma_start3A_697 = tpu.memref_slice %arg3[%dma_start3A_696, %multiple_of3A_695] : memref<32x1000000xf32, #tpu.memory_space<hbm>> -> memref<32x128xf32, #tpu.memory_space<hbm>>
      %dma_start3A_698 = arith.constant 0 : i32
      %dma_start3A_699 = tpu.memref_slice %arg3[%dma_start3A_698, %multiple_of3A_695] : memref<32x1000000xf32, #tpu.memory_space<hbm>> -> memref<32x128xf32, #tpu.memory_space<hbm>>
      tpu.enqueue_dma source(%dma_start3A_699 : memref<32x128xf32, #tpu.memory_space<hbm>>) target(%arg13 : memref<32x128xf32, #tpu.memory_space<vmem>>) target_semaphore(%arg22 : memref<!tpu.dma_semaphore, #tpu.memory_space<semaphore_mem>>)
      %mul3A_700 = arith.constant 16 : i32
      %mul3A_701 = arith.muli %scan3A_407, %mul3A_700 : i32
      %add3A_702 = arith.constant 8 : i32
      %add3A_703 = arith.addi %mul3A_701, %add3A_702 : i32
      %dma_wait3A_704 = arith.constant 0 : i32
      %dma_wait3A_705 = arith.constant 0 : i32
      %dma_wait3A_706 = tpu.memref_slice %arg3[%dma_wait3A_704, %dma_wait3A_705] : memref<32x1000000xf32, #tpu.memory_space<hbm>> -> memref<32x128xf32, #tpu.memory_space<hbm>>
      %dma_wait3A_707 = arith.constant 0 : i32
      %dma_wait3A_708 = arith.constant 0 : i32
      %dma_wait3A_709 = tpu.memref_slice %arg3[%dma_wait3A_707, %dma_wait3A_708] : memref<32x1000000xf32, #tpu.memory_space<hbm>> -> memref<32x128xf32, #tpu.memory_space<hbm>>
      tpu.wait_dma2 semaphore(%arg15 : memref<!tpu.dma_semaphore, #tpu.memory_space<semaphore_mem>>) src(%dma_wait3A_709 : memref<32x128xf32, #tpu.memory_space<hbm>>) dst(%arg6 : memref<32x128xf32, #tpu.memory_space<vmem>>)
      %slice3A_710 = vector.extract_strided_slice %get3A_413 {offsets = [8], sizes = [1], strides = [1]} : vector<16xi32> to vector<1xi32>
      %squeeze3A_711 = vector.extract %slice3A_710[0] : i32 from vector<1xi32>
      %and3A_712 = arith.constant 127 : i32
      %and3A_713 = arith.andi %squeeze3A_711, %and3A_712 : i32
      %broadcast_in_dim3A_714 = vector.broadcast %and3A_713 : i32 to vector<16xi32>
      %broadcast_in_dim3A_715 = vector.broadcast %add3A_703 : i32 to vector<16xi32>
      %gather3A_716 = tpu.vector_load_idx %arg6[%iota3A, %broadcast_in_dim3A_714] : memref<32x128xf32, #tpu.memory_space<vmem>>[vector<16xi32>, vector<16xi32>], vector<16xf32>,
      %add3A_717 = arith.constant 16 : i32
      %add3A_718 = vector.broadcast %add3A_717 : i32 to vector<16xi32>
      %add3A_719 = arith.addi %iota3A, %add3A_718 : vector<16xi32>
      %gather3A_720 = tpu.vector_load_idx %arg6[%add3A_719, %broadcast_in_dim3A_714] : memref<32x128xf32, #tpu.memory_space<vmem>>[vector<16xi32>, vector<16xi32>], vector<16xf32>,
      tpu.vector_store_idx %arg14[%iota3A, %broadcast_in_dim3A_715], %gather3A_716 : memref<32x128xf32, #tpu.memory_space<vmem>>[vector<16xi32>, vector<16xi32>], vector<16xf32>,
      %add3A_721 = arith.constant 16 : i32
      %add3A_722 = vector.broadcast %add3A_721 : i32 to vector<16xi32>
      %add3A_723 = arith.addi %iota3A, %add3A_722 : vector<16xi32>
      tpu.vector_store_idx %arg14[%add3A_723, %broadcast_in_dim3A_715], %gather3A_720 : memref<32x128xf32, #tpu.memory_space<vmem>>[vector<16xi32>, vector<16xi32>], vector<16xf32>,
      %slice3A_724 = vector.extract_strided_slice %get3A_421 {offsets = [0], sizes = [1], strides = [1]} : vector<16xi32> to vector<1xi32>
      %squeeze3A_725 = vector.extract %slice3A_724[0] : i32 from vector<1xi32>
      %lt3A = arith.constant 7 : i32
      %lt3A_726 = arith.cmpi slt, %scan3A_407, %lt3A : i32
      %convert_element_type3A = arith.extui %lt3A_726 : i1 to i32
      %cond3A = arith.constant 0 : i32
      %cond3A_727 = arith.cmpi ne, %convert_element_type3A, %cond3A : i32
      scf.if %cond3A_727 {
        %shift_right_logical3A_945 = arith.constant 7 : i32
        %shift_right_logical3A_946 = arith.shrui %squeeze3A_725, %shift_right_logical3A_945 : i32
        %mul3A_947 = arith.constant 128 : i32
        %mul3A_948 = arith.muli %shift_right_logical3A_946, %mul3A_947 : i32
        %multiple_of3A_949 = tpu.assume_multiple %mul3A_948, 128 : i32
        %dma_start3A_950 = arith.constant 0 : i32
        %dma_start3A_951 = tpu.memref_slice %arg3[%dma_start3A_950, %multiple_of3A_949] : memref<32x1000000xf32, #tpu.memory_space<hbm>> -> memref<32x128xf32, #tpu.memory_space<hbm>>
        %dma_start3A_952 = arith.constant 0 : i32
        %dma_start3A_953 = tpu.memref_slice %arg3[%dma_start3A_952, %multiple_of3A_949] : memref<32x1000000xf32, #tpu.memory_space<hbm>> -> memref<32x128xf32, #tpu.memory_space<hbm>>
        tpu.enqueue_dma source(%dma_start3A_953 : memref<32x128xf32, #tpu.memory_space<hbm>>) target(%arg6 : memref<32x128xf32, #tpu.memory_space<vmem>>) target_semaphore(%arg15 : memref<!tpu.dma_semaphore, #tpu.memory_space<semaphore_mem>>)
      } else {
      }
      %mul3A_728 = arith.constant 16 : i32
      %mul3A_729 = arith.muli %scan3A_407, %mul3A_728 : i32
      %add3A_730 = arith.constant 9 : i32
      %add3A_731 = arith.addi %mul3A_729, %add3A_730 : i32
      %dma_wait3A_732 = arith.constant 0 : i32
      %dma_wait3A_733 = arith.constant 0 : i32
      %dma_wait3A_734 = tpu.memref_slice %arg3[%dma_wait3A_732, %dma_wait3A_733] : memref<32x1000000xf32, #tpu.memory_space<hbm>> -> memref<32x128xf32, #tpu.memory_space<hbm>>
      %dma_wait3A_735 = arith.constant 0 : i32
      %dma_wait3A_736 = arith.constant 0 : i32
      %dma_wait3A_737 = tpu.memref_slice %arg3[%dma_wait3A_735, %dma_wait3A_736] : memref<32x1000000xf32, #tpu.memory_space<hbm>> -> memref<32x128xf32, #tpu.memory_space<hbm>>
      tpu.wait_dma2 semaphore(%arg16 : memref<!tpu.dma_semaphore, #tpu.memory_space<semaphore_mem>>) src(%dma_wait3A_737 : memref<32x128xf32, #tpu.memory_space<hbm>>) dst(%arg7 : memref<32x128xf32, #tpu.memory_space<vmem>>)
      %slice3A_738 = vector.extract_strided_slice %get3A_413 {offsets = [9], sizes = [1], strides = [1]} : vector<16xi32> to vector<1xi32>
      %squeeze3A_739 = vector.extract %slice3A_738[0] : i32 from vector<1xi32>
      %and3A_740 = arith.constant 127 : i32
      %and3A_741 = arith.andi %squeeze3A_739, %and3A_740 : i32
      %broadcast_in_dim3A_742 = vector.broadcast %and3A_741 : i32 to vector<16xi32>
      %broadcast_in_dim3A_743 = vector.broadcast %add3A_731 : i32 to vector<16xi32>
      %gather3A_744 = tpu.vector_load_idx %arg7[%iota3A, %broadcast_in_dim3A_742] : memref<32x128xf32, #tpu.memory_space<vmem>>[vector<16xi32>, vector<16xi32>], vector<16xf32>,
      %add3A_745 = arith.constant 16 : i32
      %add3A_746 = vector.broadcast %add3A_745 : i32 to vector<16xi32>
      %add3A_747 = arith.addi %iota3A, %add3A_746 : vector<16xi32>
      %gather3A_748 = tpu.vector_load_idx %arg7[%add3A_747, %broadcast_in_dim3A_742] : memref<32x128xf32, #tpu.memory_space<vmem>>[vector<16xi32>, vector<16xi32>], vector<16xf32>,
      tpu.vector_store_idx %arg14[%iota3A, %broadcast_in_dim3A_743], %gather3A_744 : memref<32x128xf32, #tpu.memory_space<vmem>>[vector<16xi32>, vector<16xi32>], vector<16xf32>,
      %add3A_749 = arith.constant 16 : i32
      %add3A_750 = vector.broadcast %add3A_749 : i32 to vector<16xi32>
      %add3A_751 = arith.addi %iota3A, %add3A_750 : vector<16xi32>
      tpu.vector_store_idx %arg14[%add3A_751, %broadcast_in_dim3A_743], %gather3A_748 : memref<32x128xf32, #tpu.memory_space<vmem>>[vector<16xi32>, vector<16xi32>], vector<16xf32>,
      %slice3A_752 = vector.extract_strided_slice %get3A_421 {offsets = [1], sizes = [1], strides = [1]} : vector<16xi32> to vector<1xi32>
      %squeeze3A_753 = vector.extract %slice3A_752[0] : i32 from vector<1xi32>
      %lt3A_754 = arith.constant 7 : i32
      %lt3A_755 = arith.cmpi slt, %scan3A_407, %lt3A_754 : i32
      %convert_element_type3A_756 = arith.extui %lt3A_755 : i1 to i32
      %cond3A_757 = arith.constant 0 : i32
      %cond3A_758 = arith.cmpi ne, %convert_element_type3A_756, %cond3A_757 : i32
      scf.if %cond3A_758 {
        %shift_right_logical3A_945 = arith.constant 7 : i32
        %shift_right_logical3A_946 = arith.shrui %squeeze3A_753, %shift_right_logical3A_945 : i32
        %mul3A_947 = arith.constant 128 : i32
        %mul3A_948 = arith.muli %shift_right_logical3A_946, %mul3A_947 : i32
        %multiple_of3A_949 = tpu.assume_multiple %mul3A_948, 128 : i32
        %dma_start3A_950 = arith.constant 0 : i32
        %dma_start3A_951 = tpu.memref_slice %arg3[%dma_start3A_950, %multiple_of3A_949] : memref<32x1000000xf32, #tpu.memory_space<hbm>> -> memref<32x128xf32, #tpu.memory_space<hbm>>
        %dma_start3A_952 = arith.constant 0 : i32
        %dma_start3A_953 = tpu.memref_slice %arg3[%dma_start3A_952, %multiple_of3A_949] : memref<32x1000000xf32, #tpu.memory_space<hbm>> -> memref<32x128xf32, #tpu.memory_space<hbm>>
        tpu.enqueue_dma source(%dma_start3A_953 : memref<32x128xf32, #tpu.memory_space<hbm>>) target(%arg7 : memref<32x128xf32, #tpu.memory_space<vmem>>) target_semaphore(%arg16 : memref<!tpu.dma_semaphore, #tpu.memory_space<semaphore_mem>>)
      } else {
      }
      %mul3A_759 = arith.constant 16 : i32
      %mul3A_760 = arith.muli %scan3A_407, %mul3A_759 : i32
      %add3A_761 = arith.constant 10 : i32
      %add3A_762 = arith.addi %mul3A_760, %add3A_761 : i32
      %dma_wait3A_763 = arith.constant 0 : i32
      %dma_wait3A_764 = arith.constant 0 : i32
      %dma_wait3A_765 = tpu.memref_slice %arg3[%dma_wait3A_763, %dma_wait3A_764] : memref<32x1000000xf32, #tpu.memory_space<hbm>> -> memref<32x128xf32, #tpu.memory_space<hbm>>
      %dma_wait3A_766 = arith.constant 0 : i32
      %dma_wait3A_767 = arith.constant 0 : i32
      %dma_wait3A_768 = tpu.memref_slice %arg3[%dma_wait3A_766, %dma_wait3A_767] : memref<32x1000000xf32, #tpu.memory_space<hbm>> -> memref<32x128xf32, #tpu.memory_space<hbm>>
      tpu.wait_dma2 semaphore(%arg17 : memref<!tpu.dma_semaphore, #tpu.memory_space<semaphore_mem>>) src(%dma_wait3A_768 : memref<32x128xf32, #tpu.memory_space<hbm>>) dst(%arg8 : memref<32x128xf32, #tpu.memory_space<vmem>>)
      %slice3A_769 = vector.extract_strided_slice %get3A_413 {offsets = [10], sizes = [1], strides = [1]} : vector<16xi32> to vector<1xi32>
      %squeeze3A_770 = vector.extract %slice3A_769[0] : i32 from vector<1xi32>
      %and3A_771 = arith.constant 127 : i32
      %and3A_772 = arith.andi %squeeze3A_770, %and3A_771 : i32
      %broadcast_in_dim3A_773 = vector.broadcast %and3A_772 : i32 to vector<16xi32>
      %broadcast_in_dim3A_774 = vector.broadcast %add3A_762 : i32 to vector<16xi32>
      %gather3A_775 = tpu.vector_load_idx %arg8[%iota3A, %broadcast_in_dim3A_773] : memref<32x128xf32, #tpu.memory_space<vmem>>[vector<16xi32>, vector<16xi32>], vector<16xf32>,
      %add3A_776 = arith.constant 16 : i32
      %add3A_777 = vector.broadcast %add3A_776 : i32 to vector<16xi32>
      %add3A_778 = arith.addi %iota3A, %add3A_777 : vector<16xi32>
      %gather3A_779 = tpu.vector_load_idx %arg8[%add3A_778, %broadcast_in_dim3A_773] : memref<32x128xf32, #tpu.memory_space<vmem>>[vector<16xi32>, vector<16xi32>], vector<16xf32>,
      tpu.vector_store_idx %arg14[%iota3A, %broadcast_in_dim3A_774], %gather3A_775 : memref<32x128xf32, #tpu.memory_space<vmem>>[vector<16xi32>, vector<16xi32>], vector<16xf32>,
      %add3A_780 = arith.constant 16 : i32
      %add3A_781 = vector.broadcast %add3A_780 : i32 to vector<16xi32>
      %add3A_782 = arith.addi %iota3A, %add3A_781 : vector<16xi32>
      tpu.vector_store_idx %arg14[%add3A_782, %broadcast_in_dim3A_774], %gather3A_779 : memref<32x128xf32, #tpu.memory_space<vmem>>[vector<16xi32>, vector<16xi32>], vector<16xf32>,
      %slice3A_783 = vector.extract_strided_slice %get3A_421 {offsets = [2], sizes = [1], strides = [1]} : vector<16xi32> to vector<1xi32>
      %squeeze3A_784 = vector.extract %slice3A_783[0] : i32 from vector<1xi32>
      %lt3A_785 = arith.constant 7 : i32
      %lt3A_786 = arith.cmpi slt, %scan3A_407, %lt3A_785 : i32
      %convert_element_type3A_787 = arith.extui %lt3A_786 : i1 to i32
      %cond3A_788 = arith.constant 0 : i32
      %cond3A_789 = arith.cmpi ne, %convert_element_type3A_787, %cond3A_788 : i32
      scf.if %cond3A_789 {
        %shift_right_logical3A_945 = arith.constant 7 : i32
        %shift_right_logical3A_946 = arith.shrui %squeeze3A_784, %shift_right_logical3A_945 : i32
        %mul3A_947 = arith.constant 128 : i32
        %mul3A_948 = arith.muli %shift_right_logical3A_946, %mul3A_947 : i32
        %multiple_of3A_949 = tpu.assume_multiple %mul3A_948, 128 : i32
        %dma_start3A_950 = arith.constant 0 : i32
        %dma_start3A_951 = tpu.memref_slice %arg3[%dma_start3A_950, %multiple_of3A_949] : memref<32x1000000xf32, #tpu.memory_space<hbm>> -> memref<32x128xf32, #tpu.memory_space<hbm>>
        %dma_start3A_952 = arith.constant 0 : i32
        %dma_start3A_953 = tpu.memref_slice %arg3[%dma_start3A_952, %multiple_of3A_949] : memref<32x1000000xf32, #tpu.memory_space<hbm>> -> memref<32x128xf32, #tpu.memory_space<hbm>>
        tpu.enqueue_dma source(%dma_start3A_953 : memref<32x128xf32, #tpu.memory_space<hbm>>) target(%arg8 : memref<32x128xf32, #tpu.memory_space<vmem>>) target_semaphore(%arg17 : memref<!tpu.dma_semaphore, #tpu.memory_space<semaphore_mem>>)
      } else {
      }
      %mul3A_790 = arith.constant 16 : i32
      %mul3A_791 = arith.muli %scan3A_407, %mul3A_790 : i32
      %add3A_792 = arith.constant 11 : i32
      %add3A_793 = arith.addi %mul3A_791, %add3A_792 : i32
      %dma_wait3A_794 = arith.constant 0 : i32
      %dma_wait3A_795 = arith.constant 0 : i32
      %dma_wait3A_796 = tpu.memref_slice %arg3[%dma_wait3A_794, %dma_wait3A_795] : memref<32x1000000xf32, #tpu.memory_space<hbm>> -> memref<32x128xf32, #tpu.memory_space<hbm>>
      %dma_wait3A_797 = arith.constant 0 : i32
      %dma_wait3A_798 = arith.constant 0 : i32
      %dma_wait3A_799 = tpu.memref_slice %arg3[%dma_wait3A_797, %dma_wait3A_798] : memref<32x1000000xf32, #tpu.memory_space<hbm>> -> memref<32x128xf32, #tpu.memory_space<hbm>>
      tpu.wait_dma2 semaphore(%arg18 : memref<!tpu.dma_semaphore, #tpu.memory_space<semaphore_mem>>) src(%dma_wait3A_799 : memref<32x128xf32, #tpu.memory_space<hbm>>) dst(%arg9 : memref<32x128xf32, #tpu.memory_space<vmem>>)
      %slice3A_800 = vector.extract_strided_slice %get3A_413 {offsets = [11], sizes = [1], strides = [1]} : vector<16xi32> to vector<1xi32>
      %squeeze3A_801 = vector.extract %slice3A_800[0] : i32 from vector<1xi32>
      %and3A_802 = arith.constant 127 : i32
      %and3A_803 = arith.andi %squeeze3A_801, %and3A_802 : i32
      %broadcast_in_dim3A_804 = vector.broadcast %and3A_803 : i32 to vector<16xi32>
      %broadcast_in_dim3A_805 = vector.broadcast %add3A_793 : i32 to vector<16xi32>
      %gather3A_806 = tpu.vector_load_idx %arg9[%iota3A, %broadcast_in_dim3A_804] : memref<32x128xf32, #tpu.memory_space<vmem>>[vector<16xi32>, vector<16xi32>], vector<16xf32>,
      %add3A_807 = arith.constant 16 : i32
      %add3A_808 = vector.broadcast %add3A_807 : i32 to vector<16xi32>
      %add3A_809 = arith.addi %iota3A, %add3A_808 : vector<16xi32>
      %gather3A_810 = tpu.vector_load_idx %arg9[%add3A_809, %broadcast_in_dim3A_804] : memref<32x128xf32, #tpu.memory_space<vmem>>[vector<16xi32>, vector<16xi32>], vector<16xf32>,
      tpu.vector_store_idx %arg14[%iota3A, %broadcast_in_dim3A_805], %gather3A_806 : memref<32x128xf32, #tpu.memory_space<vmem>>[vector<16xi32>, vector<16xi32>], vector<16xf32>,
      %add3A_811 = arith.constant 16 : i32
      %add3A_812 = vector.broadcast %add3A_811 : i32 to vector<16xi32>
      %add3A_813 = arith.addi %iota3A, %add3A_812 : vector<16xi32>
      tpu.vector_store_idx %arg14[%add3A_813, %broadcast_in_dim3A_805], %gather3A_810 : memref<32x128xf32, #tpu.memory_space<vmem>>[vector<16xi32>, vector<16xi32>], vector<16xf32>,
      %slice3A_814 = vector.extract_strided_slice %get3A_421 {offsets = [3], sizes = [1], strides = [1]} : vector<16xi32> to vector<1xi32>
      %squeeze3A_815 = vector.extract %slice3A_814[0] : i32 from vector<1xi32>
      %lt3A_816 = arith.constant 7 : i32
      %lt3A_817 = arith.cmpi slt, %scan3A_407, %lt3A_816 : i32
      %convert_element_type3A_818 = arith.extui %lt3A_817 : i1 to i32
      %cond3A_819 = arith.constant 0 : i32
      %cond3A_820 = arith.cmpi ne, %convert_element_type3A_818, %cond3A_819 : i32
      scf.if %cond3A_820 {
        %shift_right_logical3A_945 = arith.constant 7 : i32
        %shift_right_logical3A_946 = arith.shrui %squeeze3A_815, %shift_right_logical3A_945 : i32
        %mul3A_947 = arith.constant 128 : i32
        %mul3A_948 = arith.muli %shift_right_logical3A_946, %mul3A_947 : i32
        %multiple_of3A_949 = tpu.assume_multiple %mul3A_948, 128 : i32
        %dma_start3A_950 = arith.constant 0 : i32
        %dma_start3A_951 = tpu.memref_slice %arg3[%dma_start3A_950, %multiple_of3A_949] : memref<32x1000000xf32, #tpu.memory_space<hbm>> -> memref<32x128xf32, #tpu.memory_space<hbm>>
        %dma_start3A_952 = arith.constant 0 : i32
        %dma_start3A_953 = tpu.memref_slice %arg3[%dma_start3A_952, %multiple_of3A_949] : memref<32x1000000xf32, #tpu.memory_space<hbm>> -> memref<32x128xf32, #tpu.memory_space<hbm>>
        tpu.enqueue_dma source(%dma_start3A_953 : memref<32x128xf32, #tpu.memory_space<hbm>>) target(%arg9 : memref<32x128xf32, #tpu.memory_space<vmem>>) target_semaphore(%arg18 : memref<!tpu.dma_semaphore, #tpu.memory_space<semaphore_mem>>)
      } else {
      }
      %mul3A_821 = arith.constant 16 : i32
      %mul3A_822 = arith.muli %scan3A_407, %mul3A_821 : i32
      %add3A_823 = arith.constant 12 : i32
      %add3A_824 = arith.addi %mul3A_822, %add3A_823 : i32
      %dma_wait3A_825 = arith.constant 0 : i32
      %dma_wait3A_826 = arith.constant 0 : i32
      %dma_wait3A_827 = tpu.memref_slice %arg3[%dma_wait3A_825, %dma_wait3A_826] : memref<32x1000000xf32, #tpu.memory_space<hbm>> -> memref<32x128xf32, #tpu.memory_space<hbm>>
      %dma_wait3A_828 = arith.constant 0 : i32
      %dma_wait3A_829 = arith.constant 0 : i32
      %dma_wait3A_830 = tpu.memref_slice %arg3[%dma_wait3A_828, %dma_wait3A_829] : memref<32x1000000xf32, #tpu.memory_space<hbm>> -> memref<32x128xf32, #tpu.memory_space<hbm>>
      tpu.wait_dma2 semaphore(%arg19 : memref<!tpu.dma_semaphore, #tpu.memory_space<semaphore_mem>>) src(%dma_wait3A_830 : memref<32x128xf32, #tpu.memory_space<hbm>>) dst(%arg10 : memref<32x128xf32, #tpu.memory_space<vmem>>)
      %slice3A_831 = vector.extract_strided_slice %get3A_413 {offsets = [12], sizes = [1], strides = [1]} : vector<16xi32> to vector<1xi32>
      %squeeze3A_832 = vector.extract %slice3A_831[0] : i32 from vector<1xi32>
      %and3A_833 = arith.constant 127 : i32
      %and3A_834 = arith.andi %squeeze3A_832, %and3A_833 : i32
      %broadcast_in_dim3A_835 = vector.broadcast %and3A_834 : i32 to vector<16xi32>
      %broadcast_in_dim3A_836 = vector.broadcast %add3A_824 : i32 to vector<16xi32>
      %gather3A_837 = tpu.vector_load_idx %arg10[%iota3A, %broadcast_in_dim3A_835] : memref<32x128xf32, #tpu.memory_space<vmem>>[vector<16xi32>, vector<16xi32>], vector<16xf32>,
      %add3A_838 = arith.constant 16 : i32
      %add3A_839 = vector.broadcast %add3A_838 : i32 to vector<16xi32>
      %add3A_840 = arith.addi %iota3A, %add3A_839 : vector<16xi32>
      %gather3A_841 = tpu.vector_load_idx %arg10[%add3A_840, %broadcast_in_dim3A_835] : memref<32x128xf32, #tpu.memory_space<vmem>>[vector<16xi32>, vector<16xi32>], vector<16xf32>,
      tpu.vector_store_idx %arg14[%iota3A, %broadcast_in_dim3A_836], %gather3A_837 : memref<32x128xf32, #tpu.memory_space<vmem>>[vector<16xi32>, vector<16xi32>], vector<16xf32>,
      %add3A_842 = arith.constant 16 : i32
      %add3A_843 = vector.broadcast %add3A_842 : i32 to vector<16xi32>
      %add3A_844 = arith.addi %iota3A, %add3A_843 : vector<16xi32>
      tpu.vector_store_idx %arg14[%add3A_844, %broadcast_in_dim3A_836], %gather3A_841 : memref<32x128xf32, #tpu.memory_space<vmem>>[vector<16xi32>, vector<16xi32>], vector<16xf32>,
      %slice3A_845 = vector.extract_strided_slice %get3A_421 {offsets = [4], sizes = [1], strides = [1]} : vector<16xi32> to vector<1xi32>
      %squeeze3A_846 = vector.extract %slice3A_845[0] : i32 from vector<1xi32>
      %lt3A_847 = arith.constant 7 : i32
      %lt3A_848 = arith.cmpi slt, %scan3A_407, %lt3A_847 : i32
      %convert_element_type3A_849 = arith.extui %lt3A_848 : i1 to i32
      %cond3A_850 = arith.constant 0 : i32
      %cond3A_851 = arith.cmpi ne, %convert_element_type3A_849, %cond3A_850 : i32
      scf.if %cond3A_851 {
        %shift_right_logical3A_945 = arith.constant 7 : i32
        %shift_right_logical3A_946 = arith.shrui %squeeze3A_846, %shift_right_logical3A_945 : i32
        %mul3A_947 = arith.constant 128 : i32
        %mul3A_948 = arith.muli %shift_right_logical3A_946, %mul3A_947 : i32
        %multiple_of3A_949 = tpu.assume_multiple %mul3A_948, 128 : i32
        %dma_start3A_950 = arith.constant 0 : i32
        %dma_start3A_951 = tpu.memref_slice %arg3[%dma_start3A_950, %multiple_of3A_949] : memref<32x1000000xf32, #tpu.memory_space<hbm>> -> memref<32x128xf32, #tpu.memory_space<hbm>>
        %dma_start3A_952 = arith.constant 0 : i32
        %dma_start3A_953 = tpu.memref_slice %arg3[%dma_start3A_952, %multiple_of3A_949] : memref<32x1000000xf32, #tpu.memory_space<hbm>> -> memref<32x128xf32, #tpu.memory_space<hbm>>
        tpu.enqueue_dma source(%dma_start3A_953 : memref<32x128xf32, #tpu.memory_space<hbm>>) target(%arg10 : memref<32x128xf32, #tpu.memory_space<vmem>>) target_semaphore(%arg19 : memref<!tpu.dma_semaphore, #tpu.memory_space<semaphore_mem>>)
      } else {
      }
      %mul3A_852 = arith.constant 16 : i32
      %mul3A_853 = arith.muli %scan3A_407, %mul3A_852 : i32
      %add3A_854 = arith.constant 13 : i32
      %add3A_855 = arith.addi %mul3A_853, %add3A_854 : i32
      %dma_wait3A_856 = arith.constant 0 : i32
      %dma_wait3A_857 = arith.constant 0 : i32
      %dma_wait3A_858 = tpu.memref_slice %arg3[%dma_wait3A_856, %dma_wait3A_857] : memref<32x1000000xf32, #tpu.memory_space<hbm>> -> memref<32x128xf32, #tpu.memory_space<hbm>>
      %dma_wait3A_859 = arith.constant 0 : i32
      %dma_wait3A_860 = arith.constant 0 : i32
      %dma_wait3A_861 = tpu.memref_slice %arg3[%dma_wait3A_859, %dma_wait3A_860] : memref<32x1000000xf32, #tpu.memory_space<hbm>> -> memref<32x128xf32, #tpu.memory_space<hbm>>
      tpu.wait_dma2 semaphore(%arg20 : memref<!tpu.dma_semaphore, #tpu.memory_space<semaphore_mem>>) src(%dma_wait3A_861 : memref<32x128xf32, #tpu.memory_space<hbm>>) dst(%arg11 : memref<32x128xf32, #tpu.memory_space<vmem>>)
      %slice3A_862 = vector.extract_strided_slice %get3A_413 {offsets = [13], sizes = [1], strides = [1]} : vector<16xi32> to vector<1xi32>
      %squeeze3A_863 = vector.extract %slice3A_862[0] : i32 from vector<1xi32>
      %and3A_864 = arith.constant 127 : i32
      %and3A_865 = arith.andi %squeeze3A_863, %and3A_864 : i32
      %broadcast_in_dim3A_866 = vector.broadcast %and3A_865 : i32 to vector<16xi32>
      %broadcast_in_dim3A_867 = vector.broadcast %add3A_855 : i32 to vector<16xi32>
      %gather3A_868 = tpu.vector_load_idx %arg11[%iota3A, %broadcast_in_dim3A_866] : memref<32x128xf32, #tpu.memory_space<vmem>>[vector<16xi32>, vector<16xi32>], vector<16xf32>,
      %add3A_869 = arith.constant 16 : i32
      %add3A_870 = vector.broadcast %add3A_869 : i32 to vector<16xi32>
      %add3A_871 = arith.addi %iota3A, %add3A_870 : vector<16xi32>
      %gather3A_872 = tpu.vector_load_idx %arg11[%add3A_871, %broadcast_in_dim3A_866] : memref<32x128xf32, #tpu.memory_space<vmem>>[vector<16xi32>, vector<16xi32>], vector<16xf32>,
      tpu.vector_store_idx %arg14[%iota3A, %broadcast_in_dim3A_867], %gather3A_868 : memref<32x128xf32, #tpu.memory_space<vmem>>[vector<16xi32>, vector<16xi32>], vector<16xf32>,
      %add3A_873 = arith.constant 16 : i32
      %add3A_874 = vector.broadcast %add3A_873 : i32 to vector<16xi32>
      %add3A_875 = arith.addi %iota3A, %add3A_874 : vector<16xi32>
      tpu.vector_store_idx %arg14[%add3A_875, %broadcast_in_dim3A_867], %gather3A_872 : memref<32x128xf32, #tpu.memory_space<vmem>>[vector<16xi32>, vector<16xi32>], vector<16xf32>,
      %slice3A_876 = vector.extract_strided_slice %get3A_421 {offsets = [5], sizes = [1], strides = [1]} : vector<16xi32> to vector<1xi32>
      %squeeze3A_877 = vector.extract %slice3A_876[0] : i32 from vector<1xi32>
      %lt3A_878 = arith.constant 7 : i32
      %lt3A_879 = arith.cmpi slt, %scan3A_407, %lt3A_878 : i32
      %convert_element_type3A_880 = arith.extui %lt3A_879 : i1 to i32
      %cond3A_881 = arith.constant 0 : i32
      %cond3A_882 = arith.cmpi ne, %convert_element_type3A_880, %cond3A_881 : i32
      scf.if %cond3A_882 {
        %shift_right_logical3A_945 = arith.constant 7 : i32
        %shift_right_logical3A_946 = arith.shrui %squeeze3A_877, %shift_right_logical3A_945 : i32
        %mul3A_947 = arith.constant 128 : i32
        %mul3A_948 = arith.muli %shift_right_logical3A_946, %mul3A_947 : i32
        %multiple_of3A_949 = tpu.assume_multiple %mul3A_948, 128 : i32
        %dma_start3A_950 = arith.constant 0 : i32
        %dma_start3A_951 = tpu.memref_slice %arg3[%dma_start3A_950, %multiple_of3A_949] : memref<32x1000000xf32, #tpu.memory_space<hbm>> -> memref<32x128xf32, #tpu.memory_space<hbm>>
        %dma_start3A_952 = arith.constant 0 : i32
        %dma_start3A_953 = tpu.memref_slice %arg3[%dma_start3A_952, %multiple_of3A_949] : memref<32x1000000xf32, #tpu.memory_space<hbm>> -> memref<32x128xf32, #tpu.memory_space<hbm>>
        tpu.enqueue_dma source(%dma_start3A_953 : memref<32x128xf32, #tpu.memory_space<hbm>>) target(%arg11 : memref<32x128xf32, #tpu.memory_space<vmem>>) target_semaphore(%arg20 : memref<!tpu.dma_semaphore, #tpu.memory_space<semaphore_mem>>)
      } else {
      }
      %mul3A_883 = arith.constant 16 : i32
      %mul3A_884 = arith.muli %scan3A_407, %mul3A_883 : i32
      %add3A_885 = arith.constant 14 : i32
      %add3A_886 = arith.addi %mul3A_884, %add3A_885 : i32
      %dma_wait3A_887 = arith.constant 0 : i32
      %dma_wait3A_888 = arith.constant 0 : i32
      %dma_wait3A_889 = tpu.memref_slice %arg3[%dma_wait3A_887, %dma_wait3A_888] : memref<32x1000000xf32, #tpu.memory_space<hbm>> -> memref<32x128xf32, #tpu.memory_space<hbm>>
      %dma_wait3A_890 = arith.constant 0 : i32
      %dma_wait3A_891 = arith.constant 0 : i32
      %dma_wait3A_892 = tpu.memref_slice %arg3[%dma_wait3A_890, %dma_wait3A_891] : memref<32x1000000xf32, #tpu.memory_space<hbm>> -> memref<32x128xf32, #tpu.memory_space<hbm>>
      tpu.wait_dma2 semaphore(%arg21 : memref<!tpu.dma_semaphore, #tpu.memory_space<semaphore_mem>>) src(%dma_wait3A_892 : memref<32x128xf32, #tpu.memory_space<hbm>>) dst(%arg12 : memref<32x128xf32, #tpu.memory_space<vmem>>)
      %slice3A_893 = vector.extract_strided_slice %get3A_413 {offsets = [14], sizes = [1], strides = [1]} : vector<16xi32> to vector<1xi32>
      %squeeze3A_894 = vector.extract %slice3A_893[0] : i32 from vector<1xi32>
      %and3A_895 = arith.constant 127 : i32
      %and3A_896 = arith.andi %squeeze3A_894, %and3A_895 : i32
      %broadcast_in_dim3A_897 = vector.broadcast %and3A_896 : i32 to vector<16xi32>
      %broadcast_in_dim3A_898 = vector.broadcast %add3A_886 : i32 to vector<16xi32>
      %gather3A_899 = tpu.vector_load_idx %arg12[%iota3A, %broadcast_in_dim3A_897] : memref<32x128xf32, #tpu.memory_space<vmem>>[vector<16xi32>, vector<16xi32>], vector<16xf32>,
      %add3A_900 = arith.constant 16 : i32
      %add3A_901 = vector.broadcast %add3A_900 : i32 to vector<16xi32>
      %add3A_902 = arith.addi %iota3A, %add3A_901 : vector<16xi32>
      %gather3A_903 = tpu.vector_load_idx %arg12[%add3A_902, %broadcast_in_dim3A_897] : memref<32x128xf32, #tpu.memory_space<vmem>>[vector<16xi32>, vector<16xi32>], vector<16xf32>,
      tpu.vector_store_idx %arg14[%iota3A, %broadcast_in_dim3A_898], %gather3A_899 : memref<32x128xf32, #tpu.memory_space<vmem>>[vector<16xi32>, vector<16xi32>], vector<16xf32>,
      %add3A_904 = arith.constant 16 : i32
      %add3A_905 = vector.broadcast %add3A_904 : i32 to vector<16xi32>
      %add3A_906 = arith.addi %iota3A, %add3A_905 : vector<16xi32>
      tpu.vector_store_idx %arg14[%add3A_906, %broadcast_in_dim3A_898], %gather3A_903 : memref<32x128xf32, #tpu.memory_space<vmem>>[vector<16xi32>, vector<16xi32>], vector<16xf32>,
      %slice3A_907 = vector.extract_strided_slice %get3A_421 {offsets = [6], sizes = [1], strides = [1]} : vector<16xi32> to vector<1xi32>
      %squeeze3A_908 = vector.extract %slice3A_907[0] : i32 from vector<1xi32>
      %lt3A_909 = arith.constant 7 : i32
      %lt3A_910 = arith.cmpi slt, %scan3A_407, %lt3A_909 : i32
      %convert_element_type3A_911 = arith.extui %lt3A_910 : i1 to i32
      %cond3A_912 = arith.constant 0 : i32
      %cond3A_913 = arith.cmpi ne, %convert_element_type3A_911, %cond3A_912 : i32
      scf.if %cond3A_913 {
        %shift_right_logical3A_945 = arith.constant 7 : i32
        %shift_right_logical3A_946 = arith.shrui %squeeze3A_908, %shift_right_logical3A_945 : i32
        %mul3A_947 = arith.constant 128 : i32
        %mul3A_948 = arith.muli %shift_right_logical3A_946, %mul3A_947 : i32
        %multiple_of3A_949 = tpu.assume_multiple %mul3A_948, 128 : i32
        %dma_start3A_950 = arith.constant 0 : i32
        %dma_start3A_951 = tpu.memref_slice %arg3[%dma_start3A_950, %multiple_of3A_949] : memref<32x1000000xf32, #tpu.memory_space<hbm>> -> memref<32x128xf32, #tpu.memory_space<hbm>>
        %dma_start3A_952 = arith.constant 0 : i32
        %dma_start3A_953 = tpu.memref_slice %arg3[%dma_start3A_952, %multiple_of3A_949] : memref<32x1000000xf32, #tpu.memory_space<hbm>> -> memref<32x128xf32, #tpu.memory_space<hbm>>
        tpu.enqueue_dma source(%dma_start3A_953 : memref<32x128xf32, #tpu.memory_space<hbm>>) target(%arg12 : memref<32x128xf32, #tpu.memory_space<vmem>>) target_semaphore(%arg21 : memref<!tpu.dma_semaphore, #tpu.memory_space<semaphore_mem>>)
      } else {
      }
      %mul3A_914 = arith.constant 16 : i32
      %mul3A_915 = arith.muli %scan3A_407, %mul3A_914 : i32
      %add3A_916 = arith.constant 15 : i32
      %add3A_917 = arith.addi %mul3A_915, %add3A_916 : i32
      %dma_wait3A_918 = arith.constant 0 : i32
      %dma_wait3A_919 = arith.constant 0 : i32
      %dma_wait3A_920 = tpu.memref_slice %arg3[%dma_wait3A_918, %dma_wait3A_919] : memref<32x1000000xf32, #tpu.memory_space<hbm>> -> memref<32x128xf32, #tpu.memory_space<hbm>>
      %dma_wait3A_921 = arith.constant 0 : i32
      %dma_wait3A_922 = arith.constant 0 : i32
      %dma_wait3A_923 = tpu.memref_slice %arg3[%dma_wait3A_921, %dma_wait3A_922] : memref<32x1000000xf32, #tpu.memory_space<hbm>> -> memref<32x128xf32, #tpu.memory_space<hbm>>
      tpu.wait_dma2 semaphore(%arg22 : memref<!tpu.dma_semaphore, #tpu.memory_space<semaphore_mem>>) src(%dma_wait3A_923 : memref<32x128xf32, #tpu.memory_space<hbm>>) dst(%arg13 : memref<32x128xf32, #tpu.memory_space<vmem>>)
      %slice3A_924 = vector.extract_strided_slice %get3A_413 {offsets = [15], sizes = [1], strides = [1]} : vector<16xi32> to vector<1xi32>
      %squeeze3A_925 = vector.extract %slice3A_924[0] : i32 from vector<1xi32>
      %and3A_926 = arith.constant 127 : i32
      %and3A_927 = arith.andi %squeeze3A_925, %and3A_926 : i32
      %broadcast_in_dim3A_928 = vector.broadcast %and3A_927 : i32 to vector<16xi32>
      %broadcast_in_dim3A_929 = vector.broadcast %add3A_917 : i32 to vector<16xi32>
      %gather3A_930 = tpu.vector_load_idx %arg13[%iota3A, %broadcast_in_dim3A_928] : memref<32x128xf32, #tpu.memory_space<vmem>>[vector<16xi32>, vector<16xi32>], vector<16xf32>,
      %add3A_931 = arith.constant 16 : i32
      %add3A_932 = vector.broadcast %add3A_931 : i32 to vector<16xi32>
      %add3A_933 = arith.addi %iota3A, %add3A_932 : vector<16xi32>
      %gather3A_934 = tpu.vector_load_idx %arg13[%add3A_933, %broadcast_in_dim3A_928] : memref<32x128xf32, #tpu.memory_space<vmem>>[vector<16xi32>, vector<16xi32>], vector<16xf32>,
      tpu.vector_store_idx %arg14[%iota3A, %broadcast_in_dim3A_929], %gather3A_930 : memref<32x128xf32, #tpu.memory_space<vmem>>[vector<16xi32>, vector<16xi32>], vector<16xf32>,
      %add3A_935 = arith.constant 16 : i32
      %add3A_936 = vector.broadcast %add3A_935 : i32 to vector<16xi32>
      %add3A_937 = arith.addi %iota3A, %add3A_936 : vector<16xi32>
      tpu.vector_store_idx %arg14[%add3A_937, %broadcast_in_dim3A_929], %gather3A_934 : memref<32x128xf32, #tpu.memory_space<vmem>>[vector<16xi32>, vector<16xi32>], vector<16xf32>,
      %slice3A_938 = vector.extract_strided_slice %get3A_421 {offsets = [7], sizes = [1], strides = [1]} : vector<16xi32> to vector<1xi32>
      %squeeze3A_939 = vector.extract %slice3A_938[0] : i32 from vector<1xi32>
      %lt3A_940 = arith.constant 7 : i32
      %lt3A_941 = arith.cmpi slt, %scan3A_407, %lt3A_940 : i32
      %convert_element_type3A_942 = arith.extui %lt3A_941 : i1 to i32
      %cond3A_943 = arith.constant 0 : i32
      %cond3A_944 = arith.cmpi ne, %convert_element_type3A_942, %cond3A_943 : i32
      scf.if %cond3A_944 {
        %shift_right_logical3A_945 = arith.constant 7 : i32
        %shift_right_logical3A_946 = arith.shrui %squeeze3A_939, %shift_right_logical3A_945 : i32
        %mul3A_947 = arith.constant 128 : i32
        %mul3A_948 = arith.muli %shift_right_logical3A_946, %mul3A_947 : i32
        %multiple_of3A_949 = tpu.assume_multiple %mul3A_948, 128 : i32
        %dma_start3A_950 = arith.constant 0 : i32
        %dma_start3A_951 = tpu.memref_slice %arg3[%dma_start3A_950, %multiple_of3A_949] : memref<32x1000000xf32, #tpu.memory_space<hbm>> -> memref<32x128xf32, #tpu.memory_space<hbm>>
        %dma_start3A_952 = arith.constant 0 : i32
        %dma_start3A_953 = tpu.memref_slice %arg3[%dma_start3A_952, %multiple_of3A_949] : memref<32x1000000xf32, #tpu.memory_space<hbm>> -> memref<32x128xf32, #tpu.memory_space<hbm>>
        tpu.enqueue_dma source(%dma_start3A_953 : memref<32x128xf32, #tpu.memory_space<hbm>>) target(%arg13 : memref<32x128xf32, #tpu.memory_space<vmem>>) target_semaphore(%arg22 : memref<!tpu.dma_semaphore, #tpu.memory_space<semaphore_mem>>)
      } else {
      }
    }
    %scan3A_403 = arith.constant 8 : i32
    %add3A_404 = arith.constant 384 : i32
    %add3A_405 = arith.addi %mul3A_2, %add3A_404 : i32
    %multiple_of3A_406 = tpu.assume_multiple %add3A_405, 128 : i32
    "tpu.region"() ({
      %run_scoped3A = tpu.sem_alloc : memref<!tpu.dma_semaphore, #tpu.memory_space<semaphore_mem>>
      %dma_start3A_407 = arith.constant 0 : i32
      %dma_start3A_408 = tpu.memref_slice %arg4[%dma_start3A_407, %multiple_of3A_406] : memref<32x16384xf32, #tpu.memory_space<hbm>> -> memref<32x128xf32, #tpu.memory_space<hbm>>
      %dma_start3A_409 = arith.constant 0 : i32
      %dma_start3A_410 = tpu.memref_slice %arg4[%dma_start3A_409, %multiple_of3A_406] : memref<32x16384xf32, #tpu.memory_space<hbm>> -> memref<32x128xf32, #tpu.memory_space<hbm>>
      tpu.enqueue_dma source(%arg14 : memref<32x128xf32, #tpu.memory_space<vmem>>) target(%dma_start3A_410 : memref<32x128xf32, #tpu.memory_space<hbm>>) target_semaphore(%run_scoped3A : memref<!tpu.dma_semaphore, #tpu.memory_space<semaphore_mem>>)
      %dma_wait3A_411 = arith.constant 0 : i32
      %dma_wait3A_412 = tpu.memref_slice %arg4[%dma_wait3A_411, %multiple_of3A_406] : memref<32x16384xf32, #tpu.memory_space<hbm>> -> memref<32x128xf32, #tpu.memory_space<hbm>>
      %dma_wait3A_413 = arith.constant 0 : i32
      %dma_wait3A_414 = tpu.memref_slice %arg4[%dma_wait3A_413, %multiple_of3A_406] : memref<32x16384xf32, #tpu.memory_space<hbm>> -> memref<32x128xf32, #tpu.memory_space<hbm>>
      tpu.wait_dma2 semaphore(%run_scoped3A : memref<!tpu.dma_semaphore, #tpu.memory_space<semaphore_mem>>) src(%arg14 : memref<32x128xf32, #tpu.memory_space<vmem>>) dst(%dma_wait3A_414 : memref<32x128xf32, #tpu.memory_space<hbm>>)
      tpu.yield
    }) : () -> ()
    return
  }
}

</mosaic_0001>

<sc_bundles>
// kernel: kernel.3.cloned.1.call-start
scs
__scs_entry_jumppad:
0x0: {  	(pc) =	sbr.rel $0x88, $3  }
0x1: {  	(tag) =	ssettag $0x0;
	lr =	simm.s32 $0x1  }
0x2: {  	[smem:$0x3F9F] =	sst lr;
	_ =	strace $0xD0000000  }
0x3: {  	_ = 	snop  }
0x4: {  	_ = 	snop  }
0x5: {  	_ = 	snop  }
0x6: {  	_ = 	snop  }
0x7: {  	_ = 	snop  }
__scs_overlays_trampoline_lowered:
0x8: {  	[smem:$0x3FAE] =	sst s0  }
0x9: {  	[smem:$0x3FAF] =	sst s1  }
0xa: {  	[smem:$0x3FB0] =	sst s2  }
0xb: {  	[smem:$0x3FB1] =	sst s3  }
0xc: {  	[smem:$0x3FB2] =	sst s4  }
0xd: {  	[smem:$0x3FB3] =	sst s5  }
0xe: {  	[smem:$0x3FB4] =	sst s6  }
0xf: {  	[smem:$0x3FB5] =	sst s7  }
0x10: {  	[smem:$0x3FB6] =	sst s8  }
0x11: {  	[smem:$0x3FB7] =	sst s9;
	s0 =	simm.s32 @!p0 $0x0  }
0x12: {  	s1 =	sld [smem:$0x3F9D];
	s0 =	simm.s32 @p0 $0x1  }
0x13: {  	[smem:$0x3FB8] =	sst s0;
	s0 =	simm.s32 @!p1 $0x0  }
0x14: {  	s2 =	sld [smem:$0x3F9C];
	s0 =	simm.s32 @p1 $0x1  }
0x15: {  	[smem:$0x3FB9] =	sst s0;
	s0 =	simm.s32 @!p2 $0x0  }
0x16: {  	s3 =	sld [smem:$0x3FDB];
	s0 =	simm.s32 @p2 $0x1  }
0x17: {  	s4 =	simm.s32 $0x1BF5;
	[smem:$0x3FBB] =	sst s0  }
0x18: {  	s0 =	sld [smem:$0x3F9E];
	_ =	swait.ge [sflag:s4], $0x0  }
0x19: {  	s7 =	sld [smem:$0x3F9F]  }
0x1a: {  	s8 =	sadd.s32 $0xFFFFE003, lr  }
0x1b: {  	s9 =	sadd.s32 $0xFFFFFEF7, lr;
	s5 =	simm.s32 $0xFFFFFFFF;
	p2 =	slt.u32 s8, $0xFFFFF086  }
0x1c: {  	p1 =	slt.u32 s9, $0xF7A;
	s5 =	simm.s32 @!p2 $0x0  }
0x1d: {  	s5 =	simm.s32 @p1 $0x1;
	p0 =	seq.s32 s7, s2  }
0x1e: {  	s7 =	smul.u32 @!p0 $0xF7A, s2;
	p2 =	seq.s32 @!p0 s5, $0x0  }
0x1f: {  	s9 =	smul.u32 $0xF7A, s1;
	s8 =	simm.s32 @!p0 $0x1BF5;
	p2 =	por !p2, p0  }
0x20: {  	[sflag:s8] =	ssyncset.s32 @!p0 $0xFFFFF086;
	s6 =	sadd.s32 @!p0 s3, s7;
	s7 =	simm.s32 @!p0 $0x108  }
0x21: {  	s3 =	sadd.s32 s3, s9;
	s6 =	sadd.s32 @!p0 $0x88, s6;
	s7 =	simm.s32 @p2 $0x1082  }
0x22: {  	[simem:s7], [sflag:s8] =	dma.local @!p0 [hbm:s6], $0xF7A  }
0x23: {  	s9 =	sor.u32 $0xD0000000, s2;
	s6 =	simm.s32 $0x108;
	_ =	swait.ge @!p0 [sflag:s8], $0x0  }
0x24: {  	s3 =	sadd.s32 $0x88, s3;
	s6 =	simm.s32 @!p1 $0x1082;
	[sflag:s4] =	ssyncset.s32 $0xFFFFF086  }
0x25: {  	[simem:s6], [sflag:s4] =	dma.local [hbm:s3], $0xF7A  }
0x26: {  	[smem:$0x3F9F] =	sst s1;
	(tag) =	ssettag s2;
	_ =	strace s9  }
0x27: {  	s1 =	sld [smem:$0x3FAF]  }
0x28: {  	s2 =	sld [smem:$0x3FB0]  }
0x29: {  	s4 =	sld [smem:$0x3FB2]  }
0x2a: {  	p0 =	seq.s32 s5, $0x0;
	s5 =	sld [smem:$0x3FB3]  }
0x2b: {  	s6 =	sld [smem:$0x3FB4]  }
0x2c: {  	s7 =	sld [smem:$0x3FB5]  }
0x2d: {  	s3 =	simm.s32 $0x108;
	s8 =	sld [smem:$0x3FB6]  }
0x2e: {  	s3 =	simm.s32 @!p0 $0x1082;
	s9 =	sld [smem:$0x3FB7]  }
0x2f: {  	lr =	sadd.s32 s0, s3;
	s0 =	sld [smem:$0x3FAE]  }
0x30: {  	s3 =	sld [smem:$0x3FB1]  }
0x31: {  	[smem:$0x3FBA] =	sst s10  }
0x32: {  	s10 =	sld [smem:$0x3FB8];
	_ =	sdelay $0x3  }
0x33: {  	p0 =	seq.s32 s10, $0x1;
	s10 =	sld [smem:$0x3FBA];
	_ =	sdelay $0x3  }
0x34: {  	[smem:$0x3FBA] =	sst s10  }
0x35: {  	s10 =	sld [smem:$0x3FB9];
	_ =	sdelay $0x3  }
0x36: {  	p1 =	seq.s32 s10, $0x1;
	s10 =	sld [smem:$0x3FBA];
	_ =	sdelay $0x3  }
0x37: {  	[smem:$0x3FBA] =	sst s10  }
0x38: {  	s10 =	sld [smem:$0x3FBB]  }
0x39: {  	_ = 	snop;
	(pc) =	sbr.ind lr, $3  }
0x3a: {  	_ = 	snop  }
0x3b: {  	_ = 	snop  }
0x3c: {  	p2 =	seq.s32 s10, $0x1;
	s10 =	sld [smem:$0x3FBA]  }
0x3d: {  	_ =	shalt  }
0x3e: {  	_ =	shalt  }
0x3f: {  	_ =	shalt  }
0x40: {  	_ =	shalt  }
0x41: {  	_ =	shalt  }
0x42: {  	_ =	shalt  }
0x43: {  	_ =	shalt  }
0x44: {  	_ =	shalt  }
0x45: {  	_ =	shalt  }
0x46: {  	_ =	shalt  }
0x47: {  	_ =	shalt  }
0x48: {  	_ =	shalt  }
0x49: {  	_ =	shalt  }
0x4a: {  	_ =	shalt  }
0x4b: {  	_ =	shalt  }
0x4c: {  	_ =	shalt  }
0x4d: {  	_ =	shalt  }
0x4e: {  	_ =	shalt  }
0x4f: {  	_ =	shalt  }
0x50: {  	_ =	shalt  }
0x51: {  	_ =	shalt  }
0x52: {  	_ =	shalt  }
0x53: {  	_ =	shalt  }
0x54: {  	_ =	shalt  }
0x55: {  	_ =	shalt  }
0x56: {  	_ =	shalt  }
0x57: {  	_ =	shalt  }
0x58: {  	_ =	shalt  }
0x59: {  	_ =	shalt  }
0x5a: {  	_ =	shalt  }
0x5b: {  	_ =	shalt  }
0x5c: {  	_ =	shalt  }
0x5d: {  	_ =	shalt  }
0x5e: {  	_ =	shalt  }
0x5f: {  	_ =	shalt  }
0x60: {  	_ =	shalt  }
0x61: {  	_ =	shalt  }
0x62: {  	_ =	shalt  }
0x63: {  	_ =	shalt  }
0x64: {  	_ =	shalt  }
0x65: {  	_ =	shalt  }
0x66: {  	_ =	shalt  }
0x67: {  	_ =	shalt  }
0x68: {  	_ =	shalt  }
0x69: {  	_ =	shalt  }
0x6a: {  	_ =	shalt  }
0x6b: {  	_ =	shalt  }
0x6c: {  	_ =	shalt  }
0x6d: {  	_ =	shalt  }
0x6e: {  	_ =	shalt  }
0x6f: {  	_ =	shalt  }
0x70: {  	_ =	shalt  }
0x71: {  	_ =	shalt  }
0x72: {  	_ =	shalt  }
0x73: {  	_ =	shalt  }
0x74: {  	_ =	shalt  }
0x75: {  	_ =	shalt  }
0x76: {  	_ =	shalt  }
0x77: {  	_ =	shalt  }
0x78: {  	_ =	shalt  }
0x79: {  	_ =	shalt  }
0x7a: {  	_ =	shalt  }
0x7b: {  	_ =	shalt  }
0x7c: {  	_ =	shalt  }
0x7d: {  	_ =	shalt  }
0x7e: {  	_ =	shalt  }
0x7f: {  	_ =	shalt  }
0x80: {  	_ =	shalt  }
0x81: {  	_ =	shalt  }
0x82: {  	_ =	shalt  }
0x83: {  	_ =	shalt  }
0x84: {  	_ =	shalt  }
0x85: {  	_ =	shalt  }
0x86: {  	_ =	shalt  }
0x87: {  	_ =	shalt  }
.Lfunc_end0:
.L_simem_size_0:
called_computation_lowered:
.L_overlay_start_0:
0x88: {  	s2 =	sld [smem:$0x3FD9]  }
0x89: {  	s3 =	sld [smem:$0x3FFE];
	_ =	sdelay $0x1  }
0x8a: {  	s1 =	srdreg.scid  }
0x8b: {  	s0 =	sand.u32 $0x1, s1  }
0x8c: {  	s18 =	sshll.u32 s0, $0xA;
	s2 =	sadd.s32 s3, s2  }
0x8d: {  	s2 =	sadd.s32 s2, s18  }
0x8e: {  	[smem:$0x3FC6] =	sst s2  }
0x8f: {  	_ = 	snop  }
0x90: {  	s2 =	sld [smem:$0x3FC9]  }
0x91: {  	s19 =	sld [smem:$0x3FC8]  }
0x92: {  	s4 =	sld [smem:$0x3FD0];
	(tm) =	ssettm $0x1  }
0x93: {  	s5 =	sld [smem:$0x3FFB];
	_ =	sdelay $0x3  }
0x94: {  	_ =	strace s5  }
0x95: {  	s5 =	sld [smem:$0x3FFC];
	_ =	sdelay $0x3  }
0x96: {  	_ =	strace s5  }
0x97: {  	s5 =	sld [smem:$0x3FFD];
	_ =	sdelay $0x3  }
0x98: {  	_ =	strace s5  }
0x99: {  	_ =	strace $0x8FFFFFFF  }
0x9a: {  	s20 =	sld [smem:$0x3FDB];
	_ =	sdelay $0x1  }
0x9b: {  	s6 =	simm.s32 $_scs_section_size  }
0x9c: {  	s7 =	simm.s32 $_size__tile_overlayer_lowered;
	s8 =	simm.s32 $_tile_overlayer_lowered  }
0x9d: {  	s23 =	simm.s32 $0x1BFF;
	s22 =	sshll.u32 s8, $0x1;
	s5 =	sadd.s32 s6, s20  }
0x9e: {  	s9 =	simm.s32 $0x0;
	s21 =	sshll.u32 s7, $0x1;
	s7 =	sadd.s32 s22, s5  }
0x9f: {  	[timem:s9], [sflag:s23] =	dma.local [hbm:s7], s21  }
0xa0: {  	_ =	swait.ge [sflag:s23], s21  }
0xa1: {  	s6 =	ssub.s32 $0x0, s21;
	[sflag:s23] =	ssyncset.done $0x0  }
0xa2: {  	[sflag:s23] =	ssyncadd.s32 s6;
	_ =	sdelay $0x1  }
0xa3: {  	s24 =	simm.s32 $0x1B8B  }
0xa4: {  	_ =	swait.ge [sflag:s24], $0x1  }
0xa5: {  	[sflag:s24] =	ssyncset.done $0x0  }
0xa6: {  	s25 =	simm.s32 $0x1B8E;
	[sflag:s24] =	ssyncadd.s32 $0xFFFFFFFF  }
0xa7: {  	s26 =	simm.s32 $execute0_lowered;
	[smem:$0x3FD2] =	sst s25  }
0xa8: {  	s6 =	sshll.u32 s26, $0x1;
	_ =	strace $0x80000046;
	[dreg:$0x1] =	wrdreg $0xFFFFFFFF  }
0xa9: {  	s28 =	simm.s32 $_size_execute0_lowered;
	s5 =	sadd.s32 s5, s6;
	[dreg:$0x0] =	wrdreg $0x0  }
0xaa: {  	s6 =	sshll.u32 s28, $0x1;
	[dreg:$0x2] =	wrdreg s5  }
0xab: {  	[dreg:$0x3] =	wrdreg s6  }
0xac: {  	[dreg:$0x4] =	wrdreg $0xC0  }
0xad: {  	_ =	task [dreg:s9], $0x5FFFF  }
0xae: {  	[dreg:$0x1] =	wrdreg $0xFFFFFFFF  }
0xaf: {  	[dreg:$0x0] =	wrdreg $0x60  }
0xb0: {  	[dreg:$0x2] =	wrdreg s2  }
0xb1: {  	[dreg:$0x3] =	wrdreg s19  }
0xb2: {  	[dreg:$0x4] =	wrdreg s4  }
0xb3: {  	[dreg:$0x5] =	wrdreg $0x9  }
0xb4: {  	_ =	task.clear_ibuf [dreg:s9], $0x6FFFF;
	_ =	strace $0x90000046  }
0xb5: {  	s29 =	simm.s32 $0x9;
	_ =	strace $0x80000048  }
0xb6: {  	_ =	swait.ge [sflag:s29], $0x1  }
0xb7: {  	[sflag:s29] =	ssyncadd.s32 $0xFFFFFFFF  }
0xb8: {  	_ =	strace $0x90000048  }
0xb9: {  	_ =	sfence  }
0xba: {  	s30 =	sld [smem:$0x0];
	_ =	sdelay $0x2  }
0xbb: {  	s31 =	sshll.u32 s1, $0xD;
	s1 =	sshrl.u32 s1, $0x2  }
0xbc: {  	s3 =	sand.u32 $0x4000, s31;
	s1 =	sadd.s32 s1, s30  }
0xbd: {  	s0 =	sor.u32 s3, s0;
	s1 =	sshll.u32 s1, $0x11  }
0xbe: {  	s0 =	sor.u32 s1, s0  }
0xbf: {  	s0 =	sadd.s32 $0x8F2B, s0  }
0xc0: {  	[sflag:s0] =	ssyncadd.remote.s32 $0x1  }
0xc1: {  	_ =	sfence.sel $0xFFFF  }
0xc2: {  	[dreg:$0x0] =	wrdreg $0xFFFFFFFF;
	(pc) =	sbr.abs _section_cstart, $3  }
0xc3: {  	[dreg:$0x1] =	wrdreg $0xFFFFFFFF  }
0xc4: {  	_ =	task.clear_ibuf [dreg:s9], $0x2FFFF;
	_ =	strace $0x9FFFFFFF  }
0xc5: {  	(tm) =	ssettm $0x7FFFFFFF  }
tec
execute0_lowered:
.L_overlay_start_1:
0x0: {  	(tag) =	ssettag $0x1  }
0x1: {  	s0 =	rddreg [dreg:$0x0]  }
0x2: {  	s2 =	rddreg [dreg:$0x1]  }
0x3: {  	s1 =	rddreg [dreg:$0x2]  }
0x4: {  	s3 =	srdreg.scid;
	s4 =	stileid.u32  }
0x5: {  	s6 =	simm.s32 $0x0;
	s11 =	simm.s32 $0x400;
	s12 =	simm.s32 $0x7A1400  }
0x6: {  	s15 =	simm.s32 $0x280;
	s14 =	simm.s32 $0x1280;
	s13 =	simm.s32 $0x2280  }
0x7: {  	s9 =	simm.s32 $0x3280;
	s7 =	simm.s32 $0x4280;
	s3 =	sand.u32 $0x1, s3  }
0x8: {  	s10 =	simm.s32 $0x5280;
	s4 =	sshll.u32 s4, $0xA;
	s5 =	sshll.u32 s3, $0x9  }
0x9: {  	[smem:$0x7FF] =	sst s6;
	s3 =	ssub.s32 $0x2, s3;
	s4 =	sor.u32 s5, s4  }
0xa: {  	_ =	strace $0x80000047;
	s28 =	sshrl.u32 s4, $0x3;
	s29 =	sadd.s32 s1, s4  }
0xb: {  	s26 =	sshrl.u32 s3, $0x1;
	s0 =	sadd.s32 s0, s28;
	[dreg:$0x5] =	wrdreg s29  }
.Ltmp0:
0xc: {  	s1 =	sadd.s32 $0x80, s29;
	[dreg:$0x4] =	wrdreg s0;
	(pc) =	sbr.rel .LBB2_1-.Ltmp0, $4  }
0xd: {  	v0 =	vlaneseq.u32;
	s3 =	ssub.s32 s3, s26;
	s30 =	sadd.s32 $0x100, s29;
	[dreg:$0x6] =	wrdreg s1  }
0xe: {  	s16 =	simm.s32 $0x6280;
	v0 =	vmul.u32 $0x80, v0;
	s31 =	smax.u32 s3, $0x1;
	[dreg:$0x7] =	wrdreg s30  }
0xf: {  	s22 =	simm.s32 $0x8280;
	s0 =	sadd.s32 $0x180, s29;
	[dreg:$0x9] =	wrdreg s31  }
0x10: {  	v1 =	vimm.s32 $0x0;
	s5 =	simm.s32 $0x7280;
	v2 =	vor.u32 $0x800, v0;
	s3 =	simm.s32 $0x0;
	[dreg:$0x8] =	wrdreg s0  }
.LBB2_13:
0x11: {  	s0 =	rddreg [dreg:$0x8];
	s1 =	simm.s32 $0x20000;
	s30 =	simm.s32 $0xA  }
0x12: {  	[hbm4b:s0+s11] =	stream.strided.scatter [tilespmem:s22], [sflag:$0xA], $0x1000, s1, s11, $0x38;
	[tilespmem:$0x9280] =	vst v63  }
0x13: {  	_ =	swait.ge [sflag:s30], $0x1000  }
0x14: {  	s3 =	rddreg [dreg:$0xa]  }
0x15: {  	s31 =	rddreg [dreg:$0x9];
	s3 =	sadd.s32 $0x1, s3  }
0x16: {  	p0 =	sne.s32 s3, s31  }
.Ltmp1:
0x17: {  	_ = 	snop;
	(pc) =	sbr.rel @!p0 .LBB2_14-.Ltmp1, $3  }
0x18: {  	_ =	sdelay $0x1  }
0x19: {  	[sflag:s30] =	ssyncset.done $0x0  }
0x1a: {  	[sflag:s30] =	ssyncadd.s32 $0xFFFFF000  }
.LBB2_1:
0x1b: {  	[dreg:$0xa] =	wrdreg s3  }
0x1c: {  	s0 =	simm.s32 $0x0;
	s1 =	rddreg [dreg:$0x4];
	s17 =	simm.s32 $0x9  }
0x1d: {  	[tilespmem:s0], [sflag:$0x9] =	stream.linear.gather [hbm4b:s1+s0], $0x200, $0x38;
	[tilespmem:$0x9280] =	vst v63  }
0x1e: {  	_ =	swait.ge [sflag:s17], $0x200  }
0x1f: {  	[sflag:s17] =	ssyncset.done $0x0  }
0x20: {  	[sflag:s17] =	ssyncadd.s32 $0xFFFFFE00  }
0x21: {  	v3 =	vld [tilespmem:$0x0];
	_ =	sdelay $0x4  }
0x22: {  	(v2sf) =	vpush v3, $0x0  }
0x23: {  	(v2sf) =	vpush v3, $0x1;
	_ =	sdelay $0x1  }
0x24: {  	(v2sf) =	vpush v3, $0x2;
	_ =	sdelay $0x4  }
0x25: {  	(v2sf) =	vpush v3, $0x3  }
0x26: {  	(v2sf) =	vpush v3, $0x4;
	_ =	sdelay $0x5  }
0x27: {  	s18 =	spop (v2sf);
	(v2sf) =	vpush v3, $0x5  }
0x28: {  	s19 =	spop (v2sf);
	(v2sf) =	vpush v3, $0x6  }
0x29: {  	[tilespmem:$0x200] =	vst v1;
	s0 =	sand.u32 $0xFFFFF80, s18  }
0x2a: {  	[tilespmem:$0x210] =	vst v1;
	s0 =	sadd.s32 s2, s0;
	s20 =	spop (v2sf)  }
0x2b: {  	(v2sf) =	vpush v3, $0x7;
	[tilespmem:s15], [sflag:$0x1] =	stream.strided.gather [hbm4b:s0+s11], $0x1000, s12, s11, $0x38;
	[tilespmem:$0x9280] =	vst v63  }
0x2c: {  	s0 =	sand.u32 $0xFFFFF80, s19  }
0x2d: {  	s0 =	sadd.s32 s2, s0  }
0x2e: {  	[tilespmem:s14], [sflag:$0x2] =	stream.strided.gather [hbm4b:s0+s11], $0x1000, s12, s11, $0x38;
	[tilespmem:$0x9280] =	vst v63  }
0x2f: {  	s21 =	spop (v2sf);
	s0 =	sand.u32 $0xFFFFF80, s20  }
0x30: {  	s23 =	sand.u32 $0xFFFFF80, s21;
	s24 =	spop (v2sf);
	s0 =	sadd.s32 s2, s0  }
0x31: {  	[tilespmem:s13], [sflag:$0x3] =	stream.strided.gather [hbm4b:s0+s11], $0x1000, s12, s11, $0x38;
	[tilespmem:$0x9280] =	vst v63  }
0x32: {  	s25 =	sand.u32 $0xFFFFF80, s24;
	s0 =	sadd.s32 s2, s23  }
0x33: {  	[tilespmem:s9], [sflag:$0x4] =	stream.strided.gather [hbm4b:s0+s11], $0x1000, s12, s11, $0x38;
	[tilespmem:$0x9280] =	vst v63  }
0x34: {  	s0 =	sadd.s32 s2, s25  }
0x35: {  	[tilespmem:s7], [sflag:$0x5] =	stream.strided.gather [hbm4b:s0+s11], $0x1000, s12, s11, $0x38;
	[tilespmem:$0x9280] =	vst v63  }
0x36: {  	s26 =	spop (v2sf)  }
0x37: {  	s28 =	sand.u32 $0xFFFFF80, s26;
	s29 =	spop (v2sf)  }
0x38: {  	s0 =	sadd.s32 s2, s28;
	s30 =	sand.u32 $0xFFFFF80, s29  }
0x39: {  	[tilespmem:s10], [sflag:$0x6] =	stream.strided.gather [hbm4b:s0+s11], $0x1000, s12, s11, $0x38;
	[tilespmem:$0x9280] =	vst v63  }
0x3a: {  	s31 =	spop (v2sf);
	s0 =	sadd.s32 s2, s30  }
0x3b: {  	[tilespmem:s16], [sflag:$0x7] =	stream.strided.gather [hbm4b:s0+s11], $0x1000, s12, s11, $0x38;
	[tilespmem:$0x9280] =	vst v63  }
0x3c: {  	s3 =	simm.s32 $0xF;
	s0 =	sand.u32 $0xFFFFF80, s31  }
0x3d: {  	s4 =	simm.s32 $0x10;
	s23 =	simm.s32 $0x7280;
	s0 =	sadd.s32 s2, s0  }
0x3e: {  	[tilespmem:s5], [sflag:$0x8] =	stream.strided.gather [hbm4b:s0+s11], $0x1000, s12, s11, $0x38;
	[tilespmem:$0x9280] =	vst v63  }
.LBB2_2:
0x3f: {  	v4 =	vld [tilespmem:s4+$0xFFFFFFF0];
	_ =	sdelay $0x2  }
0x40: {  	s14 =	simm.s32 $0x1  }
0x41: {  	v3 =	vld [tilespmem:s4+$0x0];
	_ =	swait.ge [sflag:s14], $0x1000  }
0x42: {  	(v2sf) =	vpush v4, $0x0;
	_ =	sdelay $0xa  }
0x43: {  	(v2sf) =	vpush v4, $0x8;
	_ =	sdelay $0x3  }
0x44: {  	s0 =	spop (v2sf)  }
0x45: {  	s0 =	sand.u32 $0x7F, s0  }
0x46: {  	s1 =	sadd.s32 $0xFFFFFFF1, s3;
	v5 =	vor.u32 s0, v0  }
0x47: {  	v6 =	vmov s1;
	v7 =	vor.u32 s0, v2  }
0x48: {  	v6 =	vand.u32 $0x70, v6  }
0x49: {  	[sflag:s14] =	ssyncset.done $0x0;
	v6 =	vbroadcast v6, $0x0  }
0x4a: {  	s13 =	simm.s32 $0x280;
	[sflag:s14] =	ssyncadd.s32 $0xFFFFF000  }
0x4b: {  	v8 =	vor.u32 v0, v6;
	v5 =	vld.idx.msk [tilespmem:v5+s13+$0x0], $0xffff  }
0x4c: {  	v6 =	vor.u32 v2, v6;
	v7 =	vld.idx.msk [tilespmem:v7+s13+$0x0], $0xffff;
	_ =	sdelay $0x2  }
0x4d: {  	s8 =	spop (v2sf)  }
0x4e: {  	s7 =	sand.u32 $0xFFFFF80, s8;
	[tilespmem:v8+s22+$0x0] =	vst.idx.msk $0xffff, v5  }
0x4f: {  	s24 =	simm.s32 $0x2;
	s0 =	sadd.s32 s2, s7;
	[tilespmem:v6+s22+$0x0] =	vst.idx.msk $0xffff, v7  }
0x50: {  	[tilespmem:s13], [sflag:$0x1] =	stream.strided.gather [hbm4b:s0+s11], $0x1000, s12, s11, $0x38;
	[tilespmem:$0x9280] =	vst v63  }
0x51: {  	_ =	swait.ge [sflag:s24], $0x1000  }
0x52: {  	(v2sf) =	vpush v4, $0x1;
	_ =	sdelay $0xa  }
0x53: {  	(v2sf) =	vpush v4, $0x9;
	_ =	sdelay $0x3  }
0x54: {  	s9 =	spop (v2sf)  }
0x55: {  	s0 =	sand.u32 $0x7F, s9  }
0x56: {  	s10 =	sadd.s32 $0xFFFFFFF2, s3;
	v5 =	vor.u32 s0, v0  }
0x57: {  	v28 =	vmov s10;
	v29 =	vor.u32 s0, v2  }
0x58: {  	v6 =	vand.u32 $0x71, v28  }
0x59: {  	v6 =	vbroadcast v6, $0x0;
	[sflag:s24] =	ssyncset.done $0x0  }
0x5a: {  	s16 =	simm.s32 $0x1280;
	[sflag:s24] =	ssyncadd.s32 $0xFFFFF000  }
0x5b: {  	v30 =	vor.u32 v0, v6;
	v5 =	vld.idx.msk [tilespmem:v5+s16+$0x0], $0xffff  }
0x5c: {  	v6 =	vor.u32 v2, v6;
	v7 =	vld.idx.msk [tilespmem:v29+s16+$0x0], $0xffff;
	_ =	sdelay $0x2  }
0x5d: {  	s6 =	spop (v2sf)  }
0x5e: {  	s15 =	sand.u32 $0xFFFFF80, s6;
	[tilespmem:v30+s22+$0x0] =	vst.idx.msk $0xffff, v5  }
0x5f: {  	s25 =	simm.s32 $0x3;
	s0 =	sadd.s32 s2, s15;
	[tilespmem:v6+s22+$0x0] =	vst.idx.msk $0xffff, v7  }
0x60: {  	[tilespmem:s16], [sflag:$0x2] =	stream.strided.gather [hbm4b:s0+s11], $0x1000, s12, s11, $0x38;
	[tilespmem:$0x9280] =	vst v63  }
0x61: {  	_ =	swait.ge [sflag:s25], $0x1000  }
0x62: {  	(v2sf) =	vpush v4, $0x2;
	_ =	sdelay $0xa  }
0x63: {  	(v2sf) =	vpush v4, $0xA;
	_ =	sdelay $0x3  }
0x64: {  	s17 =	spop (v2sf)  }
0x65: {  	s0 =	sand.u32 $0x7F, s17  }
0x66: {  	s18 =	sadd.s32 $0xFFFFFFF3, s3;
	v5 =	vor.u32 s0, v0  }
0x67: {  	v31 =	vmov s18;
	v32 =	vor.u32 s0, v2  }
0x68: {  	v6 =	vand.u32 $0x72, v31  }
0x69: {  	v6 =	vbroadcast v6, $0x0;
	[sflag:s25] =	ssyncset.done $0x0  }
0x6a: {  	[sflag:s25] =	ssyncadd.s32 $0xFFFFF000;
	s17 =	simm.s32 $0x2280  }
0x6b: {  	v33 =	vor.u32 v0, v6;
	v5 =	vld.idx.msk [tilespmem:v5+s17+$0x0], $0xffff  }
0x6c: {  	v6 =	vor.u32 v2, v6;
	v7 =	vld.idx.msk [tilespmem:v32+s17+$0x0], $0xffff;
	_ =	sdelay $0x2  }
0x6d: {  	s7 =	spop (v2sf)  }
0x6e: {  	s19 =	sand.u32 $0xFFFFF80, s7;
	[tilespmem:v33+s22+$0x0] =	vst.idx.msk $0xffff, v5  }
0x6f: {  	s26 =	simm.s32 $0x4;
	s0 =	sadd.s32 s2, s19;
	[tilespmem:v6+s22+$0x0] =	vst.idx.msk $0xffff, v7  }
0x70: {  	[tilespmem:s17], [sflag:$0x3] =	stream.strided.gather [hbm4b:s0+s11], $0x1000, s12, s11, $0x38;
	[tilespmem:$0x9280] =	vst v63  }
0x71: {  	_ =	swait.ge [sflag:s26], $0x1000  }
0x72: {  	(v2sf) =	vpush v4, $0x3;
	_ =	sdelay $0xa  }
0x73: {  	(v2sf) =	vpush v4, $0xB;
	_ =	sdelay $0x3  }
0x74: {  	s20 =	spop (v2sf)  }
0x75: {  	s0 =	sand.u32 $0x7F, s20  }
0x76: {  	s21 =	sadd.s32 $0xFFFFFFF4, s3;
	v5 =	vor.u32 s0, v0  }
0x77: {  	v34 =	vmov s21;
	v35 =	vor.u32 s0, v2  }
0x78: {  	v6 =	vand.u32 $0x73, v34  }
0x79: {  	v6 =	vbroadcast v6, $0x0;
	[sflag:s26] =	ssyncset.done $0x0  }
0x7a: {  	s18 =	simm.s32 $0x3280;
	[sflag:s26] =	ssyncadd.s32 $0xFFFFF000  }
0x7b: {  	v36 =	vor.u32 v0, v6;
	v5 =	vld.idx.msk [tilespmem:v5+s18+$0x0], $0xffff  }
0x7c: {  	v6 =	vor.u32 v2, v6;
	v7 =	vld.idx.msk [tilespmem:v35+s18+$0x0], $0xffff;
	_ =	sdelay $0x2  }
0x7d: {  	s9 =	spop (v2sf)  }
0x7e: {  	s28 =	sand.u32 $0xFFFFF80, s9;
	[tilespmem:v36+s22+$0x0] =	vst.idx.msk $0xffff, v5  }
0x7f: {  	s0 =	sadd.s32 s2, s28;
	s28 =	simm.s32 $0x5;
	[tilespmem:v6+s22+$0x0] =	vst.idx.msk $0xffff, v7  }
0x80: {  	[tilespmem:s18], [sflag:$0x4] =	stream.strided.gather [hbm4b:s0+s11], $0x1000, s12, s11, $0x38;
	[tilespmem:$0x9280] =	vst v63  }
0x81: {  	_ =	swait.ge [sflag:s28], $0x1000  }
0x82: {  	(v2sf) =	vpush v4, $0x4;
	_ =	sdelay $0xa  }
0x83: {  	(v2sf) =	vpush v4, $0xC;
	_ =	sdelay $0x3  }
0x84: {  	s29 =	spop (v2sf)  }
0x85: {  	s0 =	sand.u32 $0x7F, s29  }
0x86: {  	s30 =	sadd.s32 $0xFFFFFFF5, s3;
	v5 =	vor.u32 s0, v0  }
0x87: {  	v37 =	vmov s30;
	v38 =	vor.u32 s0, v2  }
0x88: {  	v6 =	vand.u32 $0x74, v37  }
0x89: {  	v6 =	vbroadcast v6, $0x0;
	[sflag:s28] =	ssyncset.done $0x0  }
0x8a: {  	s19 =	simm.s32 $0x4280;
	[sflag:s28] =	ssyncadd.s32 $0xFFFFF000  }
0x8b: {  	v39 =	vor.u32 v0, v6;
	v5 =	vld.idx.msk [tilespmem:v5+s19+$0x0], $0xffff  }
0x8c: {  	v6 =	vor.u32 v2, v6;
	v7 =	vld.idx.msk [tilespmem:v38+s19+$0x0], $0xffff;
	_ =	sdelay $0x2  }
0x8d: {  	s5 =	spop (v2sf)  }
0x8e: {  	s31 =	sand.u32 $0xFFFFF80, s5;
	[tilespmem:v39+s22+$0x0] =	vst.idx.msk $0xffff, v5  }
0x8f: {  	s29 =	simm.s32 $0x6;
	s0 =	sadd.s32 s2, s31;
	[tilespmem:v6+s22+$0x0] =	vst.idx.msk $0xffff, v7  }
0x90: {  	[tilespmem:s19], [sflag:$0x5] =	stream.strided.gather [hbm4b:s0+s11], $0x1000, s12, s11, $0x38;
	[tilespmem:$0x9280] =	vst v63  }
0x91: {  	_ =	swait.ge [sflag:s29], $0x1000  }
0x92: {  	(v2sf) =	vpush v4, $0x5;
	_ =	sdelay $0xa  }
0x93: {  	(v2sf) =	vpush v4, $0xD;
	_ =	sdelay $0x3  }
0x94: {  	s1 =	spop (v2sf)  }
0x95: {  	s0 =	sand.u32 $0x7F, s1  }
0x96: {  	s10 =	sadd.s32 $0xFFFFFFF6, s3;
	v5 =	vor.u32 s0, v0  }
0x97: {  	v40 =	vmov s10;
	v41 =	vor.u32 s0, v2  }
0x98: {  	v6 =	vand.u32 $0x75, v40  }
0x99: {  	v6 =	vbroadcast v6, $0x0;
	[sflag:s29] =	ssyncset.done $0x0  }
0x9a: {  	s20 =	simm.s32 $0x5280;
	[sflag:s29] =	ssyncadd.s32 $0xFFFFF000  }
0x9b: {  	v42 =	vor.u32 v0, v6;
	v5 =	vld.idx.msk [tilespmem:v5+s20+$0x0], $0xffff  }
0x9c: {  	v6 =	vor.u32 v2, v6;
	v7 =	vld.idx.msk [tilespmem:v41+s20+$0x0], $0xffff;
	_ =	sdelay $0x2  }
0x9d: {  	s10 =	spop (v2sf)  }
0x9e: {  	s15 =	sand.u32 $0xFFFFF80, s10;
	[tilespmem:v42+s22+$0x0] =	vst.idx.msk $0xffff, v5  }
0x9f: {  	s30 =	simm.s32 $0x7;
	s0 =	sadd.s32 s2, s15;
	[tilespmem:v6+s22+$0x0] =	vst.idx.msk $0xffff, v7  }
0xa0: {  	[tilespmem:s20], [sflag:$0x6] =	stream.strided.gather [hbm4b:s0+s11], $0x1000, s12, s11, $0x38;
	[tilespmem:$0x9280] =	vst v63  }
0xa1: {  	_ =	swait.ge [sflag:s30], $0x1000  }
0xa2: {  	(v2sf) =	vpush v4, $0x6;
	_ =	sdelay $0xa  }
0xa3: {  	(v2sf) =	vpush v4, $0xE;
	_ =	sdelay $0x3  }
0xa4: {  	s21 =	spop (v2sf)  }
0xa5: {  	s0 =	sand.u32 $0x7F, s21  }
0xa6: {  	s31 =	sadd.s32 $0xFFFFFFF7, s3;
	v5 =	vor.u32 s0, v0  }
0xa7: {  	v43 =	vmov s31;
	v44 =	vor.u32 s0, v2  }
0xa8: {  	v6 =	vand.u32 $0x76, v43  }
0xa9: {  	v6 =	vbroadcast v6, $0x0;
	[sflag:s30] =	ssyncset.done $0x0  }
0xaa: {  	[sflag:s30] =	ssyncadd.s32 $0xFFFFF000;
	s21 =	simm.s32 $0x6280  }
0xab: {  	v45 =	vor.u32 v0, v6;
	v5 =	vld.idx.msk [tilespmem:v5+s21+$0x0], $0xffff  }
0xac: {  	v6 =	vor.u32 v2, v6;
	v7 =	vld.idx.msk [tilespmem:v44+s21+$0x0], $0xffff;
	_ =	sdelay $0x2  }
0xad: {  	s31 =	spop (v2sf)  }
0xae: {  	s15 =	sand.u32 $0xFFFFF80, s31;
	[tilespmem:v45+s22+$0x0] =	vst.idx.msk $0xffff, v5  }
0xaf: {  	s0 =	sadd.s32 s2, s15;
	s15 =	simm.s32 $0x8;
	[tilespmem:v6+s22+$0x0] =	vst.idx.msk $0xffff, v7  }
0xb0: {  	[tilespmem:s21], [sflag:$0x7] =	stream.strided.gather [hbm4b:s0+s11], $0x1000, s12, s11, $0x38;
	[tilespmem:$0x9280] =	vst v63  }
0xb1: {  	_ =	swait.ge [sflag:s15], $0x1000  }
0xb2: {  	(v2sf) =	vpush v4, $0x7;
	_ =	sdelay $0xa  }
0xb3: {  	(v2sf) =	vpush v4, $0xF;
	_ =	sdelay $0x3  }
0xb4: {  	s1 =	spop (v2sf)  }
0xb5: {  	s0 =	sand.u32 $0x7F, s1  }
0xb6: {  	s1 =	sadd.s32 $0xFFFFFFF8, s3;
	v4 =	vor.u32 s0, v0  }
0xb7: {  	v5 =	vmov s1;
	v46 =	vor.u32 s0, v2  }
0xb8: {  	v5 =	vand.u32 $0x77, v5  }
0xb9: {  	[sflag:s15] =	ssyncset.done $0x0;
	v5 =	vbroadcast v5, $0x0  }
0xba: {  	[sflag:s15] =	ssyncadd.s32 $0xFFFFF000  }
0xbb: {  	v47 =	vor.u32 v0, v5;
	v4 =	vld.idx.msk [tilespmem:v4+s23+$0x0], $0xffff  }
0xbc: {  	v5 =	vor.u32 v2, v5;
	v6 =	vld.idx.msk [tilespmem:v46+s23+$0x0], $0xffff;
	_ =	sdelay $0x2  }
0xbd: {  	s0 =	spop (v2sf)  }
0xbe: {  	s1 =	sand.u32 $0xFFFFF80, s0;
	[tilespmem:v47+s22+$0x0] =	vst.idx.msk $0xffff, v4  }
0xbf: {  	s1 =	sadd.s32 s2, s1;
	[tilespmem:v5+s22+$0x0] =	vst.idx.msk $0xffff, v6  }
0xc0: {  	[tilespmem:s23], [sflag:$0x8] =	stream.strided.gather [hbm4b:s1+s11], $0x1000, s12, s11, $0x38;
	[tilespmem:$0x9280] =	vst v63  }
0xc1: {  	p0 =	seq.s32 s3, $0x7F;
	_ =	swait.ge [sflag:s14], $0x1000  }
0xc2: {  	(v2sf) =	vpush @!p0 v3, $0x0;
	_ =	sdelay $0x4  }
0xc3: {  	s1 =	sand.u32 $0x7F, s8  }
0xc4: {  	s8 =	sadd.s32 $0xFFFFFFF9, s3;
	v4 =	vor.u32 s1, v0  }
0xc5: {  	v5 =	vmov s8;
	v48 =	vor.u32 s1, v2  }
0xc6: {  	v5 =	vand.u32 $0x78, v5  }
0xc7: {  	[sflag:s14] =	ssyncset.done $0x0;
	v5 =	vbroadcast v5, $0x0  }
0xc8: {  	[sflag:s14] =	ssyncadd.s32 $0xFFFFF000  }
0xc9: {  	v49 =	vor.u32 v0, v5;
	v4 =	vld.idx.msk [tilespmem:v4+s13+$0x0], $0xffff  }
0xca: {  	v5 =	vor.u32 v2, v5;
	v6 =	vld.idx.msk [tilespmem:v48+s13+$0x0], $0xffff;
	_ =	sdelay $0x2  }
0xcb: {  	s1 =	spop @!p0 (v2sf)  }
0xcc: {  	s8 =	simm.s32 @!p0 $0x400;
	[tilespmem:v49+s22+$0x0] =	vst.idx.msk $0xffff, v4;
	s1 =	sand.u32 @!p0 $0xFFFFF80, s1  }
0xcd: {  	s14 =	simm.s32 @!p0 $0x280;
	[tilespmem:v5+s22+$0x0] =	vst.idx.msk $0xffff, v6;
	s13 =	sadd.s32 @!p0 s2, s1;
	s1 =	simm.s32 @!p0 $0x7A1400  }
0xce: {  	[tilespmem:s14], [sflag:$0x1] =	stream.strided.gather @!p0 [hbm4b:s13+s8], $0x1000, s1, s8, $0x38;
	[tilespmem:$0x9280] =	vst v63  }
0xcf: {  	_ =	swait.ge [sflag:s24], $0x1000  }
0xd0: {  	(v2sf) =	vpush @!p0 v3, $0x1;
	_ =	sdelay $0x4  }
0xd1: {  	s6 =	sand.u32 $0x7F, s6  }
0xd2: {  	v4 =	vor.u32 s6, v0;
	s14 =	sadd.s32 $0xFFFFFFFA, s3  }
0xd3: {  	v50 =	vor.u32 s6, v2;
	v5 =	vmov s14  }
0xd4: {  	v5 =	vand.u32 $0x79, v5  }
0xd5: {  	[sflag:s24] =	ssyncset.done $0x0;
	v5 =	vbroadcast v5, $0x0  }
0xd6: {  	[sflag:s24] =	ssyncadd.s32 $0xFFFFF000  }
0xd7: {  	v4 =	vld.idx.msk [tilespmem:v4+s16+$0x0], $0xffff;
	v51 =	vor.u32 v0, v5  }
0xd8: {  	v6 =	vld.idx.msk [tilespmem:v50+s16+$0x0], $0xffff;
	v5 =	vor.u32 v2, v5;
	_ =	sdelay $0x2  }
0xd9: {  	s6 =	spop @!p0 (v2sf)  }
0xda: {  	[tilespmem:v51+s22+$0x0] =	vst.idx.msk $0xffff, v4;
	s6 =	sand.u32 @!p0 $0xFFFFF80, s6  }
0xdb: {  	s13 =	simm.s32 @!p0 $0x1280;
	[tilespmem:v5+s22+$0x0] =	vst.idx.msk $0xffff, v6;
	s6 =	sadd.s32 @!p0 s2, s6  }
0xdc: {  	[tilespmem:s13], [sflag:$0x2] =	stream.strided.gather @!p0 [hbm4b:s6+s8], $0x1000, s1, s8, $0x38;
	[tilespmem:$0x9280] =	vst v63  }
0xdd: {  	_ =	swait.ge [sflag:s25], $0x1000  }
0xde: {  	(v2sf) =	vpush @!p0 v3, $0x2;
	_ =	sdelay $0x4  }
0xdf: {  	s13 =	sand.u32 $0x7F, s7  }
0xe0: {  	s16 =	sadd.s32 $0xFFFFFFFB, s3;
	v4 =	vor.u32 s13, v0  }
0xe1: {  	v5 =	vmov s16;
	v52 =	vor.u32 s13, v2  }
0xe2: {  	v5 =	vand.u32 $0x7A, v5  }
0xe3: {  	v5 =	vbroadcast v5, $0x0;
	[sflag:s25] =	ssyncset.done $0x0  }
0xe4: {  	[sflag:s25] =	ssyncadd.s32 $0xFFFFF000  }
0xe5: {  	v53 =	vor.u32 v0, v5;
	v4 =	vld.idx.msk [tilespmem:v4+s17+$0x0], $0xffff  }
0xe6: {  	v5 =	vor.u32 v2, v5;
	v6 =	vld.idx.msk [tilespmem:v52+s17+$0x0], $0xffff;
	_ =	sdelay $0x2  }
0xe7: {  	s6 =	spop @!p0 (v2sf)  }
0xe8: {  	[tilespmem:v53+s22+$0x0] =	vst.idx.msk $0xffff, v4;
	s6 =	sand.u32 @!p0 $0xFFFFF80, s6  }
0xe9: {  	s7 =	simm.s32 @!p0 $0x2280;
	[tilespmem:v5+s22+$0x0] =	vst.idx.msk $0xffff, v6;
	s6 =	sadd.s32 @!p0 s2, s6  }
0xea: {  	[tilespmem:s7], [sflag:$0x3] =	stream.strided.gather @!p0 [hbm4b:s6+s8], $0x1000, s1, s8, $0x38;
	[tilespmem:$0x9280] =	vst v63  }
0xeb: {  	_ =	swait.ge [sflag:s26], $0x1000  }
0xec: {  	(v2sf) =	vpush @!p0 v3, $0x3;
	_ =	sdelay $0x4  }
0xed: {  	s17 =	sand.u32 $0x7F, s9  }
0xee: {  	s24 =	sadd.s32 $0xFFFFFFFC, s3;
	v4 =	vor.u32 s17, v0  }
0xef: {  	v54 =	vor.u32 s17, v2;
	v5 =	vmov s24  }
0xf0: {  	v5 =	vand.u32 $0x7B, v5  }
0xf1: {  	v5 =	vbroadcast v5, $0x0;
	[sflag:s26] =	ssyncset.done $0x0  }
0xf2: {  	[sflag:s26] =	ssyncadd.s32 $0xFFFFF000  }
0xf3: {  	v55 =	vor.u32 v0, v5;
	v4 =	vld.idx.msk [tilespmem:v4+s18+$0x0], $0xffff  }
0xf4: {  	v5 =	vor.u32 v2, v5;
	v6 =	vld.idx.msk [tilespmem:v54+s18+$0x0], $0xffff;
	_ =	sdelay $0x2  }
0xf5: {  	s6 =	spop @!p0 (v2sf)  }
0xf6: {  	[tilespmem:v55+s22+$0x0] =	vst.idx.msk $0xffff, v4;
	s6 =	sand.u32 @!p0 $0xFFFFF80, s6  }
0xf7: {  	s7 =	simm.s32 @!p0 $0x3280;
	[tilespmem:v5+s22+$0x0] =	vst.idx.msk $0xffff, v6;
	s6 =	sadd.s32 @!p0 s2, s6  }
0xf8: {  	[tilespmem:s7], [sflag:$0x4] =	stream.strided.gather @!p0 [hbm4b:s6+s8], $0x1000, s1, s8, $0x38;
	[tilespmem:$0x9280] =	vst v63  }
0xf9: {  	_ =	swait.ge [sflag:s28], $0x1000  }
0xfa: {  	(v2sf) =	vpush @!p0 v3, $0x4;
	_ =	sdelay $0x4  }
0xfb: {  	s5 =	sand.u32 $0x7F, s5  }
0xfc: {  	s25 =	sadd.s32 $0xFFFFFFFD, s3;
	v4 =	vor.u32 s5, v0  }
0xfd: {  	v56 =	vor.u32 s5, v2;
	v5 =	vmov s25  }
0xfe: {  	v5 =	vand.u32 $0x7C, v5  }
0xff: {  	v5 =	vbroadcast v5, $0x0;
	[sflag:s28] =	ssyncset.done $0x0  }
0x100: {  	[sflag:s28] =	ssyncadd.s32 $0xFFFFF000  }
0x101: {  	v57 =	vor.u32 v0, v5;
	v4 =	vld.idx.msk [tilespmem:v4+s19+$0x0], $0xffff  }
0x102: {  	v5 =	vor.u32 v2, v5;
	v6 =	vld.idx.msk [tilespmem:v56+s19+$0x0], $0xffff;
	_ =	sdelay $0x2  }
0x103: {  	s5 =	spop @!p0 (v2sf)  }
0x104: {  	[tilespmem:v57+s22+$0x0] =	vst.idx.msk $0xffff, v4;
	s5 =	sand.u32 @!p0 $0xFFFFF80, s5  }
0x105: {  	s6 =	simm.s32 @!p0 $0x4280;
	[tilespmem:v5+s22+$0x0] =	vst.idx.msk $0xffff, v6;
	s5 =	sadd.s32 @!p0 s2, s5  }
0x106: {  	[tilespmem:s6], [sflag:$0x5] =	stream.strided.gather @!p0 [hbm4b:s5+s8], $0x1000, s1, s8, $0x38;
	[tilespmem:$0x9280] =	vst v63  }
0x107: {  	_ =	swait.ge [sflag:s29], $0x1000  }
0x108: {  	(v2sf) =	vpush @!p0 v3, $0x5;
	_ =	sdelay $0x4  }
0x109: {  	s26 =	sand.u32 $0x7F, s10  }
0x10a: {  	s28 =	sadd.s32 $0xFFFFFFFE, s3;
	v4 =	vor.u32 s26, v0  }
0x10b: {  	v58 =	vor.u32 s26, v2;
	v5 =	vmov s28  }
0x10c: {  	v5 =	vand.u32 $0x7D, v5  }
0x10d: {  	v5 =	vbroadcast v5, $0x0;
	[sflag:s29] =	ssyncset.done $0x0  }
0x10e: {  	[sflag:s29] =	ssyncadd.s32 $0xFFFFF000  }
0x10f: {  	v59 =	vor.u32 v0, v5;
	v4 =	vld.idx.msk [tilespmem:v4+s20+$0x0], $0xffff  }
0x110: {  	v5 =	vor.u32 v2, v5;
	v6 =	vld.idx.msk [tilespmem:v58+s20+$0x0], $0xffff;
	_ =	sdelay $0x2  }
0x111: {  	s5 =	spop @!p0 (v2sf)  }
0x112: {  	[tilespmem:v59+s22+$0x0] =	vst.idx.msk $0xffff, v4;
	s5 =	sand.u32 @!p0 $0xFFFFF80, s5  }
0x113: {  	s6 =	simm.s32 @!p0 $0x5280;
	[tilespmem:v5+s22+$0x0] =	vst.idx.msk $0xffff, v6;
	s5 =	sadd.s32 @!p0 s2, s5  }
0x114: {  	[tilespmem:s6], [sflag:$0x6] =	stream.strided.gather @!p0 [hbm4b:s5+s8], $0x1000, s1, s8, $0x38;
	[tilespmem:$0x9280] =	vst v63  }
0x115: {  	_ =	swait.ge [sflag:s30], $0x1000  }
0x116: {  	(v2sf) =	vpush @!p0 v3, $0x6;
	_ =	sdelay $0x4  }
0x117: {  	s29 =	sand.u32 $0x7F, s31  }
0x118: {  	s31 =	sadd.s32 $0xFFFFFFFF, s3;
	v4 =	vor.u32 s29, v0  }
0x119: {  	v60 =	vor.u32 s29, v2;
	v5 =	vmov s31  }
0x11a: {  	v5 =	vand.u32 $0x7E, v5  }
0x11b: {  	v5 =	vbroadcast v5, $0x0;
	[sflag:s30] =	ssyncset.done $0x0  }
0x11c: {  	[sflag:s30] =	ssyncadd.s32 $0xFFFFF000  }
0x11d: {  	v61 =	vor.u32 v0, v5;
	v4 =	vld.idx.msk [tilespmem:v4+s21+$0x0], $0xffff  }
0x11e: {  	v5 =	vor.u32 v2, v5;
	v6 =	vld.idx.msk [tilespmem:v60+s21+$0x0], $0xffff;
	_ =	sdelay $0x2  }
0x11f: {  	s5 =	spop @!p0 (v2sf)  }
0x120: {  	s0 =	sand.u32 $0x7F, s0;
	[tilespmem:v61+s22+$0x0] =	vst.idx.msk $0xffff, v4;
	s5 =	sand.u32 @!p0 $0xFFFFF80, s5  }
0x121: {  	s6 =	simm.s32 @!p0 $0x6280;
	v4 =	vor.u32 s0, v0;
	[tilespmem:v5+s22+$0x0] =	vst.idx.msk $0xffff, v6;
	s5 =	sadd.s32 @!p0 s2, s5  }
0x122: {  	v62 =	vmov s3;
	v5 =	vor.u32 s0, v2;
	[tilespmem:s6], [sflag:$0x7] =	stream.strided.gather @!p0 [hbm4b:s5+s8], $0x1000, s1, s8, $0x38;
	[tilespmem:$0x9280] =	vst v63  }
0x123: {  	v6 =	vand.u32 $0x7F, v62;
	_ =	swait.ge [sflag:s15], $0x1000  }
0x124: {  	v6 =	vbroadcast v6, $0x0;
	[sflag:s15] =	ssyncset.done $0x0  }
0x125: {  	[sflag:s15] =	ssyncadd.s32 $0xFFFFF000  }
0x126: {  	v63 =	vor.u32 v0, v6;
	v4 =	vld.idx.msk [tilespmem:v4+s23+$0x0], $0xffff  }
0x127: {  	v6 =	vor.u32 v2, v6;
	v5 =	vld.idx.msk [tilespmem:v5+s23+$0x0], $0xffff  }
.Ltmp2:
0x128: {  	_ = 	snop;
	(pc) =	sbr.rel @p0 .LBB2_4-.Ltmp2, $4  }
0x129: {  	_ = 	snop  }
0x12a: {  	s14 =	simm.s32 $0x1280  }
0x12b: {  	s16 =	simm.s32 $0x6280;
	s13 =	simm.s32 $0x2280;
	s9 =	simm.s32 $0x3280;
	[tilespmem:v63+s22+$0x0] =	vst.idx.msk $0xffff, v4  }
0x12c: {  	s10 =	simm.s32 $0x5280;
	s7 =	simm.s32 $0x4280;
	s5 =	simm.s32 $0x7280;
	[tilespmem:v6+s22+$0x0] =	vst.idx.msk $0xffff, v5  }
0x12d: {  	(v2sf) =	vpush v3, $0x7;
	_ =	sdelay $0xd  }
.Ltmp3:
0x12e: {  	_ = 	snop;
	(pc) =	sbr.rel .LBB2_2-.Ltmp3, $4  }
0x12f: {  	s0 =	spop (v2sf)  }
0x130: {  	s3 =	sadd.s32 $0x10, s3;
	s0 =	sand.u32 $0xFFFFF80, s0  }
0x131: {  	s4 =	sadd.s32 $0x10, s4;
	s23 =	simm.s32 $0x7280;
	s0 =	sadd.s32 s2, s0  }
0x132: {  	[tilespmem:s5], [sflag:$0x8] =	stream.strided.gather [hbm4b:s0+s11], $0x1000, s12, s11, $0x38;
	[tilespmem:$0x9280] =	vst v63  }
.LBB2_4:
0x133: {  	s0 =	rddreg [dreg:$0x5];
	s1 =	simm.s32 $0x20000;
	s15 =	simm.s32 $0xA  }
0x134: {  	[hbm4b:s0+s11] =	stream.strided.scatter [tilespmem:s22], [sflag:$0xA], $0x1000, s1, s11, $0x38;
	[tilespmem:$0x9280] =	vst v63  }
0x135: {  	_ =	swait.ge [sflag:s15], $0x1000  }
0x136: {  	[sflag:s15] =	ssyncset.done $0x0  }
0x137: {  	[sflag:s15] =	ssyncadd.s32 $0xFFFFF000  }
0x138: {  	v3 =	vld [tilespmem:$0x80];
	_ =	sdelay $0x4  }
0x139: {  	(v2sf) =	vpush v3, $0x0  }
0x13a: {  	(v2sf) =	vpush v3, $0x1;
	_ =	sdelay $0x1  }
0x13b: {  	(v2sf) =	vpush v3, $0x2;
	_ =	sdelay $0x4  }
0x13c: {  	(v2sf) =	vpush v3, $0x3  }
0x13d: {  	(v2sf) =	vpush v3, $0x4;
	_ =	sdelay $0x5  }
0x13e: {  	s17 =	spop (v2sf);
	(v2sf) =	vpush v3, $0x5  }
0x13f: {  	s19 =	spop (v2sf);
	(v2sf) =	vpush v3, $0x6  }
0x140: {  	s0 =	sand.u32 $0xFFFFF80, s17  }
0x141: {  	s18 =	simm.s32 $0x280;
	s0 =	sadd.s32 s2, s0;
	s20 =	spop (v2sf)  }
0x142: {  	(v2sf) =	vpush v3, $0x7;
	[tilespmem:s18], [sflag:$0x1] =	stream.strided.gather [hbm4b:s0+s11], $0x1000, s12, s11, $0x38;
	[tilespmem:$0x9280] =	vst v63  }
0x143: {  	s0 =	sand.u32 $0xFFFFF80, s19  }
0x144: {  	s0 =	sadd.s32 s2, s0  }
0x145: {  	[tilespmem:s14], [sflag:$0x2] =	stream.strided.gather [hbm4b:s0+s11], $0x1000, s12, s11, $0x38;
	[tilespmem:$0x9280] =	vst v63  }
0x146: {  	s21 =	spop (v2sf);
	s0 =	sand.u32 $0xFFFFF80, s20  }
0x147: {  	s23 =	sand.u32 $0xFFFFF80, s21;
	s24 =	spop (v2sf);
	s0 =	sadd.s32 s2, s0  }
0x148: {  	[tilespmem:s13], [sflag:$0x3] =	stream.strided.gather [hbm4b:s0+s11], $0x1000, s12, s11, $0x38;
	[tilespmem:$0x9280] =	vst v63  }
0x149: {  	s25 =	sand.u32 $0xFFFFF80, s24;
	s0 =	sadd.s32 s2, s23  }
0x14a: {  	[tilespmem:s9], [sflag:$0x4] =	stream.strided.gather [hbm4b:s0+s11], $0x1000, s12, s11, $0x38;
	[tilespmem:$0x9280] =	vst v63  }
0x14b: {  	s0 =	sadd.s32 s2, s25  }
0x14c: {  	[tilespmem:s7], [sflag:$0x5] =	stream.strided.gather [hbm4b:s0+s11], $0x1000, s12, s11, $0x38;
	[tilespmem:$0x9280] =	vst v63  }
0x14d: {  	s26 =	spop (v2sf)  }
0x14e: {  	s28 =	sand.u32 $0xFFFFF80, s26;
	s29 =	spop (v2sf)  }
0x14f: {  	s0 =	sadd.s32 s2, s28;
	s30 =	sand.u32 $0xFFFFF80, s29  }
0x150: {  	[tilespmem:s10], [sflag:$0x6] =	stream.strided.gather [hbm4b:s0+s11], $0x1000, s12, s11, $0x38;
	[tilespmem:$0x9280] =	vst v63  }
0x151: {  	s31 =	spop (v2sf);
	s0 =	sadd.s32 s2, s30  }
0x152: {  	[tilespmem:s16], [sflag:$0x7] =	stream.strided.gather [hbm4b:s0+s11], $0x1000, s12, s11, $0x38;
	[tilespmem:$0x9280] =	vst v63  }
0x153: {  	s3 =	simm.s32 $0xF;
	s0 =	sand.u32 $0xFFFFF80, s31  }
0x154: {  	s4 =	simm.s32 $0x90;
	s23 =	simm.s32 $0x7280;
	s0 =	sadd.s32 s2, s0  }
0x155: {  	[tilespmem:s5], [sflag:$0x8] =	stream.strided.gather [hbm4b:s0+s11], $0x1000, s12, s11, $0x38;
	[tilespmem:$0x9280] =	vst v63  }
.LBB2_5:
0x156: {  	v4 =	vld [tilespmem:s4+$0xFFFFFFF0];
	_ =	sdelay $0x2  }
0x157: {  	s14 =	simm.s32 $0x1  }
0x158: {  	v3 =	vld [tilespmem:s4+$0x0];
	_ =	swait.ge [sflag:s14], $0x1000  }
0x159: {  	(v2sf) =	vpush v4, $0x0;
	_ =	sdelay $0xa  }
0x15a: {  	(v2sf) =	vpush v4, $0x8;
	_ =	sdelay $0x3  }
0x15b: {  	s0 =	spop (v2sf)  }
0x15c: {  	s0 =	sand.u32 $0x7F, s0  }
0x15d: {  	s1 =	sadd.s32 $0xFFFFFFF1, s3;
	v5 =	vor.u32 s0, v0  }
0x15e: {  	v6 =	vmov s1;
	v7 =	vor.u32 s0, v2  }
0x15f: {  	v6 =	vand.u32 $0x70, v6  }
0x160: {  	[sflag:s14] =	ssyncset.done $0x0;
	v6 =	vbroadcast v6, $0x0  }
0x161: {  	s13 =	simm.s32 $0x280;
	[sflag:s14] =	ssyncadd.s32 $0xFFFFF000  }
0x162: {  	v8 =	vor.u32 v0, v6;
	v5 =	vld.idx.msk [tilespmem:v5+s13+$0x0], $0xffff  }
0x163: {  	v6 =	vor.u32 v2, v6;
	v7 =	vld.idx.msk [tilespmem:v7+s13+$0x0], $0xffff;
	_ =	sdelay $0x2  }
0x164: {  	s8 =	spop (v2sf)  }
0x165: {  	s7 =	sand.u32 $0xFFFFF80, s8;
	[tilespmem:v8+s22+$0x0] =	vst.idx.msk $0xffff, v5  }
0x166: {  	s24 =	simm.s32 $0x2;
	s0 =	sadd.s32 s2, s7;
	[tilespmem:v6+s22+$0x0] =	vst.idx.msk $0xffff, v7  }
0x167: {  	[tilespmem:s13], [sflag:$0x1] =	stream.strided.gather [hbm4b:s0+s11], $0x1000, s12, s11, $0x38;
	[tilespmem:$0x9280] =	vst v63  }
0x168: {  	_ =	swait.ge [sflag:s24], $0x1000  }
0x169: {  	(v2sf) =	vpush v4, $0x1;
	_ =	sdelay $0xa  }
0x16a: {  	(v2sf) =	vpush v4, $0x9;
	_ =	sdelay $0x3  }
0x16b: {  	s9 =	spop (v2sf)  }
0x16c: {  	s0 =	sand.u32 $0x7F, s9  }
0x16d: {  	s10 =	sadd.s32 $0xFFFFFFF2, s3;
	v5 =	vor.u32 s0, v0  }
0x16e: {  	v28 =	vmov s10;
	v29 =	vor.u32 s0, v2  }
0x16f: {  	v6 =	vand.u32 $0x71, v28  }
0x170: {  	v6 =	vbroadcast v6, $0x0;
	[sflag:s24] =	ssyncset.done $0x0  }
0x171: {  	s16 =	simm.s32 $0x1280;
	[sflag:s24] =	ssyncadd.s32 $0xFFFFF000  }
0x172: {  	v30 =	vor.u32 v0, v6;
	v5 =	vld.idx.msk [tilespmem:v5+s16+$0x0], $0xffff  }
0x173: {  	v6 =	vor.u32 v2, v6;
	v7 =	vld.idx.msk [tilespmem:v29+s16+$0x0], $0xffff;
	_ =	sdelay $0x2  }
0x174: {  	s6 =	spop (v2sf)  }
0x175: {  	s15 =	sand.u32 $0xFFFFF80, s6;
	[tilespmem:v30+s22+$0x0] =	vst.idx.msk $0xffff, v5  }
0x176: {  	s25 =	simm.s32 $0x3;
	s0 =	sadd.s32 s2, s15;
	[tilespmem:v6+s22+$0x0] =	vst.idx.msk $0xffff, v7  }
0x177: {  	[tilespmem:s16], [sflag:$0x2] =	stream.strided.gather [hbm4b:s0+s11], $0x1000, s12, s11, $0x38;
	[tilespmem:$0x9280] =	vst v63  }
0x178: {  	_ =	swait.ge [sflag:s25], $0x1000  }
0x179: {  	(v2sf) =	vpush v4, $0x2;
	_ =	sdelay $0xa  }
0x17a: {  	(v2sf) =	vpush v4, $0xA;
	_ =	sdelay $0x3  }
0x17b: {  	s17 =	spop (v2sf)  }
0x17c: {  	s0 =	sand.u32 $0x7F, s17  }
0x17d: {  	s18 =	sadd.s32 $0xFFFFFFF3, s3;
	v5 =	vor.u32 s0, v0  }
0x17e: {  	v31 =	vmov s18;
	v32 =	vor.u32 s0, v2  }
0x17f: {  	v6 =	vand.u32 $0x72, v31  }
0x180: {  	v6 =	vbroadcast v6, $0x0;
	[sflag:s25] =	ssyncset.done $0x0  }
0x181: {  	[sflag:s25] =	ssyncadd.s32 $0xFFFFF000;
	s17 =	simm.s32 $0x2280  }
0x182: {  	v33 =	vor.u32 v0, v6;
	v5 =	vld.idx.msk [tilespmem:v5+s17+$0x0], $0xffff  }
0x183: {  	v6 =	vor.u32 v2, v6;
	v7 =	vld.idx.msk [tilespmem:v32+s17+$0x0], $0xffff;
	_ =	sdelay $0x2  }
0x184: {  	s7 =	spop (v2sf)  }
0x185: {  	s19 =	sand.u32 $0xFFFFF80, s7;
	[tilespmem:v33+s22+$0x0] =	vst.idx.msk $0xffff, v5  }
0x186: {  	s26 =	simm.s32 $0x4;
	s0 =	sadd.s32 s2, s19;
	[tilespmem:v6+s22+$0x0] =	vst.idx.msk $0xffff, v7  }
0x187: {  	[tilespmem:s17], [sflag:$0x3] =	stream.strided.gather [hbm4b:s0+s11], $0x1000, s12, s11, $0x38;
	[tilespmem:$0x9280] =	vst v63  }
0x188: {  	_ =	swait.ge [sflag:s26], $0x1000  }
0x189: {  	(v2sf) =	vpush v4, $0x3;
	_ =	sdelay $0xa  }
0x18a: {  	(v2sf) =	vpush v4, $0xB;
	_ =	sdelay $0x3  }
0x18b: {  	s20 =	spop (v2sf)  }
0x18c: {  	s0 =	sand.u32 $0x7F, s20  }
0x18d: {  	s21 =	sadd.s32 $0xFFFFFFF4, s3;
	v5 =	vor.u32 s0, v0  }
0x18e: {  	v34 =	vmov s21;
	v35 =	vor.u32 s0, v2  }
0x18f: {  	v6 =	vand.u32 $0x73, v34  }
0x190: {  	v6 =	vbroadcast v6, $0x0;
	[sflag:s26] =	ssyncset.done $0x0  }
0x191: {  	s18 =	simm.s32 $0x3280;
	[sflag:s26] =	ssyncadd.s32 $0xFFFFF000  }
0x192: {  	v36 =	vor.u32 v0, v6;
	v5 =	vld.idx.msk [tilespmem:v5+s18+$0x0], $0xffff  }
0x193: {  	v6 =	vor.u32 v2, v6;
	v7 =	vld.idx.msk [tilespmem:v35+s18+$0x0], $0xffff;
	_ =	sdelay $0x2  }
0x194: {  	s9 =	spop (v2sf)  }
0x195: {  	s28 =	sand.u32 $0xFFFFF80, s9;
	[tilespmem:v36+s22+$0x0] =	vst.idx.msk $0xffff, v5  }
0x196: {  	s0 =	sadd.s32 s2, s28;
	s28 =	simm.s32 $0x5;
	[tilespmem:v6+s22+$0x0] =	vst.idx.msk $0xffff, v7  }
0x197: {  	[tilespmem:s18], [sflag:$0x4] =	stream.strided.gather [hbm4b:s0+s11], $0x1000, s12, s11, $0x38;
	[tilespmem:$0x9280] =	vst v63  }
0x198: {  	_ =	swait.ge [sflag:s28], $0x1000  }
0x199: {  	(v2sf) =	vpush v4, $0x4;
	_ =	sdelay $0xa  }
0x19a: {  	(v2sf) =	vpush v4, $0xC;
	_ =	sdelay $0x3  }
0x19b: {  	s29 =	spop (v2sf)  }
0x19c: {  	s0 =	sand.u32 $0x7F, s29  }
0x19d: {  	s30 =	sadd.s32 $0xFFFFFFF5, s3;
	v5 =	vor.u32 s0, v0  }
0x19e: {  	v37 =	vmov s30;
	v38 =	vor.u32 s0, v2  }
0x19f: {  	v6 =	vand.u32 $0x74, v37  }
0x1a0: {  	v6 =	vbroadcast v6, $0x0;
	[sflag:s28] =	ssyncset.done $0x0  }
0x1a1: {  	s19 =	simm.s32 $0x4280;
	[sflag:s28] =	ssyncadd.s32 $0xFFFFF000  }
0x1a2: {  	v39 =	vor.u32 v0, v6;
	v5 =	vld.idx.msk [tilespmem:v5+s19+$0x0], $0xffff  }
0x1a3: {  	v6 =	vor.u32 v2, v6;
	v7 =	vld.idx.msk [tilespmem:v38+s19+$0x0], $0xffff;
	_ =	sdelay $0x2  }
0x1a4: {  	s5 =	spop (v2sf)  }
0x1a5: {  	s31 =	sand.u32 $0xFFFFF80, s5;
	[tilespmem:v39+s22+$0x0] =	vst.idx.msk $0xffff, v5  }
0x1a6: {  	s29 =	simm.s32 $0x6;
	s0 =	sadd.s32 s2, s31;
	[tilespmem:v6+s22+$0x0] =	vst.idx.msk $0xffff, v7  }
0x1a7: {  	[tilespmem:s19], [sflag:$0x5] =	stream.strided.gather [hbm4b:s0+s11], $0x1000, s12, s11, $0x38;
	[tilespmem:$0x9280] =	vst v63  }
0x1a8: {  	_ =	swait.ge [sflag:s29], $0x1000  }
0x1a9: {  	(v2sf) =	vpush v4, $0x5;
	_ =	sdelay $0xa  }
0x1aa: {  	(v2sf) =	vpush v4, $0xD;
	_ =	sdelay $0x3  }
0x1ab: {  	s1 =	spop (v2sf)  }
0x1ac: {  	s0 =	sand.u32 $0x7F, s1  }
0x1ad: {  	s10 =	sadd.s32 $0xFFFFFFF6, s3;
	v5 =	vor.u32 s0, v0  }
0x1ae: {  	v40 =	vmov s10;
	v41 =	vor.u32 s0, v2  }
0x1af: {  	v6 =	vand.u32 $0x75, v40  }
0x1b0: {  	v6 =	vbroadcast v6, $0x0;
	[sflag:s29] =	ssyncset.done $0x0  }
0x1b1: {  	s20 =	simm.s32 $0x5280;
	[sflag:s29] =	ssyncadd.s32 $0xFFFFF000  }
0x1b2: {  	v42 =	vor.u32 v0, v6;
	v5 =	vld.idx.msk [tilespmem:v5+s20+$0x0], $0xffff  }
0x1b3: {  	v6 =	vor.u32 v2, v6;
	v7 =	vld.idx.msk [tilespmem:v41+s20+$0x0], $0xffff;
	_ =	sdelay $0x2  }
0x1b4: {  	s10 =	spop (v2sf)  }
0x1b5: {  	s15 =	sand.u32 $0xFFFFF80, s10;
	[tilespmem:v42+s22+$0x0] =	vst.idx.msk $0xffff, v5  }
0x1b6: {  	s30 =	simm.s32 $0x7;
	s0 =	sadd.s32 s2, s15;
	[tilespmem:v6+s22+$0x0] =	vst.idx.msk $0xffff, v7  }
0x1b7: {  	[tilespmem:s20], [sflag:$0x6] =	stream.strided.gather [hbm4b:s0+s11], $0x1000, s12, s11, $0x38;
	[tilespmem:$0x9280] =	vst v63  }
0x1b8: {  	_ =	swait.ge [sflag:s30], $0x1000  }
0x1b9: {  	(v2sf) =	vpush v4, $0x6;
	_ =	sdelay $0xa  }
0x1ba: {  	(v2sf) =	vpush v4, $0xE;
	_ =	sdelay $0x3  }
0x1bb: {  	s21 =	spop (v2sf)  }
0x1bc: {  	s0 =	sand.u32 $0x7F, s21  }
0x1bd: {  	s31 =	sadd.s32 $0xFFFFFFF7, s3;
	v5 =	vor.u32 s0, v0  }
0x1be: {  	v43 =	vmov s31;
	v44 =	vor.u32 s0, v2  }
0x1bf: {  	v6 =	vand.u32 $0x76, v43  }
0x1c0: {  	v6 =	vbroadcast v6, $0x0;
	[sflag:s30] =	ssyncset.done $0x0  }
0x1c1: {  	[sflag:s30] =	ssyncadd.s32 $0xFFFFF000;
	s21 =	simm.s32 $0x6280  }
0x1c2: {  	v45 =	vor.u32 v0, v6;
	v5 =	vld.idx.msk [tilespmem:v5+s21+$0x0], $0xffff  }
0x1c3: {  	v6 =	vor.u32 v2, v6;
	v7 =	vld.idx.msk [tilespmem:v44+s21+$0x0], $0xffff;
	_ =	sdelay $0x2  }
0x1c4: {  	s31 =	spop (v2sf)  }
0x1c5: {  	s15 =	sand.u32 $0xFFFFF80, s31;
	[tilespmem:v45+s22+$0x0] =	vst.idx.msk $0xffff, v5  }
0x1c6: {  	s0 =	sadd.s32 s2, s15;
	s15 =	simm.s32 $0x8;
	[tilespmem:v6+s22+$0x0] =	vst.idx.msk $0xffff, v7  }
0x1c7: {  	[tilespmem:s21], [sflag:$0x7] =	stream.strided.gather [hbm4b:s0+s11], $0x1000, s12, s11, $0x38;
	[tilespmem:$0x9280] =	vst v63  }
0x1c8: {  	_ =	swait.ge [sflag:s15], $0x1000  }
0x1c9: {  	(v2sf) =	vpush v4, $0x7;
	_ =	sdelay $0xa  }
0x1ca: {  	(v2sf) =	vpush v4, $0xF;
	_ =	sdelay $0x3  }
0x1cb: {  	s1 =	spop (v2sf)  }
0x1cc: {  	s0 =	sand.u32 $0x7F, s1  }
0x1cd: {  	s1 =	sadd.s32 $0xFFFFFFF8, s3;
	v4 =	vor.u32 s0, v0  }
0x1ce: {  	v5 =	vmov s1;
	v46 =	vor.u32 s0, v2  }
0x1cf: {  	v5 =	vand.u32 $0x77, v5  }
0x1d0: {  	[sflag:s15] =	ssyncset.done $0x0;
	v5 =	vbroadcast v5, $0x0  }
0x1d1: {  	[sflag:s15] =	ssyncadd.s32 $0xFFFFF000  }
0x1d2: {  	v47 =	vor.u32 v0, v5;
	v4 =	vld.idx.msk [tilespmem:v4+s23+$0x0], $0xffff  }
0x1d3: {  	v5 =	vor.u32 v2, v5;
	v6 =	vld.idx.msk [tilespmem:v46+s23+$0x0], $0xffff;
	_ =	sdelay $0x2  }
0x1d4: {  	s0 =	spop (v2sf)  }
0x1d5: {  	s1 =	sand.u32 $0xFFFFF80, s0;
	[tilespmem:v47+s22+$0x0] =	vst.idx.msk $0xffff, v4  }
0x1d6: {  	s1 =	sadd.s32 s2, s1;
	[tilespmem:v5+s22+$0x0] =	vst.idx.msk $0xffff, v6  }
0x1d7: {  	[tilespmem:s23], [sflag:$0x8] =	stream.strided.gather [hbm4b:s1+s11], $0x1000, s12, s11, $0x38;
	[tilespmem:$0x9280] =	vst v63  }
0x1d8: {  	p0 =	seq.s32 s3, $0x7F;
	_ =	swait.ge [sflag:s14], $0x1000  }
0x1d9: {  	(v2sf) =	vpush @!p0 v3, $0x0;
	_ =	sdelay $0x4  }
0x1da: {  	s1 =	sand.u32 $0x7F, s8  }
0x1db: {  	s8 =	sadd.s32 $0xFFFFFFF9, s3;
	v4 =	vor.u32 s1, v0  }
0x1dc: {  	v5 =	vmov s8;
	v48 =	vor.u32 s1, v2  }
0x1dd: {  	v5 =	vand.u32 $0x78, v5  }
0x1de: {  	[sflag:s14] =	ssyncset.done $0x0;
	v5 =	vbroadcast v5, $0x0  }
0x1df: {  	[sflag:s14] =	ssyncadd.s32 $0xFFFFF000  }
0x1e0: {  	v49 =	vor.u32 v0, v5;
	v4 =	vld.idx.msk [tilespmem:v4+s13+$0x0], $0xffff  }
0x1e1: {  	v5 =	vor.u32 v2, v5;
	v6 =	vld.idx.msk [tilespmem:v48+s13+$0x0], $0xffff;
	_ =	sdelay $0x2  }
0x1e2: {  	s1 =	spop @!p0 (v2sf)  }
0x1e3: {  	s8 =	simm.s32 @!p0 $0x400;
	[tilespmem:v49+s22+$0x0] =	vst.idx.msk $0xffff, v4;
	s1 =	sand.u32 @!p0 $0xFFFFF80, s1  }
0x1e4: {  	s14 =	simm.s32 @!p0 $0x280;
	[tilespmem:v5+s22+$0x0] =	vst.idx.msk $0xffff, v6;
	s13 =	sadd.s32 @!p0 s2, s1;
	s1 =	simm.s32 @!p0 $0x7A1400  }
0x1e5: {  	[tilespmem:s14], [sflag:$0x1] =	stream.strided.gather @!p0 [hbm4b:s13+s8], $0x1000, s1, s8, $0x38;
	[tilespmem:$0x9280] =	vst v63  }
0x1e6: {  	_ =	swait.ge [sflag:s24], $0x1000  }
0x1e7: {  	(v2sf) =	vpush @!p0 v3, $0x1;
	_ =	sdelay $0x4  }
0x1e8: {  	s6 =	sand.u32 $0x7F, s6  }
0x1e9: {  	v4 =	vor.u32 s6, v0;
	s14 =	sadd.s32 $0xFFFFFFFA, s3  }
0x1ea: {  	v50 =	vor.u32 s6, v2;
	v5 =	vmov s14  }
0x1eb: {  	v5 =	vand.u32 $0x79, v5  }
0x1ec: {  	[sflag:s24] =	ssyncset.done $0x0;
	v5 =	vbroadcast v5, $0x0  }
0x1ed: {  	[sflag:s24] =	ssyncadd.s32 $0xFFFFF000  }
0x1ee: {  	v4 =	vld.idx.msk [tilespmem:v4+s16+$0x0], $0xffff;
	v51 =	vor.u32 v0, v5  }
0x1ef: {  	v6 =	vld.idx.msk [tilespmem:v50+s16+$0x0], $0xffff;
	v5 =	vor.u32 v2, v5;
	_ =	sdelay $0x2  }
0x1f0: {  	s6 =	spop @!p0 (v2sf)  }
0x1f1: {  	[tilespmem:v51+s22+$0x0] =	vst.idx.msk $0xffff, v4;
	s6 =	sand.u32 @!p0 $0xFFFFF80, s6  }
0x1f2: {  	s13 =	simm.s32 @!p0 $0x1280;
	[tilespmem:v5+s22+$0x0] =	vst.idx.msk $0xffff, v6;
	s6 =	sadd.s32 @!p0 s2, s6  }
0x1f3: {  	[tilespmem:s13], [sflag:$0x2] =	stream.strided.gather @!p0 [hbm4b:s6+s8], $0x1000, s1, s8, $0x38;
	[tilespmem:$0x9280] =	vst v63  }
0x1f4: {  	_ =	swait.ge [sflag:s25], $0x1000  }
0x1f5: {  	(v2sf) =	vpush @!p0 v3, $0x2;
	_ =	sdelay $0x4  }
0x1f6: {  	s13 =	sand.u32 $0x7F, s7  }
0x1f7: {  	s16 =	sadd.s32 $0xFFFFFFFB, s3;
	v4 =	vor.u32 s13, v0  }
0x1f8: {  	v5 =	vmov s16;
	v52 =	vor.u32 s13, v2  }
0x1f9: {  	v5 =	vand.u32 $0x7A, v5  }
0x1fa: {  	v5 =	vbroadcast v5, $0x0;
	[sflag:s25] =	ssyncset.done $0x0  }
0x1fb: {  	[sflag:s25] =	ssyncadd.s32 $0xFFFFF000  }
0x1fc: {  	v53 =	vor.u32 v0, v5;
	v4 =	vld.idx.msk [tilespmem:v4+s17+$0x0], $0xffff  }
0x1fd: {  	v5 =	vor.u32 v2, v5;
	v6 =	vld.idx.msk [tilespmem:v52+s17+$0x0], $0xffff;
	_ =	sdelay $0x2  }
0x1fe: {  	s6 =	spop @!p0 (v2sf)  }
0x1ff: {  	[tilespmem:v53+s22+$0x0] =	vst.idx.msk $0xffff, v4;
	s6 =	sand.u32 @!p0 $0xFFFFF80, s6  }
0x200: {  	s7 =	simm.s32 @!p0 $0x2280;
	[tilespmem:v5+s22+$0x0] =	vst.idx.msk $0xffff, v6;
	s6 =	sadd.s32 @!p0 s2, s6  }
0x201: {  	[tilespmem:s7], [sflag:$0x3] =	stream.strided.gather @!p0 [hbm4b:s6+s8], $0x1000, s1, s8, $0x38;
	[tilespmem:$0x9280] =	vst v63  }
0x202: {  	_ =	swait.ge [sflag:s26], $0x1000  }
0x203: {  	(v2sf) =	vpush @!p0 v3, $0x3;
	_ =	sdelay $0x4  }
0x204: {  	s17 =	sand.u32 $0x7F, s9  }
0x205: {  	s24 =	sadd.s32 $0xFFFFFFFC, s3;
	v4 =	vor.u32 s17, v0  }
0x206: {  	v54 =	vor.u32 s17, v2;
	v5 =	vmov s24  }
0x207: {  	v5 =	vand.u32 $0x7B, v5  }
0x208: {  	v5 =	vbroadcast v5, $0x0;
	[sflag:s26] =	ssyncset.done $0x0  }
0x209: {  	[sflag:s26] =	ssyncadd.s32 $0xFFFFF000  }
0x20a: {  	v55 =	vor.u32 v0, v5;
	v4 =	vld.idx.msk [tilespmem:v4+s18+$0x0], $0xffff  }
0x20b: {  	v5 =	vor.u32 v2, v5;
	v6 =	vld.idx.msk [tilespmem:v54+s18+$0x0], $0xffff;
	_ =	sdelay $0x2  }
0x20c: {  	s6 =	spop @!p0 (v2sf)  }
0x20d: {  	[tilespmem:v55+s22+$0x0] =	vst.idx.msk $0xffff, v4;
	s6 =	sand.u32 @!p0 $0xFFFFF80, s6  }
0x20e: {  	s7 =	simm.s32 @!p0 $0x3280;
	[tilespmem:v5+s22+$0x0] =	vst.idx.msk $0xffff, v6;
	s6 =	sadd.s32 @!p0 s2, s6  }
0x20f: {  	[tilespmem:s7], [sflag:$0x4] =	stream.strided.gather @!p0 [hbm4b:s6+s8], $0x1000, s1, s8, $0x38;
	[tilespmem:$0x9280] =	vst v63  }
0x210: {  	_ =	swait.ge [sflag:s28], $0x1000  }
0x211: {  	(v2sf) =	vpush @!p0 v3, $0x4;
	_ =	sdelay $0x4  }
0x212: {  	s5 =	sand.u32 $0x7F, s5  }
0x213: {  	s25 =	sadd.s32 $0xFFFFFFFD, s3;
	v4 =	vor.u32 s5, v0  }
0x214: {  	v56 =	vor.u32 s5, v2;
	v5 =	vmov s25  }
0x215: {  	v5 =	vand.u32 $0x7C, v5  }
0x216: {  	v5 =	vbroadcast v5, $0x0;
	[sflag:s28] =	ssyncset.done $0x0  }
0x217: {  	[sflag:s28] =	ssyncadd.s32 $0xFFFFF000  }
0x218: {  	v57 =	vor.u32 v0, v5;
	v4 =	vld.idx.msk [tilespmem:v4+s19+$0x0], $0xffff  }
0x219: {  	v5 =	vor.u32 v2, v5;
	v6 =	vld.idx.msk [tilespmem:v56+s19+$0x0], $0xffff;
	_ =	sdelay $0x2  }
0x21a: {  	s5 =	spop @!p0 (v2sf)  }
0x21b: {  	[tilespmem:v57+s22+$0x0] =	vst.idx.msk $0xffff, v4;
	s5 =	sand.u32 @!p0 $0xFFFFF80, s5  }
0x21c: {  	s6 =	simm.s32 @!p0 $0x4280;
	[tilespmem:v5+s22+$0x0] =	vst.idx.msk $0xffff, v6;
	s5 =	sadd.s32 @!p0 s2, s5  }
0x21d: {  	[tilespmem:s6], [sflag:$0x5] =	stream.strided.gather @!p0 [hbm4b:s5+s8], $0x1000, s1, s8, $0x38;
	[tilespmem:$0x9280] =	vst v63  }
0x21e: {  	_ =	swait.ge [sflag:s29], $0x1000  }
0x21f: {  	(v2sf) =	vpush @!p0 v3, $0x5;
	_ =	sdelay $0x4  }
0x220: {  	s26 =	sand.u32 $0x7F, s10  }
0x221: {  	s28 =	sadd.s32 $0xFFFFFFFE, s3;
	v4 =	vor.u32 s26, v0  }
0x222: {  	v58 =	vor.u32 s26, v2;
	v5 =	vmov s28  }
0x223: {  	v5 =	vand.u32 $0x7D, v5  }
0x224: {  	v5 =	vbroadcast v5, $0x0;
	[sflag:s29] =	ssyncset.done $0x0  }
0x225: {  	[sflag:s29] =	ssyncadd.s32 $0xFFFFF000  }
0x226: {  	v59 =	vor.u32 v0, v5;
	v4 =	vld.idx.msk [tilespmem:v4+s20+$0x0], $0xffff  }
0x227: {  	v5 =	vor.u32 v2, v5;
	v6 =	vld.idx.msk [tilespmem:v58+s20+$0x0], $0xffff;
	_ =	sdelay $0x2  }
0x228: {  	s5 =	spop @!p0 (v2sf)  }
0x229: {  	[tilespmem:v59+s22+$0x0] =	vst.idx.msk $0xffff, v4;
	s5 =	sand.u32 @!p0 $0xFFFFF80, s5  }
0x22a: {  	s6 =	simm.s32 @!p0 $0x5280;
	[tilespmem:v5+s22+$0x0] =	vst.idx.msk $0xffff, v6;
	s5 =	sadd.s32 @!p0 s2, s5  }
0x22b: {  	[tilespmem:s6], [sflag:$0x6] =	stream.strided.gather @!p0 [hbm4b:s5+s8], $0x1000, s1, s8, $0x38;
	[tilespmem:$0x9280] =	vst v63  }
0x22c: {  	_ =	swait.ge [sflag:s30], $0x1000  }
0x22d: {  	(v2sf) =	vpush @!p0 v3, $0x6;
	_ =	sdelay $0x4  }
0x22e: {  	s29 =	sand.u32 $0x7F, s31  }
0x22f: {  	s31 =	sadd.s32 $0xFFFFFFFF, s3;
	v4 =	vor.u32 s29, v0  }
0x230: {  	v60 =	vor.u32 s29, v2;
	v5 =	vmov s31  }
0x231: {  	v5 =	vand.u32 $0x7E, v5  }
0x232: {  	v5 =	vbroadcast v5, $0x0;
	[sflag:s30] =	ssyncset.done $0x0  }
0x233: {  	[sflag:s30] =	ssyncadd.s32 $0xFFFFF000  }
0x234: {  	v61 =	vor.u32 v0, v5;
	v4 =	vld.idx.msk [tilespmem:v4+s21+$0x0], $0xffff  }
0x235: {  	v5 =	vor.u32 v2, v5;
	v6 =	vld.idx.msk [tilespmem:v60+s21+$0x0], $0xffff;
	_ =	sdelay $0x2  }
0x236: {  	s5 =	spop @!p0 (v2sf)  }
0x237: {  	s0 =	sand.u32 $0x7F, s0;
	[tilespmem:v61+s22+$0x0] =	vst.idx.msk $0xffff, v4;
	s5 =	sand.u32 @!p0 $0xFFFFF80, s5  }
0x238: {  	s6 =	simm.s32 @!p0 $0x6280;
	v4 =	vor.u32 s0, v0;
	[tilespmem:v5+s22+$0x0] =	vst.idx.msk $0xffff, v6;
	s5 =	sadd.s32 @!p0 s2, s5  }
0x239: {  	v62 =	vmov s3;
	v5 =	vor.u32 s0, v2;
	[tilespmem:s6], [sflag:$0x7] =	stream.strided.gather @!p0 [hbm4b:s5+s8], $0x1000, s1, s8, $0x38;
	[tilespmem:$0x9280] =	vst v63  }
0x23a: {  	v6 =	vand.u32 $0x7F, v62;
	_ =	swait.ge [sflag:s15], $0x1000  }
0x23b: {  	v6 =	vbroadcast v6, $0x0;
	[sflag:s15] =	ssyncset.done $0x0  }
0x23c: {  	[sflag:s15] =	ssyncadd.s32 $0xFFFFF000  }
0x23d: {  	v63 =	vor.u32 v0, v6;
	v4 =	vld.idx.msk [tilespmem:v4+s23+$0x0], $0xffff  }
0x23e: {  	v6 =	vor.u32 v2, v6;
	v5 =	vld.idx.msk [tilespmem:v5+s23+$0x0], $0xffff  }
.Ltmp4:
0x23f: {  	_ = 	snop;
	(pc) =	sbr.rel @p0 .LBB2_7-.Ltmp4, $4  }
0x240: {  	_ = 	snop  }
0x241: {  	s14 =	simm.s32 $0x1280  }
0x242: {  	s16 =	simm.s32 $0x6280;
	s13 =	simm.s32 $0x2280;
	s9 =	simm.s32 $0x3280;
	[tilespmem:v63+s22+$0x0] =	vst.idx.msk $0xffff, v4  }
0x243: {  	s10 =	simm.s32 $0x5280;
	s7 =	simm.s32 $0x4280;
	s5 =	simm.s32 $0x7280;
	[tilespmem:v6+s22+$0x0] =	vst.idx.msk $0xffff, v5  }
0x244: {  	(v2sf) =	vpush v3, $0x7;
	_ =	sdelay $0xd  }
.Ltmp5:
0x245: {  	_ = 	snop;
	(pc) =	sbr.rel .LBB2_5-.Ltmp5, $4  }
0x246: {  	s0 =	spop (v2sf)  }
0x247: {  	s3 =	sadd.s32 $0x10, s3;
	s0 =	sand.u32 $0xFFFFF80, s0  }
0x248: {  	s4 =	sadd.s32 $0x10, s4;
	s23 =	simm.s32 $0x7280;
	s0 =	sadd.s32 s2, s0  }
0x249: {  	[tilespmem:s5], [sflag:$0x8] =	stream.strided.gather [hbm4b:s0+s11], $0x1000, s12, s11, $0x38;
	[tilespmem:$0x9280] =	vst v63  }
.LBB2_7:
0x24a: {  	s0 =	rddreg [dreg:$0x6];
	s1 =	simm.s32 $0x20000;
	s15 =	simm.s32 $0xA  }
0x24b: {  	[hbm4b:s0+s11] =	stream.strided.scatter [tilespmem:s22], [sflag:$0xA], $0x1000, s1, s11, $0x38;
	[tilespmem:$0x9280] =	vst v63  }
0x24c: {  	_ =	swait.ge [sflag:s15], $0x1000  }
0x24d: {  	[sflag:s15] =	ssyncset.done $0x0  }
0x24e: {  	[sflag:s15] =	ssyncadd.s32 $0xFFFFF000  }
0x24f: {  	v3 =	vld [tilespmem:$0x100];
	_ =	sdelay $0x4  }
0x250: {  	(v2sf) =	vpush v3, $0x0  }
0x251: {  	(v2sf) =	vpush v3, $0x1;
	_ =	sdelay $0x1  }
0x252: {  	(v2sf) =	vpush v3, $0x2;
	_ =	sdelay $0x4  }
0x253: {  	(v2sf) =	vpush v3, $0x3  }
0x254: {  	(v2sf) =	vpush v3, $0x4;
	_ =	sdelay $0x5  }
0x255: {  	s17 =	spop (v2sf);
	(v2sf) =	vpush v3, $0x5  }
0x256: {  	s19 =	spop (v2sf);
	(v2sf) =	vpush v3, $0x6  }
0x257: {  	s0 =	sand.u32 $0xFFFFF80, s17  }
0x258: {  	s18 =	simm.s32 $0x280;
	s0 =	sadd.s32 s2, s0;
	s20 =	spop (v2sf)  }
0x259: {  	(v2sf) =	vpush v3, $0x7;
	[tilespmem:s18], [sflag:$0x1] =	stream.strided.gather [hbm4b:s0+s11], $0x1000, s12, s11, $0x38;
	[tilespmem:$0x9280] =	vst v63  }
0x25a: {  	s0 =	sand.u32 $0xFFFFF80, s19  }
0x25b: {  	s0 =	sadd.s32 s2, s0  }
0x25c: {  	[tilespmem:s14], [sflag:$0x2] =	stream.strided.gather [hbm4b:s0+s11], $0x1000, s12, s11, $0x38;
	[tilespmem:$0x9280] =	vst v63  }
0x25d: {  	s21 =	spop (v2sf);
	s0 =	sand.u32 $0xFFFFF80, s20  }
0x25e: {  	s23 =	sand.u32 $0xFFFFF80, s21;
	s24 =	spop (v2sf);
	s0 =	sadd.s32 s2, s0  }
0x25f: {  	[tilespmem:s13], [sflag:$0x3] =	stream.strided.gather [hbm4b:s0+s11], $0x1000, s12, s11, $0x38;
	[tilespmem:$0x9280] =	vst v63  }
0x260: {  	s25 =	sand.u32 $0xFFFFF80, s24;
	s0 =	sadd.s32 s2, s23  }
0x261: {  	[tilespmem:s9], [sflag:$0x4] =	stream.strided.gather [hbm4b:s0+s11], $0x1000, s12, s11, $0x38;
	[tilespmem:$0x9280] =	vst v63  }
0x262: {  	s0 =	sadd.s32 s2, s25  }
0x263: {  	[tilespmem:s7], [sflag:$0x5] =	stream.strided.gather [hbm4b:s0+s11], $0x1000, s12, s11, $0x38;
	[tilespmem:$0x9280] =	vst v63  }
0x264: {  	s26 =	spop (v2sf)  }
0x265: {  	s28 =	sand.u32 $0xFFFFF80, s26;
	s29 =	spop (v2sf)  }
0x266: {  	s0 =	sadd.s32 s2, s28;
	s30 =	sand.u32 $0xFFFFF80, s29  }
0x267: {  	[tilespmem:s10], [sflag:$0x6] =	stream.strided.gather [hbm4b:s0+s11], $0x1000, s12, s11, $0x38;
	[tilespmem:$0x9280] =	vst v63  }
0x268: {  	s31 =	spop (v2sf);
	s0 =	sadd.s32 s2, s30  }
0x269: {  	[tilespmem:s16], [sflag:$0x7] =	stream.strided.gather [hbm4b:s0+s11], $0x1000, s12, s11, $0x38;
	[tilespmem:$0x9280] =	vst v63  }
0x26a: {  	s3 =	simm.s32 $0xF;
	s0 =	sand.u32 $0xFFFFF80, s31  }
0x26b: {  	s4 =	simm.s32 $0x110;
	s23 =	simm.s32 $0x7280;
	s0 =	sadd.s32 s2, s0  }
0x26c: {  	[tilespmem:s5], [sflag:$0x8] =	stream.strided.gather [hbm4b:s0+s11], $0x1000, s12, s11, $0x38;
	[tilespmem:$0x9280] =	vst v63  }
.LBB2_8:
0x26d: {  	v4 =	vld [tilespmem:s4+$0xFFFFFFF0];
	_ =	sdelay $0x2  }
0x26e: {  	s14 =	simm.s32 $0x1  }
0x26f: {  	v3 =	vld [tilespmem:s4+$0x0];
	_ =	swait.ge [sflag:s14], $0x1000  }
0x270: {  	(v2sf) =	vpush v4, $0x0;
	_ =	sdelay $0xa  }
0x271: {  	(v2sf) =	vpush v4, $0x8;
	_ =	sdelay $0x3  }
0x272: {  	s0 =	spop (v2sf)  }
0x273: {  	s0 =	sand.u32 $0x7F, s0  }
0x274: {  	s1 =	sadd.s32 $0xFFFFFFF1, s3;
	v5 =	vor.u32 s0, v0  }
0x275: {  	v6 =	vmov s1;
	v7 =	vor.u32 s0, v2  }
0x276: {  	v6 =	vand.u32 $0x70, v6  }
0x277: {  	[sflag:s14] =	ssyncset.done $0x0;
	v6 =	vbroadcast v6, $0x0  }
0x278: {  	s13 =	simm.s32 $0x280;
	[sflag:s14] =	ssyncadd.s32 $0xFFFFF000  }
0x279: {  	v8 =	vor.u32 v0, v6;
	v5 =	vld.idx.msk [tilespmem:v5+s13+$0x0], $0xffff  }
0x27a: {  	v6 =	vor.u32 v2, v6;
	v7 =	vld.idx.msk [tilespmem:v7+s13+$0x0], $0xffff;
	_ =	sdelay $0x2  }
0x27b: {  	s8 =	spop (v2sf)  }
0x27c: {  	s7 =	sand.u32 $0xFFFFF80, s8;
	[tilespmem:v8+s22+$0x0] =	vst.idx.msk $0xffff, v5  }
0x27d: {  	s24 =	simm.s32 $0x2;
	s0 =	sadd.s32 s2, s7;
	[tilespmem:v6+s22+$0x0] =	vst.idx.msk $0xffff, v7  }
0x27e: {  	[tilespmem:s13], [sflag:$0x1] =	stream.strided.gather [hbm4b:s0+s11], $0x1000, s12, s11, $0x38;
	[tilespmem:$0x9280] =	vst v63  }
0x27f: {  	_ =	swait.ge [sflag:s24], $0x1000  }
0x280: {  	(v2sf) =	vpush v4, $0x1;
	_ =	sdelay $0xa  }
0x281: {  	(v2sf) =	vpush v4, $0x9;
	_ =	sdelay $0x3  }
0x282: {  	s9 =	spop (v2sf)  }
0x283: {  	s0 =	sand.u32 $0x7F, s9  }
0x284: {  	s10 =	sadd.s32 $0xFFFFFFF2, s3;
	v5 =	vor.u32 s0, v0  }
0x285: {  	v28 =	vmov s10;
	v29 =	vor.u32 s0, v2  }
0x286: {  	v6 =	vand.u32 $0x71, v28  }
0x287: {  	v6 =	vbroadcast v6, $0x0;
	[sflag:s24] =	ssyncset.done $0x0  }
0x288: {  	s16 =	simm.s32 $0x1280;
	[sflag:s24] =	ssyncadd.s32 $0xFFFFF000  }
0x289: {  	v30 =	vor.u32 v0, v6;
	v5 =	vld.idx.msk [tilespmem:v5+s16+$0x0], $0xffff  }
0x28a: {  	v6 =	vor.u32 v2, v6;
	v7 =	vld.idx.msk [tilespmem:v29+s16+$0x0], $0xffff;
	_ =	sdelay $0x2  }
0x28b: {  	s6 =	spop (v2sf)  }
0x28c: {  	s15 =	sand.u32 $0xFFFFF80, s6;
	[tilespmem:v30+s22+$0x0] =	vst.idx.msk $0xffff, v5  }
0x28d: {  	s25 =	simm.s32 $0x3;
	s0 =	sadd.s32 s2, s15;
	[tilespmem:v6+s22+$0x0] =	vst.idx.msk $0xffff, v7  }
0x28e: {  	[tilespmem:s16], [sflag:$0x2] =	stream.strided.gather [hbm4b:s0+s11], $0x1000, s12, s11, $0x38;
	[tilespmem:$0x9280] =	vst v63  }
0x28f: {  	_ =	swait.ge [sflag:s25], $0x1000  }
0x290: {  	(v2sf) =	vpush v4, $0x2;
	_ =	sdelay $0xa  }
0x291: {  	(v2sf) =	vpush v4, $0xA;
	_ =	sdelay $0x3  }
0x292: {  	s17 =	spop (v2sf)  }
0x293: {  	s0 =	sand.u32 $0x7F, s17  }
0x294: {  	s18 =	sadd.s32 $0xFFFFFFF3, s3;
	v5 =	vor.u32 s0, v0  }
0x295: {  	v31 =	vmov s18;
	v32 =	vor.u32 s0, v2  }
0x296: {  	v6 =	vand.u32 $0x72, v31  }
0x297: {  	v6 =	vbroadcast v6, $0x0;
	[sflag:s25] =	ssyncset.done $0x0  }
0x298: {  	[sflag:s25] =	ssyncadd.s32 $0xFFFFF000;
	s17 =	simm.s32 $0x2280  }
0x299: {  	v33 =	vor.u32 v0, v6;
	v5 =	vld.idx.msk [tilespmem:v5+s17+$0x0], $0xffff  }
0x29a: {  	v6 =	vor.u32 v2, v6;
	v7 =	vld.idx.msk [tilespmem:v32+s17+$0x0], $0xffff;
	_ =	sdelay $0x2  }
0x29b: {  	s7 =	spop (v2sf)  }
0x29c: {  	s19 =	sand.u32 $0xFFFFF80, s7;
	[tilespmem:v33+s22+$0x0] =	vst.idx.msk $0xffff, v5  }
0x29d: {  	s26 =	simm.s32 $0x4;
	s0 =	sadd.s32 s2, s19;
	[tilespmem:v6+s22+$0x0] =	vst.idx.msk $0xffff, v7  }
0x29e: {  	[tilespmem:s17], [sflag:$0x3] =	stream.strided.gather [hbm4b:s0+s11], $0x1000, s12, s11, $0x38;
	[tilespmem:$0x9280] =	vst v63  }
0x29f: {  	_ =	swait.ge [sflag:s26], $0x1000  }
0x2a0: {  	(v2sf) =	vpush v4, $0x3;
	_ =	sdelay $0xa  }
0x2a1: {  	(v2sf) =	vpush v4, $0xB;
	_ =	sdelay $0x3  }
0x2a2: {  	s20 =	spop (v2sf)  }
0x2a3: {  	s0 =	sand.u32 $0x7F, s20  }
0x2a4: {  	s21 =	sadd.s32 $0xFFFFFFF4, s3;
	v5 =	vor.u32 s0, v0  }
0x2a5: {  	v34 =	vmov s21;
	v35 =	vor.u32 s0, v2  }
0x2a6: {  	v6 =	vand.u32 $0x73, v34  }
0x2a7: {  	v6 =	vbroadcast v6, $0x0;
	[sflag:s26] =	ssyncset.done $0x0  }
0x2a8: {  	s18 =	simm.s32 $0x3280;
	[sflag:s26] =	ssyncadd.s32 $0xFFFFF000  }
0x2a9: {  	v36 =	vor.u32 v0, v6;
	v5 =	vld.idx.msk [tilespmem:v5+s18+$0x0], $0xffff  }
0x2aa: {  	v6 =	vor.u32 v2, v6;
	v7 =	vld.idx.msk [tilespmem:v35+s18+$0x0], $0xffff;
	_ =	sdelay $0x2  }
0x2ab: {  	s9 =	spop (v2sf)  }
0x2ac: {  	s28 =	sand.u32 $0xFFFFF80, s9;
	[tilespmem:v36+s22+$0x0] =	vst.idx.msk $0xffff, v5  }
0x2ad: {  	s0 =	sadd.s32 s2, s28;
	s28 =	simm.s32 $0x5;
	[tilespmem:v6+s22+$0x0] =	vst.idx.msk $0xffff, v7  }
0x2ae: {  	[tilespmem:s18], [sflag:$0x4] =	stream.strided.gather [hbm4b:s0+s11], $0x1000, s12, s11, $0x38;
	[tilespmem:$0x9280] =	vst v63  }
0x2af: {  	_ =	swait.ge [sflag:s28], $0x1000  }
0x2b0: {  	(v2sf) =	vpush v4, $0x4;
	_ =	sdelay $0xa  }
0x2b1: {  	(v2sf) =	vpush v4, $0xC;
	_ =	sdelay $0x3  }
0x2b2: {  	s29 =	spop (v2sf)  }
0x2b3: {  	s0 =	sand.u32 $0x7F, s29  }
0x2b4: {  	s30 =	sadd.s32 $0xFFFFFFF5, s3;
	v5 =	vor.u32 s0, v0  }
0x2b5: {  	v37 =	vmov s30;
	v38 =	vor.u32 s0, v2  }
0x2b6: {  	v6 =	vand.u32 $0x74, v37  }
0x2b7: {  	v6 =	vbroadcast v6, $0x0;
	[sflag:s28] =	ssyncset.done $0x0  }
0x2b8: {  	s19 =	simm.s32 $0x4280;
	[sflag:s28] =	ssyncadd.s32 $0xFFFFF000  }
0x2b9: {  	v39 =	vor.u32 v0, v6;
	v5 =	vld.idx.msk [tilespmem:v5+s19+$0x0], $0xffff  }
0x2ba: {  	v6 =	vor.u32 v2, v6;
	v7 =	vld.idx.msk [tilespmem:v38+s19+$0x0], $0xffff;
	_ =	sdelay $0x2  }
0x2bb: {  	s5 =	spop (v2sf)  }
0x2bc: {  	s31 =	sand.u32 $0xFFFFF80, s5;
	[tilespmem:v39+s22+$0x0] =	vst.idx.msk $0xffff, v5  }
0x2bd: {  	s29 =	simm.s32 $0x6;
	s0 =	sadd.s32 s2, s31;
	[tilespmem:v6+s22+$0x0] =	vst.idx.msk $0xffff, v7  }
0x2be: {  	[tilespmem:s19], [sflag:$0x5] =	stream.strided.gather [hbm4b:s0+s11], $0x1000, s12, s11, $0x38;
	[tilespmem:$0x9280] =	vst v63  }
0x2bf: {  	_ =	swait.ge [sflag:s29], $0x1000  }
0x2c0: {  	(v2sf) =	vpush v4, $0x5;
	_ =	sdelay $0xa  }
0x2c1: {  	(v2sf) =	vpush v4, $0xD;
	_ =	sdelay $0x3  }
0x2c2: {  	s1 =	spop (v2sf)  }
0x2c3: {  	s0 =	sand.u32 $0x7F, s1  }
0x2c4: {  	s10 =	sadd.s32 $0xFFFFFFF6, s3;
	v5 =	vor.u32 s0, v0  }
0x2c5: {  	v40 =	vmov s10;
	v41 =	vor.u32 s0, v2  }
0x2c6: {  	v6 =	vand.u32 $0x75, v40  }
0x2c7: {  	v6 =	vbroadcast v6, $0x0;
	[sflag:s29] =	ssyncset.done $0x0  }
0x2c8: {  	s20 =	simm.s32 $0x5280;
	[sflag:s29] =	ssyncadd.s32 $0xFFFFF000  }
0x2c9: {  	v42 =	vor.u32 v0, v6;
	v5 =	vld.idx.msk [tilespmem:v5+s20+$0x0], $0xffff  }
0x2ca: {  	v6 =	vor.u32 v2, v6;
	v7 =	vld.idx.msk [tilespmem:v41+s20+$0x0], $0xffff;
	_ =	sdelay $0x2  }
0x2cb: {  	s10 =	spop (v2sf)  }
0x2cc: {  	s15 =	sand.u32 $0xFFFFF80, s10;
	[tilespmem:v42+s22+$0x0] =	vst.idx.msk $0xffff, v5  }
0x2cd: {  	s30 =	simm.s32 $0x7;
	s0 =	sadd.s32 s2, s15;
	[tilespmem:v6+s22+$0x0] =	vst.idx.msk $0xffff, v7  }
0x2ce: {  	[tilespmem:s20], [sflag:$0x6] =	stream.strided.gather [hbm4b:s0+s11], $0x1000, s12, s11, $0x38;
	[tilespmem:$0x9280] =	vst v63  }
0x2cf: {  	_ =	swait.ge [sflag:s30], $0x1000  }
0x2d0: {  	(v2sf) =	vpush v4, $0x6;
	_ =	sdelay $0xa  }
0x2d1: {  	(v2sf) =	vpush v4, $0xE;
	_ =	sdelay $0x3  }
0x2d2: {  	s21 =	spop (v2sf)  }
0x2d3: {  	s0 =	sand.u32 $0x7F, s21  }
0x2d4: {  	s31 =	sadd.s32 $0xFFFFFFF7, s3;
	v5 =	vor.u32 s0, v0  }
0x2d5: {  	v43 =	vmov s31;
	v44 =	vor.u32 s0, v2  }
0x2d6: {  	v6 =	vand.u32 $0x76, v43  }
0x2d7: {  	v6 =	vbroadcast v6, $0x0;
	[sflag:s30] =	ssyncset.done $0x0  }
0x2d8: {  	[sflag:s30] =	ssyncadd.s32 $0xFFFFF000;
	s21 =	simm.s32 $0x6280  }
0x2d9: {  	v45 =	vor.u32 v0, v6;
	v5 =	vld.idx.msk [tilespmem:v5+s21+$0x0], $0xffff  }
0x2da: {  	v6 =	vor.u32 v2, v6;
	v7 =	vld.idx.msk [tilespmem:v44+s21+$0x0], $0xffff;
	_ =	sdelay $0x2  }
0x2db: {  	s31 =	spop (v2sf)  }
0x2dc: {  	s15 =	sand.u32 $0xFFFFF80, s31;
	[tilespmem:v45+s22+$0x0] =	vst.idx.msk $0xffff, v5  }
0x2dd: {  	s0 =	sadd.s32 s2, s15;
	s15 =	simm.s32 $0x8;
	[tilespmem:v6+s22+$0x0] =	vst.idx.msk $0xffff, v7  }
0x2de: {  	[tilespmem:s21], [sflag:$0x7] =	stream.strided.gather [hbm4b:s0+s11], $0x1000, s12, s11, $0x38;
	[tilespmem:$0x9280] =	vst v63  }
0x2df: {  	_ =	swait.ge [sflag:s15], $0x1000  }
0x2e0: {  	(v2sf) =	vpush v4, $0x7;
	_ =	sdelay $0xa  }
0x2e1: {  	(v2sf) =	vpush v4, $0xF;
	_ =	sdelay $0x3  }
0x2e2: {  	s1 =	spop (v2sf)  }
0x2e3: {  	s0 =	sand.u32 $0x7F, s1  }
0x2e4: {  	s1 =	sadd.s32 $0xFFFFFFF8, s3;
	v4 =	vor.u32 s0, v0  }
0x2e5: {  	v5 =	vmov s1;
	v46 =	vor.u32 s0, v2  }
0x2e6: {  	v5 =	vand.u32 $0x77, v5  }
0x2e7: {  	[sflag:s15] =	ssyncset.done $0x0;
	v5 =	vbroadcast v5, $0x0  }
0x2e8: {  	[sflag:s15] =	ssyncadd.s32 $0xFFFFF000  }
0x2e9: {  	v47 =	vor.u32 v0, v5;
	v4 =	vld.idx.msk [tilespmem:v4+s23+$0x0], $0xffff  }
0x2ea: {  	v5 =	vor.u32 v2, v5;
	v6 =	vld.idx.msk [tilespmem:v46+s23+$0x0], $0xffff;
	_ =	sdelay $0x2  }
0x2eb: {  	s0 =	spop (v2sf)  }
0x2ec: {  	s1 =	sand.u32 $0xFFFFF80, s0;
	[tilespmem:v47+s22+$0x0] =	vst.idx.msk $0xffff, v4  }
0x2ed: {  	s1 =	sadd.s32 s2, s1;
	[tilespmem:v5+s22+$0x0] =	vst.idx.msk $0xffff, v6  }
0x2ee: {  	[tilespmem:s23], [sflag:$0x8] =	stream.strided.gather [hbm4b:s1+s11], $0x1000, s12, s11, $0x38;
	[tilespmem:$0x9280] =	vst v63  }
0x2ef: {  	p0 =	seq.s32 s3, $0x7F;
	_ =	swait.ge [sflag:s14], $0x1000  }
0x2f0: {  	(v2sf) =	vpush @!p0 v3, $0x0;
	_ =	sdelay $0x4  }
0x2f1: {  	s1 =	sand.u32 $0x7F, s8  }
0x2f2: {  	s8 =	sadd.s32 $0xFFFFFFF9, s3;
	v4 =	vor.u32 s1, v0  }
0x2f3: {  	v5 =	vmov s8;
	v48 =	vor.u32 s1, v2  }
0x2f4: {  	v5 =	vand.u32 $0x78, v5  }
0x2f5: {  	[sflag:s14] =	ssyncset.done $0x0;
	v5 =	vbroadcast v5, $0x0  }
0x2f6: {  	[sflag:s14] =	ssyncadd.s32 $0xFFFFF000  }
0x2f7: {  	v49 =	vor.u32 v0, v5;
	v4 =	vld.idx.msk [tilespmem:v4+s13+$0x0], $0xffff  }
0x2f8: {  	v5 =	vor.u32 v2, v5;
	v6 =	vld.idx.msk [tilespmem:v48+s13+$0x0], $0xffff;
	_ =	sdelay $0x2  }
0x2f9: {  	s1 =	spop @!p0 (v2sf)  }
0x2fa: {  	s8 =	simm.s32 @!p0 $0x400;
	[tilespmem:v49+s22+$0x0] =	vst.idx.msk $0xffff, v4;
	s1 =	sand.u32 @!p0 $0xFFFFF80, s1  }
0x2fb: {  	s14 =	simm.s32 @!p0 $0x280;
	[tilespmem:v5+s22+$0x0] =	vst.idx.msk $0xffff, v6;
	s13 =	sadd.s32 @!p0 s2, s1;
	s1 =	simm.s32 @!p0 $0x7A1400  }
0x2fc: {  	[tilespmem:s14], [sflag:$0x1] =	stream.strided.gather @!p0 [hbm4b:s13+s8], $0x1000, s1, s8, $0x38;
	[tilespmem:$0x9280] =	vst v63  }
0x2fd: {  	_ =	swait.ge [sflag:s24], $0x1000  }
0x2fe: {  	(v2sf) =	vpush @!p0 v3, $0x1;
	_ =	sdelay $0x4  }
0x2ff: {  	s6 =	sand.u32 $0x7F, s6  }
0x300: {  	v4 =	vor.u32 s6, v0;
	s14 =	sadd.s32 $0xFFFFFFFA, s3  }
0x301: {  	v50 =	vor.u32 s6, v2;
	v5 =	vmov s14  }
0x302: {  	v5 =	vand.u32 $0x79, v5  }
0x303: {  	[sflag:s24] =	ssyncset.done $0x0;
	v5 =	vbroadcast v5, $0x0  }
0x304: {  	[sflag:s24] =	ssyncadd.s32 $0xFFFFF000  }
0x305: {  	v4 =	vld.idx.msk [tilespmem:v4+s16+$0x0], $0xffff;
	v51 =	vor.u32 v0, v5  }
0x306: {  	v6 =	vld.idx.msk [tilespmem:v50+s16+$0x0], $0xffff;
	v5 =	vor.u32 v2, v5;
	_ =	sdelay $0x2  }
0x307: {  	s6 =	spop @!p0 (v2sf)  }
0x308: {  	[tilespmem:v51+s22+$0x0] =	vst.idx.msk $0xffff, v4;
	s6 =	sand.u32 @!p0 $0xFFFFF80, s6  }
0x309: {  	s13 =	simm.s32 @!p0 $0x1280;
	[tilespmem:v5+s22+$0x0] =	vst.idx.msk $0xffff, v6;
	s6 =	sadd.s32 @!p0 s2, s6  }
0x30a: {  	[tilespmem:s13], [sflag:$0x2] =	stream.strided.gather @!p0 [hbm4b:s6+s8], $0x1000, s1, s8, $0x38;
	[tilespmem:$0x9280] =	vst v63  }
0x30b: {  	_ =	swait.ge [sflag:s25], $0x1000  }
0x30c: {  	(v2sf) =	vpush @!p0 v3, $0x2;
	_ =	sdelay $0x4  }
0x30d: {  	s13 =	sand.u32 $0x7F, s7  }
0x30e: {  	s16 =	sadd.s32 $0xFFFFFFFB, s3;
	v4 =	vor.u32 s13, v0  }
0x30f: {  	v5 =	vmov s16;
	v52 =	vor.u32 s13, v2  }
0x310: {  	v5 =	vand.u32 $0x7A, v5  }
0x311: {  	v5 =	vbroadcast v5, $0x0;
	[sflag:s25] =	ssyncset.done $0x0  }
0x312: {  	[sflag:s25] =	ssyncadd.s32 $0xFFFFF000  }
0x313: {  	v53 =	vor.u32 v0, v5;
	v4 =	vld.idx.msk [tilespmem:v4+s17+$0x0], $0xffff  }
0x314: {  	v5 =	vor.u32 v2, v5;
	v6 =	vld.idx.msk [tilespmem:v52+s17+$0x0], $0xffff;
	_ =	sdelay $0x2  }
0x315: {  	s6 =	spop @!p0 (v2sf)  }
0x316: {  	[tilespmem:v53+s22+$0x0] =	vst.idx.msk $0xffff, v4;
	s6 =	sand.u32 @!p0 $0xFFFFF80, s6  }
0x317: {  	s7 =	simm.s32 @!p0 $0x2280;
	[tilespmem:v5+s22+$0x0] =	vst.idx.msk $0xffff, v6;
	s6 =	sadd.s32 @!p0 s2, s6  }
0x318: {  	[tilespmem:s7], [sflag:$0x3] =	stream.strided.gather @!p0 [hbm4b:s6+s8], $0x1000, s1, s8, $0x38;
	[tilespmem:$0x9280] =	vst v63  }
0x319: {  	_ =	swait.ge [sflag:s26], $0x1000  }
0x31a: {  	(v2sf) =	vpush @!p0 v3, $0x3;
	_ =	sdelay $0x4  }
0x31b: {  	s17 =	sand.u32 $0x7F, s9  }
0x31c: {  	s24 =	sadd.s32 $0xFFFFFFFC, s3;
	v4 =	vor.u32 s17, v0  }
0x31d: {  	v54 =	vor.u32 s17, v2;
	v5 =	vmov s24  }
0x31e: {  	v5 =	vand.u32 $0x7B, v5  }
0x31f: {  	v5 =	vbroadcast v5, $0x0;
	[sflag:s26] =	ssyncset.done $0x0  }
0x320: {  	[sflag:s26] =	ssyncadd.s32 $0xFFFFF000  }
0x321: {  	v55 =	vor.u32 v0, v5;
	v4 =	vld.idx.msk [tilespmem:v4+s18+$0x0], $0xffff  }
0x322: {  	v5 =	vor.u32 v2, v5;
	v6 =	vld.idx.msk [tilespmem:v54+s18+$0x0], $0xffff;
	_ =	sdelay $0x2  }
0x323: {  	s6 =	spop @!p0 (v2sf)  }
0x324: {  	[tilespmem:v55+s22+$0x0] =	vst.idx.msk $0xffff, v4;
	s6 =	sand.u32 @!p0 $0xFFFFF80, s6  }
0x325: {  	s7 =	simm.s32 @!p0 $0x3280;
	[tilespmem:v5+s22+$0x0] =	vst.idx.msk $0xffff, v6;
	s6 =	sadd.s32 @!p0 s2, s6  }
0x326: {  	[tilespmem:s7], [sflag:$0x4] =	stream.strided.gather @!p0 [hbm4b:s6+s8], $0x1000, s1, s8, $0x38;
	[tilespmem:$0x9280] =	vst v63  }
0x327: {  	_ =	swait.ge [sflag:s28], $0x1000  }
0x328: {  	(v2sf) =	vpush @!p0 v3, $0x4;
	_ =	sdelay $0x4  }
0x329: {  	s5 =	sand.u32 $0x7F, s5  }
0x32a: {  	s25 =	sadd.s32 $0xFFFFFFFD, s3;
	v4 =	vor.u32 s5, v0  }
0x32b: {  	v56 =	vor.u32 s5, v2;
	v5 =	vmov s25  }
0x32c: {  	v5 =	vand.u32 $0x7C, v5  }
0x32d: {  	v5 =	vbroadcast v5, $0x0;
	[sflag:s28] =	ssyncset.done $0x0  }
0x32e: {  	[sflag:s28] =	ssyncadd.s32 $0xFFFFF000  }
0x32f: {  	v57 =	vor.u32 v0, v5;
	v4 =	vld.idx.msk [tilespmem:v4+s19+$0x0], $0xffff  }
0x330: {  	v5 =	vor.u32 v2, v5;
	v6 =	vld.idx.msk [tilespmem:v56+s19+$0x0], $0xffff;
	_ =	sdelay $0x2  }
0x331: {  	s5 =	spop @!p0 (v2sf)  }
0x332: {  	[tilespmem:v57+s22+$0x0] =	vst.idx.msk $0xffff, v4;
	s5 =	sand.u32 @!p0 $0xFFFFF80, s5  }
0x333: {  	s6 =	simm.s32 @!p0 $0x4280;
	[tilespmem:v5+s22+$0x0] =	vst.idx.msk $0xffff, v6;
	s5 =	sadd.s32 @!p0 s2, s5  }
0x334: {  	[tilespmem:s6], [sflag:$0x5] =	stream.strided.gather @!p0 [hbm4b:s5+s8], $0x1000, s1, s8, $0x38;
	[tilespmem:$0x9280] =	vst v63  }
0x335: {  	_ =	swait.ge [sflag:s29], $0x1000  }
0x336: {  	(v2sf) =	vpush @!p0 v3, $0x5;
	_ =	sdelay $0x4  }
0x337: {  	s26 =	sand.u32 $0x7F, s10  }
0x338: {  	s28 =	sadd.s32 $0xFFFFFFFE, s3;
	v4 =	vor.u32 s26, v0  }
0x339: {  	v58 =	vor.u32 s26, v2;
	v5 =	vmov s28  }
0x33a: {  	v5 =	vand.u32 $0x7D, v5  }
0x33b: {  	v5 =	vbroadcast v5, $0x0;
	[sflag:s29] =	ssyncset.done $0x0  }
0x33c: {  	[sflag:s29] =	ssyncadd.s32 $0xFFFFF000  }
0x33d: {  	v59 =	vor.u32 v0, v5;
	v4 =	vld.idx.msk [tilespmem:v4+s20+$0x0], $0xffff  }
0x33e: {  	v5 =	vor.u32 v2, v5;
	v6 =	vld.idx.msk [tilespmem:v58+s20+$0x0], $0xffff;
	_ =	sdelay $0x2  }
0x33f: {  	s5 =	spop @!p0 (v2sf)  }
0x340: {  	[tilespmem:v59+s22+$0x0] =	vst.idx.msk $0xffff, v4;
	s5 =	sand.u32 @!p0 $0xFFFFF80, s5  }
0x341: {  	s6 =	simm.s32 @!p0 $0x5280;
	[tilespmem:v5+s22+$0x0] =	vst.idx.msk $0xffff, v6;
	s5 =	sadd.s32 @!p0 s2, s5  }
0x342: {  	[tilespmem:s6], [sflag:$0x6] =	stream.strided.gather @!p0 [hbm4b:s5+s8], $0x1000, s1, s8, $0x38;
	[tilespmem:$0x9280] =	vst v63  }
0x343: {  	_ =	swait.ge [sflag:s30], $0x1000  }
0x344: {  	(v2sf) =	vpush @!p0 v3, $0x6;
	_ =	sdelay $0x4  }
0x345: {  	s29 =	sand.u32 $0x7F, s31  }
0x346: {  	s31 =	sadd.s32 $0xFFFFFFFF, s3;
	v4 =	vor.u32 s29, v0  }
0x347: {  	v60 =	vor.u32 s29, v2;
	v5 =	vmov s31  }
0x348: {  	v5 =	vand.u32 $0x7E, v5  }
0x349: {  	v5 =	vbroadcast v5, $0x0;
	[sflag:s30] =	ssyncset.done $0x0  }
0x34a: {  	[sflag:s30] =	ssyncadd.s32 $0xFFFFF000  }
0x34b: {  	v61 =	vor.u32 v0, v5;
	v4 =	vld.idx.msk [tilespmem:v4+s21+$0x0], $0xffff  }
0x34c: {  	v5 =	vor.u32 v2, v5;
	v6 =	vld.idx.msk [tilespmem:v60+s21+$0x0], $0xffff;
	_ =	sdelay $0x2  }
0x34d: {  	s5 =	spop @!p0 (v2sf)  }
0x34e: {  	s0 =	sand.u32 $0x7F, s0;
	[tilespmem:v61+s22+$0x0] =	vst.idx.msk $0xffff, v4;
	s5 =	sand.u32 @!p0 $0xFFFFF80, s5  }
0x34f: {  	s6 =	simm.s32 @!p0 $0x6280;
	v4 =	vor.u32 s0, v0;
	[tilespmem:v5+s22+$0x0] =	vst.idx.msk $0xffff, v6;
	s5 =	sadd.s32 @!p0 s2, s5  }
0x350: {  	v62 =	vmov s3;
	v5 =	vor.u32 s0, v2;
	[tilespmem:s6], [sflag:$0x7] =	stream.strided.gather @!p0 [hbm4b:s5+s8], $0x1000, s1, s8, $0x38;
	[tilespmem:$0x9280] =	vst v63  }
0x351: {  	v6 =	vand.u32 $0x7F, v62;
	_ =	swait.ge [sflag:s15], $0x1000  }
0x352: {  	v6 =	vbroadcast v6, $0x0;
	[sflag:s15] =	ssyncset.done $0x0  }
0x353: {  	[sflag:s15] =	ssyncadd.s32 $0xFFFFF000  }
0x354: {  	v63 =	vor.u32 v0, v6;
	v4 =	vld.idx.msk [tilespmem:v4+s23+$0x0], $0xffff  }
0x355: {  	v6 =	vor.u32 v2, v6;
	v5 =	vld.idx.msk [tilespmem:v5+s23+$0x0], $0xffff  }
.Ltmp6:
0x356: {  	_ = 	snop;
	(pc) =	sbr.rel @p0 .LBB2_10-.Ltmp6, $4  }
0x357: {  	_ = 	snop  }
0x358: {  	s14 =	simm.s32 $0x1280  }
0x359: {  	s16 =	simm.s32 $0x6280;
	s13 =	simm.s32 $0x2280;
	s9 =	simm.s32 $0x3280;
	[tilespmem:v63+s22+$0x0] =	vst.idx.msk $0xffff, v4  }
0x35a: {  	s10 =	simm.s32 $0x5280;
	s7 =	simm.s32 $0x4280;
	s5 =	simm.s32 $0x7280;
	[tilespmem:v6+s22+$0x0] =	vst.idx.msk $0xffff, v5  }
0x35b: {  	(v2sf) =	vpush v3, $0x7;
	_ =	sdelay $0xd  }
.Ltmp7:
0x35c: {  	_ = 	snop;
	(pc) =	sbr.rel .LBB2_8-.Ltmp7, $4  }
0x35d: {  	s0 =	spop (v2sf)  }
0x35e: {  	s3 =	sadd.s32 $0x10, s3;
	s0 =	sand.u32 $0xFFFFF80, s0  }
0x35f: {  	s4 =	sadd.s32 $0x10, s4;
	s23 =	simm.s32 $0x7280;
	s0 =	sadd.s32 s2, s0  }
0x360: {  	[tilespmem:s5], [sflag:$0x8] =	stream.strided.gather [hbm4b:s0+s11], $0x1000, s12, s11, $0x38;
	[tilespmem:$0x9280] =	vst v63  }
.LBB2_10:
0x361: {  	s0 =	rddreg [dreg:$0x7];
	s1 =	simm.s32 $0x20000;
	s15 =	simm.s32 $0xA  }
0x362: {  	[hbm4b:s0+s11] =	stream.strided.scatter [tilespmem:s22], [sflag:$0xA], $0x1000, s1, s11, $0x38;
	[tilespmem:$0x9280] =	vst v63  }
0x363: {  	_ =	swait.ge [sflag:s15], $0x1000  }
0x364: {  	[sflag:s15] =	ssyncset.done $0x0  }
0x365: {  	[sflag:s15] =	ssyncadd.s32 $0xFFFFF000  }
0x366: {  	v3 =	vld [tilespmem:$0x180];
	_ =	sdelay $0x4  }
0x367: {  	(v2sf) =	vpush v3, $0x0  }
0x368: {  	(v2sf) =	vpush v3, $0x1;
	_ =	sdelay $0x1  }
0x369: {  	(v2sf) =	vpush v3, $0x2;
	_ =	sdelay $0x4  }
0x36a: {  	(v2sf) =	vpush v3, $0x3  }
0x36b: {  	(v2sf) =	vpush v3, $0x4;
	_ =	sdelay $0x5  }
0x36c: {  	s17 =	spop (v2sf);
	(v2sf) =	vpush v3, $0x5  }
0x36d: {  	s19 =	spop (v2sf);
	(v2sf) =	vpush v3, $0x6  }
0x36e: {  	s0 =	sand.u32 $0xFFFFF80, s17  }
0x36f: {  	s18 =	simm.s32 $0x280;
	s0 =	sadd.s32 s2, s0;
	s20 =	spop (v2sf)  }
0x370: {  	(v2sf) =	vpush v3, $0x7;
	[tilespmem:s18], [sflag:$0x1] =	stream.strided.gather [hbm4b:s0+s11], $0x1000, s12, s11, $0x38;
	[tilespmem:$0x9280] =	vst v63  }
0x371: {  	s0 =	sand.u32 $0xFFFFF80, s19  }
0x372: {  	s0 =	sadd.s32 s2, s0  }
0x373: {  	[tilespmem:s14], [sflag:$0x2] =	stream.strided.gather [hbm4b:s0+s11], $0x1000, s12, s11, $0x38;
	[tilespmem:$0x9280] =	vst v63  }
0x374: {  	s21 =	spop (v2sf);
	s0 =	sand.u32 $0xFFFFF80, s20  }
0x375: {  	s23 =	sand.u32 $0xFFFFF80, s21;
	s24 =	spop (v2sf);
	s0 =	sadd.s32 s2, s0  }
0x376: {  	[tilespmem:s13], [sflag:$0x3] =	stream.strided.gather [hbm4b:s0+s11], $0x1000, s12, s11, $0x38;
	[tilespmem:$0x9280] =	vst v63  }
0x377: {  	s25 =	sand.u32 $0xFFFFF80, s24;
	s0 =	sadd.s32 s2, s23  }
0x378: {  	[tilespmem:s9], [sflag:$0x4] =	stream.strided.gather [hbm4b:s0+s11], $0x1000, s12, s11, $0x38;
	[tilespmem:$0x9280] =	vst v63  }
0x379: {  	s0 =	sadd.s32 s2, s25  }
0x37a: {  	[tilespmem:s7], [sflag:$0x5] =	stream.strided.gather [hbm4b:s0+s11], $0x1000, s12, s11, $0x38;
	[tilespmem:$0x9280] =	vst v63  }
0x37b: {  	s26 =	spop (v2sf)  }
0x37c: {  	s28 =	sand.u32 $0xFFFFF80, s26;
	s29 =	spop (v2sf)  }
0x37d: {  	s0 =	sadd.s32 s2, s28;
	s30 =	sand.u32 $0xFFFFF80, s29  }
0x37e: {  	[tilespmem:s10], [sflag:$0x6] =	stream.strided.gather [hbm4b:s0+s11], $0x1000, s12, s11, $0x38;
	[tilespmem:$0x9280] =	vst v63  }
0x37f: {  	s31 =	spop (v2sf);
	s0 =	sadd.s32 s2, s30  }
0x380: {  	[tilespmem:s16], [sflag:$0x7] =	stream.strided.gather [hbm4b:s0+s11], $0x1000, s12, s11, $0x38;
	[tilespmem:$0x9280] =	vst v63  }
0x381: {  	s0 =	sand.u32 $0xFFFFF80, s31  }
0x382: {  	s0 =	sadd.s32 s2, s0  }
0x383: {  	[tilespmem:s5], [sflag:$0x8] =	stream.strided.gather [hbm4b:s0+s11], $0x1000, s12, s11, $0x38;
	[tilespmem:$0x9280] =	vst v63  }
0x384: {  	s3 =	simm.s32 $0xF;
	s23 =	simm.s32 $0x7280;
	s0 =	simm.s32 $0x190  }
.LBB2_11:
0x385: {  	v4 =	vld [tilespmem:s0+$0xFFFFFFF0];
	_ =	sdelay $0x2  }
0x386: {  	[dreg:$0xb] =	wrdreg s0;
	s14 =	simm.s32 $0x1  }
0x387: {  	v3 =	vld [tilespmem:s0+$0x0];
	_ =	swait.ge [sflag:s14], $0x1000  }
0x388: {  	(v2sf) =	vpush v4, $0x0;
	_ =	sdelay $0xa  }
0x389: {  	(v2sf) =	vpush v4, $0x8;
	_ =	sdelay $0x3  }
0x38a: {  	s24 =	spop (v2sf)  }
0x38b: {  	s0 =	sand.u32 $0x7F, s24  }
0x38c: {  	s1 =	sadd.s32 $0xFFFFFFF1, s3;
	v5 =	vor.u32 s0, v0  }
0x38d: {  	v6 =	vmov s1;
	v7 =	vor.u32 s0, v2  }
0x38e: {  	v6 =	vand.u32 $0x70, v6  }
0x38f: {  	[sflag:s14] =	ssyncset.done $0x0;
	v6 =	vbroadcast v6, $0x0  }
0x390: {  	s13 =	simm.s32 $0x280;
	[sflag:s14] =	ssyncadd.s32 $0xFFFFF000  }
0x391: {  	v8 =	vor.u32 v0, v6;
	v5 =	vld.idx.msk [tilespmem:v5+s13+$0x0], $0xffff  }
0x392: {  	v6 =	vor.u32 v2, v6;
	v7 =	vld.idx.msk [tilespmem:v7+s13+$0x0], $0xffff;
	_ =	sdelay $0x2  }
0x393: {  	s8 =	spop (v2sf)  }
0x394: {  	s25 =	sand.u32 $0xFFFFF80, s8;
	[tilespmem:v8+s22+$0x0] =	vst.idx.msk $0xffff, v5  }
0x395: {  	s24 =	simm.s32 $0x2;
	s0 =	sadd.s32 s2, s25;
	[tilespmem:v6+s22+$0x0] =	vst.idx.msk $0xffff, v7  }
0x396: {  	[tilespmem:s13], [sflag:$0x1] =	stream.strided.gather [hbm4b:s0+s11], $0x1000, s12, s11, $0x38;
	[tilespmem:$0x9280] =	vst v63  }
0x397: {  	_ =	swait.ge [sflag:s24], $0x1000  }
0x398: {  	(v2sf) =	vpush v4, $0x1;
	_ =	sdelay $0xa  }
0x399: {  	(v2sf) =	vpush v4, $0x9;
	_ =	sdelay $0x3  }
0x39a: {  	s26 =	spop (v2sf)  }
0x39b: {  	s0 =	sand.u32 $0x7F, s26  }
0x39c: {  	s28 =	sadd.s32 $0xFFFFFFF2, s3;
	v5 =	vor.u32 s0, v0  }
0x39d: {  	v28 =	vmov s28;
	v29 =	vor.u32 s0, v2  }
0x39e: {  	v6 =	vand.u32 $0x71, v28  }
0x39f: {  	v6 =	vbroadcast v6, $0x0;
	[sflag:s24] =	ssyncset.done $0x0  }
0x3a0: {  	s16 =	simm.s32 $0x1280;
	[sflag:s24] =	ssyncadd.s32 $0xFFFFF000  }
0x3a1: {  	v30 =	vor.u32 v0, v6;
	v5 =	vld.idx.msk [tilespmem:v5+s16+$0x0], $0xffff  }
0x3a2: {  	v6 =	vor.u32 v2, v6;
	v7 =	vld.idx.msk [tilespmem:v29+s16+$0x0], $0xffff;
	_ =	sdelay $0x2  }
0x3a3: {  	s6 =	spop (v2sf)  }
0x3a4: {  	s29 =	sand.u32 $0xFFFFF80, s6;
	[tilespmem:v30+s22+$0x0] =	vst.idx.msk $0xffff, v5  }
0x3a5: {  	s25 =	simm.s32 $0x3;
	s0 =	sadd.s32 s2, s29;
	[tilespmem:v6+s22+$0x0] =	vst.idx.msk $0xffff, v7  }
0x3a6: {  	[tilespmem:s16], [sflag:$0x2] =	stream.strided.gather [hbm4b:s0+s11], $0x1000, s12, s11, $0x38;
	[tilespmem:$0x9280] =	vst v63  }
0x3a7: {  	_ =	swait.ge [sflag:s25], $0x1000  }
0x3a8: {  	(v2sf) =	vpush v4, $0x2;
	_ =	sdelay $0xa  }
0x3a9: {  	(v2sf) =	vpush v4, $0xA;
	_ =	sdelay $0x3  }
0x3aa: {  	s30 =	spop (v2sf)  }
0x3ab: {  	s0 =	sand.u32 $0x7F, s30  }
0x3ac: {  	s31 =	sadd.s32 $0xFFFFFFF3, s3;
	v5 =	vor.u32 s0, v0  }
0x3ad: {  	v31 =	vmov s31;
	v32 =	vor.u32 s0, v2  }
0x3ae: {  	v6 =	vand.u32 $0x72, v31  }
0x3af: {  	v6 =	vbroadcast v6, $0x0;
	[sflag:s25] =	ssyncset.done $0x0  }
0x3b0: {  	s17 =	simm.s32 $0x2280;
	[sflag:s25] =	ssyncadd.s32 $0xFFFFF000  }
0x3b1: {  	v33 =	vor.u32 v0, v6;
	v5 =	vld.idx.msk [tilespmem:v5+s17+$0x0], $0xffff  }
0x3b2: {  	v6 =	vor.u32 v2, v6;
	v7 =	vld.idx.msk [tilespmem:v32+s17+$0x0], $0xffff;
	_ =	sdelay $0x2  }
0x3b3: {  	s7 =	spop (v2sf)  }
0x3b4: {  	s4 =	sand.u32 $0xFFFFF80, s7;
	[tilespmem:v33+s22+$0x0] =	vst.idx.msk $0xffff, v5  }
0x3b5: {  	s26 =	simm.s32 $0x4;
	s0 =	sadd.s32 s2, s4;
	[tilespmem:v6+s22+$0x0] =	vst.idx.msk $0xffff, v7  }
0x3b6: {  	[tilespmem:s17], [sflag:$0x3] =	stream.strided.gather [hbm4b:s0+s11], $0x1000, s12, s11, $0x38;
	[tilespmem:$0x9280] =	vst v63  }
0x3b7: {  	_ =	swait.ge [sflag:s26], $0x1000  }
0x3b8: {  	(v2sf) =	vpush v4, $0x3;
	_ =	sdelay $0xa  }
0x3b9: {  	(v2sf) =	vpush v4, $0xB;
	_ =	sdelay $0x3  }
0x3ba: {  	s5 =	spop (v2sf)  }
0x3bb: {  	s0 =	sand.u32 $0x7F, s5  }
0x3bc: {  	s9 =	sadd.s32 $0xFFFFFFF4, s3;
	v5 =	vor.u32 s0, v0  }
0x3bd: {  	v34 =	vmov s9;
	v35 =	vor.u32 s0, v2  }
0x3be: {  	v6 =	vand.u32 $0x73, v34  }
0x3bf: {  	v6 =	vbroadcast v6, $0x0;
	[sflag:s26] =	ssyncset.done $0x0  }
0x3c0: {  	s18 =	simm.s32 $0x3280;
	[sflag:s26] =	ssyncadd.s32 $0xFFFFF000  }
0x3c1: {  	v36 =	vor.u32 v0, v6;
	v5 =	vld.idx.msk [tilespmem:v5+s18+$0x0], $0xffff  }
0x3c2: {  	v6 =	vor.u32 v2, v6;
	v7 =	vld.idx.msk [tilespmem:v35+s18+$0x0], $0xffff;
	_ =	sdelay $0x2  }
0x3c3: {  	s9 =	spop (v2sf)  }
0x3c4: {  	s10 =	sand.u32 $0xFFFFF80, s9;
	[tilespmem:v36+s22+$0x0] =	vst.idx.msk $0xffff, v5  }
0x3c5: {  	s28 =	simm.s32 $0x5;
	s0 =	sadd.s32 s2, s10;
	[tilespmem:v6+s22+$0x0] =	vst.idx.msk $0xffff, v7  }
0x3c6: {  	[tilespmem:s18], [sflag:$0x4] =	stream.strided.gather [hbm4b:s0+s11], $0x1000, s12, s11, $0x38;
	[tilespmem:$0x9280] =	vst v63  }
0x3c7: {  	_ =	swait.ge [sflag:s28], $0x1000  }
0x3c8: {  	(v2sf) =	vpush v4, $0x4;
	_ =	sdelay $0xa  }
0x3c9: {  	(v2sf) =	vpush v4, $0xC;
	_ =	sdelay $0x3  }
0x3ca: {  	s15 =	spop (v2sf)  }
0x3cb: {  	s0 =	sand.u32 $0x7F, s15  }
0x3cc: {  	s19 =	sadd.s32 $0xFFFFFFF5, s3;
	v5 =	vor.u32 s0, v0  }
0x3cd: {  	v37 =	vmov s19;
	v38 =	vor.u32 s0, v2  }
0x3ce: {  	v6 =	vand.u32 $0x74, v37  }
0x3cf: {  	v6 =	vbroadcast v6, $0x0;
	[sflag:s28] =	ssyncset.done $0x0  }
0x3d0: {  	s19 =	simm.s32 $0x4280;
	[sflag:s28] =	ssyncadd.s32 $0xFFFFF000  }
0x3d1: {  	v39 =	vor.u32 v0, v6;
	v5 =	vld.idx.msk [tilespmem:v5+s19+$0x0], $0xffff  }
0x3d2: {  	v6 =	vor.u32 v2, v6;
	v7 =	vld.idx.msk [tilespmem:v38+s19+$0x0], $0xffff;
	_ =	sdelay $0x2  }
0x3d3: {  	s5 =	spop (v2sf)  }
0x3d4: {  	s20 =	sand.u32 $0xFFFFF80, s5;
	[tilespmem:v39+s22+$0x0] =	vst.idx.msk $0xffff, v5  }
0x3d5: {  	s29 =	simm.s32 $0x6;
	s0 =	sadd.s32 s2, s20;
	[tilespmem:v6+s22+$0x0] =	vst.idx.msk $0xffff, v7  }
0x3d6: {  	[tilespmem:s19], [sflag:$0x5] =	stream.strided.gather [hbm4b:s0+s11], $0x1000, s12, s11, $0x38;
	[tilespmem:$0x9280] =	vst v63  }
0x3d7: {  	_ =	swait.ge [sflag:s29], $0x1000  }
0x3d8: {  	(v2sf) =	vpush v4, $0x5;
	_ =	sdelay $0xa  }
0x3d9: {  	(v2sf) =	vpush v4, $0xD;
	_ =	sdelay $0x3  }
0x3da: {  	s21 =	spop (v2sf)  }
0x3db: {  	s0 =	sand.u32 $0x7F, s21  }
0x3dc: {  	s30 =	sadd.s32 $0xFFFFFFF6, s3;
	v5 =	vor.u32 s0, v0  }
0x3dd: {  	v40 =	vmov s30;
	v41 =	vor.u32 s0, v2  }
0x3de: {  	v6 =	vand.u32 $0x75, v40  }
0x3df: {  	v6 =	vbroadcast v6, $0x0;
	[sflag:s29] =	ssyncset.done $0x0  }
0x3e0: {  	s20 =	simm.s32 $0x5280;
	[sflag:s29] =	ssyncadd.s32 $0xFFFFF000  }
0x3e1: {  	v42 =	vor.u32 v0, v6;
	v5 =	vld.idx.msk [tilespmem:v5+s20+$0x0], $0xffff  }
0x3e2: {  	v6 =	vor.u32 v2, v6;
	v7 =	vld.idx.msk [tilespmem:v41+s20+$0x0], $0xffff;
	_ =	sdelay $0x2  }
0x3e3: {  	s10 =	spop (v2sf)  }
0x3e4: {  	s31 =	sand.u32 $0xFFFFF80, s10;
	[tilespmem:v42+s22+$0x0] =	vst.idx.msk $0xffff, v5  }
0x3e5: {  	s30 =	simm.s32 $0x7;
	s0 =	sadd.s32 s2, s31;
	[tilespmem:v6+s22+$0x0] =	vst.idx.msk $0xffff, v7  }
0x3e6: {  	[tilespmem:s20], [sflag:$0x6] =	stream.strided.gather [hbm4b:s0+s11], $0x1000, s12, s11, $0x38;
	[tilespmem:$0x9280] =	vst v63  }
0x3e7: {  	_ =	swait.ge [sflag:s30], $0x1000  }
0x3e8: {  	(v2sf) =	vpush v4, $0x6;
	_ =	sdelay $0xa  }
0x3e9: {  	(v2sf) =	vpush v4, $0xE;
	_ =	sdelay $0x3  }
0x3ea: {  	s1 =	spop (v2sf)  }
0x3eb: {  	s0 =	sand.u32 $0x7F, s1  }
0x3ec: {  	s4 =	sadd.s32 $0xFFFFFFF7, s3;
	v5 =	vor.u32 s0, v0  }
0x3ed: {  	v43 =	vmov s4;
	v44 =	vor.u32 s0, v2  }
0x3ee: {  	v6 =	vand.u32 $0x76, v43  }
0x3ef: {  	v6 =	vbroadcast v6, $0x0;
	[sflag:s30] =	ssyncset.done $0x0  }
0x3f0: {  	s21 =	simm.s32 $0x6280;
	[sflag:s30] =	ssyncadd.s32 $0xFFFFF000  }
0x3f1: {  	v45 =	vor.u32 v0, v6;
	v5 =	vld.idx.msk [tilespmem:v5+s21+$0x0], $0xffff  }
0x3f2: {  	v6 =	vor.u32 v2, v6;
	v7 =	vld.idx.msk [tilespmem:v44+s21+$0x0], $0xffff;
	_ =	sdelay $0x2  }
0x3f3: {  	s31 =	spop (v2sf)  }
0x3f4: {  	s15 =	sand.u32 $0xFFFFF80, s31;
	[tilespmem:v45+s22+$0x0] =	vst.idx.msk $0xffff, v5  }
0x3f5: {  	s4 =	simm.s32 $0x8;
	s0 =	sadd.s32 s2, s15;
	[tilespmem:v6+s22+$0x0] =	vst.idx.msk $0xffff, v7  }
0x3f6: {  	[tilespmem:s21], [sflag:$0x7] =	stream.strided.gather [hbm4b:s0+s11], $0x1000, s12, s11, $0x38;
	[tilespmem:$0x9280] =	vst v63  }
0x3f7: {  	_ =	swait.ge [sflag:s4], $0x1000  }
0x3f8: {  	(v2sf) =	vpush v4, $0x7;
	_ =	sdelay $0xa  }
0x3f9: {  	(v2sf) =	vpush v4, $0xF;
	_ =	sdelay $0x3  }
0x3fa: {  	s1 =	spop (v2sf)  }
0x3fb: {  	s0 =	sand.u32 $0x7F, s1  }
0x3fc: {  	s15 =	sadd.s32 $0xFFFFFFF8, s3;
	v4 =	vor.u32 s0, v0  }
0x3fd: {  	v5 =	vmov s15;
	v46 =	vor.u32 s0, v2  }
0x3fe: {  	v5 =	vand.u32 $0x77, v5  }
0x3ff: {  	v5 =	vbroadcast v5, $0x0;
	[sflag:s4] =	ssyncset.done $0x0  }
0x400: {  	[sflag:s4] =	ssyncadd.s32 $0xFFFFF000  }
0x401: {  	v47 =	vor.u32 v0, v5;
	v4 =	vld.idx.msk [tilespmem:v4+s23+$0x0], $0xffff  }
0x402: {  	v5 =	vor.u32 v2, v5;
	v6 =	vld.idx.msk [tilespmem:v46+s23+$0x0], $0xffff;
	_ =	sdelay $0x2  }
0x403: {  	s0 =	spop (v2sf)  }
0x404: {  	s15 =	sand.u32 $0xFFFFF80, s0;
	[tilespmem:v47+s22+$0x0] =	vst.idx.msk $0xffff, v4  }
0x405: {  	s1 =	sadd.s32 s2, s15;
	[tilespmem:v5+s22+$0x0] =	vst.idx.msk $0xffff, v6  }
0x406: {  	[tilespmem:s23], [sflag:$0x8] =	stream.strided.gather [hbm4b:s1+s11], $0x1000, s12, s11, $0x38;
	[tilespmem:$0x9280] =	vst v63  }
0x407: {  	p0 =	seq.s32 s3, $0x7F;
	_ =	swait.ge [sflag:s14], $0x1000  }
0x408: {  	(v2sf) =	vpush @!p0 v3, $0x0;
	_ =	sdelay $0x4  }
0x409: {  	s1 =	sand.u32 $0x7F, s8  }
0x40a: {  	s15 =	sadd.s32 $0xFFFFFFF9, s3;
	v4 =	vor.u32 s1, v0  }
0x40b: {  	v5 =	vmov s15;
	v48 =	vor.u32 s1, v2  }
0x40c: {  	v5 =	vand.u32 $0x78, v5  }
0x40d: {  	v5 =	vbroadcast v5, $0x0;
	[sflag:s14] =	ssyncset.done $0x0  }
0x40e: {  	[sflag:s14] =	ssyncadd.s32 $0xFFFFF000  }
0x40f: {  	v49 =	vor.u32 v0, v5;
	v4 =	vld.idx.msk [tilespmem:v4+s13+$0x0], $0xffff  }
0x410: {  	v5 =	vor.u32 v2, v5;
	v6 =	vld.idx.msk [tilespmem:v48+s13+$0x0], $0xffff;
	_ =	sdelay $0x2  }
0x411: {  	s1 =	spop @!p0 (v2sf)  }
0x412: {  	s8 =	simm.s32 @!p0 $0x400;
	[tilespmem:v49+s22+$0x0] =	vst.idx.msk $0xffff, v4;
	s1 =	sand.u32 @!p0 $0xFFFFF80, s1  }
0x413: {  	s14 =	simm.s32 @!p0 $0x280;
	[tilespmem:v5+s22+$0x0] =	vst.idx.msk $0xffff, v6;
	s13 =	sadd.s32 @!p0 s2, s1;
	s1 =	simm.s32 @!p0 $0x7A1400  }
0x414: {  	[tilespmem:s14], [sflag:$0x1] =	stream.strided.gather @!p0 [hbm4b:s13+s8], $0x1000, s1, s8, $0x38;
	[tilespmem:$0x9280] =	vst v63  }
0x415: {  	_ =	swait.ge [sflag:s24], $0x1000  }
0x416: {  	(v2sf) =	vpush @!p0 v3, $0x1;
	_ =	sdelay $0x4  }
0x417: {  	s6 =	sand.u32 $0x7F, s6  }
0x418: {  	v4 =	vor.u32 s6, v0;
	s14 =	sadd.s32 $0xFFFFFFFA, s3  }
0x419: {  	v50 =	vor.u32 s6, v2;
	v5 =	vmov s14  }
0x41a: {  	v5 =	vand.u32 $0x79, v5  }
0x41b: {  	[sflag:s24] =	ssyncset.done $0x0;
	v5 =	vbroadcast v5, $0x0  }
0x41c: {  	[sflag:s24] =	ssyncadd.s32 $0xFFFFF000  }
0x41d: {  	v4 =	vld.idx.msk [tilespmem:v4+s16+$0x0], $0xffff;
	v51 =	vor.u32 v0, v5  }
0x41e: {  	v6 =	vld.idx.msk [tilespmem:v50+s16+$0x0], $0xffff;
	v5 =	vor.u32 v2, v5;
	_ =	sdelay $0x2  }
0x41f: {  	s6 =	spop @!p0 (v2sf)  }
0x420: {  	[tilespmem:v51+s22+$0x0] =	vst.idx.msk $0xffff, v4;
	s6 =	sand.u32 @!p0 $0xFFFFF80, s6  }
0x421: {  	s13 =	simm.s32 @!p0 $0x1280;
	[tilespmem:v5+s22+$0x0] =	vst.idx.msk $0xffff, v6;
	s6 =	sadd.s32 @!p0 s2, s6  }
0x422: {  	[tilespmem:s13], [sflag:$0x2] =	stream.strided.gather @!p0 [hbm4b:s6+s8], $0x1000, s1, s8, $0x38;
	[tilespmem:$0x9280] =	vst v63  }
0x423: {  	_ =	swait.ge [sflag:s25], $0x1000  }
0x424: {  	(v2sf) =	vpush @!p0 v3, $0x2;
	_ =	sdelay $0x4  }
0x425: {  	s13 =	sand.u32 $0x7F, s7  }
0x426: {  	s16 =	sadd.s32 $0xFFFFFFFB, s3;
	v4 =	vor.u32 s13, v0  }
0x427: {  	v5 =	vmov s16;
	v52 =	vor.u32 s13, v2  }
0x428: {  	v5 =	vand.u32 $0x7A, v5  }
0x429: {  	v5 =	vbroadcast v5, $0x0;
	[sflag:s25] =	ssyncset.done $0x0  }
0x42a: {  	[sflag:s25] =	ssyncadd.s32 $0xFFFFF000  }
0x42b: {  	v53 =	vor.u32 v0, v5;
	v4 =	vld.idx.msk [tilespmem:v4+s17+$0x0], $0xffff  }
0x42c: {  	v5 =	vor.u32 v2, v5;
	v6 =	vld.idx.msk [tilespmem:v52+s17+$0x0], $0xffff;
	_ =	sdelay $0x2  }
0x42d: {  	s6 =	spop @!p0 (v2sf)  }
0x42e: {  	[tilespmem:v53+s22+$0x0] =	vst.idx.msk $0xffff, v4;
	s6 =	sand.u32 @!p0 $0xFFFFF80, s6  }
0x42f: {  	s7 =	simm.s32 @!p0 $0x2280;
	[tilespmem:v5+s22+$0x0] =	vst.idx.msk $0xffff, v6;
	s6 =	sadd.s32 @!p0 s2, s6  }
0x430: {  	[tilespmem:s7], [sflag:$0x3] =	stream.strided.gather @!p0 [hbm4b:s6+s8], $0x1000, s1, s8, $0x38;
	[tilespmem:$0x9280] =	vst v63  }
0x431: {  	_ =	swait.ge [sflag:s26], $0x1000  }
0x432: {  	(v2sf) =	vpush @!p0 v3, $0x3;
	_ =	sdelay $0x4  }
0x433: {  	s17 =	sand.u32 $0x7F, s9  }
0x434: {  	s24 =	sadd.s32 $0xFFFFFFFC, s3;
	v4 =	vor.u32 s17, v0  }
0x435: {  	v54 =	vor.u32 s17, v2;
	v5 =	vmov s24  }
0x436: {  	v5 =	vand.u32 $0x7B, v5  }
0x437: {  	v5 =	vbroadcast v5, $0x0;
	[sflag:s26] =	ssyncset.done $0x0  }
0x438: {  	[sflag:s26] =	ssyncadd.s32 $0xFFFFF000  }
0x439: {  	v55 =	vor.u32 v0, v5;
	v4 =	vld.idx.msk [tilespmem:v4+s18+$0x0], $0xffff  }
0x43a: {  	v5 =	vor.u32 v2, v5;
	v6 =	vld.idx.msk [tilespmem:v54+s18+$0x0], $0xffff;
	_ =	sdelay $0x2  }
0x43b: {  	s6 =	spop @!p0 (v2sf)  }
0x43c: {  	[tilespmem:v55+s22+$0x0] =	vst.idx.msk $0xffff, v4;
	s6 =	sand.u32 @!p0 $0xFFFFF80, s6  }
0x43d: {  	s7 =	simm.s32 @!p0 $0x3280;
	[tilespmem:v5+s22+$0x0] =	vst.idx.msk $0xffff, v6;
	s6 =	sadd.s32 @!p0 s2, s6  }
0x43e: {  	[tilespmem:s7], [sflag:$0x4] =	stream.strided.gather @!p0 [hbm4b:s6+s8], $0x1000, s1, s8, $0x38;
	[tilespmem:$0x9280] =	vst v63  }
0x43f: {  	_ =	swait.ge [sflag:s28], $0x1000  }
0x440: {  	(v2sf) =	vpush @!p0 v3, $0x4;
	_ =	sdelay $0x4  }
0x441: {  	s5 =	sand.u32 $0x7F, s5  }
0x442: {  	s25 =	sadd.s32 $0xFFFFFFFD, s3;
	v4 =	vor.u32 s5, v0  }
0x443: {  	v56 =	vor.u32 s5, v2;
	v5 =	vmov s25  }
0x444: {  	v5 =	vand.u32 $0x7C, v5  }
0x445: {  	v5 =	vbroadcast v5, $0x0;
	[sflag:s28] =	ssyncset.done $0x0  }
0x446: {  	[sflag:s28] =	ssyncadd.s32 $0xFFFFF000  }
0x447: {  	v57 =	vor.u32 v0, v5;
	v4 =	vld.idx.msk [tilespmem:v4+s19+$0x0], $0xffff  }
0x448: {  	v5 =	vor.u32 v2, v5;
	v6 =	vld.idx.msk [tilespmem:v56+s19+$0x0], $0xffff;
	_ =	sdelay $0x2  }
0x449: {  	s5 =	spop @!p0 (v2sf)  }
0x44a: {  	[tilespmem:v57+s22+$0x0] =	vst.idx.msk $0xffff, v4;
	s5 =	sand.u32 @!p0 $0xFFFFF80, s5  }
0x44b: {  	s6 =	simm.s32 @!p0 $0x4280;
	[tilespmem:v5+s22+$0x0] =	vst.idx.msk $0xffff, v6;
	s5 =	sadd.s32 @!p0 s2, s5  }
0x44c: {  	[tilespmem:s6], [sflag:$0x5] =	stream.strided.gather @!p0 [hbm4b:s5+s8], $0x1000, s1, s8, $0x38;
	[tilespmem:$0x9280] =	vst v63  }
0x44d: {  	_ =	swait.ge [sflag:s29], $0x1000  }
0x44e: {  	(v2sf) =	vpush @!p0 v3, $0x5;
	_ =	sdelay $0x4  }
0x44f: {  	s26 =	sand.u32 $0x7F, s10  }
0x450: {  	s28 =	sadd.s32 $0xFFFFFFFE, s3;
	v4 =	vor.u32 s26, v0  }
0x451: {  	v58 =	vor.u32 s26, v2;
	v5 =	vmov s28  }
0x452: {  	v5 =	vand.u32 $0x7D, v5  }
0x453: {  	v5 =	vbroadcast v5, $0x0;
	[sflag:s29] =	ssyncset.done $0x0  }
0x454: {  	[sflag:s29] =	ssyncadd.s32 $0xFFFFF000  }
0x455: {  	v59 =	vor.u32 v0, v5;
	v4 =	vld.idx.msk [tilespmem:v4+s20+$0x0], $0xffff  }
0x456: {  	v5 =	vor.u32 v2, v5;
	v6 =	vld.idx.msk [tilespmem:v58+s20+$0x0], $0xffff;
	_ =	sdelay $0x2  }
0x457: {  	s5 =	spop @!p0 (v2sf)  }
0x458: {  	[tilespmem:v59+s22+$0x0] =	vst.idx.msk $0xffff, v4;
	s5 =	sand.u32 @!p0 $0xFFFFF80, s5  }
0x459: {  	s6 =	simm.s32 @!p0 $0x5280;
	[tilespmem:v5+s22+$0x0] =	vst.idx.msk $0xffff, v6;
	s5 =	sadd.s32 @!p0 s2, s5  }
0x45a: {  	[tilespmem:s6], [sflag:$0x6] =	stream.strided.gather @!p0 [hbm4b:s5+s8], $0x1000, s1, s8, $0x38;
	[tilespmem:$0x9280] =	vst v63  }
0x45b: {  	_ =	swait.ge [sflag:s30], $0x1000  }
0x45c: {  	(v2sf) =	vpush @!p0 v3, $0x6;
	_ =	sdelay $0x4  }
0x45d: {  	s29 =	sand.u32 $0x7F, s31  }
0x45e: {  	s31 =	sadd.s32 $0xFFFFFFFF, s3;
	v4 =	vor.u32 s29, v0  }
0x45f: {  	v60 =	vor.u32 s29, v2;
	v5 =	vmov s31  }
0x460: {  	v5 =	vand.u32 $0x7E, v5  }
0x461: {  	v5 =	vbroadcast v5, $0x0;
	[sflag:s30] =	ssyncset.done $0x0  }
0x462: {  	[sflag:s30] =	ssyncadd.s32 $0xFFFFF000  }
0x463: {  	v61 =	vor.u32 v0, v5;
	v4 =	vld.idx.msk [tilespmem:v4+s21+$0x0], $0xffff  }
0x464: {  	v5 =	vor.u32 v2, v5;
	v6 =	vld.idx.msk [tilespmem:v60+s21+$0x0], $0xffff;
	_ =	sdelay $0x2  }
0x465: {  	s5 =	spop @!p0 (v2sf)  }
0x466: {  	s0 =	sand.u32 $0x7F, s0;
	[tilespmem:v61+s22+$0x0] =	vst.idx.msk $0xffff, v4;
	s5 =	sand.u32 @!p0 $0xFFFFF80, s5  }
0x467: {  	s6 =	simm.s32 @!p0 $0x6280;
	v4 =	vor.u32 s0, v0;
	[tilespmem:v5+s22+$0x0] =	vst.idx.msk $0xffff, v6;
	s5 =	sadd.s32 @!p0 s2, s5  }
0x468: {  	v62 =	vmov s3;
	v5 =	vor.u32 s0, v2;
	[tilespmem:s6], [sflag:$0x7] =	stream.strided.gather @!p0 [hbm4b:s5+s8], $0x1000, s1, s8, $0x38;
	[tilespmem:$0x9280] =	vst v63  }
0x469: {  	v6 =	vand.u32 $0x7F, v62;
	_ =	swait.ge [sflag:s4], $0x1000  }
0x46a: {  	v6 =	vbroadcast v6, $0x0;
	[sflag:s4] =	ssyncset.done $0x0  }
0x46b: {  	[sflag:s4] =	ssyncadd.s32 $0xFFFFF000  }
0x46c: {  	v63 =	vor.u32 v0, v6;
	v4 =	vld.idx.msk [tilespmem:v4+s23+$0x0], $0xffff  }
0x46d: {  	v6 =	vor.u32 v2, v6;
	v5 =	vld.idx.msk [tilespmem:v5+s23+$0x0], $0xffff  }
.Ltmp8:
0x46e: {  	_ = 	snop;
	(pc) =	sbr.rel @p0 .LBB2_13-.Ltmp8, $4  }
0x46f: {  	_ = 	snop  }
0x470: {  	s15 =	simm.s32 $0x280;
	s14 =	simm.s32 $0x1280  }
0x471: {  	s16 =	simm.s32 $0x6280;
	s13 =	simm.s32 $0x2280;
	s9 =	simm.s32 $0x3280;
	[tilespmem:v63+s22+$0x0] =	vst.idx.msk $0xffff, v4  }
0x472: {  	s10 =	simm.s32 $0x5280;
	s7 =	simm.s32 $0x4280;
	s5 =	simm.s32 $0x7280;
	[tilespmem:v6+s22+$0x0] =	vst.idx.msk $0xffff, v5  }
0x473: {  	(v2sf) =	vpush v3, $0x7;
	_ =	sdelay $0xe  }
.Ltmp9:
0x474: {  	s0 =	spop (v2sf);
	(pc) =	sbr.rel .LBB2_11-.Ltmp9, $4  }
0x475: {  	s0 =	sand.u32 $0xFFFFF80, s0  }
0x476: {  	s31 =	rddreg [dreg:$0xb];
	s0 =	sadd.s32 s2, s0  }
0x477: {  	[tilespmem:s5], [sflag:$0x8] =	stream.strided.gather [hbm4b:s0+s11], $0x1000, s12, s11, $0x38;
	[tilespmem:$0x9280] =	vst v63  }
0x478: {  	s3 =	sadd.s32 $0x10, s3;
	s23 =	simm.s32 $0x7280;
	s0 =	sadd.s32 $0x10, s31  }
.LBB2_14:
0x479: {  	_ =	sfence.sel $0x180000  }
0x47a: {  	[bflag:$0x0] =	sbarrier.arrive $0xFFFF  }
0x47b: {  	_ =	strace $0x90000047  }
0x47c: {  	s0 =	stileid.u32;
	[bflag:$0x2] =	sbarrier.arrive $0xFFFF  }
0x47d: {  	p0 =	sne.s32 s0, $0x0;
	s0 =	rddreg [dreg:$0x3]  }
0x47e: {  	s0 =	sadd.s32 @!p0 $0x100000, s0  }
0x47f: {  	[sflag:s0] =	ssyncadd.tile.s32 @!p0 $0x1;
	_ =	shalt  }
.Lfunc_end2:
_tile_overlayer_lowered:
.L_overlay_start_2:
0x480: {  	(tag) =	ssettag $0x2  }
0x481: {  	s0 =	rddreg [dreg:$0x0];
	s2 =	stileid.u32  }
0x482: {  	s1 =	rddreg [dreg:$0x1];
	p0 =	sne.s32 s2, $0x0  }
0x483: {  	s3 =	rddreg [dreg:$0x2];
	[bflag:$0x3] =	sbarrier.arrive $0xFFFF;
	s2 =	simm.s32 @!p0 $0x1C0A  }
0x484: {  	[timem:s3], [sflag:s2] =	dma.local @!p0 [hbm:s0], s1  }
0x485: {  	s0 =	simm.s32 @!p0 $0xA  }
0x486: {  	_ =	swait.ge @!p0 [sflag:s0], s1  }
0x487: {  	s1 =	ssub.s32 @!p0 $0x0, s1;
	[sflag:s0] =	ssyncset.done @!p0 $0x0  }
0x488: {  	[sflag:s0] =	ssyncadd.s32 @!p0 s1  }
0x489: {  	[bflag:$0x3] =	sbarrier.arrive $0xFFFF  }
0x48a: {  	_ =	shalt  }

</sc_bundles>
